<compile_context>
chip_gen: v7x
topology: tpu7x:2x2x1
jax: 0.10.2.dev20260603
libtpu: 0.0.44.dev20260713+nightly
codegen_flags: <defaults>
</compile_context>

<pallas_src>
import jax
import jax.numpy as jnp
from jax import lax
from jax.experimental import pallas as pl
from jax.experimental.pallas import tpu as pltpu
from jax.experimental.pallas import tpu_sc as plsc

_SEQ = 4096
_B = 4
_D = 1024
_NC = 2
_NS = 16
_NW = _NC * _NS

_S_CH = 8
_SEQ_W = _SEQ // _NW
_N_CH = _SEQ_W // _S_CH
_NBUF = 3


def _compute_chunk(xr, pr):
    @plsc.parallel_loop(0, _S_CH * (_D // 16), unroll=4)
    def body(n):
        s = n >> 6
        off = (n & 63) * 16
        pv = pr[s, pl.ds(off, 16)]
        for b in range(_B):
            xr[s, b, pl.ds(off, 16)] = xr[s, b, pl.ds(off, 16)] + pv


def _sc_body(x_hbm, pe_hbm, out_hbm, *scratch):
    xbufs = scratch[0:_NBUF]
    pbufs = scratch[_NBUF:2 * _NBUF]
    xsems = scratch[2 * _NBUF:3 * _NBUF]
    psems = scratch[3 * _NBUF:4 * _NBUF]
    osems = scratch[4 * _NBUF:5 * _NBUF]

    wid = lax.axis_index("s") * _NC + lax.axis_index("c")
    sbase = wid * _SEQ_W

    def load(i):
        j = i % _NBUF
        s0 = sbase + i * _S_CH
        xl = pltpu.async_copy(x_hbm.at[pl.ds(s0, _S_CH)], xbufs[j], xsems[j])
        plc = pltpu.async_copy(pe_hbm.at[pl.ds(s0, _S_CH)], pbufs[j], psems[j])
        return xl, plc

    loads = {}
    stores = {}
    loads[0] = load(0)
    loads[1] = load(1)
    for i in range(_N_CH):
        j = i % _NBUF
        if i + 2 < _N_CH:
            if (i + 2) >= _NBUF:
                stores[i + 2 - _NBUF].wait()
            loads[i + 2] = load(i + 2)
        xl, plc = loads.pop(i)
        xl.wait()
        plc.wait()
        _compute_chunk(xbufs[j], pbufs[j])
        stores[i] = pltpu.async_copy(
            xbufs[j], out_hbm.at[pl.ds(sbase + i * _S_CH, _S_CH)], osems[j])
    for i in range(_N_CH - _NBUF, _N_CH):
        if i >= 0:
            stores[i].wait()


def kernel(x, pe):
    seq_len, batch, d_model = x.shape
    mesh = plsc.VectorSubcoreMesh(core_axis_name="c", subcore_axis_name="s")
    scratch = (
        [pltpu.VMEM((_S_CH, _B, _D), jnp.float32) for _ in range(_NBUF)]
        + [pltpu.VMEM((_S_CH, _D), jnp.float32) for _ in range(_NBUF)]
        + [pltpu.SemaphoreType.DMA for _ in range(3 * _NBUF)]
    )
    f = pl.kernel(
        _sc_body,
        out_type=jax.ShapeDtypeStruct((seq_len, batch, d_model), x.dtype),
        mesh=mesh,
        scratch_types=scratch,
        compiler_params=pltpu.CompilerParams(use_tc_tiling_on_sc=True),
    )
    return f(x, pe)

# --- scband reference (transcript-rebuilt; emitter-appended) ---
"""Pipeline reference for scband-positional-encoding-63479616634958 (READ-ONLY COPY).

The authoritative reference and input builder live on the scoring server;
editing this copy changes nothing except your own understanding.
"""

import jax, jax.numpy as jnp
import numpy as np

D_MODEL = 1024
MAX_LEN = 8192
SEQ_LEN = 4096
BATCH = 4


def _build_pe(max_len, d_model):
    position = np.arange(max_len, dtype=np.float32)[:, None]
    div_term = np.exp(np.arange(0, d_model, 2, dtype=np.float32) * (-np.log(10000.0) / d_model))
    pe = np.zeros((max_len, d_model), dtype=np.float32)
    pe[:, 0::2] = np.sin(position * div_term)
    pe[:, 1::2] = np.cos(position * div_term)
    return jnp.asarray(pe)


def setup_inputs(seed: int = 0) -> dict:
    key = jax.random.key(seed)
    k1, _ = jax.random.split(key)
    x = jax.random.normal(k1, (SEQ_LEN, BATCH, D_MODEL), dtype=jnp.float32)
    pe = _build_pe(MAX_LEN, D_MODEL)
    return {"x": x, "pe": pe}


def reference(x, pe):
    seq_len, batch_size, _ = x.shape
    # chain_index is None path: positions = arange(seq_len) expanded over batch
    positions = jnp.broadcast_to(jnp.arange(seq_len)[:, None], (seq_len, batch_size))
    # gather positional encodings: pe[positions, :] -> [seq_len, batch, d_model]
    pos_enc = jnp.take(pe, positions, axis=0)
    out = x + pos_enc
    # dropout p=0.0 (eval / identity)
    return out

if __name__ == "__main__":
    import jax
    _d = setup_inputs()
    print(jax.jit(kernel)(*tuple(_d.values())))

</pallas_src>

<mosaic_0001>
#map = affine_map<(d0, d1) -> (0, 0, 0)>
#map1 = affine_map<(d0, d1) -> (0, 0)>
module attributes {stable_mosaic.version = 14 : i64} {
  func.func @_sc_body(%arg0: i32, %arg1: i32, %arg2: memref<4096x4x1024xf32, #tpu.memory_space<hbm>>, %arg3: memref<8192x1024xf32, #tpu.memory_space<hbm>>, %arg4: memref<4096x4x1024xf32, #tpu.memory_space<hbm>>, %arg5: memref<8x4x1024xf32, #tpu.memory_space<vmem>>, %arg6: memref<8x4x1024xf32, #tpu.memory_space<vmem>>, %arg7: memref<8x4x1024xf32, #tpu.memory_space<vmem>>, %arg8: memref<8x1024xf32, #tpu.memory_space<vmem>>, %arg9: memref<8x1024xf32, #tpu.memory_space<vmem>>, %arg10: memref<8x1024xf32, #tpu.memory_space<vmem>>, %arg11: memref<!tpu.dma_semaphore, #tpu.memory_space<semaphore_mem>>, %arg12: memref<!tpu.dma_semaphore, #tpu.memory_space<semaphore_mem>>, %arg13: memref<!tpu.dma_semaphore, #tpu.memory_space<semaphore_mem>>, %arg14: memref<!tpu.dma_semaphore, #tpu.memory_space<semaphore_mem>>, %arg15: memref<!tpu.dma_semaphore, #tpu.memory_space<semaphore_mem>>, %arg16: memref<!tpu.dma_semaphore, #tpu.memory_space<semaphore_mem>>, %arg17: memref<!tpu.dma_semaphore, #tpu.memory_space<semaphore_mem>>, %arg18: memref<!tpu.dma_semaphore, #tpu.memory_space<semaphore_mem>>, %arg19: memref<!tpu.dma_semaphore, #tpu.memory_space<semaphore_mem>>) attributes {dimension_semantics = [#tpu.dimension_semantics<core_parallel>, #tpu.dimension_semantics<subcore_parallel>], iteration_bounds = array<i64: 2, 16>, scalar_prefetch = 0 : i64, scratch_operands = 15 : i64, tpu.core_type = #tpu.core_type<sc_vector_subcore>, window_params = [{transform_indices = #map}, {transform_indices = #map1}, {transform_indices = #map}]} {
    %mul3A = arith.constant 2 : i32
    %mul3A_0 = arith.muli %arg1, %mul3A : i32
    %add3A = arith.addi %mul3A_0, %arg0 : i32
    %mul3A_1 = arith.constant 128 : i32
    %mul3A_2 = arith.muli %add3A, %mul3A_1 : i32
    %add3A_3 = arith.constant 0 : i32
    %add3A_4 = arith.addi %mul3A_2, %add3A_3 : i32
    %dma_start3A = arith.constant 0 : i32
    %dma_start3A_5 = arith.constant 0 : i32
    %dma_start3A_6 = tpu.memref_slice %arg2[%add3A_4, %dma_start3A, %dma_start3A_5] : memref<4096x4x1024xf32, #tpu.memory_space<hbm>> -> memref<8x4x1024xf32, #tpu.memory_space<hbm>>
    %dma_start3A_7 = arith.constant 0 : i32
    %dma_start3A_8 = arith.constant 0 : i32
    %dma_start3A_9 = tpu.memref_slice %arg2[%add3A_4, %dma_start3A_7, %dma_start3A_8] : memref<4096x4x1024xf32, #tpu.memory_space<hbm>> -> memref<8x4x1024xf32, #tpu.memory_space<hbm>>
    tpu.enqueue_dma source(%dma_start3A_9 : memref<8x4x1024xf32, #tpu.memory_space<hbm>>) target(%arg5 : memref<8x4x1024xf32, #tpu.memory_space<vmem>>) target_semaphore(%arg11 : memref<!tpu.dma_semaphore, #tpu.memory_space<semaphore_mem>>)
    %dma_start3A_10 = arith.constant 0 : i32
    %dma_start3A_11 = tpu.memref_slice %arg3[%add3A_4, %dma_start3A_10] : memref<8192x1024xf32, #tpu.memory_space<hbm>> -> memref<8x1024xf32, #tpu.memory_space<hbm>>
    %dma_start3A_12 = arith.constant 0 : i32
    %dma_start3A_13 = tpu.memref_slice %arg3[%add3A_4, %dma_start3A_12] : memref<8192x1024xf32, #tpu.memory_space<hbm>> -> memref<8x1024xf32, #tpu.memory_space<hbm>>
    tpu.enqueue_dma source(%dma_start3A_13 : memref<8x1024xf32, #tpu.memory_space<hbm>>) target(%arg8 : memref<8x1024xf32, #tpu.memory_space<vmem>>) target_semaphore(%arg14 : memref<!tpu.dma_semaphore, #tpu.memory_space<semaphore_mem>>)
    %add3A_14 = arith.constant 8 : i32
    %add3A_15 = arith.addi %mul3A_2, %add3A_14 : i32
    %dma_start3A_16 = arith.constant 0 : i32
    %dma_start3A_17 = arith.constant 0 : i32
    %dma_start3A_18 = tpu.memref_slice %arg2[%add3A_15, %dma_start3A_16, %dma_start3A_17] : memref<4096x4x1024xf32, #tpu.memory_space<hbm>> -> memref<8x4x1024xf32, #tpu.memory_space<hbm>>
    %dma_start3A_19 = arith.constant 0 : i32
    %dma_start3A_20 = arith.constant 0 : i32
    %dma_start3A_21 = tpu.memref_slice %arg2[%add3A_15, %dma_start3A_19, %dma_start3A_20] : memref<4096x4x1024xf32, #tpu.memory_space<hbm>> -> memref<8x4x1024xf32, #tpu.memory_space<hbm>>
    tpu.enqueue_dma source(%dma_start3A_21 : memref<8x4x1024xf32, #tpu.memory_space<hbm>>) target(%arg6 : memref<8x4x1024xf32, #tpu.memory_space<vmem>>) target_semaphore(%arg12 : memref<!tpu.dma_semaphore, #tpu.memory_space<semaphore_mem>>)
    %dma_start3A_22 = arith.constant 0 : i32
    %dma_start3A_23 = tpu.memref_slice %arg3[%add3A_15, %dma_start3A_22] : memref<8192x1024xf32, #tpu.memory_space<hbm>> -> memref<8x1024xf32, #tpu.memory_space<hbm>>
    %dma_start3A_24 = arith.constant 0 : i32
    %dma_start3A_25 = tpu.memref_slice %arg3[%add3A_15, %dma_start3A_24] : memref<8192x1024xf32, #tpu.memory_space<hbm>> -> memref<8x1024xf32, #tpu.memory_space<hbm>>
    tpu.enqueue_dma source(%dma_start3A_25 : memref<8x1024xf32, #tpu.memory_space<hbm>>) target(%arg9 : memref<8x1024xf32, #tpu.memory_space<vmem>>) target_semaphore(%arg15 : memref<!tpu.dma_semaphore, #tpu.memory_space<semaphore_mem>>)
    %add3A_26 = arith.constant 16 : i32
    %add3A_27 = arith.addi %mul3A_2, %add3A_26 : i32
    %dma_start3A_28 = arith.constant 0 : i32
    %dma_start3A_29 = arith.constant 0 : i32
    %dma_start3A_30 = tpu.memref_slice %arg2[%add3A_27, %dma_start3A_28, %dma_start3A_29] : memref<4096x4x1024xf32, #tpu.memory_space<hbm>> -> memref<8x4x1024xf32, #tpu.memory_space<hbm>>
    %dma_start3A_31 = arith.constant 0 : i32
    %dma_start3A_32 = arith.constant 0 : i32
    %dma_start3A_33 = tpu.memref_slice %arg2[%add3A_27, %dma_start3A_31, %dma_start3A_32] : memref<4096x4x1024xf32, #tpu.memory_space<hbm>> -> memref<8x4x1024xf32, #tpu.memory_space<hbm>>
    tpu.enqueue_dma source(%dma_start3A_33 : memref<8x4x1024xf32, #tpu.memory_space<hbm>>) target(%arg7 : memref<8x4x1024xf32, #tpu.memory_space<vmem>>) target_semaphore(%arg13 : memref<!tpu.dma_semaphore, #tpu.memory_space<semaphore_mem>>)
    %dma_start3A_34 = arith.constant 0 : i32
    %dma_start3A_35 = tpu.memref_slice %arg3[%add3A_27, %dma_start3A_34] : memref<8192x1024xf32, #tpu.memory_space<hbm>> -> memref<8x1024xf32, #tpu.memory_space<hbm>>
    %dma_start3A_36 = arith.constant 0 : i32
    %dma_start3A_37 = tpu.memref_slice %arg3[%add3A_27, %dma_start3A_36] : memref<8192x1024xf32, #tpu.memory_space<hbm>> -> memref<8x1024xf32, #tpu.memory_space<hbm>>
    tpu.enqueue_dma source(%dma_start3A_37 : memref<8x1024xf32, #tpu.memory_space<hbm>>) target(%arg10 : memref<8x1024xf32, #tpu.memory_space<vmem>>) target_semaphore(%arg16 : memref<!tpu.dma_semaphore, #tpu.memory_space<semaphore_mem>>)
    %dma_wait3A = arith.constant 0 : i32
    %dma_wait3A_38 = arith.constant 0 : i32
    %dma_wait3A_39 = tpu.memref_slice %arg2[%add3A_4, %dma_wait3A, %dma_wait3A_38] : memref<4096x4x1024xf32, #tpu.memory_space<hbm>> -> memref<8x4x1024xf32, #tpu.memory_space<hbm>>
    %dma_wait3A_40 = arith.constant 0 : i32
    %dma_wait3A_41 = arith.constant 0 : i32
    %dma_wait3A_42 = tpu.memref_slice %arg2[%add3A_4, %dma_wait3A_40, %dma_wait3A_41] : memref<4096x4x1024xf32, #tpu.memory_space<hbm>> -> memref<8x4x1024xf32, #tpu.memory_space<hbm>>
    tpu.wait_dma2 semaphore(%arg11 : memref<!tpu.dma_semaphore, #tpu.memory_space<semaphore_mem>>) src(%dma_wait3A_42 : memref<8x4x1024xf32, #tpu.memory_space<hbm>>) dst(%arg5 : memref<8x4x1024xf32, #tpu.memory_space<vmem>>)
    %dma_wait3A_43 = arith.constant 0 : i32
    %dma_wait3A_44 = tpu.memref_slice %arg3[%add3A_4, %dma_wait3A_43] : memref<8192x1024xf32, #tpu.memory_space<hbm>> -> memref<8x1024xf32, #tpu.memory_space<hbm>>
    %dma_wait3A_45 = arith.constant 0 : i32
    %dma_wait3A_46 = tpu.memref_slice %arg3[%add3A_4, %dma_wait3A_45] : memref<8192x1024xf32, #tpu.memory_space<hbm>> -> memref<8x1024xf32, #tpu.memory_space<hbm>>
    tpu.wait_dma2 semaphore(%arg14 : memref<!tpu.dma_semaphore, #tpu.memory_space<semaphore_mem>>) src(%dma_wait3A_46 : memref<8x1024xf32, #tpu.memory_space<hbm>>) dst(%arg8 : memref<8x1024xf32, #tpu.memory_space<vmem>>)
    %parallel_loop3A = arith.constant 0 : i32
    %parallel_loop3A_47 = arith.constant 512 : i32
    %parallel_loop3A_48 = arith.constant 1 : i32
    scf.for %parallel_loop3A_624 = %parallel_loop3A to %parallel_loop3A_47 step %parallel_loop3A_48  : i32 {
      %parallel_loop3A_625 = arith.constant 6 : i32
      %parallel_loop3A_626 = arith.shrsi %parallel_loop3A_624, %parallel_loop3A_625 : i32
      %parallel_loop3A_627 = arith.constant 63 : i32
      %parallel_loop3A_628 = arith.andi %parallel_loop3A_624, %parallel_loop3A_627 : i32
      %parallel_loop3A_629 = arith.constant 16 : i32
      %parallel_loop3A_630 = arith.muli %parallel_loop3A_628, %parallel_loop3A_629 : i32
      %parallel_loop3A_631 = arith.index_cast %parallel_loop3A_626 : i32 to index
      %parallel_loop3A_632 = arith.index_cast %parallel_loop3A_630 : i32 to index
      %parallel_loop3A_633 = tpu.vector_load %arg8[%parallel_loop3A_631, %parallel_loop3A_632] {strides = array<i32>} : memref<8x1024xf32, #tpu.memory_space<vmem>>, vector<1x16xf32>,
      %parallel_loop3A_634 = vector.shape_cast %parallel_loop3A_633 : vector<1x16xf32> to vector<16xf32>
      %parallel_loop3A_635 = arith.constant 0 : i32
      %parallel_loop3A_636 = arith.index_cast %parallel_loop3A_626 : i32 to index
      %parallel_loop3A_637 = arith.index_cast %parallel_loop3A_635 : i32 to index
      %parallel_loop3A_638 = arith.index_cast %parallel_loop3A_630 : i32 to index
      %parallel_loop3A_639 = tpu.vector_load %arg5[%parallel_loop3A_636, %parallel_loop3A_637, %parallel_loop3A_638] {strides = array<i32>} : memref<8x4x1024xf32, #tpu.memory_space<vmem>>, vector<1x1x16xf32>,
      %parallel_loop3A_640 = vector.shape_cast %parallel_loop3A_639 : vector<1x1x16xf32> to vector<16xf32>
      %parallel_loop3A_641 = arith.addf %parallel_loop3A_640, %parallel_loop3A_634 : vector<16xf32>
      %parallel_loop3A_642 = arith.constant 0 : i32
      %parallel_loop3A_643 = arith.index_cast %parallel_loop3A_626 : i32 to index
      %parallel_loop3A_644 = arith.index_cast %parallel_loop3A_642 : i32 to index
      %parallel_loop3A_645 = arith.index_cast %parallel_loop3A_630 : i32 to index
      %parallel_loop3A_646 = tpu.vector_load %arg5[%parallel_loop3A_643, %parallel_loop3A_644, %parallel_loop3A_645] {strides = array<i32>} : memref<8x4x1024xf32, #tpu.memory_space<vmem>>, vector<1x1x16xf32>,
      %parallel_loop3A_647 = vector.shape_cast %parallel_loop3A_646 : vector<1x1x16xf32> to vector<16xf32>
      %parallel_loop3A_648 = vector.shape_cast %parallel_loop3A_641 : vector<16xf32> to vector<1x1x16xf32>
      tpu.vector_store %arg5[%parallel_loop3A_643, %parallel_loop3A_644, %parallel_loop3A_645], %parallel_loop3A_648 {strides = array<i32>} : memref<8x4x1024xf32, #tpu.memory_space<vmem>>, vector<1x1x16xf32>,
      %parallel_loop3A_649 = arith.constant 1 : i32
      %parallel_loop3A_650 = arith.index_cast %parallel_loop3A_626 : i32 to index
      %parallel_loop3A_651 = arith.index_cast %parallel_loop3A_649 : i32 to index
      %parallel_loop3A_652 = arith.index_cast %parallel_loop3A_630 : i32 to index
      %parallel_loop3A_653 = tpu.vector_load %arg5[%parallel_loop3A_650, %parallel_loop3A_651, %parallel_loop3A_652] {strides = array<i32>} : memref<8x4x1024xf32, #tpu.memory_space<vmem>>, vector<1x1x16xf32>,
      %parallel_loop3A_654 = vector.shape_cast %parallel_loop3A_653 : vector<1x1x16xf32> to vector<16xf32>
      %parallel_loop3A_655 = arith.addf %parallel_loop3A_654, %parallel_loop3A_634 : vector<16xf32>
      %parallel_loop3A_656 = arith.constant 1 : i32
      %parallel_loop3A_657 = arith.index_cast %parallel_loop3A_626 : i32 to index
      %parallel_loop3A_658 = arith.index_cast %parallel_loop3A_656 : i32 to index
      %parallel_loop3A_659 = arith.index_cast %parallel_loop3A_630 : i32 to index
      %parallel_loop3A_660 = tpu.vector_load %arg5[%parallel_loop3A_657, %parallel_loop3A_658, %parallel_loop3A_659] {strides = array<i32>} : memref<8x4x1024xf32, #tpu.memory_space<vmem>>, vector<1x1x16xf32>,
      %parallel_loop3A_661 = vector.shape_cast %parallel_loop3A_660 : vector<1x1x16xf32> to vector<16xf32>
      %parallel_loop3A_662 = vector.shape_cast %parallel_loop3A_655 : vector<16xf32> to vector<1x1x16xf32>
      tpu.vector_store %arg5[%parallel_loop3A_657, %parallel_loop3A_658, %parallel_loop3A_659], %parallel_loop3A_662 {strides = array<i32>} : memref<8x4x1024xf32, #tpu.memory_space<vmem>>, vector<1x1x16xf32>,
      %parallel_loop3A_663 = arith.constant 2 : i32
      %parallel_loop3A_664 = arith.index_cast %parallel_loop3A_626 : i32 to index
      %parallel_loop3A_665 = arith.index_cast %parallel_loop3A_663 : i32 to index
      %parallel_loop3A_666 = arith.index_cast %parallel_loop3A_630 : i32 to index
      %parallel_loop3A_667 = tpu.vector_load %arg5[%parallel_loop3A_664, %parallel_loop3A_665, %parallel_loop3A_666] {strides = array<i32>} : memref<8x4x1024xf32, #tpu.memory_space<vmem>>, vector<1x1x16xf32>,
      %parallel_loop3A_668 = vector.shape_cast %parallel_loop3A_667 : vector<1x1x16xf32> to vector<16xf32>
      %parallel_loop3A_669 = arith.addf %parallel_loop3A_668, %parallel_loop3A_634 : vector<16xf32>
      %parallel_loop3A_670 = arith.constant 2 : i32
      %parallel_loop3A_671 = arith.index_cast %parallel_loop3A_626 : i32 to index
      %parallel_loop3A_672 = arith.index_cast %parallel_loop3A_670 : i32 to index
      %parallel_loop3A_673 = arith.index_cast %parallel_loop3A_630 : i32 to index
      %parallel_loop3A_674 = tpu.vector_load %arg5[%parallel_loop3A_671, %parallel_loop3A_672, %parallel_loop3A_673] {strides = array<i32>} : memref<8x4x1024xf32, #tpu.memory_space<vmem>>, vector<1x1x16xf32>,
      %parallel_loop3A_675 = vector.shape_cast %parallel_loop3A_674 : vector<1x1x16xf32> to vector<16xf32>
      %parallel_loop3A_676 = vector.shape_cast %parallel_loop3A_669 : vector<16xf32> to vector<1x1x16xf32>
      tpu.vector_store %arg5[%parallel_loop3A_671, %parallel_loop3A_672, %parallel_loop3A_673], %parallel_loop3A_676 {strides = array<i32>} : memref<8x4x1024xf32, #tpu.memory_space<vmem>>, vector<1x1x16xf32>,
      %parallel_loop3A_677 = arith.constant 3 : i32
      %parallel_loop3A_678 = arith.index_cast %parallel_loop3A_626 : i32 to index
      %parallel_loop3A_679 = arith.index_cast %parallel_loop3A_677 : i32 to index
      %parallel_loop3A_680 = arith.index_cast %parallel_loop3A_630 : i32 to index
      %parallel_loop3A_681 = tpu.vector_load %arg5[%parallel_loop3A_678, %parallel_loop3A_679, %parallel_loop3A_680] {strides = array<i32>} : memref<8x4x1024xf32, #tpu.memory_space<vmem>>, vector<1x1x16xf32>,
      %parallel_loop3A_682 = vector.shape_cast %parallel_loop3A_681 : vector<1x1x16xf32> to vector<16xf32>
      %parallel_loop3A_683 = arith.addf %parallel_loop3A_682, %parallel_loop3A_634 : vector<16xf32>
      %parallel_loop3A_684 = arith.constant 3 : i32
      %parallel_loop3A_685 = arith.index_cast %parallel_loop3A_626 : i32 to index
      %parallel_loop3A_686 = arith.index_cast %parallel_loop3A_684 : i32 to index
      %parallel_loop3A_687 = arith.index_cast %parallel_loop3A_630 : i32 to index
      %parallel_loop3A_688 = tpu.vector_load %arg5[%parallel_loop3A_685, %parallel_loop3A_686, %parallel_loop3A_687] {strides = array<i32>} : memref<8x4x1024xf32, #tpu.memory_space<vmem>>, vector<1x1x16xf32>,
      %parallel_loop3A_689 = vector.shape_cast %parallel_loop3A_688 : vector<1x1x16xf32> to vector<16xf32>
      %parallel_loop3A_690 = vector.shape_cast %parallel_loop3A_683 : vector<16xf32> to vector<1x1x16xf32>
      tpu.vector_store %arg5[%parallel_loop3A_685, %parallel_loop3A_686, %parallel_loop3A_687], %parallel_loop3A_690 {strides = array<i32>} : memref<8x4x1024xf32, #tpu.memory_space<vmem>>, vector<1x1x16xf32>,
    } {sc.loop_unroll_factor = 4 : i64, sc.parallel_access}
    %add3A_49 = arith.constant 0 : i32
    %add3A_50 = arith.addi %mul3A_2, %add3A_49 : i32
    %dma_start3A_51 = arith.constant 0 : i32
    %dma_start3A_52 = arith.constant 0 : i32
    %dma_start3A_53 = tpu.memref_slice %arg4[%add3A_50, %dma_start3A_51, %dma_start3A_52] : memref<4096x4x1024xf32, #tpu.memory_space<hbm>> -> memref<8x4x1024xf32, #tpu.memory_space<hbm>>
    %dma_start3A_54 = arith.constant 0 : i32
    %dma_start3A_55 = arith.constant 0 : i32
    %dma_start3A_56 = tpu.memref_slice %arg4[%add3A_50, %dma_start3A_54, %dma_start3A_55] : memref<4096x4x1024xf32, #tpu.memory_space<hbm>> -> memref<8x4x1024xf32, #tpu.memory_space<hbm>>
    tpu.enqueue_dma source(%arg5 : memref<8x4x1024xf32, #tpu.memory_space<vmem>>) target(%dma_start3A_56 : memref<8x4x1024xf32, #tpu.memory_space<hbm>>) target_semaphore(%arg17 : memref<!tpu.dma_semaphore, #tpu.memory_space<semaphore_mem>>)
    %dma_wait3A_57 = arith.constant 0 : i32
    %dma_wait3A_58 = arith.constant 0 : i32
    %dma_wait3A_59 = tpu.memref_slice %arg4[%add3A_50, %dma_wait3A_57, %dma_wait3A_58] : memref<4096x4x1024xf32, #tpu.memory_space<hbm>> -> memref<8x4x1024xf32, #tpu.memory_space<hbm>>
    %dma_wait3A_60 = arith.constant 0 : i32
    %dma_wait3A_61 = arith.constant 0 : i32
    %dma_wait3A_62 = tpu.memref_slice %arg4[%add3A_50, %dma_wait3A_60, %dma_wait3A_61] : memref<4096x4x1024xf32, #tpu.memory_space<hbm>> -> memref<8x4x1024xf32, #tpu.memory_space<hbm>>
    tpu.wait_dma2 semaphore(%arg17 : memref<!tpu.dma_semaphore, #tpu.memory_space<semaphore_mem>>) src(%arg5 : memref<8x4x1024xf32, #tpu.memory_space<vmem>>) dst(%dma_wait3A_62 : memref<8x4x1024xf32, #tpu.memory_space<hbm>>)
    %add3A_63 = arith.constant 24 : i32
    %add3A_64 = arith.addi %mul3A_2, %add3A_63 : i32
    %dma_start3A_65 = arith.constant 0 : i32
    %dma_start3A_66 = arith.constant 0 : i32
    %dma_start3A_67 = tpu.memref_slice %arg2[%add3A_64, %dma_start3A_65, %dma_start3A_66] : memref<4096x4x1024xf32, #tpu.memory_space<hbm>> -> memref<8x4x1024xf32, #tpu.memory_space<hbm>>
    %dma_start3A_68 = arith.constant 0 : i32
    %dma_start3A_69 = arith.constant 0 : i32
    %dma_start3A_70 = tpu.memref_slice %arg2[%add3A_64, %dma_start3A_68, %dma_start3A_69] : memref<4096x4x1024xf32, #tpu.memory_space<hbm>> -> memref<8x4x1024xf32, #tpu.memory_space<hbm>>
    tpu.enqueue_dma source(%dma_start3A_70 : memref<8x4x1024xf32, #tpu.memory_space<hbm>>) target(%arg5 : memref<8x4x1024xf32, #tpu.memory_space<vmem>>) target_semaphore(%arg11 : memref<!tpu.dma_semaphore, #tpu.memory_space<semaphore_mem>>)
    %dma_start3A_71 = arith.constant 0 : i32
    %dma_start3A_72 = tpu.memref_slice %arg3[%add3A_64, %dma_start3A_71] : memref<8192x1024xf32, #tpu.memory_space<hbm>> -> memref<8x1024xf32, #tpu.memory_space<hbm>>
    %dma_start3A_73 = arith.constant 0 : i32
    %dma_start3A_74 = tpu.memref_slice %arg3[%add3A_64, %dma_start3A_73] : memref<8192x1024xf32, #tpu.memory_space<hbm>> -> memref<8x1024xf32, #tpu.memory_space<hbm>>
    tpu.enqueue_dma source(%dma_start3A_74 : memref<8x1024xf32, #tpu.memory_space<hbm>>) target(%arg8 : memref<8x1024xf32, #tpu.memory_space<vmem>>) target_semaphore(%arg14 : memref<!tpu.dma_semaphore, #tpu.memory_space<semaphore_mem>>)
    %dma_wait3A_75 = arith.constant 0 : i32
    %dma_wait3A_76 = arith.constant 0 : i32
    %dma_wait3A_77 = tpu.memref_slice %arg2[%add3A_15, %dma_wait3A_75, %dma_wait3A_76] : memref<4096x4x1024xf32, #tpu.memory_space<hbm>> -> memref<8x4x1024xf32, #tpu.memory_space<hbm>>
    %dma_wait3A_78 = arith.constant 0 : i32
    %dma_wait3A_79 = arith.constant 0 : i32
    %dma_wait3A_80 = tpu.memref_slice %arg2[%add3A_15, %dma_wait3A_78, %dma_wait3A_79] : memref<4096x4x1024xf32, #tpu.memory_space<hbm>> -> memref<8x4x1024xf32, #tpu.memory_space<hbm>>
    tpu.wait_dma2 semaphore(%arg12 : memref<!tpu.dma_semaphore, #tpu.memory_space<semaphore_mem>>) src(%dma_wait3A_80 : memref<8x4x1024xf32, #tpu.memory_space<hbm>>) dst(%arg6 : memref<8x4x1024xf32, #tpu.memory_space<vmem>>)
    %dma_wait3A_81 = arith.constant 0 : i32
    %dma_wait3A_82 = tpu.memref_slice %arg3[%add3A_15, %dma_wait3A_81] : memref<8192x1024xf32, #tpu.memory_space<hbm>> -> memref<8x1024xf32, #tpu.memory_space<hbm>>
    %dma_wait3A_83 = arith.constant 0 : i32
    %dma_wait3A_84 = tpu.memref_slice %arg3[%add3A_15, %dma_wait3A_83] : memref<8192x1024xf32, #tpu.memory_space<hbm>> -> memref<8x1024xf32, #tpu.memory_space<hbm>>
    tpu.wait_dma2 semaphore(%arg15 : memref<!tpu.dma_semaphore, #tpu.memory_space<semaphore_mem>>) src(%dma_wait3A_84 : memref<8x1024xf32, #tpu.memory_space<hbm>>) dst(%arg9 : memref<8x1024xf32, #tpu.memory_space<vmem>>)
    %parallel_loop3A_85 = arith.constant 0 : i32
    %parallel_loop3A_86 = arith.constant 512 : i32
    %parallel_loop3A_87 = arith.constant 1 : i32
    scf.for %parallel_loop3A_624 = %parallel_loop3A_85 to %parallel_loop3A_86 step %parallel_loop3A_87  : i32 {
      %parallel_loop3A_625 = arith.constant 6 : i32
      %parallel_loop3A_626 = arith.shrsi %parallel_loop3A_624, %parallel_loop3A_625 : i32
      %parallel_loop3A_627 = arith.constant 63 : i32
      %parallel_loop3A_628 = arith.andi %parallel_loop3A_624, %parallel_loop3A_627 : i32
      %parallel_loop3A_629 = arith.constant 16 : i32
      %parallel_loop3A_630 = arith.muli %parallel_loop3A_628, %parallel_loop3A_629 : i32
      %parallel_loop3A_631 = arith.index_cast %parallel_loop3A_626 : i32 to index
      %parallel_loop3A_632 = arith.index_cast %parallel_loop3A_630 : i32 to index
      %parallel_loop3A_633 = tpu.vector_load %arg9[%parallel_loop3A_631, %parallel_loop3A_632] {strides = array<i32>} : memref<8x1024xf32, #tpu.memory_space<vmem>>, vector<1x16xf32>,
      %parallel_loop3A_634 = vector.shape_cast %parallel_loop3A_633 : vector<1x16xf32> to vector<16xf32>
      %parallel_loop3A_635 = arith.constant 0 : i32
      %parallel_loop3A_636 = arith.index_cast %parallel_loop3A_626 : i32 to index
      %parallel_loop3A_637 = arith.index_cast %parallel_loop3A_635 : i32 to index
      %parallel_loop3A_638 = arith.index_cast %parallel_loop3A_630 : i32 to index
      %parallel_loop3A_639 = tpu.vector_load %arg6[%parallel_loop3A_636, %parallel_loop3A_637, %parallel_loop3A_638] {strides = array<i32>} : memref<8x4x1024xf32, #tpu.memory_space<vmem>>, vector<1x1x16xf32>,
      %parallel_loop3A_640 = vector.shape_cast %parallel_loop3A_639 : vector<1x1x16xf32> to vector<16xf32>
      %parallel_loop3A_641 = arith.addf %parallel_loop3A_640, %parallel_loop3A_634 : vector<16xf32>
      %parallel_loop3A_642 = arith.constant 0 : i32
      %parallel_loop3A_643 = arith.index_cast %parallel_loop3A_626 : i32 to index
      %parallel_loop3A_644 = arith.index_cast %parallel_loop3A_642 : i32 to index
      %parallel_loop3A_645 = arith.index_cast %parallel_loop3A_630 : i32 to index
      %parallel_loop3A_646 = tpu.vector_load %arg6[%parallel_loop3A_643, %parallel_loop3A_644, %parallel_loop3A_645] {strides = array<i32>} : memref<8x4x1024xf32, #tpu.memory_space<vmem>>, vector<1x1x16xf32>,
      %parallel_loop3A_647 = vector.shape_cast %parallel_loop3A_646 : vector<1x1x16xf32> to vector<16xf32>
      %parallel_loop3A_648 = vector.shape_cast %parallel_loop3A_641 : vector<16xf32> to vector<1x1x16xf32>
      tpu.vector_store %arg6[%parallel_loop3A_643, %parallel_loop3A_644, %parallel_loop3A_645], %parallel_loop3A_648 {strides = array<i32>} : memref<8x4x1024xf32, #tpu.memory_space<vmem>>, vector<1x1x16xf32>,
      %parallel_loop3A_649 = arith.constant 1 : i32
      %parallel_loop3A_650 = arith.index_cast %parallel_loop3A_626 : i32 to index
      %parallel_loop3A_651 = arith.index_cast %parallel_loop3A_649 : i32 to index
      %parallel_loop3A_652 = arith.index_cast %parallel_loop3A_630 : i32 to index
      %parallel_loop3A_653 = tpu.vector_load %arg6[%parallel_loop3A_650, %parallel_loop3A_651, %parallel_loop3A_652] {strides = array<i32>} : memref<8x4x1024xf32, #tpu.memory_space<vmem>>, vector<1x1x16xf32>,
      %parallel_loop3A_654 = vector.shape_cast %parallel_loop3A_653 : vector<1x1x16xf32> to vector<16xf32>
      %parallel_loop3A_655 = arith.addf %parallel_loop3A_654, %parallel_loop3A_634 : vector<16xf32>
      %parallel_loop3A_656 = arith.constant 1 : i32
      %parallel_loop3A_657 = arith.index_cast %parallel_loop3A_626 : i32 to index
      %parallel_loop3A_658 = arith.index_cast %parallel_loop3A_656 : i32 to index
      %parallel_loop3A_659 = arith.index_cast %parallel_loop3A_630 : i32 to index
      %parallel_loop3A_660 = tpu.vector_load %arg6[%parallel_loop3A_657, %parallel_loop3A_658, %parallel_loop3A_659] {strides = array<i32>} : memref<8x4x1024xf32, #tpu.memory_space<vmem>>, vector<1x1x16xf32>,
      %parallel_loop3A_661 = vector.shape_cast %parallel_loop3A_660 : vector<1x1x16xf32> to vector<16xf32>
      %parallel_loop3A_662 = vector.shape_cast %parallel_loop3A_655 : vector<16xf32> to vector<1x1x16xf32>
      tpu.vector_store %arg6[%parallel_loop3A_657, %parallel_loop3A_658, %parallel_loop3A_659], %parallel_loop3A_662 {strides = array<i32>} : memref<8x4x1024xf32, #tpu.memory_space<vmem>>, vector<1x1x16xf32>,
      %parallel_loop3A_663 = arith.constant 2 : i32
      %parallel_loop3A_664 = arith.index_cast %parallel_loop3A_626 : i32 to index
      %parallel_loop3A_665 = arith.index_cast %parallel_loop3A_663 : i32 to index
      %parallel_loop3A_666 = arith.index_cast %parallel_loop3A_630 : i32 to index
      %parallel_loop3A_667 = tpu.vector_load %arg6[%parallel_loop3A_664, %parallel_loop3A_665, %parallel_loop3A_666] {strides = array<i32>} : memref<8x4x1024xf32, #tpu.memory_space<vmem>>, vector<1x1x16xf32>,
      %parallel_loop3A_668 = vector.shape_cast %parallel_loop3A_667 : vector<1x1x16xf32> to vector<16xf32>
      %parallel_loop3A_669 = arith.addf %parallel_loop3A_668, %parallel_loop3A_634 : vector<16xf32>
      %parallel_loop3A_670 = arith.constant 2 : i32
      %parallel_loop3A_671 = arith.index_cast %parallel_loop3A_626 : i32 to index
      %parallel_loop3A_672 = arith.index_cast %parallel_loop3A_670 : i32 to index
      %parallel_loop3A_673 = arith.index_cast %parallel_loop3A_630 : i32 to index
      %parallel_loop3A_674 = tpu.vector_load %arg6[%parallel_loop3A_671, %parallel_loop3A_672, %parallel_loop3A_673] {strides = array<i32>} : memref<8x4x1024xf32, #tpu.memory_space<vmem>>, vector<1x1x16xf32>,
      %parallel_loop3A_675 = vector.shape_cast %parallel_loop3A_674 : vector<1x1x16xf32> to vector<16xf32>
      %parallel_loop3A_676 = vector.shape_cast %parallel_loop3A_669 : vector<16xf32> to vector<1x1x16xf32>
      tpu.vector_store %arg6[%parallel_loop3A_671, %parallel_loop3A_672, %parallel_loop3A_673], %parallel_loop3A_676 {strides = array<i32>} : memref<8x4x1024xf32, #tpu.memory_space<vmem>>, vector<1x1x16xf32>,
      %parallel_loop3A_677 = arith.constant 3 : i32
      %parallel_loop3A_678 = arith.index_cast %parallel_loop3A_626 : i32 to index
      %parallel_loop3A_679 = arith.index_cast %parallel_loop3A_677 : i32 to index
      %parallel_loop3A_680 = arith.index_cast %parallel_loop3A_630 : i32 to index
      %parallel_loop3A_681 = tpu.vector_load %arg6[%parallel_loop3A_678, %parallel_loop3A_679, %parallel_loop3A_680] {strides = array<i32>} : memref<8x4x1024xf32, #tpu.memory_space<vmem>>, vector<1x1x16xf32>,
      %parallel_loop3A_682 = vector.shape_cast %parallel_loop3A_681 : vector<1x1x16xf32> to vector<16xf32>
      %parallel_loop3A_683 = arith.addf %parallel_loop3A_682, %parallel_loop3A_634 : vector<16xf32>
      %parallel_loop3A_684 = arith.constant 3 : i32
      %parallel_loop3A_685 = arith.index_cast %parallel_loop3A_626 : i32 to index
      %parallel_loop3A_686 = arith.index_cast %parallel_loop3A_684 : i32 to index
      %parallel_loop3A_687 = arith.index_cast %parallel_loop3A_630 : i32 to index
      %parallel_loop3A_688 = tpu.vector_load %arg6[%parallel_loop3A_685, %parallel_loop3A_686, %parallel_loop3A_687] {strides = array<i32>} : memref<8x4x1024xf32, #tpu.memory_space<vmem>>, vector<1x1x16xf32>,
      %parallel_loop3A_689 = vector.shape_cast %parallel_loop3A_688 : vector<1x1x16xf32> to vector<16xf32>
      %parallel_loop3A_690 = vector.shape_cast %parallel_loop3A_683 : vector<16xf32> to vector<1x1x16xf32>
      tpu.vector_store %arg6[%parallel_loop3A_685, %parallel_loop3A_686, %parallel_loop3A_687], %parallel_loop3A_690 {strides = array<i32>} : memref<8x4x1024xf32, #tpu.memory_space<vmem>>, vector<1x1x16xf32>,
    } {sc.loop_unroll_factor = 4 : i64, sc.parallel_access}
    %add3A_88 = arith.constant 8 : i32
    %add3A_89 = arith.addi %mul3A_2, %add3A_88 : i32
    %dma_start3A_90 = arith.constant 0 : i32
    %dma_start3A_91 = arith.constant 0 : i32
    %dma_start3A_92 = tpu.memref_slice %arg4[%add3A_89, %dma_start3A_90, %dma_start3A_91] : memref<4096x4x1024xf32, #tpu.memory_space<hbm>> -> memref<8x4x1024xf32, #tpu.memory_space<hbm>>
    %dma_start3A_93 = arith.constant 0 : i32
    %dma_start3A_94 = arith.constant 0 : i32
    %dma_start3A_95 = tpu.memref_slice %arg4[%add3A_89, %dma_start3A_93, %dma_start3A_94] : memref<4096x4x1024xf32, #tpu.memory_space<hbm>> -> memref<8x4x1024xf32, #tpu.memory_space<hbm>>
    tpu.enqueue_dma source(%arg6 : memref<8x4x1024xf32, #tpu.memory_space<vmem>>) target(%dma_start3A_95 : memref<8x4x1024xf32, #tpu.memory_space<hbm>>) target_semaphore(%arg18 : memref<!tpu.dma_semaphore, #tpu.memory_space<semaphore_mem>>)
    %dma_wait3A_96 = arith.constant 0 : i32
    %dma_wait3A_97 = arith.constant 0 : i32
    %dma_wait3A_98 = tpu.memref_slice %arg4[%add3A_89, %dma_wait3A_96, %dma_wait3A_97] : memref<4096x4x1024xf32, #tpu.memory_space<hbm>> -> memref<8x4x1024xf32, #tpu.memory_space<hbm>>
    %dma_wait3A_99 = arith.constant 0 : i32
    %dma_wait3A_100 = arith.constant 0 : i32
    %dma_wait3A_101 = tpu.memref_slice %arg4[%add3A_89, %dma_wait3A_99, %dma_wait3A_100] : memref<4096x4x1024xf32, #tpu.memory_space<hbm>> -> memref<8x4x1024xf32, #tpu.memory_space<hbm>>
    tpu.wait_dma2 semaphore(%arg18 : memref<!tpu.dma_semaphore, #tpu.memory_space<semaphore_mem>>) src(%arg6 : memref<8x4x1024xf32, #tpu.memory_space<vmem>>) dst(%dma_wait3A_101 : memref<8x4x1024xf32, #tpu.memory_space<hbm>>)
    %add3A_102 = arith.constant 32 : i32
    %add3A_103 = arith.addi %mul3A_2, %add3A_102 : i32
    %dma_start3A_104 = arith.constant 0 : i32
    %dma_start3A_105 = arith.constant 0 : i32
    %dma_start3A_106 = tpu.memref_slice %arg2[%add3A_103, %dma_start3A_104, %dma_start3A_105] : memref<4096x4x1024xf32, #tpu.memory_space<hbm>> -> memref<8x4x1024xf32, #tpu.memory_space<hbm>>
    %dma_start3A_107 = arith.constant 0 : i32
    %dma_start3A_108 = arith.constant 0 : i32
    %dma_start3A_109 = tpu.memref_slice %arg2[%add3A_103, %dma_start3A_107, %dma_start3A_108] : memref<4096x4x1024xf32, #tpu.memory_space<hbm>> -> memref<8x4x1024xf32, #tpu.memory_space<hbm>>
    tpu.enqueue_dma source(%dma_start3A_109 : memref<8x4x1024xf32, #tpu.memory_space<hbm>>) target(%arg6 : memref<8x4x1024xf32, #tpu.memory_space<vmem>>) target_semaphore(%arg12 : memref<!tpu.dma_semaphore, #tpu.memory_space<semaphore_mem>>)
    %dma_start3A_110 = arith.constant 0 : i32
    %dma_start3A_111 = tpu.memref_slice %arg3[%add3A_103, %dma_start3A_110] : memref<8192x1024xf32, #tpu.memory_space<hbm>> -> memref<8x1024xf32, #tpu.memory_space<hbm>>
    %dma_start3A_112 = arith.constant 0 : i32
    %dma_start3A_113 = tpu.memref_slice %arg3[%add3A_103, %dma_start3A_112] : memref<8192x1024xf32, #tpu.memory_space<hbm>> -> memref<8x1024xf32, #tpu.memory_space<hbm>>
    tpu.enqueue_dma source(%dma_start3A_113 : memref<8x1024xf32, #tpu.memory_space<hbm>>) target(%arg9 : memref<8x1024xf32, #tpu.memory_space<vmem>>) target_semaphore(%arg15 : memref<!tpu.dma_semaphore, #tpu.memory_space<semaphore_mem>>)
    %dma_wait3A_114 = arith.constant 0 : i32
    %dma_wait3A_115 = arith.constant 0 : i32
    %dma_wait3A_116 = tpu.memref_slice %arg2[%add3A_27, %dma_wait3A_114, %dma_wait3A_115] : memref<4096x4x1024xf32, #tpu.memory_space<hbm>> -> memref<8x4x1024xf32, #tpu.memory_space<hbm>>
    %dma_wait3A_117 = arith.constant 0 : i32
    %dma_wait3A_118 = arith.constant 0 : i32
    %dma_wait3A_119 = tpu.memref_slice %arg2[%add3A_27, %dma_wait3A_117, %dma_wait3A_118] : memref<4096x4x1024xf32, #tpu.memory_space<hbm>> -> memref<8x4x1024xf32, #tpu.memory_space<hbm>>
    tpu.wait_dma2 semaphore(%arg13 : memref<!tpu.dma_semaphore, #tpu.memory_space<semaphore_mem>>) src(%dma_wait3A_119 : memref<8x4x1024xf32, #tpu.memory_space<hbm>>) dst(%arg7 : memref<8x4x1024xf32, #tpu.memory_space<vmem>>)
    %dma_wait3A_120 = arith.constant 0 : i32
    %dma_wait3A_121 = tpu.memref_slice %arg3[%add3A_27, %dma_wait3A_120] : memref<8192x1024xf32, #tpu.memory_space<hbm>> -> memref<8x1024xf32, #tpu.memory_space<hbm>>
    %dma_wait3A_122 = arith.constant 0 : i32
    %dma_wait3A_123 = tpu.memref_slice %arg3[%add3A_27, %dma_wait3A_122] : memref<8192x1024xf32, #tpu.memory_space<hbm>> -> memref<8x1024xf32, #tpu.memory_space<hbm>>
    tpu.wait_dma2 semaphore(%arg16 : memref<!tpu.dma_semaphore, #tpu.memory_space<semaphore_mem>>) src(%dma_wait3A_123 : memref<8x1024xf32, #tpu.memory_space<hbm>>) dst(%arg10 : memref<8x1024xf32, #tpu.memory_space<vmem>>)
    %parallel_loop3A_124 = arith.constant 0 : i32
    %parallel_loop3A_125 = arith.constant 512 : i32
    %parallel_loop3A_126 = arith.constant 1 : i32
    scf.for %parallel_loop3A_624 = %parallel_loop3A_124 to %parallel_loop3A_125 step %parallel_loop3A_126  : i32 {
      %parallel_loop3A_625 = arith.constant 6 : i32
      %parallel_loop3A_626 = arith.shrsi %parallel_loop3A_624, %parallel_loop3A_625 : i32
      %parallel_loop3A_627 = arith.constant 63 : i32
      %parallel_loop3A_628 = arith.andi %parallel_loop3A_624, %parallel_loop3A_627 : i32
      %parallel_loop3A_629 = arith.constant 16 : i32
      %parallel_loop3A_630 = arith.muli %parallel_loop3A_628, %parallel_loop3A_629 : i32
      %parallel_loop3A_631 = arith.index_cast %parallel_loop3A_626 : i32 to index
      %parallel_loop3A_632 = arith.index_cast %parallel_loop3A_630 : i32 to index
      %parallel_loop3A_633 = tpu.vector_load %arg10[%parallel_loop3A_631, %parallel_loop3A_632] {strides = array<i32>} : memref<8x1024xf32, #tpu.memory_space<vmem>>, vector<1x16xf32>,
      %parallel_loop3A_634 = vector.shape_cast %parallel_loop3A_633 : vector<1x16xf32> to vector<16xf32>
      %parallel_loop3A_635 = arith.constant 0 : i32
      %parallel_loop3A_636 = arith.index_cast %parallel_loop3A_626 : i32 to index
      %parallel_loop3A_637 = arith.index_cast %parallel_loop3A_635 : i32 to index
      %parallel_loop3A_638 = arith.index_cast %parallel_loop3A_630 : i32 to index
      %parallel_loop3A_639 = tpu.vector_load %arg7[%parallel_loop3A_636, %parallel_loop3A_637, %parallel_loop3A_638] {strides = array<i32>} : memref<8x4x1024xf32, #tpu.memory_space<vmem>>, vector<1x1x16xf32>,
      %parallel_loop3A_640 = vector.shape_cast %parallel_loop3A_639 : vector<1x1x16xf32> to vector<16xf32>
      %parallel_loop3A_641 = arith.addf %parallel_loop3A_640, %parallel_loop3A_634 : vector<16xf32>
      %parallel_loop3A_642 = arith.constant 0 : i32
      %parallel_loop3A_643 = arith.index_cast %parallel_loop3A_626 : i32 to index
      %parallel_loop3A_644 = arith.index_cast %parallel_loop3A_642 : i32 to index
      %parallel_loop3A_645 = arith.index_cast %parallel_loop3A_630 : i32 to index
      %parallel_loop3A_646 = tpu.vector_load %arg7[%parallel_loop3A_643, %parallel_loop3A_644, %parallel_loop3A_645] {strides = array<i32>} : memref<8x4x1024xf32, #tpu.memory_space<vmem>>, vector<1x1x16xf32>,
      %parallel_loop3A_647 = vector.shape_cast %parallel_loop3A_646 : vector<1x1x16xf32> to vector<16xf32>
      %parallel_loop3A_648 = vector.shape_cast %parallel_loop3A_641 : vector<16xf32> to vector<1x1x16xf32>
      tpu.vector_store %arg7[%parallel_loop3A_643, %parallel_loop3A_644, %parallel_loop3A_645], %parallel_loop3A_648 {strides = array<i32>} : memref<8x4x1024xf32, #tpu.memory_space<vmem>>, vector<1x1x16xf32>,
      %parallel_loop3A_649 = arith.constant 1 : i32
      %parallel_loop3A_650 = arith.index_cast %parallel_loop3A_626 : i32 to index
      %parallel_loop3A_651 = arith.index_cast %parallel_loop3A_649 : i32 to index
      %parallel_loop3A_652 = arith.index_cast %parallel_loop3A_630 : i32 to index
      %parallel_loop3A_653 = tpu.vector_load %arg7[%parallel_loop3A_650, %parallel_loop3A_651, %parallel_loop3A_652] {strides = array<i32>} : memref<8x4x1024xf32, #tpu.memory_space<vmem>>, vector<1x1x16xf32>,
      %parallel_loop3A_654 = vector.shape_cast %parallel_loop3A_653 : vector<1x1x16xf32> to vector<16xf32>
      %parallel_loop3A_655 = arith.addf %parallel_loop3A_654, %parallel_loop3A_634 : vector<16xf32>
      %parallel_loop3A_656 = arith.constant 1 : i32
      %parallel_loop3A_657 = arith.index_cast %parallel_loop3A_626 : i32 to index
      %parallel_loop3A_658 = arith.index_cast %parallel_loop3A_656 : i32 to index
      %parallel_loop3A_659 = arith.index_cast %parallel_loop3A_630 : i32 to index
      %parallel_loop3A_660 = tpu.vector_load %arg7[%parallel_loop3A_657, %parallel_loop3A_658, %parallel_loop3A_659] {strides = array<i32>} : memref<8x4x1024xf32, #tpu.memory_space<vmem>>, vector<1x1x16xf32>,
      %parallel_loop3A_661 = vector.shape_cast %parallel_loop3A_660 : vector<1x1x16xf32> to vector<16xf32>
      %parallel_loop3A_662 = vector.shape_cast %parallel_loop3A_655 : vector<16xf32> to vector<1x1x16xf32>
      tpu.vector_store %arg7[%parallel_loop3A_657, %parallel_loop3A_658, %parallel_loop3A_659], %parallel_loop3A_662 {strides = array<i32>} : memref<8x4x1024xf32, #tpu.memory_space<vmem>>, vector<1x1x16xf32>,
      %parallel_loop3A_663 = arith.constant 2 : i32
      %parallel_loop3A_664 = arith.index_cast %parallel_loop3A_626 : i32 to index
      %parallel_loop3A_665 = arith.index_cast %parallel_loop3A_663 : i32 to index
      %parallel_loop3A_666 = arith.index_cast %parallel_loop3A_630 : i32 to index
      %parallel_loop3A_667 = tpu.vector_load %arg7[%parallel_loop3A_664, %parallel_loop3A_665, %parallel_loop3A_666] {strides = array<i32>} : memref<8x4x1024xf32, #tpu.memory_space<vmem>>, vector<1x1x16xf32>,
      %parallel_loop3A_668 = vector.shape_cast %parallel_loop3A_667 : vector<1x1x16xf32> to vector<16xf32>
      %parallel_loop3A_669 = arith.addf %parallel_loop3A_668, %parallel_loop3A_634 : vector<16xf32>
      %parallel_loop3A_670 = arith.constant 2 : i32
      %parallel_loop3A_671 = arith.index_cast %parallel_loop3A_626 : i32 to index
      %parallel_loop3A_672 = arith.index_cast %parallel_loop3A_670 : i32 to index
      %parallel_loop3A_673 = arith.index_cast %parallel_loop3A_630 : i32 to index
      %parallel_loop3A_674 = tpu.vector_load %arg7[%parallel_loop3A_671, %parallel_loop3A_672, %parallel_loop3A_673] {strides = array<i32>} : memref<8x4x1024xf32, #tpu.memory_space<vmem>>, vector<1x1x16xf32>,
      %parallel_loop3A_675 = vector.shape_cast %parallel_loop3A_674 : vector<1x1x16xf32> to vector<16xf32>
      %parallel_loop3A_676 = vector.shape_cast %parallel_loop3A_669 : vector<16xf32> to vector<1x1x16xf32>
      tpu.vector_store %arg7[%parallel_loop3A_671, %parallel_loop3A_672, %parallel_loop3A_673], %parallel_loop3A_676 {strides = array<i32>} : memref<8x4x1024xf32, #tpu.memory_space<vmem>>, vector<1x1x16xf32>,
      %parallel_loop3A_677 = arith.constant 3 : i32
      %parallel_loop3A_678 = arith.index_cast %parallel_loop3A_626 : i32 to index
      %parallel_loop3A_679 = arith.index_cast %parallel_loop3A_677 : i32 to index
      %parallel_loop3A_680 = arith.index_cast %parallel_loop3A_630 : i32 to index
      %parallel_loop3A_681 = tpu.vector_load %arg7[%parallel_loop3A_678, %parallel_loop3A_679, %parallel_loop3A_680] {strides = array<i32>} : memref<8x4x1024xf32, #tpu.memory_space<vmem>>, vector<1x1x16xf32>,
      %parallel_loop3A_682 = vector.shape_cast %parallel_loop3A_681 : vector<1x1x16xf32> to vector<16xf32>
      %parallel_loop3A_683 = arith.addf %parallel_loop3A_682, %parallel_loop3A_634 : vector<16xf32>
      %parallel_loop3A_684 = arith.constant 3 : i32
      %parallel_loop3A_685 = arith.index_cast %parallel_loop3A_626 : i32 to index
      %parallel_loop3A_686 = arith.index_cast %parallel_loop3A_684 : i32 to index
      %parallel_loop3A_687 = arith.index_cast %parallel_loop3A_630 : i32 to index
      %parallel_loop3A_688 = tpu.vector_load %arg7[%parallel_loop3A_685, %parallel_loop3A_686, %parallel_loop3A_687] {strides = array<i32>} : memref<8x4x1024xf32, #tpu.memory_space<vmem>>, vector<1x1x16xf32>,
      %parallel_loop3A_689 = vector.shape_cast %parallel_loop3A_688 : vector<1x1x16xf32> to vector<16xf32>
      %parallel_loop3A_690 = vector.shape_cast %parallel_loop3A_683 : vector<16xf32> to vector<1x1x16xf32>
      tpu.vector_store %arg7[%parallel_loop3A_685, %parallel_loop3A_686, %parallel_loop3A_687], %parallel_loop3A_690 {strides = array<i32>} : memref<8x4x1024xf32, #tpu.memory_space<vmem>>, vector<1x1x16xf32>,
    } {sc.loop_unroll_factor = 4 : i64, sc.parallel_access}
    %add3A_127 = arith.constant 16 : i32
    %add3A_128 = arith.addi %mul3A_2, %add3A_127 : i32
    %dma_start3A_129 = arith.constant 0 : i32
    %dma_start3A_130 = arith.constant 0 : i32
    %dma_start3A_131 = tpu.memref_slice %arg4[%add3A_128, %dma_start3A_129, %dma_start3A_130] : memref<4096x4x1024xf32, #tpu.memory_space<hbm>> -> memref<8x4x1024xf32, #tpu.memory_space<hbm>>
    %dma_start3A_132 = arith.constant 0 : i32
    %dma_start3A_133 = arith.constant 0 : i32
    %dma_start3A_134 = tpu.memref_slice %arg4[%add3A_128, %dma_start3A_132, %dma_start3A_133] : memref<4096x4x1024xf32, #tpu.memory_space<hbm>> -> memref<8x4x1024xf32, #tpu.memory_space<hbm>>
    tpu.enqueue_dma source(%arg7 : memref<8x4x1024xf32, #tpu.memory_space<vmem>>) target(%dma_start3A_134 : memref<8x4x1024xf32, #tpu.memory_space<hbm>>) target_semaphore(%arg19 : memref<!tpu.dma_semaphore, #tpu.memory_space<semaphore_mem>>)
    %dma_wait3A_135 = arith.constant 0 : i32
    %dma_wait3A_136 = arith.constant 0 : i32
    %dma_wait3A_137 = tpu.memref_slice %arg4[%add3A_128, %dma_wait3A_135, %dma_wait3A_136] : memref<4096x4x1024xf32, #tpu.memory_space<hbm>> -> memref<8x4x1024xf32, #tpu.memory_space<hbm>>
    %dma_wait3A_138 = arith.constant 0 : i32
    %dma_wait3A_139 = arith.constant 0 : i32
    %dma_wait3A_140 = tpu.memref_slice %arg4[%add3A_128, %dma_wait3A_138, %dma_wait3A_139] : memref<4096x4x1024xf32, #tpu.memory_space<hbm>> -> memref<8x4x1024xf32, #tpu.memory_space<hbm>>
    tpu.wait_dma2 semaphore(%arg19 : memref<!tpu.dma_semaphore, #tpu.memory_space<semaphore_mem>>) src(%arg7 : memref<8x4x1024xf32, #tpu.memory_space<vmem>>) dst(%dma_wait3A_140 : memref<8x4x1024xf32, #tpu.memory_space<hbm>>)
    %add3A_141 = arith.constant 40 : i32
    %add3A_142 = arith.addi %mul3A_2, %add3A_141 : i32
    %dma_start3A_143 = arith.constant 0 : i32
    %dma_start3A_144 = arith.constant 0 : i32
    %dma_start3A_145 = tpu.memref_slice %arg2[%add3A_142, %dma_start3A_143, %dma_start3A_144] : memref<4096x4x1024xf32, #tpu.memory_space<hbm>> -> memref<8x4x1024xf32, #tpu.memory_space<hbm>>
    %dma_start3A_146 = arith.constant 0 : i32
    %dma_start3A_147 = arith.constant 0 : i32
    %dma_start3A_148 = tpu.memref_slice %arg2[%add3A_142, %dma_start3A_146, %dma_start3A_147] : memref<4096x4x1024xf32, #tpu.memory_space<hbm>> -> memref<8x4x1024xf32, #tpu.memory_space<hbm>>
    tpu.enqueue_dma source(%dma_start3A_148 : memref<8x4x1024xf32, #tpu.memory_space<hbm>>) target(%arg7 : memref<8x4x1024xf32, #tpu.memory_space<vmem>>) target_semaphore(%arg13 : memref<!tpu.dma_semaphore, #tpu.memory_space<semaphore_mem>>)
    %dma_start3A_149 = arith.constant 0 : i32
    %dma_start3A_150 = tpu.memref_slice %arg3[%add3A_142, %dma_start3A_149] : memref<8192x1024xf32, #tpu.memory_space<hbm>> -> memref<8x1024xf32, #tpu.memory_space<hbm>>
    %dma_start3A_151 = arith.constant 0 : i32
    %dma_start3A_152 = tpu.memref_slice %arg3[%add3A_142, %dma_start3A_151] : memref<8192x1024xf32, #tpu.memory_space<hbm>> -> memref<8x1024xf32, #tpu.memory_space<hbm>>
    tpu.enqueue_dma source(%dma_start3A_152 : memref<8x1024xf32, #tpu.memory_space<hbm>>) target(%arg10 : memref<8x1024xf32, #tpu.memory_space<vmem>>) target_semaphore(%arg16 : memref<!tpu.dma_semaphore, #tpu.memory_space<semaphore_mem>>)
    %dma_wait3A_153 = arith.constant 0 : i32
    %dma_wait3A_154 = arith.constant 0 : i32
    %dma_wait3A_155 = tpu.memref_slice %arg2[%add3A_64, %dma_wait3A_153, %dma_wait3A_154] : memref<4096x4x1024xf32, #tpu.memory_space<hbm>> -> memref<8x4x1024xf32, #tpu.memory_space<hbm>>
    %dma_wait3A_156 = arith.constant 0 : i32
    %dma_wait3A_157 = arith.constant 0 : i32
    %dma_wait3A_158 = tpu.memref_slice %arg2[%add3A_64, %dma_wait3A_156, %dma_wait3A_157] : memref<4096x4x1024xf32, #tpu.memory_space<hbm>> -> memref<8x4x1024xf32, #tpu.memory_space<hbm>>
    tpu.wait_dma2 semaphore(%arg11 : memref<!tpu.dma_semaphore, #tpu.memory_space<semaphore_mem>>) src(%dma_wait3A_158 : memref<8x4x1024xf32, #tpu.memory_space<hbm>>) dst(%arg5 : memref<8x4x1024xf32, #tpu.memory_space<vmem>>)
    %dma_wait3A_159 = arith.constant 0 : i32
    %dma_wait3A_160 = tpu.memref_slice %arg3[%add3A_64, %dma_wait3A_159] : memref<8192x1024xf32, #tpu.memory_space<hbm>> -> memref<8x1024xf32, #tpu.memory_space<hbm>>
    %dma_wait3A_161 = arith.constant 0 : i32
    %dma_wait3A_162 = tpu.memref_slice %arg3[%add3A_64, %dma_wait3A_161] : memref<8192x1024xf32, #tpu.memory_space<hbm>> -> memref<8x1024xf32, #tpu.memory_space<hbm>>
    tpu.wait_dma2 semaphore(%arg14 : memref<!tpu.dma_semaphore, #tpu.memory_space<semaphore_mem>>) src(%dma_wait3A_162 : memref<8x1024xf32, #tpu.memory_space<hbm>>) dst(%arg8 : memref<8x1024xf32, #tpu.memory_space<vmem>>)
    %parallel_loop3A_163 = arith.constant 0 : i32
    %parallel_loop3A_164 = arith.constant 512 : i32
    %parallel_loop3A_165 = arith.constant 1 : i32
    scf.for %parallel_loop3A_624 = %parallel_loop3A_163 to %parallel_loop3A_164 step %parallel_loop3A_165  : i32 {
      %parallel_loop3A_625 = arith.constant 6 : i32
      %parallel_loop3A_626 = arith.shrsi %parallel_loop3A_624, %parallel_loop3A_625 : i32
      %parallel_loop3A_627 = arith.constant 63 : i32
      %parallel_loop3A_628 = arith.andi %parallel_loop3A_624, %parallel_loop3A_627 : i32
      %parallel_loop3A_629 = arith.constant 16 : i32
      %parallel_loop3A_630 = arith.muli %parallel_loop3A_628, %parallel_loop3A_629 : i32
      %parallel_loop3A_631 = arith.index_cast %parallel_loop3A_626 : i32 to index
      %parallel_loop3A_632 = arith.index_cast %parallel_loop3A_630 : i32 to index
      %parallel_loop3A_633 = tpu.vector_load %arg8[%parallel_loop3A_631, %parallel_loop3A_632] {strides = array<i32>} : memref<8x1024xf32, #tpu.memory_space<vmem>>, vector<1x16xf32>,
      %parallel_loop3A_634 = vector.shape_cast %parallel_loop3A_633 : vector<1x16xf32> to vector<16xf32>
      %parallel_loop3A_635 = arith.constant 0 : i32
      %parallel_loop3A_636 = arith.index_cast %parallel_loop3A_626 : i32 to index
      %parallel_loop3A_637 = arith.index_cast %parallel_loop3A_635 : i32 to index
      %parallel_loop3A_638 = arith.index_cast %parallel_loop3A_630 : i32 to index
      %parallel_loop3A_639 = tpu.vector_load %arg5[%parallel_loop3A_636, %parallel_loop3A_637, %parallel_loop3A_638] {strides = array<i32>} : memref<8x4x1024xf32, #tpu.memory_space<vmem>>, vector<1x1x16xf32>,
      %parallel_loop3A_640 = vector.shape_cast %parallel_loop3A_639 : vector<1x1x16xf32> to vector<16xf32>
      %parallel_loop3A_641 = arith.addf %parallel_loop3A_640, %parallel_loop3A_634 : vector<16xf32>
      %parallel_loop3A_642 = arith.constant 0 : i32
      %parallel_loop3A_643 = arith.index_cast %parallel_loop3A_626 : i32 to index
      %parallel_loop3A_644 = arith.index_cast %parallel_loop3A_642 : i32 to index
      %parallel_loop3A_645 = arith.index_cast %parallel_loop3A_630 : i32 to index
      %parallel_loop3A_646 = tpu.vector_load %arg5[%parallel_loop3A_643, %parallel_loop3A_644, %parallel_loop3A_645] {strides = array<i32>} : memref<8x4x1024xf32, #tpu.memory_space<vmem>>, vector<1x1x16xf32>,
      %parallel_loop3A_647 = vector.shape_cast %parallel_loop3A_646 : vector<1x1x16xf32> to vector<16xf32>
      %parallel_loop3A_648 = vector.shape_cast %parallel_loop3A_641 : vector<16xf32> to vector<1x1x16xf32>
      tpu.vector_store %arg5[%parallel_loop3A_643, %parallel_loop3A_644, %parallel_loop3A_645], %parallel_loop3A_648 {strides = array<i32>} : memref<8x4x1024xf32, #tpu.memory_space<vmem>>, vector<1x1x16xf32>,
      %parallel_loop3A_649 = arith.constant 1 : i32
      %parallel_loop3A_650 = arith.index_cast %parallel_loop3A_626 : i32 to index
      %parallel_loop3A_651 = arith.index_cast %parallel_loop3A_649 : i32 to index
      %parallel_loop3A_652 = arith.index_cast %parallel_loop3A_630 : i32 to index
      %parallel_loop3A_653 = tpu.vector_load %arg5[%parallel_loop3A_650, %parallel_loop3A_651, %parallel_loop3A_652] {strides = array<i32>} : memref<8x4x1024xf32, #tpu.memory_space<vmem>>, vector<1x1x16xf32>,
      %parallel_loop3A_654 = vector.shape_cast %parallel_loop3A_653 : vector<1x1x16xf32> to vector<16xf32>
      %parallel_loop3A_655 = arith.addf %parallel_loop3A_654, %parallel_loop3A_634 : vector<16xf32>
      %parallel_loop3A_656 = arith.constant 1 : i32
      %parallel_loop3A_657 = arith.index_cast %parallel_loop3A_626 : i32 to index
      %parallel_loop3A_658 = arith.index_cast %parallel_loop3A_656 : i32 to index
      %parallel_loop3A_659 = arith.index_cast %parallel_loop3A_630 : i32 to index
      %parallel_loop3A_660 = tpu.vector_load %arg5[%parallel_loop3A_657, %parallel_loop3A_658, %parallel_loop3A_659] {strides = array<i32>} : memref<8x4x1024xf32, #tpu.memory_space<vmem>>, vector<1x1x16xf32>,
      %parallel_loop3A_661 = vector.shape_cast %parallel_loop3A_660 : vector<1x1x16xf32> to vector<16xf32>
      %parallel_loop3A_662 = vector.shape_cast %parallel_loop3A_655 : vector<16xf32> to vector<1x1x16xf32>
      tpu.vector_store %arg5[%parallel_loop3A_657, %parallel_loop3A_658, %parallel_loop3A_659], %parallel_loop3A_662 {strides = array<i32>} : memref<8x4x1024xf32, #tpu.memory_space<vmem>>, vector<1x1x16xf32>,
      %parallel_loop3A_663 = arith.constant 2 : i32
      %parallel_loop3A_664 = arith.index_cast %parallel_loop3A_626 : i32 to index
      %parallel_loop3A_665 = arith.index_cast %parallel_loop3A_663 : i32 to index
      %parallel_loop3A_666 = arith.index_cast %parallel_loop3A_630 : i32 to index
      %parallel_loop3A_667 = tpu.vector_load %arg5[%parallel_loop3A_664, %parallel_loop3A_665, %parallel_loop3A_666] {strides = array<i32>} : memref<8x4x1024xf32, #tpu.memory_space<vmem>>, vector<1x1x16xf32>,
      %parallel_loop3A_668 = vector.shape_cast %parallel_loop3A_667 : vector<1x1x16xf32> to vector<16xf32>
      %parallel_loop3A_669 = arith.addf %parallel_loop3A_668, %parallel_loop3A_634 : vector<16xf32>
      %parallel_loop3A_670 = arith.constant 2 : i32
      %parallel_loop3A_671 = arith.index_cast %parallel_loop3A_626 : i32 to index
      %parallel_loop3A_672 = arith.index_cast %parallel_loop3A_670 : i32 to index
      %parallel_loop3A_673 = arith.index_cast %parallel_loop3A_630 : i32 to index
      %parallel_loop3A_674 = tpu.vector_load %arg5[%parallel_loop3A_671, %parallel_loop3A_672, %parallel_loop3A_673] {strides = array<i32>} : memref<8x4x1024xf32, #tpu.memory_space<vmem>>, vector<1x1x16xf32>,
      %parallel_loop3A_675 = vector.shape_cast %parallel_loop3A_674 : vector<1x1x16xf32> to vector<16xf32>
      %parallel_loop3A_676 = vector.shape_cast %parallel_loop3A_669 : vector<16xf32> to vector<1x1x16xf32>
      tpu.vector_store %arg5[%parallel_loop3A_671, %parallel_loop3A_672, %parallel_loop3A_673], %parallel_loop3A_676 {strides = array<i32>} : memref<8x4x1024xf32, #tpu.memory_space<vmem>>, vector<1x1x16xf32>,
      %parallel_loop3A_677 = arith.constant 3 : i32
      %parallel_loop3A_678 = arith.index_cast %parallel_loop3A_626 : i32 to index
      %parallel_loop3A_679 = arith.index_cast %parallel_loop3A_677 : i32 to index
      %parallel_loop3A_680 = arith.index_cast %parallel_loop3A_630 : i32 to index
      %parallel_loop3A_681 = tpu.vector_load %arg5[%parallel_loop3A_678, %parallel_loop3A_679, %parallel_loop3A_680] {strides = array<i32>} : memref<8x4x1024xf32, #tpu.memory_space<vmem>>, vector<1x1x16xf32>,
      %parallel_loop3A_682 = vector.shape_cast %parallel_loop3A_681 : vector<1x1x16xf32> to vector<16xf32>
      %parallel_loop3A_683 = arith.addf %parallel_loop3A_682, %parallel_loop3A_634 : vector<16xf32>
      %parallel_loop3A_684 = arith.constant 3 : i32
      %parallel_loop3A_685 = arith.index_cast %parallel_loop3A_626 : i32 to index
      %parallel_loop3A_686 = arith.index_cast %parallel_loop3A_684 : i32 to index
      %parallel_loop3A_687 = arith.index_cast %parallel_loop3A_630 : i32 to index
      %parallel_loop3A_688 = tpu.vector_load %arg5[%parallel_loop3A_685, %parallel_loop3A_686, %parallel_loop3A_687] {strides = array<i32>} : memref<8x4x1024xf32, #tpu.memory_space<vmem>>, vector<1x1x16xf32>,
      %parallel_loop3A_689 = vector.shape_cast %parallel_loop3A_688 : vector<1x1x16xf32> to vector<16xf32>
      %parallel_loop3A_690 = vector.shape_cast %parallel_loop3A_683 : vector<16xf32> to vector<1x1x16xf32>
      tpu.vector_store %arg5[%parallel_loop3A_685, %parallel_loop3A_686, %parallel_loop3A_687], %parallel_loop3A_690 {strides = array<i32>} : memref<8x4x1024xf32, #tpu.memory_space<vmem>>, vector<1x1x16xf32>,
    } {sc.loop_unroll_factor = 4 : i64, sc.parallel_access}
    %add3A_166 = arith.constant 24 : i32
    %add3A_167 = arith.addi %mul3A_2, %add3A_166 : i32
    %dma_start3A_168 = arith.constant 0 : i32
    %dma_start3A_169 = arith.constant 0 : i32
    %dma_start3A_170 = tpu.memref_slice %arg4[%add3A_167, %dma_start3A_168, %dma_start3A_169] : memref<4096x4x1024xf32, #tpu.memory_space<hbm>> -> memref<8x4x1024xf32, #tpu.memory_space<hbm>>
    %dma_start3A_171 = arith.constant 0 : i32
    %dma_start3A_172 = arith.constant 0 : i32
    %dma_start3A_173 = tpu.memref_slice %arg4[%add3A_167, %dma_start3A_171, %dma_start3A_172] : memref<4096x4x1024xf32, #tpu.memory_space<hbm>> -> memref<8x4x1024xf32, #tpu.memory_space<hbm>>
    tpu.enqueue_dma source(%arg5 : memref<8x4x1024xf32, #tpu.memory_space<vmem>>) target(%dma_start3A_173 : memref<8x4x1024xf32, #tpu.memory_space<hbm>>) target_semaphore(%arg17 : memref<!tpu.dma_semaphore, #tpu.memory_space<semaphore_mem>>)
    %dma_wait3A_174 = arith.constant 0 : i32
    %dma_wait3A_175 = arith.constant 0 : i32
    %dma_wait3A_176 = tpu.memref_slice %arg4[%add3A_167, %dma_wait3A_174, %dma_wait3A_175] : memref<4096x4x1024xf32, #tpu.memory_space<hbm>> -> memref<8x4x1024xf32, #tpu.memory_space<hbm>>
    %dma_wait3A_177 = arith.constant 0 : i32
    %dma_wait3A_178 = arith.constant 0 : i32
    %dma_wait3A_179 = tpu.memref_slice %arg4[%add3A_167, %dma_wait3A_177, %dma_wait3A_178] : memref<4096x4x1024xf32, #tpu.memory_space<hbm>> -> memref<8x4x1024xf32, #tpu.memory_space<hbm>>
    tpu.wait_dma2 semaphore(%arg17 : memref<!tpu.dma_semaphore, #tpu.memory_space<semaphore_mem>>) src(%arg5 : memref<8x4x1024xf32, #tpu.memory_space<vmem>>) dst(%dma_wait3A_179 : memref<8x4x1024xf32, #tpu.memory_space<hbm>>)
    %add3A_180 = arith.constant 48 : i32
    %add3A_181 = arith.addi %mul3A_2, %add3A_180 : i32
    %dma_start3A_182 = arith.constant 0 : i32
    %dma_start3A_183 = arith.constant 0 : i32
    %dma_start3A_184 = tpu.memref_slice %arg2[%add3A_181, %dma_start3A_182, %dma_start3A_183] : memref<4096x4x1024xf32, #tpu.memory_space<hbm>> -> memref<8x4x1024xf32, #tpu.memory_space<hbm>>
    %dma_start3A_185 = arith.constant 0 : i32
    %dma_start3A_186 = arith.constant 0 : i32
    %dma_start3A_187 = tpu.memref_slice %arg2[%add3A_181, %dma_start3A_185, %dma_start3A_186] : memref<4096x4x1024xf32, #tpu.memory_space<hbm>> -> memref<8x4x1024xf32, #tpu.memory_space<hbm>>
    tpu.enqueue_dma source(%dma_start3A_187 : memref<8x4x1024xf32, #tpu.memory_space<hbm>>) target(%arg5 : memref<8x4x1024xf32, #tpu.memory_space<vmem>>) target_semaphore(%arg11 : memref<!tpu.dma_semaphore, #tpu.memory_space<semaphore_mem>>)
    %dma_start3A_188 = arith.constant 0 : i32
    %dma_start3A_189 = tpu.memref_slice %arg3[%add3A_181, %dma_start3A_188] : memref<8192x1024xf32, #tpu.memory_space<hbm>> -> memref<8x1024xf32, #tpu.memory_space<hbm>>
    %dma_start3A_190 = arith.constant 0 : i32
    %dma_start3A_191 = tpu.memref_slice %arg3[%add3A_181, %dma_start3A_190] : memref<8192x1024xf32, #tpu.memory_space<hbm>> -> memref<8x1024xf32, #tpu.memory_space<hbm>>
    tpu.enqueue_dma source(%dma_start3A_191 : memref<8x1024xf32, #tpu.memory_space<hbm>>) target(%arg8 : memref<8x1024xf32, #tpu.memory_space<vmem>>) target_semaphore(%arg14 : memref<!tpu.dma_semaphore, #tpu.memory_space<semaphore_mem>>)
    %dma_wait3A_192 = arith.constant 0 : i32
    %dma_wait3A_193 = arith.constant 0 : i32
    %dma_wait3A_194 = tpu.memref_slice %arg2[%add3A_103, %dma_wait3A_192, %dma_wait3A_193] : memref<4096x4x1024xf32, #tpu.memory_space<hbm>> -> memref<8x4x1024xf32, #tpu.memory_space<hbm>>
    %dma_wait3A_195 = arith.constant 0 : i32
    %dma_wait3A_196 = arith.constant 0 : i32
    %dma_wait3A_197 = tpu.memref_slice %arg2[%add3A_103, %dma_wait3A_195, %dma_wait3A_196] : memref<4096x4x1024xf32, #tpu.memory_space<hbm>> -> memref<8x4x1024xf32, #tpu.memory_space<hbm>>
    tpu.wait_dma2 semaphore(%arg12 : memref<!tpu.dma_semaphore, #tpu.memory_space<semaphore_mem>>) src(%dma_wait3A_197 : memref<8x4x1024xf32, #tpu.memory_space<hbm>>) dst(%arg6 : memref<8x4x1024xf32, #tpu.memory_space<vmem>>)
    %dma_wait3A_198 = arith.constant 0 : i32
    %dma_wait3A_199 = tpu.memref_slice %arg3[%add3A_103, %dma_wait3A_198] : memref<8192x1024xf32, #tpu.memory_space<hbm>> -> memref<8x1024xf32, #tpu.memory_space<hbm>>
    %dma_wait3A_200 = arith.constant 0 : i32
    %dma_wait3A_201 = tpu.memref_slice %arg3[%add3A_103, %dma_wait3A_200] : memref<8192x1024xf32, #tpu.memory_space<hbm>> -> memref<8x1024xf32, #tpu.memory_space<hbm>>
    tpu.wait_dma2 semaphore(%arg15 : memref<!tpu.dma_semaphore, #tpu.memory_space<semaphore_mem>>) src(%dma_wait3A_201 : memref<8x1024xf32, #tpu.memory_space<hbm>>) dst(%arg9 : memref<8x1024xf32, #tpu.memory_space<vmem>>)
    %parallel_loop3A_202 = arith.constant 0 : i32
    %parallel_loop3A_203 = arith.constant 512 : i32
    %parallel_loop3A_204 = arith.constant 1 : i32
    scf.for %parallel_loop3A_624 = %parallel_loop3A_202 to %parallel_loop3A_203 step %parallel_loop3A_204  : i32 {
      %parallel_loop3A_625 = arith.constant 6 : i32
      %parallel_loop3A_626 = arith.shrsi %parallel_loop3A_624, %parallel_loop3A_625 : i32
      %parallel_loop3A_627 = arith.constant 63 : i32
      %parallel_loop3A_628 = arith.andi %parallel_loop3A_624, %parallel_loop3A_627 : i32
      %parallel_loop3A_629 = arith.constant 16 : i32
      %parallel_loop3A_630 = arith.muli %parallel_loop3A_628, %parallel_loop3A_629 : i32
      %parallel_loop3A_631 = arith.index_cast %parallel_loop3A_626 : i32 to index
      %parallel_loop3A_632 = arith.index_cast %parallel_loop3A_630 : i32 to index
      %parallel_loop3A_633 = tpu.vector_load %arg9[%parallel_loop3A_631, %parallel_loop3A_632] {strides = array<i32>} : memref<8x1024xf32, #tpu.memory_space<vmem>>, vector<1x16xf32>,
      %parallel_loop3A_634 = vector.shape_cast %parallel_loop3A_633 : vector<1x16xf32> to vector<16xf32>
      %parallel_loop3A_635 = arith.constant 0 : i32
      %parallel_loop3A_636 = arith.index_cast %parallel_loop3A_626 : i32 to index
      %parallel_loop3A_637 = arith.index_cast %parallel_loop3A_635 : i32 to index
      %parallel_loop3A_638 = arith.index_cast %parallel_loop3A_630 : i32 to index
      %parallel_loop3A_639 = tpu.vector_load %arg6[%parallel_loop3A_636, %parallel_loop3A_637, %parallel_loop3A_638] {strides = array<i32>} : memref<8x4x1024xf32, #tpu.memory_space<vmem>>, vector<1x1x16xf32>,
      %parallel_loop3A_640 = vector.shape_cast %parallel_loop3A_639 : vector<1x1x16xf32> to vector<16xf32>
      %parallel_loop3A_641 = arith.addf %parallel_loop3A_640, %parallel_loop3A_634 : vector<16xf32>
      %parallel_loop3A_642 = arith.constant 0 : i32
      %parallel_loop3A_643 = arith.index_cast %parallel_loop3A_626 : i32 to index
      %parallel_loop3A_644 = arith.index_cast %parallel_loop3A_642 : i32 to index
      %parallel_loop3A_645 = arith.index_cast %parallel_loop3A_630 : i32 to index
      %parallel_loop3A_646 = tpu.vector_load %arg6[%parallel_loop3A_643, %parallel_loop3A_644, %parallel_loop3A_645] {strides = array<i32>} : memref<8x4x1024xf32, #tpu.memory_space<vmem>>, vector<1x1x16xf32>,
      %parallel_loop3A_647 = vector.shape_cast %parallel_loop3A_646 : vector<1x1x16xf32> to vector<16xf32>
      %parallel_loop3A_648 = vector.shape_cast %parallel_loop3A_641 : vector<16xf32> to vector<1x1x16xf32>
      tpu.vector_store %arg6[%parallel_loop3A_643, %parallel_loop3A_644, %parallel_loop3A_645], %parallel_loop3A_648 {strides = array<i32>} : memref<8x4x1024xf32, #tpu.memory_space<vmem>>, vector<1x1x16xf32>,
      %parallel_loop3A_649 = arith.constant 1 : i32
      %parallel_loop3A_650 = arith.index_cast %parallel_loop3A_626 : i32 to index
      %parallel_loop3A_651 = arith.index_cast %parallel_loop3A_649 : i32 to index
      %parallel_loop3A_652 = arith.index_cast %parallel_loop3A_630 : i32 to index
      %parallel_loop3A_653 = tpu.vector_load %arg6[%parallel_loop3A_650, %parallel_loop3A_651, %parallel_loop3A_652] {strides = array<i32>} : memref<8x4x1024xf32, #tpu.memory_space<vmem>>, vector<1x1x16xf32>,
      %parallel_loop3A_654 = vector.shape_cast %parallel_loop3A_653 : vector<1x1x16xf32> to vector<16xf32>
      %parallel_loop3A_655 = arith.addf %parallel_loop3A_654, %parallel_loop3A_634 : vector<16xf32>
      %parallel_loop3A_656 = arith.constant 1 : i32
      %parallel_loop3A_657 = arith.index_cast %parallel_loop3A_626 : i32 to index
      %parallel_loop3A_658 = arith.index_cast %parallel_loop3A_656 : i32 to index
      %parallel_loop3A_659 = arith.index_cast %parallel_loop3A_630 : i32 to index
      %parallel_loop3A_660 = tpu.vector_load %arg6[%parallel_loop3A_657, %parallel_loop3A_658, %parallel_loop3A_659] {strides = array<i32>} : memref<8x4x1024xf32, #tpu.memory_space<vmem>>, vector<1x1x16xf32>,
      %parallel_loop3A_661 = vector.shape_cast %parallel_loop3A_660 : vector<1x1x16xf32> to vector<16xf32>
      %parallel_loop3A_662 = vector.shape_cast %parallel_loop3A_655 : vector<16xf32> to vector<1x1x16xf32>
      tpu.vector_store %arg6[%parallel_loop3A_657, %parallel_loop3A_658, %parallel_loop3A_659], %parallel_loop3A_662 {strides = array<i32>} : memref<8x4x1024xf32, #tpu.memory_space<vmem>>, vector<1x1x16xf32>,
      %parallel_loop3A_663 = arith.constant 2 : i32
      %parallel_loop3A_664 = arith.index_cast %parallel_loop3A_626 : i32 to index
      %parallel_loop3A_665 = arith.index_cast %parallel_loop3A_663 : i32 to index
      %parallel_loop3A_666 = arith.index_cast %parallel_loop3A_630 : i32 to index
      %parallel_loop3A_667 = tpu.vector_load %arg6[%parallel_loop3A_664, %parallel_loop3A_665, %parallel_loop3A_666] {strides = array<i32>} : memref<8x4x1024xf32, #tpu.memory_space<vmem>>, vector<1x1x16xf32>,
      %parallel_loop3A_668 = vector.shape_cast %parallel_loop3A_667 : vector<1x1x16xf32> to vector<16xf32>
      %parallel_loop3A_669 = arith.addf %parallel_loop3A_668, %parallel_loop3A_634 : vector<16xf32>
      %parallel_loop3A_670 = arith.constant 2 : i32
      %parallel_loop3A_671 = arith.index_cast %parallel_loop3A_626 : i32 to index
      %parallel_loop3A_672 = arith.index_cast %parallel_loop3A_670 : i32 to index
      %parallel_loop3A_673 = arith.index_cast %parallel_loop3A_630 : i32 to index
      %parallel_loop3A_674 = tpu.vector_load %arg6[%parallel_loop3A_671, %parallel_loop3A_672, %parallel_loop3A_673] {strides = array<i32>} : memref<8x4x1024xf32, #tpu.memory_space<vmem>>, vector<1x1x16xf32>,
      %parallel_loop3A_675 = vector.shape_cast %parallel_loop3A_674 : vector<1x1x16xf32> to vector<16xf32>
      %parallel_loop3A_676 = vector.shape_cast %parallel_loop3A_669 : vector<16xf32> to vector<1x1x16xf32>
      tpu.vector_store %arg6[%parallel_loop3A_671, %parallel_loop3A_672, %parallel_loop3A_673], %parallel_loop3A_676 {strides = array<i32>} : memref<8x4x1024xf32, #tpu.memory_space<vmem>>, vector<1x1x16xf32>,
      %parallel_loop3A_677 = arith.constant 3 : i32
      %parallel_loop3A_678 = arith.index_cast %parallel_loop3A_626 : i32 to index
      %parallel_loop3A_679 = arith.index_cast %parallel_loop3A_677 : i32 to index
      %parallel_loop3A_680 = arith.index_cast %parallel_loop3A_630 : i32 to index
      %parallel_loop3A_681 = tpu.vector_load %arg6[%parallel_loop3A_678, %parallel_loop3A_679, %parallel_loop3A_680] {strides = array<i32>} : memref<8x4x1024xf32, #tpu.memory_space<vmem>>, vector<1x1x16xf32>,
      %parallel_loop3A_682 = vector.shape_cast %parallel_loop3A_681 : vector<1x1x16xf32> to vector<16xf32>
      %parallel_loop3A_683 = arith.addf %parallel_loop3A_682, %parallel_loop3A_634 : vector<16xf32>
      %parallel_loop3A_684 = arith.constant 3 : i32
      %parallel_loop3A_685 = arith.index_cast %parallel_loop3A_626 : i32 to index
      %parallel_loop3A_686 = arith.index_cast %parallel_loop3A_684 : i32 to index
      %parallel_loop3A_687 = arith.index_cast %parallel_loop3A_630 : i32 to index
      %parallel_loop3A_688 = tpu.vector_load %arg6[%parallel_loop3A_685, %parallel_loop3A_686, %parallel_loop3A_687] {strides = array<i32>} : memref<8x4x1024xf32, #tpu.memory_space<vmem>>, vector<1x1x16xf32>,
      %parallel_loop3A_689 = vector.shape_cast %parallel_loop3A_688 : vector<1x1x16xf32> to vector<16xf32>
      %parallel_loop3A_690 = vector.shape_cast %parallel_loop3A_683 : vector<16xf32> to vector<1x1x16xf32>
      tpu.vector_store %arg6[%parallel_loop3A_685, %parallel_loop3A_686, %parallel_loop3A_687], %parallel_loop3A_690 {strides = array<i32>} : memref<8x4x1024xf32, #tpu.memory_space<vmem>>, vector<1x1x16xf32>,
    } {sc.loop_unroll_factor = 4 : i64, sc.parallel_access}
    %add3A_205 = arith.constant 32 : i32
    %add3A_206 = arith.addi %mul3A_2, %add3A_205 : i32
    %dma_start3A_207 = arith.constant 0 : i32
    %dma_start3A_208 = arith.constant 0 : i32
    %dma_start3A_209 = tpu.memref_slice %arg4[%add3A_206, %dma_start3A_207, %dma_start3A_208] : memref<4096x4x1024xf32, #tpu.memory_space<hbm>> -> memref<8x4x1024xf32, #tpu.memory_space<hbm>>
    %dma_start3A_210 = arith.constant 0 : i32
    %dma_start3A_211 = arith.constant 0 : i32
    %dma_start3A_212 = tpu.memref_slice %arg4[%add3A_206, %dma_start3A_210, %dma_start3A_211] : memref<4096x4x1024xf32, #tpu.memory_space<hbm>> -> memref<8x4x1024xf32, #tpu.memory_space<hbm>>
    tpu.enqueue_dma source(%arg6 : memref<8x4x1024xf32, #tpu.memory_space<vmem>>) target(%dma_start3A_212 : memref<8x4x1024xf32, #tpu.memory_space<hbm>>) target_semaphore(%arg18 : memref<!tpu.dma_semaphore, #tpu.memory_space<semaphore_mem>>)
    %dma_wait3A_213 = arith.constant 0 : i32
    %dma_wait3A_214 = arith.constant 0 : i32
    %dma_wait3A_215 = tpu.memref_slice %arg4[%add3A_206, %dma_wait3A_213, %dma_wait3A_214] : memref<4096x4x1024xf32, #tpu.memory_space<hbm>> -> memref<8x4x1024xf32, #tpu.memory_space<hbm>>
    %dma_wait3A_216 = arith.constant 0 : i32
    %dma_wait3A_217 = arith.constant 0 : i32
    %dma_wait3A_218 = tpu.memref_slice %arg4[%add3A_206, %dma_wait3A_216, %dma_wait3A_217] : memref<4096x4x1024xf32, #tpu.memory_space<hbm>> -> memref<8x4x1024xf32, #tpu.memory_space<hbm>>
    tpu.wait_dma2 semaphore(%arg18 : memref<!tpu.dma_semaphore, #tpu.memory_space<semaphore_mem>>) src(%arg6 : memref<8x4x1024xf32, #tpu.memory_space<vmem>>) dst(%dma_wait3A_218 : memref<8x4x1024xf32, #tpu.memory_space<hbm>>)
    %add3A_219 = arith.constant 56 : i32
    %add3A_220 = arith.addi %mul3A_2, %add3A_219 : i32
    %dma_start3A_221 = arith.constant 0 : i32
    %dma_start3A_222 = arith.constant 0 : i32
    %dma_start3A_223 = tpu.memref_slice %arg2[%add3A_220, %dma_start3A_221, %dma_start3A_222] : memref<4096x4x1024xf32, #tpu.memory_space<hbm>> -> memref<8x4x1024xf32, #tpu.memory_space<hbm>>
    %dma_start3A_224 = arith.constant 0 : i32
    %dma_start3A_225 = arith.constant 0 : i32
    %dma_start3A_226 = tpu.memref_slice %arg2[%add3A_220, %dma_start3A_224, %dma_start3A_225] : memref<4096x4x1024xf32, #tpu.memory_space<hbm>> -> memref<8x4x1024xf32, #tpu.memory_space<hbm>>
    tpu.enqueue_dma source(%dma_start3A_226 : memref<8x4x1024xf32, #tpu.memory_space<hbm>>) target(%arg6 : memref<8x4x1024xf32, #tpu.memory_space<vmem>>) target_semaphore(%arg12 : memref<!tpu.dma_semaphore, #tpu.memory_space<semaphore_mem>>)
    %dma_start3A_227 = arith.constant 0 : i32
    %dma_start3A_228 = tpu.memref_slice %arg3[%add3A_220, %dma_start3A_227] : memref<8192x1024xf32, #tpu.memory_space<hbm>> -> memref<8x1024xf32, #tpu.memory_space<hbm>>
    %dma_start3A_229 = arith.constant 0 : i32
    %dma_start3A_230 = tpu.memref_slice %arg3[%add3A_220, %dma_start3A_229] : memref<8192x1024xf32, #tpu.memory_space<hbm>> -> memref<8x1024xf32, #tpu.memory_space<hbm>>
    tpu.enqueue_dma source(%dma_start3A_230 : memref<8x1024xf32, #tpu.memory_space<hbm>>) target(%arg9 : memref<8x1024xf32, #tpu.memory_space<vmem>>) target_semaphore(%arg15 : memref<!tpu.dma_semaphore, #tpu.memory_space<semaphore_mem>>)
    %dma_wait3A_231 = arith.constant 0 : i32
    %dma_wait3A_232 = arith.constant 0 : i32
    %dma_wait3A_233 = tpu.memref_slice %arg2[%add3A_142, %dma_wait3A_231, %dma_wait3A_232] : memref<4096x4x1024xf32, #tpu.memory_space<hbm>> -> memref<8x4x1024xf32, #tpu.memory_space<hbm>>
    %dma_wait3A_234 = arith.constant 0 : i32
    %dma_wait3A_235 = arith.constant 0 : i32
    %dma_wait3A_236 = tpu.memref_slice %arg2[%add3A_142, %dma_wait3A_234, %dma_wait3A_235] : memref<4096x4x1024xf32, #tpu.memory_space<hbm>> -> memref<8x4x1024xf32, #tpu.memory_space<hbm>>
    tpu.wait_dma2 semaphore(%arg13 : memref<!tpu.dma_semaphore, #tpu.memory_space<semaphore_mem>>) src(%dma_wait3A_236 : memref<8x4x1024xf32, #tpu.memory_space<hbm>>) dst(%arg7 : memref<8x4x1024xf32, #tpu.memory_space<vmem>>)
    %dma_wait3A_237 = arith.constant 0 : i32
    %dma_wait3A_238 = tpu.memref_slice %arg3[%add3A_142, %dma_wait3A_237] : memref<8192x1024xf32, #tpu.memory_space<hbm>> -> memref<8x1024xf32, #tpu.memory_space<hbm>>
    %dma_wait3A_239 = arith.constant 0 : i32
    %dma_wait3A_240 = tpu.memref_slice %arg3[%add3A_142, %dma_wait3A_239] : memref<8192x1024xf32, #tpu.memory_space<hbm>> -> memref<8x1024xf32, #tpu.memory_space<hbm>>
    tpu.wait_dma2 semaphore(%arg16 : memref<!tpu.dma_semaphore, #tpu.memory_space<semaphore_mem>>) src(%dma_wait3A_240 : memref<8x1024xf32, #tpu.memory_space<hbm>>) dst(%arg10 : memref<8x1024xf32, #tpu.memory_space<vmem>>)
    %parallel_loop3A_241 = arith.constant 0 : i32
    %parallel_loop3A_242 = arith.constant 512 : i32
    %parallel_loop3A_243 = arith.constant 1 : i32
    scf.for %parallel_loop3A_624 = %parallel_loop3A_241 to %parallel_loop3A_242 step %parallel_loop3A_243  : i32 {
      %parallel_loop3A_625 = arith.constant 6 : i32
      %parallel_loop3A_626 = arith.shrsi %parallel_loop3A_624, %parallel_loop3A_625 : i32
      %parallel_loop3A_627 = arith.constant 63 : i32
      %parallel_loop3A_628 = arith.andi %parallel_loop3A_624, %parallel_loop3A_627 : i32
      %parallel_loop3A_629 = arith.constant 16 : i32
      %parallel_loop3A_630 = arith.muli %parallel_loop3A_628, %parallel_loop3A_629 : i32
      %parallel_loop3A_631 = arith.index_cast %parallel_loop3A_626 : i32 to index
      %parallel_loop3A_632 = arith.index_cast %parallel_loop3A_630 : i32 to index
      %parallel_loop3A_633 = tpu.vector_load %arg10[%parallel_loop3A_631, %parallel_loop3A_632] {strides = array<i32>} : memref<8x1024xf32, #tpu.memory_space<vmem>>, vector<1x16xf32>,
      %parallel_loop3A_634 = vector.shape_cast %parallel_loop3A_633 : vector<1x16xf32> to vector<16xf32>
      %parallel_loop3A_635 = arith.constant 0 : i32
      %parallel_loop3A_636 = arith.index_cast %parallel_loop3A_626 : i32 to index
      %parallel_loop3A_637 = arith.index_cast %parallel_loop3A_635 : i32 to index
      %parallel_loop3A_638 = arith.index_cast %parallel_loop3A_630 : i32 to index
      %parallel_loop3A_639 = tpu.vector_load %arg7[%parallel_loop3A_636, %parallel_loop3A_637, %parallel_loop3A_638] {strides = array<i32>} : memref<8x4x1024xf32, #tpu.memory_space<vmem>>, vector<1x1x16xf32>,
      %parallel_loop3A_640 = vector.shape_cast %parallel_loop3A_639 : vector<1x1x16xf32> to vector<16xf32>
      %parallel_loop3A_641 = arith.addf %parallel_loop3A_640, %parallel_loop3A_634 : vector<16xf32>
      %parallel_loop3A_642 = arith.constant 0 : i32
      %parallel_loop3A_643 = arith.index_cast %parallel_loop3A_626 : i32 to index
      %parallel_loop3A_644 = arith.index_cast %parallel_loop3A_642 : i32 to index
      %parallel_loop3A_645 = arith.index_cast %parallel_loop3A_630 : i32 to index
      %parallel_loop3A_646 = tpu.vector_load %arg7[%parallel_loop3A_643, %parallel_loop3A_644, %parallel_loop3A_645] {strides = array<i32>} : memref<8x4x1024xf32, #tpu.memory_space<vmem>>, vector<1x1x16xf32>,
      %parallel_loop3A_647 = vector.shape_cast %parallel_loop3A_646 : vector<1x1x16xf32> to vector<16xf32>
      %parallel_loop3A_648 = vector.shape_cast %parallel_loop3A_641 : vector<16xf32> to vector<1x1x16xf32>
      tpu.vector_store %arg7[%parallel_loop3A_643, %parallel_loop3A_644, %parallel_loop3A_645], %parallel_loop3A_648 {strides = array<i32>} : memref<8x4x1024xf32, #tpu.memory_space<vmem>>, vector<1x1x16xf32>,
      %parallel_loop3A_649 = arith.constant 1 : i32
      %parallel_loop3A_650 = arith.index_cast %parallel_loop3A_626 : i32 to index
      %parallel_loop3A_651 = arith.index_cast %parallel_loop3A_649 : i32 to index
      %parallel_loop3A_652 = arith.index_cast %parallel_loop3A_630 : i32 to index
      %parallel_loop3A_653 = tpu.vector_load %arg7[%parallel_loop3A_650, %parallel_loop3A_651, %parallel_loop3A_652] {strides = array<i32>} : memref<8x4x1024xf32, #tpu.memory_space<vmem>>, vector<1x1x16xf32>,
      %parallel_loop3A_654 = vector.shape_cast %parallel_loop3A_653 : vector<1x1x16xf32> to vector<16xf32>
      %parallel_loop3A_655 = arith.addf %parallel_loop3A_654, %parallel_loop3A_634 : vector<16xf32>
      %parallel_loop3A_656 = arith.constant 1 : i32
      %parallel_loop3A_657 = arith.index_cast %parallel_loop3A_626 : i32 to index
      %parallel_loop3A_658 = arith.index_cast %parallel_loop3A_656 : i32 to index
      %parallel_loop3A_659 = arith.index_cast %parallel_loop3A_630 : i32 to index
      %parallel_loop3A_660 = tpu.vector_load %arg7[%parallel_loop3A_657, %parallel_loop3A_658, %parallel_loop3A_659] {strides = array<i32>} : memref<8x4x1024xf32, #tpu.memory_space<vmem>>, vector<1x1x16xf32>,
      %parallel_loop3A_661 = vector.shape_cast %parallel_loop3A_660 : vector<1x1x16xf32> to vector<16xf32>
      %parallel_loop3A_662 = vector.shape_cast %parallel_loop3A_655 : vector<16xf32> to vector<1x1x16xf32>
      tpu.vector_store %arg7[%parallel_loop3A_657, %parallel_loop3A_658, %parallel_loop3A_659], %parallel_loop3A_662 {strides = array<i32>} : memref<8x4x1024xf32, #tpu.memory_space<vmem>>, vector<1x1x16xf32>,
      %parallel_loop3A_663 = arith.constant 2 : i32
      %parallel_loop3A_664 = arith.index_cast %parallel_loop3A_626 : i32 to index
      %parallel_loop3A_665 = arith.index_cast %parallel_loop3A_663 : i32 to index
      %parallel_loop3A_666 = arith.index_cast %parallel_loop3A_630 : i32 to index
      %parallel_loop3A_667 = tpu.vector_load %arg7[%parallel_loop3A_664, %parallel_loop3A_665, %parallel_loop3A_666] {strides = array<i32>} : memref<8x4x1024xf32, #tpu.memory_space<vmem>>, vector<1x1x16xf32>,
      %parallel_loop3A_668 = vector.shape_cast %parallel_loop3A_667 : vector<1x1x16xf32> to vector<16xf32>
      %parallel_loop3A_669 = arith.addf %parallel_loop3A_668, %parallel_loop3A_634 : vector<16xf32>
      %parallel_loop3A_670 = arith.constant 2 : i32
      %parallel_loop3A_671 = arith.index_cast %parallel_loop3A_626 : i32 to index
      %parallel_loop3A_672 = arith.index_cast %parallel_loop3A_670 : i32 to index
      %parallel_loop3A_673 = arith.index_cast %parallel_loop3A_630 : i32 to index
      %parallel_loop3A_674 = tpu.vector_load %arg7[%parallel_loop3A_671, %parallel_loop3A_672, %parallel_loop3A_673] {strides = array<i32>} : memref<8x4x1024xf32, #tpu.memory_space<vmem>>, vector<1x1x16xf32>,
      %parallel_loop3A_675 = vector.shape_cast %parallel_loop3A_674 : vector<1x1x16xf32> to vector<16xf32>
      %parallel_loop3A_676 = vector.shape_cast %parallel_loop3A_669 : vector<16xf32> to vector<1x1x16xf32>
      tpu.vector_store %arg7[%parallel_loop3A_671, %parallel_loop3A_672, %parallel_loop3A_673], %parallel_loop3A_676 {strides = array<i32>} : memref<8x4x1024xf32, #tpu.memory_space<vmem>>, vector<1x1x16xf32>,
      %parallel_loop3A_677 = arith.constant 3 : i32
      %parallel_loop3A_678 = arith.index_cast %parallel_loop3A_626 : i32 to index
      %parallel_loop3A_679 = arith.index_cast %parallel_loop3A_677 : i32 to index
      %parallel_loop3A_680 = arith.index_cast %parallel_loop3A_630 : i32 to index
      %parallel_loop3A_681 = tpu.vector_load %arg7[%parallel_loop3A_678, %parallel_loop3A_679, %parallel_loop3A_680] {strides = array<i32>} : memref<8x4x1024xf32, #tpu.memory_space<vmem>>, vector<1x1x16xf32>,
      %parallel_loop3A_682 = vector.shape_cast %parallel_loop3A_681 : vector<1x1x16xf32> to vector<16xf32>
      %parallel_loop3A_683 = arith.addf %parallel_loop3A_682, %parallel_loop3A_634 : vector<16xf32>
      %parallel_loop3A_684 = arith.constant 3 : i32
      %parallel_loop3A_685 = arith.index_cast %parallel_loop3A_626 : i32 to index
      %parallel_loop3A_686 = arith.index_cast %parallel_loop3A_684 : i32 to index
      %parallel_loop3A_687 = arith.index_cast %parallel_loop3A_630 : i32 to index
      %parallel_loop3A_688 = tpu.vector_load %arg7[%parallel_loop3A_685, %parallel_loop3A_686, %parallel_loop3A_687] {strides = array<i32>} : memref<8x4x1024xf32, #tpu.memory_space<vmem>>, vector<1x1x16xf32>,
      %parallel_loop3A_689 = vector.shape_cast %parallel_loop3A_688 : vector<1x1x16xf32> to vector<16xf32>
      %parallel_loop3A_690 = vector.shape_cast %parallel_loop3A_683 : vector<16xf32> to vector<1x1x16xf32>
      tpu.vector_store %arg7[%parallel_loop3A_685, %parallel_loop3A_686, %parallel_loop3A_687], %parallel_loop3A_690 {strides = array<i32>} : memref<8x4x1024xf32, #tpu.memory_space<vmem>>, vector<1x1x16xf32>,
    } {sc.loop_unroll_factor = 4 : i64, sc.parallel_access}
    %add3A_244 = arith.constant 40 : i32
    %add3A_245 = arith.addi %mul3A_2, %add3A_244 : i32
    %dma_start3A_246 = arith.constant 0 : i32
    %dma_start3A_247 = arith.constant 0 : i32
    %dma_start3A_248 = tpu.memref_slice %arg4[%add3A_245, %dma_start3A_246, %dma_start3A_247] : memref<4096x4x1024xf32, #tpu.memory_space<hbm>> -> memref<8x4x1024xf32, #tpu.memory_space<hbm>>
    %dma_start3A_249 = arith.constant 0 : i32
    %dma_start3A_250 = arith.constant 0 : i32
    %dma_start3A_251 = tpu.memref_slice %arg4[%add3A_245, %dma_start3A_249, %dma_start3A_250] : memref<4096x4x1024xf32, #tpu.memory_space<hbm>> -> memref<8x4x1024xf32, #tpu.memory_space<hbm>>
    tpu.enqueue_dma source(%arg7 : memref<8x4x1024xf32, #tpu.memory_space<vmem>>) target(%dma_start3A_251 : memref<8x4x1024xf32, #tpu.memory_space<hbm>>) target_semaphore(%arg19 : memref<!tpu.dma_semaphore, #tpu.memory_space<semaphore_mem>>)
    %dma_wait3A_252 = arith.constant 0 : i32
    %dma_wait3A_253 = arith.constant 0 : i32
    %dma_wait3A_254 = tpu.memref_slice %arg4[%add3A_245, %dma_wait3A_252, %dma_wait3A_253] : memref<4096x4x1024xf32, #tpu.memory_space<hbm>> -> memref<8x4x1024xf32, #tpu.memory_space<hbm>>
    %dma_wait3A_255 = arith.constant 0 : i32
    %dma_wait3A_256 = arith.constant 0 : i32
    %dma_wait3A_257 = tpu.memref_slice %arg4[%add3A_245, %dma_wait3A_255, %dma_wait3A_256] : memref<4096x4x1024xf32, #tpu.memory_space<hbm>> -> memref<8x4x1024xf32, #tpu.memory_space<hbm>>
    tpu.wait_dma2 semaphore(%arg19 : memref<!tpu.dma_semaphore, #tpu.memory_space<semaphore_mem>>) src(%arg7 : memref<8x4x1024xf32, #tpu.memory_space<vmem>>) dst(%dma_wait3A_257 : memref<8x4x1024xf32, #tpu.memory_space<hbm>>)
    %add3A_258 = arith.constant 64 : i32
    %add3A_259 = arith.addi %mul3A_2, %add3A_258 : i32
    %dma_start3A_260 = arith.constant 0 : i32
    %dma_start3A_261 = arith.constant 0 : i32
    %dma_start3A_262 = tpu.memref_slice %arg2[%add3A_259, %dma_start3A_260, %dma_start3A_261] : memref<4096x4x1024xf32, #tpu.memory_space<hbm>> -> memref<8x4x1024xf32, #tpu.memory_space<hbm>>
    %dma_start3A_263 = arith.constant 0 : i32
    %dma_start3A_264 = arith.constant 0 : i32
    %dma_start3A_265 = tpu.memref_slice %arg2[%add3A_259, %dma_start3A_263, %dma_start3A_264] : memref<4096x4x1024xf32, #tpu.memory_space<hbm>> -> memref<8x4x1024xf32, #tpu.memory_space<hbm>>
    tpu.enqueue_dma source(%dma_start3A_265 : memref<8x4x1024xf32, #tpu.memory_space<hbm>>) target(%arg7 : memref<8x4x1024xf32, #tpu.memory_space<vmem>>) target_semaphore(%arg13 : memref<!tpu.dma_semaphore, #tpu.memory_space<semaphore_mem>>)
    %dma_start3A_266 = arith.constant 0 : i32
    %dma_start3A_267 = tpu.memref_slice %arg3[%add3A_259, %dma_start3A_266] : memref<8192x1024xf32, #tpu.memory_space<hbm>> -> memref<8x1024xf32, #tpu.memory_space<hbm>>
    %dma_start3A_268 = arith.constant 0 : i32
    %dma_start3A_269 = tpu.memref_slice %arg3[%add3A_259, %dma_start3A_268] : memref<8192x1024xf32, #tpu.memory_space<hbm>> -> memref<8x1024xf32, #tpu.memory_space<hbm>>
    tpu.enqueue_dma source(%dma_start3A_269 : memref<8x1024xf32, #tpu.memory_space<hbm>>) target(%arg10 : memref<8x1024xf32, #tpu.memory_space<vmem>>) target_semaphore(%arg16 : memref<!tpu.dma_semaphore, #tpu.memory_space<semaphore_mem>>)
    %dma_wait3A_270 = arith.constant 0 : i32
    %dma_wait3A_271 = arith.constant 0 : i32
    %dma_wait3A_272 = tpu.memref_slice %arg2[%add3A_181, %dma_wait3A_270, %dma_wait3A_271] : memref<4096x4x1024xf32, #tpu.memory_space<hbm>> -> memref<8x4x1024xf32, #tpu.memory_space<hbm>>
    %dma_wait3A_273 = arith.constant 0 : i32
    %dma_wait3A_274 = arith.constant 0 : i32
    %dma_wait3A_275 = tpu.memref_slice %arg2[%add3A_181, %dma_wait3A_273, %dma_wait3A_274] : memref<4096x4x1024xf32, #tpu.memory_space<hbm>> -> memref<8x4x1024xf32, #tpu.memory_space<hbm>>
    tpu.wait_dma2 semaphore(%arg11 : memref<!tpu.dma_semaphore, #tpu.memory_space<semaphore_mem>>) src(%dma_wait3A_275 : memref<8x4x1024xf32, #tpu.memory_space<hbm>>) dst(%arg5 : memref<8x4x1024xf32, #tpu.memory_space<vmem>>)
    %dma_wait3A_276 = arith.constant 0 : i32
    %dma_wait3A_277 = tpu.memref_slice %arg3[%add3A_181, %dma_wait3A_276] : memref<8192x1024xf32, #tpu.memory_space<hbm>> -> memref<8x1024xf32, #tpu.memory_space<hbm>>
    %dma_wait3A_278 = arith.constant 0 : i32
    %dma_wait3A_279 = tpu.memref_slice %arg3[%add3A_181, %dma_wait3A_278] : memref<8192x1024xf32, #tpu.memory_space<hbm>> -> memref<8x1024xf32, #tpu.memory_space<hbm>>
    tpu.wait_dma2 semaphore(%arg14 : memref<!tpu.dma_semaphore, #tpu.memory_space<semaphore_mem>>) src(%dma_wait3A_279 : memref<8x1024xf32, #tpu.memory_space<hbm>>) dst(%arg8 : memref<8x1024xf32, #tpu.memory_space<vmem>>)
    %parallel_loop3A_280 = arith.constant 0 : i32
    %parallel_loop3A_281 = arith.constant 512 : i32
    %parallel_loop3A_282 = arith.constant 1 : i32
    scf.for %parallel_loop3A_624 = %parallel_loop3A_280 to %parallel_loop3A_281 step %parallel_loop3A_282  : i32 {
      %parallel_loop3A_625 = arith.constant 6 : i32
      %parallel_loop3A_626 = arith.shrsi %parallel_loop3A_624, %parallel_loop3A_625 : i32
      %parallel_loop3A_627 = arith.constant 63 : i32
      %parallel_loop3A_628 = arith.andi %parallel_loop3A_624, %parallel_loop3A_627 : i32
      %parallel_loop3A_629 = arith.constant 16 : i32
      %parallel_loop3A_630 = arith.muli %parallel_loop3A_628, %parallel_loop3A_629 : i32
      %parallel_loop3A_631 = arith.index_cast %parallel_loop3A_626 : i32 to index
      %parallel_loop3A_632 = arith.index_cast %parallel_loop3A_630 : i32 to index
      %parallel_loop3A_633 = tpu.vector_load %arg8[%parallel_loop3A_631, %parallel_loop3A_632] {strides = array<i32>} : memref<8x1024xf32, #tpu.memory_space<vmem>>, vector<1x16xf32>,
      %parallel_loop3A_634 = vector.shape_cast %parallel_loop3A_633 : vector<1x16xf32> to vector<16xf32>
      %parallel_loop3A_635 = arith.constant 0 : i32
      %parallel_loop3A_636 = arith.index_cast %parallel_loop3A_626 : i32 to index
      %parallel_loop3A_637 = arith.index_cast %parallel_loop3A_635 : i32 to index
      %parallel_loop3A_638 = arith.index_cast %parallel_loop3A_630 : i32 to index
      %parallel_loop3A_639 = tpu.vector_load %arg5[%parallel_loop3A_636, %parallel_loop3A_637, %parallel_loop3A_638] {strides = array<i32>} : memref<8x4x1024xf32, #tpu.memory_space<vmem>>, vector<1x1x16xf32>,
      %parallel_loop3A_640 = vector.shape_cast %parallel_loop3A_639 : vector<1x1x16xf32> to vector<16xf32>
      %parallel_loop3A_641 = arith.addf %parallel_loop3A_640, %parallel_loop3A_634 : vector<16xf32>
      %parallel_loop3A_642 = arith.constant 0 : i32
      %parallel_loop3A_643 = arith.index_cast %parallel_loop3A_626 : i32 to index
      %parallel_loop3A_644 = arith.index_cast %parallel_loop3A_642 : i32 to index
      %parallel_loop3A_645 = arith.index_cast %parallel_loop3A_630 : i32 to index
      %parallel_loop3A_646 = tpu.vector_load %arg5[%parallel_loop3A_643, %parallel_loop3A_644, %parallel_loop3A_645] {strides = array<i32>} : memref<8x4x1024xf32, #tpu.memory_space<vmem>>, vector<1x1x16xf32>,
      %parallel_loop3A_647 = vector.shape_cast %parallel_loop3A_646 : vector<1x1x16xf32> to vector<16xf32>
      %parallel_loop3A_648 = vector.shape_cast %parallel_loop3A_641 : vector<16xf32> to vector<1x1x16xf32>
      tpu.vector_store %arg5[%parallel_loop3A_643, %parallel_loop3A_644, %parallel_loop3A_645], %parallel_loop3A_648 {strides = array<i32>} : memref<8x4x1024xf32, #tpu.memory_space<vmem>>, vector<1x1x16xf32>,
      %parallel_loop3A_649 = arith.constant 1 : i32
      %parallel_loop3A_650 = arith.index_cast %parallel_loop3A_626 : i32 to index
      %parallel_loop3A_651 = arith.index_cast %parallel_loop3A_649 : i32 to index
      %parallel_loop3A_652 = arith.index_cast %parallel_loop3A_630 : i32 to index
      %parallel_loop3A_653 = tpu.vector_load %arg5[%parallel_loop3A_650, %parallel_loop3A_651, %parallel_loop3A_652] {strides = array<i32>} : memref<8x4x1024xf32, #tpu.memory_space<vmem>>, vector<1x1x16xf32>,
      %parallel_loop3A_654 = vector.shape_cast %parallel_loop3A_653 : vector<1x1x16xf32> to vector<16xf32>
      %parallel_loop3A_655 = arith.addf %parallel_loop3A_654, %parallel_loop3A_634 : vector<16xf32>
      %parallel_loop3A_656 = arith.constant 1 : i32
      %parallel_loop3A_657 = arith.index_cast %parallel_loop3A_626 : i32 to index
      %parallel_loop3A_658 = arith.index_cast %parallel_loop3A_656 : i32 to index
      %parallel_loop3A_659 = arith.index_cast %parallel_loop3A_630 : i32 to index
      %parallel_loop3A_660 = tpu.vector_load %arg5[%parallel_loop3A_657, %parallel_loop3A_658, %parallel_loop3A_659] {strides = array<i32>} : memref<8x4x1024xf32, #tpu.memory_space<vmem>>, vector<1x1x16xf32>,
      %parallel_loop3A_661 = vector.shape_cast %parallel_loop3A_660 : vector<1x1x16xf32> to vector<16xf32>
      %parallel_loop3A_662 = vector.shape_cast %parallel_loop3A_655 : vector<16xf32> to vector<1x1x16xf32>
      tpu.vector_store %arg5[%parallel_loop3A_657, %parallel_loop3A_658, %parallel_loop3A_659], %parallel_loop3A_662 {strides = array<i32>} : memref<8x4x1024xf32, #tpu.memory_space<vmem>>, vector<1x1x16xf32>,
      %parallel_loop3A_663 = arith.constant 2 : i32
      %parallel_loop3A_664 = arith.index_cast %parallel_loop3A_626 : i32 to index
      %parallel_loop3A_665 = arith.index_cast %parallel_loop3A_663 : i32 to index
      %parallel_loop3A_666 = arith.index_cast %parallel_loop3A_630 : i32 to index
      %parallel_loop3A_667 = tpu.vector_load %arg5[%parallel_loop3A_664, %parallel_loop3A_665, %parallel_loop3A_666] {strides = array<i32>} : memref<8x4x1024xf32, #tpu.memory_space<vmem>>, vector<1x1x16xf32>,
      %parallel_loop3A_668 = vector.shape_cast %parallel_loop3A_667 : vector<1x1x16xf32> to vector<16xf32>
      %parallel_loop3A_669 = arith.addf %parallel_loop3A_668, %parallel_loop3A_634 : vector<16xf32>
      %parallel_loop3A_670 = arith.constant 2 : i32
      %parallel_loop3A_671 = arith.index_cast %parallel_loop3A_626 : i32 to index
      %parallel_loop3A_672 = arith.index_cast %parallel_loop3A_670 : i32 to index
      %parallel_loop3A_673 = arith.index_cast %parallel_loop3A_630 : i32 to index
      %parallel_loop3A_674 = tpu.vector_load %arg5[%parallel_loop3A_671, %parallel_loop3A_672, %parallel_loop3A_673] {strides = array<i32>} : memref<8x4x1024xf32, #tpu.memory_space<vmem>>, vector<1x1x16xf32>,
      %parallel_loop3A_675 = vector.shape_cast %parallel_loop3A_674 : vector<1x1x16xf32> to vector<16xf32>
      %parallel_loop3A_676 = vector.shape_cast %parallel_loop3A_669 : vector<16xf32> to vector<1x1x16xf32>
      tpu.vector_store %arg5[%parallel_loop3A_671, %parallel_loop3A_672, %parallel_loop3A_673], %parallel_loop3A_676 {strides = array<i32>} : memref<8x4x1024xf32, #tpu.memory_space<vmem>>, vector<1x1x16xf32>,
      %parallel_loop3A_677 = arith.constant 3 : i32
      %parallel_loop3A_678 = arith.index_cast %parallel_loop3A_626 : i32 to index
      %parallel_loop3A_679 = arith.index_cast %parallel_loop3A_677 : i32 to index
      %parallel_loop3A_680 = arith.index_cast %parallel_loop3A_630 : i32 to index
      %parallel_loop3A_681 = tpu.vector_load %arg5[%parallel_loop3A_678, %parallel_loop3A_679, %parallel_loop3A_680] {strides = array<i32>} : memref<8x4x1024xf32, #tpu.memory_space<vmem>>, vector<1x1x16xf32>,
      %parallel_loop3A_682 = vector.shape_cast %parallel_loop3A_681 : vector<1x1x16xf32> to vector<16xf32>
      %parallel_loop3A_683 = arith.addf %parallel_loop3A_682, %parallel_loop3A_634 : vector<16xf32>
      %parallel_loop3A_684 = arith.constant 3 : i32
      %parallel_loop3A_685 = arith.index_cast %parallel_loop3A_626 : i32 to index
      %parallel_loop3A_686 = arith.index_cast %parallel_loop3A_684 : i32 to index
      %parallel_loop3A_687 = arith.index_cast %parallel_loop3A_630 : i32 to index
      %parallel_loop3A_688 = tpu.vector_load %arg5[%parallel_loop3A_685, %parallel_loop3A_686, %parallel_loop3A_687] {strides = array<i32>} : memref<8x4x1024xf32, #tpu.memory_space<vmem>>, vector<1x1x16xf32>,
      %parallel_loop3A_689 = vector.shape_cast %parallel_loop3A_688 : vector<1x1x16xf32> to vector<16xf32>
      %parallel_loop3A_690 = vector.shape_cast %parallel_loop3A_683 : vector<16xf32> to vector<1x1x16xf32>
      tpu.vector_store %arg5[%parallel_loop3A_685, %parallel_loop3A_686, %parallel_loop3A_687], %parallel_loop3A_690 {strides = array<i32>} : memref<8x4x1024xf32, #tpu.memory_space<vmem>>, vector<1x1x16xf32>,
    } {sc.loop_unroll_factor = 4 : i64, sc.parallel_access}
    %add3A_283 = arith.constant 48 : i32
    %add3A_284 = arith.addi %mul3A_2, %add3A_283 : i32
    %dma_start3A_285 = arith.constant 0 : i32
    %dma_start3A_286 = arith.constant 0 : i32
    %dma_start3A_287 = tpu.memref_slice %arg4[%add3A_284, %dma_start3A_285, %dma_start3A_286] : memref<4096x4x1024xf32, #tpu.memory_space<hbm>> -> memref<8x4x1024xf32, #tpu.memory_space<hbm>>
    %dma_start3A_288 = arith.constant 0 : i32
    %dma_start3A_289 = arith.constant 0 : i32
    %dma_start3A_290 = tpu.memref_slice %arg4[%add3A_284, %dma_start3A_288, %dma_start3A_289] : memref<4096x4x1024xf32, #tpu.memory_space<hbm>> -> memref<8x4x1024xf32, #tpu.memory_space<hbm>>
    tpu.enqueue_dma source(%arg5 : memref<8x4x1024xf32, #tpu.memory_space<vmem>>) target(%dma_start3A_290 : memref<8x4x1024xf32, #tpu.memory_space<hbm>>) target_semaphore(%arg17 : memref<!tpu.dma_semaphore, #tpu.memory_space<semaphore_mem>>)
    %dma_wait3A_291 = arith.constant 0 : i32
    %dma_wait3A_292 = arith.constant 0 : i32
    %dma_wait3A_293 = tpu.memref_slice %arg4[%add3A_284, %dma_wait3A_291, %dma_wait3A_292] : memref<4096x4x1024xf32, #tpu.memory_space<hbm>> -> memref<8x4x1024xf32, #tpu.memory_space<hbm>>
    %dma_wait3A_294 = arith.constant 0 : i32
    %dma_wait3A_295 = arith.constant 0 : i32
    %dma_wait3A_296 = tpu.memref_slice %arg4[%add3A_284, %dma_wait3A_294, %dma_wait3A_295] : memref<4096x4x1024xf32, #tpu.memory_space<hbm>> -> memref<8x4x1024xf32, #tpu.memory_space<hbm>>
    tpu.wait_dma2 semaphore(%arg17 : memref<!tpu.dma_semaphore, #tpu.memory_space<semaphore_mem>>) src(%arg5 : memref<8x4x1024xf32, #tpu.memory_space<vmem>>) dst(%dma_wait3A_296 : memref<8x4x1024xf32, #tpu.memory_space<hbm>>)
    %add3A_297 = arith.constant 72 : i32
    %add3A_298 = arith.addi %mul3A_2, %add3A_297 : i32
    %dma_start3A_299 = arith.constant 0 : i32
    %dma_start3A_300 = arith.constant 0 : i32
    %dma_start3A_301 = tpu.memref_slice %arg2[%add3A_298, %dma_start3A_299, %dma_start3A_300] : memref<4096x4x1024xf32, #tpu.memory_space<hbm>> -> memref<8x4x1024xf32, #tpu.memory_space<hbm>>
    %dma_start3A_302 = arith.constant 0 : i32
    %dma_start3A_303 = arith.constant 0 : i32
    %dma_start3A_304 = tpu.memref_slice %arg2[%add3A_298, %dma_start3A_302, %dma_start3A_303] : memref<4096x4x1024xf32, #tpu.memory_space<hbm>> -> memref<8x4x1024xf32, #tpu.memory_space<hbm>>
    tpu.enqueue_dma source(%dma_start3A_304 : memref<8x4x1024xf32, #tpu.memory_space<hbm>>) target(%arg5 : memref<8x4x1024xf32, #tpu.memory_space<vmem>>) target_semaphore(%arg11 : memref<!tpu.dma_semaphore, #tpu.memory_space<semaphore_mem>>)
    %dma_start3A_305 = arith.constant 0 : i32
    %dma_start3A_306 = tpu.memref_slice %arg3[%add3A_298, %dma_start3A_305] : memref<8192x1024xf32, #tpu.memory_space<hbm>> -> memref<8x1024xf32, #tpu.memory_space<hbm>>
    %dma_start3A_307 = arith.constant 0 : i32
    %dma_start3A_308 = tpu.memref_slice %arg3[%add3A_298, %dma_start3A_307] : memref<8192x1024xf32, #tpu.memory_space<hbm>> -> memref<8x1024xf32, #tpu.memory_space<hbm>>
    tpu.enqueue_dma source(%dma_start3A_308 : memref<8x1024xf32, #tpu.memory_space<hbm>>) target(%arg8 : memref<8x1024xf32, #tpu.memory_space<vmem>>) target_semaphore(%arg14 : memref<!tpu.dma_semaphore, #tpu.memory_space<semaphore_mem>>)
    %dma_wait3A_309 = arith.constant 0 : i32
    %dma_wait3A_310 = arith.constant 0 : i32
    %dma_wait3A_311 = tpu.memref_slice %arg2[%add3A_220, %dma_wait3A_309, %dma_wait3A_310] : memref<4096x4x1024xf32, #tpu.memory_space<hbm>> -> memref<8x4x1024xf32, #tpu.memory_space<hbm>>
    %dma_wait3A_312 = arith.constant 0 : i32
    %dma_wait3A_313 = arith.constant 0 : i32
    %dma_wait3A_314 = tpu.memref_slice %arg2[%add3A_220, %dma_wait3A_312, %dma_wait3A_313] : memref<4096x4x1024xf32, #tpu.memory_space<hbm>> -> memref<8x4x1024xf32, #tpu.memory_space<hbm>>
    tpu.wait_dma2 semaphore(%arg12 : memref<!tpu.dma_semaphore, #tpu.memory_space<semaphore_mem>>) src(%dma_wait3A_314 : memref<8x4x1024xf32, #tpu.memory_space<hbm>>) dst(%arg6 : memref<8x4x1024xf32, #tpu.memory_space<vmem>>)
    %dma_wait3A_315 = arith.constant 0 : i32
    %dma_wait3A_316 = tpu.memref_slice %arg3[%add3A_220, %dma_wait3A_315] : memref<8192x1024xf32, #tpu.memory_space<hbm>> -> memref<8x1024xf32, #tpu.memory_space<hbm>>
    %dma_wait3A_317 = arith.constant 0 : i32
    %dma_wait3A_318 = tpu.memref_slice %arg3[%add3A_220, %dma_wait3A_317] : memref<8192x1024xf32, #tpu.memory_space<hbm>> -> memref<8x1024xf32, #tpu.memory_space<hbm>>
    tpu.wait_dma2 semaphore(%arg15 : memref<!tpu.dma_semaphore, #tpu.memory_space<semaphore_mem>>) src(%dma_wait3A_318 : memref<8x1024xf32, #tpu.memory_space<hbm>>) dst(%arg9 : memref<8x1024xf32, #tpu.memory_space<vmem>>)
    %parallel_loop3A_319 = arith.constant 0 : i32
    %parallel_loop3A_320 = arith.constant 512 : i32
    %parallel_loop3A_321 = arith.constant 1 : i32
    scf.for %parallel_loop3A_624 = %parallel_loop3A_319 to %parallel_loop3A_320 step %parallel_loop3A_321  : i32 {
      %parallel_loop3A_625 = arith.constant 6 : i32
      %parallel_loop3A_626 = arith.shrsi %parallel_loop3A_624, %parallel_loop3A_625 : i32
      %parallel_loop3A_627 = arith.constant 63 : i32
      %parallel_loop3A_628 = arith.andi %parallel_loop3A_624, %parallel_loop3A_627 : i32
      %parallel_loop3A_629 = arith.constant 16 : i32
      %parallel_loop3A_630 = arith.muli %parallel_loop3A_628, %parallel_loop3A_629 : i32
      %parallel_loop3A_631 = arith.index_cast %parallel_loop3A_626 : i32 to index
      %parallel_loop3A_632 = arith.index_cast %parallel_loop3A_630 : i32 to index
      %parallel_loop3A_633 = tpu.vector_load %arg9[%parallel_loop3A_631, %parallel_loop3A_632] {strides = array<i32>} : memref<8x1024xf32, #tpu.memory_space<vmem>>, vector<1x16xf32>,
      %parallel_loop3A_634 = vector.shape_cast %parallel_loop3A_633 : vector<1x16xf32> to vector<16xf32>
      %parallel_loop3A_635 = arith.constant 0 : i32
      %parallel_loop3A_636 = arith.index_cast %parallel_loop3A_626 : i32 to index
      %parallel_loop3A_637 = arith.index_cast %parallel_loop3A_635 : i32 to index
      %parallel_loop3A_638 = arith.index_cast %parallel_loop3A_630 : i32 to index
      %parallel_loop3A_639 = tpu.vector_load %arg6[%parallel_loop3A_636, %parallel_loop3A_637, %parallel_loop3A_638] {strides = array<i32>} : memref<8x4x1024xf32, #tpu.memory_space<vmem>>, vector<1x1x16xf32>,
      %parallel_loop3A_640 = vector.shape_cast %parallel_loop3A_639 : vector<1x1x16xf32> to vector<16xf32>
      %parallel_loop3A_641 = arith.addf %parallel_loop3A_640, %parallel_loop3A_634 : vector<16xf32>
      %parallel_loop3A_642 = arith.constant 0 : i32
      %parallel_loop3A_643 = arith.index_cast %parallel_loop3A_626 : i32 to index
      %parallel_loop3A_644 = arith.index_cast %parallel_loop3A_642 : i32 to index
      %parallel_loop3A_645 = arith.index_cast %parallel_loop3A_630 : i32 to index
      %parallel_loop3A_646 = tpu.vector_load %arg6[%parallel_loop3A_643, %parallel_loop3A_644, %parallel_loop3A_645] {strides = array<i32>} : memref<8x4x1024xf32, #tpu.memory_space<vmem>>, vector<1x1x16xf32>,
      %parallel_loop3A_647 = vector.shape_cast %parallel_loop3A_646 : vector<1x1x16xf32> to vector<16xf32>
      %parallel_loop3A_648 = vector.shape_cast %parallel_loop3A_641 : vector<16xf32> to vector<1x1x16xf32>
      tpu.vector_store %arg6[%parallel_loop3A_643, %parallel_loop3A_644, %parallel_loop3A_645], %parallel_loop3A_648 {strides = array<i32>} : memref<8x4x1024xf32, #tpu.memory_space<vmem>>, vector<1x1x16xf32>,
      %parallel_loop3A_649 = arith.constant 1 : i32
      %parallel_loop3A_650 = arith.index_cast %parallel_loop3A_626 : i32 to index
      %parallel_loop3A_651 = arith.index_cast %parallel_loop3A_649 : i32 to index
      %parallel_loop3A_652 = arith.index_cast %parallel_loop3A_630 : i32 to index
      %parallel_loop3A_653 = tpu.vector_load %arg6[%parallel_loop3A_650, %parallel_loop3A_651, %parallel_loop3A_652] {strides = array<i32>} : memref<8x4x1024xf32, #tpu.memory_space<vmem>>, vector<1x1x16xf32>,
      %parallel_loop3A_654 = vector.shape_cast %parallel_loop3A_653 : vector<1x1x16xf32> to vector<16xf32>
      %parallel_loop3A_655 = arith.addf %parallel_loop3A_654, %parallel_loop3A_634 : vector<16xf32>
      %parallel_loop3A_656 = arith.constant 1 : i32
      %parallel_loop3A_657 = arith.index_cast %parallel_loop3A_626 : i32 to index
      %parallel_loop3A_658 = arith.index_cast %parallel_loop3A_656 : i32 to index
      %parallel_loop3A_659 = arith.index_cast %parallel_loop3A_630 : i32 to index
      %parallel_loop3A_660 = tpu.vector_load %arg6[%parallel_loop3A_657, %parallel_loop3A_658, %parallel_loop3A_659] {strides = array<i32>} : memref<8x4x1024xf32, #tpu.memory_space<vmem>>, vector<1x1x16xf32>,
      %parallel_loop3A_661 = vector.shape_cast %parallel_loop3A_660 : vector<1x1x16xf32> to vector<16xf32>
      %parallel_loop3A_662 = vector.shape_cast %parallel_loop3A_655 : vector<16xf32> to vector<1x1x16xf32>
      tpu.vector_store %arg6[%parallel_loop3A_657, %parallel_loop3A_658, %parallel_loop3A_659], %parallel_loop3A_662 {strides = array<i32>} : memref<8x4x1024xf32, #tpu.memory_space<vmem>>, vector<1x1x16xf32>,
      %parallel_loop3A_663 = arith.constant 2 : i32
      %parallel_loop3A_664 = arith.index_cast %parallel_loop3A_626 : i32 to index
      %parallel_loop3A_665 = arith.index_cast %parallel_loop3A_663 : i32 to index
      %parallel_loop3A_666 = arith.index_cast %parallel_loop3A_630 : i32 to index
      %parallel_loop3A_667 = tpu.vector_load %arg6[%parallel_loop3A_664, %parallel_loop3A_665, %parallel_loop3A_666] {strides = array<i32>} : memref<8x4x1024xf32, #tpu.memory_space<vmem>>, vector<1x1x16xf32>,
      %parallel_loop3A_668 = vector.shape_cast %parallel_loop3A_667 : vector<1x1x16xf32> to vector<16xf32>
      %parallel_loop3A_669 = arith.addf %parallel_loop3A_668, %parallel_loop3A_634 : vector<16xf32>
      %parallel_loop3A_670 = arith.constant 2 : i32
      %parallel_loop3A_671 = arith.index_cast %parallel_loop3A_626 : i32 to index
      %parallel_loop3A_672 = arith.index_cast %parallel_loop3A_670 : i32 to index
      %parallel_loop3A_673 = arith.index_cast %parallel_loop3A_630 : i32 to index
      %parallel_loop3A_674 = tpu.vector_load %arg6[%parallel_loop3A_671, %parallel_loop3A_672, %parallel_loop3A_673] {strides = array<i32>} : memref<8x4x1024xf32, #tpu.memory_space<vmem>>, vector<1x1x16xf32>,
      %parallel_loop3A_675 = vector.shape_cast %parallel_loop3A_674 : vector<1x1x16xf32> to vector<16xf32>
      %parallel_loop3A_676 = vector.shape_cast %parallel_loop3A_669 : vector<16xf32> to vector<1x1x16xf32>
      tpu.vector_store %arg6[%parallel_loop3A_671, %parallel_loop3A_672, %parallel_loop3A_673], %parallel_loop3A_676 {strides = array<i32>} : memref<8x4x1024xf32, #tpu.memory_space<vmem>>, vector<1x1x16xf32>,
      %parallel_loop3A_677 = arith.constant 3 : i32
      %parallel_loop3A_678 = arith.index_cast %parallel_loop3A_626 : i32 to index
      %parallel_loop3A_679 = arith.index_cast %parallel_loop3A_677 : i32 to index
      %parallel_loop3A_680 = arith.index_cast %parallel_loop3A_630 : i32 to index
      %parallel_loop3A_681 = tpu.vector_load %arg6[%parallel_loop3A_678, %parallel_loop3A_679, %parallel_loop3A_680] {strides = array<i32>} : memref<8x4x1024xf32, #tpu.memory_space<vmem>>, vector<1x1x16xf32>,
      %parallel_loop3A_682 = vector.shape_cast %parallel_loop3A_681 : vector<1x1x16xf32> to vector<16xf32>
      %parallel_loop3A_683 = arith.addf %parallel_loop3A_682, %parallel_loop3A_634 : vector<16xf32>
      %parallel_loop3A_684 = arith.constant 3 : i32
      %parallel_loop3A_685 = arith.index_cast %parallel_loop3A_626 : i32 to index
      %parallel_loop3A_686 = arith.index_cast %parallel_loop3A_684 : i32 to index
      %parallel_loop3A_687 = arith.index_cast %parallel_loop3A_630 : i32 to index
      %parallel_loop3A_688 = tpu.vector_load %arg6[%parallel_loop3A_685, %parallel_loop3A_686, %parallel_loop3A_687] {strides = array<i32>} : memref<8x4x1024xf32, #tpu.memory_space<vmem>>, vector<1x1x16xf32>,
      %parallel_loop3A_689 = vector.shape_cast %parallel_loop3A_688 : vector<1x1x16xf32> to vector<16xf32>
      %parallel_loop3A_690 = vector.shape_cast %parallel_loop3A_683 : vector<16xf32> to vector<1x1x16xf32>
      tpu.vector_store %arg6[%parallel_loop3A_685, %parallel_loop3A_686, %parallel_loop3A_687], %parallel_loop3A_690 {strides = array<i32>} : memref<8x4x1024xf32, #tpu.memory_space<vmem>>, vector<1x1x16xf32>,
    } {sc.loop_unroll_factor = 4 : i64, sc.parallel_access}
    %add3A_322 = arith.constant 56 : i32
    %add3A_323 = arith.addi %mul3A_2, %add3A_322 : i32
    %dma_start3A_324 = arith.constant 0 : i32
    %dma_start3A_325 = arith.constant 0 : i32
    %dma_start3A_326 = tpu.memref_slice %arg4[%add3A_323, %dma_start3A_324, %dma_start3A_325] : memref<4096x4x1024xf32, #tpu.memory_space<hbm>> -> memref<8x4x1024xf32, #tpu.memory_space<hbm>>
    %dma_start3A_327 = arith.constant 0 : i32
    %dma_start3A_328 = arith.constant 0 : i32
    %dma_start3A_329 = tpu.memref_slice %arg4[%add3A_323, %dma_start3A_327, %dma_start3A_328] : memref<4096x4x1024xf32, #tpu.memory_space<hbm>> -> memref<8x4x1024xf32, #tpu.memory_space<hbm>>
    tpu.enqueue_dma source(%arg6 : memref<8x4x1024xf32, #tpu.memory_space<vmem>>) target(%dma_start3A_329 : memref<8x4x1024xf32, #tpu.memory_space<hbm>>) target_semaphore(%arg18 : memref<!tpu.dma_semaphore, #tpu.memory_space<semaphore_mem>>)
    %dma_wait3A_330 = arith.constant 0 : i32
    %dma_wait3A_331 = arith.constant 0 : i32
    %dma_wait3A_332 = tpu.memref_slice %arg4[%add3A_323, %dma_wait3A_330, %dma_wait3A_331] : memref<4096x4x1024xf32, #tpu.memory_space<hbm>> -> memref<8x4x1024xf32, #tpu.memory_space<hbm>>
    %dma_wait3A_333 = arith.constant 0 : i32
    %dma_wait3A_334 = arith.constant 0 : i32
    %dma_wait3A_335 = tpu.memref_slice %arg4[%add3A_323, %dma_wait3A_333, %dma_wait3A_334] : memref<4096x4x1024xf32, #tpu.memory_space<hbm>> -> memref<8x4x1024xf32, #tpu.memory_space<hbm>>
    tpu.wait_dma2 semaphore(%arg18 : memref<!tpu.dma_semaphore, #tpu.memory_space<semaphore_mem>>) src(%arg6 : memref<8x4x1024xf32, #tpu.memory_space<vmem>>) dst(%dma_wait3A_335 : memref<8x4x1024xf32, #tpu.memory_space<hbm>>)
    %add3A_336 = arith.constant 80 : i32
    %add3A_337 = arith.addi %mul3A_2, %add3A_336 : i32
    %dma_start3A_338 = arith.constant 0 : i32
    %dma_start3A_339 = arith.constant 0 : i32
    %dma_start3A_340 = tpu.memref_slice %arg2[%add3A_337, %dma_start3A_338, %dma_start3A_339] : memref<4096x4x1024xf32, #tpu.memory_space<hbm>> -> memref<8x4x1024xf32, #tpu.memory_space<hbm>>
    %dma_start3A_341 = arith.constant 0 : i32
    %dma_start3A_342 = arith.constant 0 : i32
    %dma_start3A_343 = tpu.memref_slice %arg2[%add3A_337, %dma_start3A_341, %dma_start3A_342] : memref<4096x4x1024xf32, #tpu.memory_space<hbm>> -> memref<8x4x1024xf32, #tpu.memory_space<hbm>>
    tpu.enqueue_dma source(%dma_start3A_343 : memref<8x4x1024xf32, #tpu.memory_space<hbm>>) target(%arg6 : memref<8x4x1024xf32, #tpu.memory_space<vmem>>) target_semaphore(%arg12 : memref<!tpu.dma_semaphore, #tpu.memory_space<semaphore_mem>>)
    %dma_start3A_344 = arith.constant 0 : i32
    %dma_start3A_345 = tpu.memref_slice %arg3[%add3A_337, %dma_start3A_344] : memref<8192x1024xf32, #tpu.memory_space<hbm>> -> memref<8x1024xf32, #tpu.memory_space<hbm>>
    %dma_start3A_346 = arith.constant 0 : i32
    %dma_start3A_347 = tpu.memref_slice %arg3[%add3A_337, %dma_start3A_346] : memref<8192x1024xf32, #tpu.memory_space<hbm>> -> memref<8x1024xf32, #tpu.memory_space<hbm>>
    tpu.enqueue_dma source(%dma_start3A_347 : memref<8x1024xf32, #tpu.memory_space<hbm>>) target(%arg9 : memref<8x1024xf32, #tpu.memory_space<vmem>>) target_semaphore(%arg15 : memref<!tpu.dma_semaphore, #tpu.memory_space<semaphore_mem>>)
    %dma_wait3A_348 = arith.constant 0 : i32
    %dma_wait3A_349 = arith.constant 0 : i32
    %dma_wait3A_350 = tpu.memref_slice %arg2[%add3A_259, %dma_wait3A_348, %dma_wait3A_349] : memref<4096x4x1024xf32, #tpu.memory_space<hbm>> -> memref<8x4x1024xf32, #tpu.memory_space<hbm>>
    %dma_wait3A_351 = arith.constant 0 : i32
    %dma_wait3A_352 = arith.constant 0 : i32
    %dma_wait3A_353 = tpu.memref_slice %arg2[%add3A_259, %dma_wait3A_351, %dma_wait3A_352] : memref<4096x4x1024xf32, #tpu.memory_space<hbm>> -> memref<8x4x1024xf32, #tpu.memory_space<hbm>>
    tpu.wait_dma2 semaphore(%arg13 : memref<!tpu.dma_semaphore, #tpu.memory_space<semaphore_mem>>) src(%dma_wait3A_353 : memref<8x4x1024xf32, #tpu.memory_space<hbm>>) dst(%arg7 : memref<8x4x1024xf32, #tpu.memory_space<vmem>>)
    %dma_wait3A_354 = arith.constant 0 : i32
    %dma_wait3A_355 = tpu.memref_slice %arg3[%add3A_259, %dma_wait3A_354] : memref<8192x1024xf32, #tpu.memory_space<hbm>> -> memref<8x1024xf32, #tpu.memory_space<hbm>>
    %dma_wait3A_356 = arith.constant 0 : i32
    %dma_wait3A_357 = tpu.memref_slice %arg3[%add3A_259, %dma_wait3A_356] : memref<8192x1024xf32, #tpu.memory_space<hbm>> -> memref<8x1024xf32, #tpu.memory_space<hbm>>
    tpu.wait_dma2 semaphore(%arg16 : memref<!tpu.dma_semaphore, #tpu.memory_space<semaphore_mem>>) src(%dma_wait3A_357 : memref<8x1024xf32, #tpu.memory_space<hbm>>) dst(%arg10 : memref<8x1024xf32, #tpu.memory_space<vmem>>)
    %parallel_loop3A_358 = arith.constant 0 : i32
    %parallel_loop3A_359 = arith.constant 512 : i32
    %parallel_loop3A_360 = arith.constant 1 : i32
    scf.for %parallel_loop3A_624 = %parallel_loop3A_358 to %parallel_loop3A_359 step %parallel_loop3A_360  : i32 {
      %parallel_loop3A_625 = arith.constant 6 : i32
      %parallel_loop3A_626 = arith.shrsi %parallel_loop3A_624, %parallel_loop3A_625 : i32
      %parallel_loop3A_627 = arith.constant 63 : i32
      %parallel_loop3A_628 = arith.andi %parallel_loop3A_624, %parallel_loop3A_627 : i32
      %parallel_loop3A_629 = arith.constant 16 : i32
      %parallel_loop3A_630 = arith.muli %parallel_loop3A_628, %parallel_loop3A_629 : i32
      %parallel_loop3A_631 = arith.index_cast %parallel_loop3A_626 : i32 to index
      %parallel_loop3A_632 = arith.index_cast %parallel_loop3A_630 : i32 to index
      %parallel_loop3A_633 = tpu.vector_load %arg10[%parallel_loop3A_631, %parallel_loop3A_632] {strides = array<i32>} : memref<8x1024xf32, #tpu.memory_space<vmem>>, vector<1x16xf32>,
      %parallel_loop3A_634 = vector.shape_cast %parallel_loop3A_633 : vector<1x16xf32> to vector<16xf32>
      %parallel_loop3A_635 = arith.constant 0 : i32
      %parallel_loop3A_636 = arith.index_cast %parallel_loop3A_626 : i32 to index
      %parallel_loop3A_637 = arith.index_cast %parallel_loop3A_635 : i32 to index
      %parallel_loop3A_638 = arith.index_cast %parallel_loop3A_630 : i32 to index
      %parallel_loop3A_639 = tpu.vector_load %arg7[%parallel_loop3A_636, %parallel_loop3A_637, %parallel_loop3A_638] {strides = array<i32>} : memref<8x4x1024xf32, #tpu.memory_space<vmem>>, vector<1x1x16xf32>,
      %parallel_loop3A_640 = vector.shape_cast %parallel_loop3A_639 : vector<1x1x16xf32> to vector<16xf32>
      %parallel_loop3A_641 = arith.addf %parallel_loop3A_640, %parallel_loop3A_634 : vector<16xf32>
      %parallel_loop3A_642 = arith.constant 0 : i32
      %parallel_loop3A_643 = arith.index_cast %parallel_loop3A_626 : i32 to index
      %parallel_loop3A_644 = arith.index_cast %parallel_loop3A_642 : i32 to index
      %parallel_loop3A_645 = arith.index_cast %parallel_loop3A_630 : i32 to index
      %parallel_loop3A_646 = tpu.vector_load %arg7[%parallel_loop3A_643, %parallel_loop3A_644, %parallel_loop3A_645] {strides = array<i32>} : memref<8x4x1024xf32, #tpu.memory_space<vmem>>, vector<1x1x16xf32>,
      %parallel_loop3A_647 = vector.shape_cast %parallel_loop3A_646 : vector<1x1x16xf32> to vector<16xf32>
      %parallel_loop3A_648 = vector.shape_cast %parallel_loop3A_641 : vector<16xf32> to vector<1x1x16xf32>
      tpu.vector_store %arg7[%parallel_loop3A_643, %parallel_loop3A_644, %parallel_loop3A_645], %parallel_loop3A_648 {strides = array<i32>} : memref<8x4x1024xf32, #tpu.memory_space<vmem>>, vector<1x1x16xf32>,
      %parallel_loop3A_649 = arith.constant 1 : i32
      %parallel_loop3A_650 = arith.index_cast %parallel_loop3A_626 : i32 to index
      %parallel_loop3A_651 = arith.index_cast %parallel_loop3A_649 : i32 to index
      %parallel_loop3A_652 = arith.index_cast %parallel_loop3A_630 : i32 to index
      %parallel_loop3A_653 = tpu.vector_load %arg7[%parallel_loop3A_650, %parallel_loop3A_651, %parallel_loop3A_652] {strides = array<i32>} : memref<8x4x1024xf32, #tpu.memory_space<vmem>>, vector<1x1x16xf32>,
      %parallel_loop3A_654 = vector.shape_cast %parallel_loop3A_653 : vector<1x1x16xf32> to vector<16xf32>
      %parallel_loop3A_655 = arith.addf %parallel_loop3A_654, %parallel_loop3A_634 : vector<16xf32>
      %parallel_loop3A_656 = arith.constant 1 : i32
      %parallel_loop3A_657 = arith.index_cast %parallel_loop3A_626 : i32 to index
      %parallel_loop3A_658 = arith.index_cast %parallel_loop3A_656 : i32 to index
      %parallel_loop3A_659 = arith.index_cast %parallel_loop3A_630 : i32 to index
      %parallel_loop3A_660 = tpu.vector_load %arg7[%parallel_loop3A_657, %parallel_loop3A_658, %parallel_loop3A_659] {strides = array<i32>} : memref<8x4x1024xf32, #tpu.memory_space<vmem>>, vector<1x1x16xf32>,
      %parallel_loop3A_661 = vector.shape_cast %parallel_loop3A_660 : vector<1x1x16xf32> to vector<16xf32>
      %parallel_loop3A_662 = vector.shape_cast %parallel_loop3A_655 : vector<16xf32> to vector<1x1x16xf32>
      tpu.vector_store %arg7[%parallel_loop3A_657, %parallel_loop3A_658, %parallel_loop3A_659], %parallel_loop3A_662 {strides = array<i32>} : memref<8x4x1024xf32, #tpu.memory_space<vmem>>, vector<1x1x16xf32>,
      %parallel_loop3A_663 = arith.constant 2 : i32
      %parallel_loop3A_664 = arith.index_cast %parallel_loop3A_626 : i32 to index
      %parallel_loop3A_665 = arith.index_cast %parallel_loop3A_663 : i32 to index
      %parallel_loop3A_666 = arith.index_cast %parallel_loop3A_630 : i32 to index
      %parallel_loop3A_667 = tpu.vector_load %arg7[%parallel_loop3A_664, %parallel_loop3A_665, %parallel_loop3A_666] {strides = array<i32>} : memref<8x4x1024xf32, #tpu.memory_space<vmem>>, vector<1x1x16xf32>,
      %parallel_loop3A_668 = vector.shape_cast %parallel_loop3A_667 : vector<1x1x16xf32> to vector<16xf32>
      %parallel_loop3A_669 = arith.addf %parallel_loop3A_668, %parallel_loop3A_634 : vector<16xf32>
      %parallel_loop3A_670 = arith.constant 2 : i32
      %parallel_loop3A_671 = arith.index_cast %parallel_loop3A_626 : i32 to index
      %parallel_loop3A_672 = arith.index_cast %parallel_loop3A_670 : i32 to index
      %parallel_loop3A_673 = arith.index_cast %parallel_loop3A_630 : i32 to index
      %parallel_loop3A_674 = tpu.vector_load %arg7[%parallel_loop3A_671, %parallel_loop3A_672, %parallel_loop3A_673] {strides = array<i32>} : memref<8x4x1024xf32, #tpu.memory_space<vmem>>, vector<1x1x16xf32>,
      %parallel_loop3A_675 = vector.shape_cast %parallel_loop3A_674 : vector<1x1x16xf32> to vector<16xf32>
      %parallel_loop3A_676 = vector.shape_cast %parallel_loop3A_669 : vector<16xf32> to vector<1x1x16xf32>
      tpu.vector_store %arg7[%parallel_loop3A_671, %parallel_loop3A_672, %parallel_loop3A_673], %parallel_loop3A_676 {strides = array<i32>} : memref<8x4x1024xf32, #tpu.memory_space<vmem>>, vector<1x1x16xf32>,
      %parallel_loop3A_677 = arith.constant 3 : i32
      %parallel_loop3A_678 = arith.index_cast %parallel_loop3A_626 : i32 to index
      %parallel_loop3A_679 = arith.index_cast %parallel_loop3A_677 : i32 to index
      %parallel_loop3A_680 = arith.index_cast %parallel_loop3A_630 : i32 to index
      %parallel_loop3A_681 = tpu.vector_load %arg7[%parallel_loop3A_678, %parallel_loop3A_679, %parallel_loop3A_680] {strides = array<i32>} : memref<8x4x1024xf32, #tpu.memory_space<vmem>>, vector<1x1x16xf32>,
      %parallel_loop3A_682 = vector.shape_cast %parallel_loop3A_681 : vector<1x1x16xf32> to vector<16xf32>
      %parallel_loop3A_683 = arith.addf %parallel_loop3A_682, %parallel_loop3A_634 : vector<16xf32>
      %parallel_loop3A_684 = arith.constant 3 : i32
      %parallel_loop3A_685 = arith.index_cast %parallel_loop3A_626 : i32 to index
      %parallel_loop3A_686 = arith.index_cast %parallel_loop3A_684 : i32 to index
      %parallel_loop3A_687 = arith.index_cast %parallel_loop3A_630 : i32 to index
      %parallel_loop3A_688 = tpu.vector_load %arg7[%parallel_loop3A_685, %parallel_loop3A_686, %parallel_loop3A_687] {strides = array<i32>} : memref<8x4x1024xf32, #tpu.memory_space<vmem>>, vector<1x1x16xf32>,
      %parallel_loop3A_689 = vector.shape_cast %parallel_loop3A_688 : vector<1x1x16xf32> to vector<16xf32>
      %parallel_loop3A_690 = vector.shape_cast %parallel_loop3A_683 : vector<16xf32> to vector<1x1x16xf32>
      tpu.vector_store %arg7[%parallel_loop3A_685, %parallel_loop3A_686, %parallel_loop3A_687], %parallel_loop3A_690 {strides = array<i32>} : memref<8x4x1024xf32, #tpu.memory_space<vmem>>, vector<1x1x16xf32>,
    } {sc.loop_unroll_factor = 4 : i64, sc.parallel_access}
    %add3A_361 = arith.constant 64 : i32
    %add3A_362 = arith.addi %mul3A_2, %add3A_361 : i32
    %dma_start3A_363 = arith.constant 0 : i32
    %dma_start3A_364 = arith.constant 0 : i32
    %dma_start3A_365 = tpu.memref_slice %arg4[%add3A_362, %dma_start3A_363, %dma_start3A_364] : memref<4096x4x1024xf32, #tpu.memory_space<hbm>> -> memref<8x4x1024xf32, #tpu.memory_space<hbm>>
    %dma_start3A_366 = arith.constant 0 : i32
    %dma_start3A_367 = arith.constant 0 : i32
    %dma_start3A_368 = tpu.memref_slice %arg4[%add3A_362, %dma_start3A_366, %dma_start3A_367] : memref<4096x4x1024xf32, #tpu.memory_space<hbm>> -> memref<8x4x1024xf32, #tpu.memory_space<hbm>>
    tpu.enqueue_dma source(%arg7 : memref<8x4x1024xf32, #tpu.memory_space<vmem>>) target(%dma_start3A_368 : memref<8x4x1024xf32, #tpu.memory_space<hbm>>) target_semaphore(%arg19 : memref<!tpu.dma_semaphore, #tpu.memory_space<semaphore_mem>>)
    %dma_wait3A_369 = arith.constant 0 : i32
    %dma_wait3A_370 = arith.constant 0 : i32
    %dma_wait3A_371 = tpu.memref_slice %arg4[%add3A_362, %dma_wait3A_369, %dma_wait3A_370] : memref<4096x4x1024xf32, #tpu.memory_space<hbm>> -> memref<8x4x1024xf32, #tpu.memory_space<hbm>>
    %dma_wait3A_372 = arith.constant 0 : i32
    %dma_wait3A_373 = arith.constant 0 : i32
    %dma_wait3A_374 = tpu.memref_slice %arg4[%add3A_362, %dma_wait3A_372, %dma_wait3A_373] : memref<4096x4x1024xf32, #tpu.memory_space<hbm>> -> memref<8x4x1024xf32, #tpu.memory_space<hbm>>
    tpu.wait_dma2 semaphore(%arg19 : memref<!tpu.dma_semaphore, #tpu.memory_space<semaphore_mem>>) src(%arg7 : memref<8x4x1024xf32, #tpu.memory_space<vmem>>) dst(%dma_wait3A_374 : memref<8x4x1024xf32, #tpu.memory_space<hbm>>)
    %add3A_375 = arith.constant 88 : i32
    %add3A_376 = arith.addi %mul3A_2, %add3A_375 : i32
    %dma_start3A_377 = arith.constant 0 : i32
    %dma_start3A_378 = arith.constant 0 : i32
    %dma_start3A_379 = tpu.memref_slice %arg2[%add3A_376, %dma_start3A_377, %dma_start3A_378] : memref<4096x4x1024xf32, #tpu.memory_space<hbm>> -> memref<8x4x1024xf32, #tpu.memory_space<hbm>>
    %dma_start3A_380 = arith.constant 0 : i32
    %dma_start3A_381 = arith.constant 0 : i32
    %dma_start3A_382 = tpu.memref_slice %arg2[%add3A_376, %dma_start3A_380, %dma_start3A_381] : memref<4096x4x1024xf32, #tpu.memory_space<hbm>> -> memref<8x4x1024xf32, #tpu.memory_space<hbm>>
    tpu.enqueue_dma source(%dma_start3A_382 : memref<8x4x1024xf32, #tpu.memory_space<hbm>>) target(%arg7 : memref<8x4x1024xf32, #tpu.memory_space<vmem>>) target_semaphore(%arg13 : memref<!tpu.dma_semaphore, #tpu.memory_space<semaphore_mem>>)
    %dma_start3A_383 = arith.constant 0 : i32
    %dma_start3A_384 = tpu.memref_slice %arg3[%add3A_376, %dma_start3A_383] : memref<8192x1024xf32, #tpu.memory_space<hbm>> -> memref<8x1024xf32, #tpu.memory_space<hbm>>
    %dma_start3A_385 = arith.constant 0 : i32
    %dma_start3A_386 = tpu.memref_slice %arg3[%add3A_376, %dma_start3A_385] : memref<8192x1024xf32, #tpu.memory_space<hbm>> -> memref<8x1024xf32, #tpu.memory_space<hbm>>
    tpu.enqueue_dma source(%dma_start3A_386 : memref<8x1024xf32, #tpu.memory_space<hbm>>) target(%arg10 : memref<8x1024xf32, #tpu.memory_space<vmem>>) target_semaphore(%arg16 : memref<!tpu.dma_semaphore, #tpu.memory_space<semaphore_mem>>)
    %dma_wait3A_387 = arith.constant 0 : i32
    %dma_wait3A_388 = arith.constant 0 : i32
    %dma_wait3A_389 = tpu.memref_slice %arg2[%add3A_298, %dma_wait3A_387, %dma_wait3A_388] : memref<4096x4x1024xf32, #tpu.memory_space<hbm>> -> memref<8x4x1024xf32, #tpu.memory_space<hbm>>
    %dma_wait3A_390 = arith.constant 0 : i32
    %dma_wait3A_391 = arith.constant 0 : i32
    %dma_wait3A_392 = tpu.memref_slice %arg2[%add3A_298, %dma_wait3A_390, %dma_wait3A_391] : memref<4096x4x1024xf32, #tpu.memory_space<hbm>> -> memref<8x4x1024xf32, #tpu.memory_space<hbm>>
    tpu.wait_dma2 semaphore(%arg11 : memref<!tpu.dma_semaphore, #tpu.memory_space<semaphore_mem>>) src(%dma_wait3A_392 : memref<8x4x1024xf32, #tpu.memory_space<hbm>>) dst(%arg5 : memref<8x4x1024xf32, #tpu.memory_space<vmem>>)
    %dma_wait3A_393 = arith.constant 0 : i32
    %dma_wait3A_394 = tpu.memref_slice %arg3[%add3A_298, %dma_wait3A_393] : memref<8192x1024xf32, #tpu.memory_space<hbm>> -> memref<8x1024xf32, #tpu.memory_space<hbm>>
    %dma_wait3A_395 = arith.constant 0 : i32
    %dma_wait3A_396 = tpu.memref_slice %arg3[%add3A_298, %dma_wait3A_395] : memref<8192x1024xf32, #tpu.memory_space<hbm>> -> memref<8x1024xf32, #tpu.memory_space<hbm>>
    tpu.wait_dma2 semaphore(%arg14 : memref<!tpu.dma_semaphore, #tpu.memory_space<semaphore_mem>>) src(%dma_wait3A_396 : memref<8x1024xf32, #tpu.memory_space<hbm>>) dst(%arg8 : memref<8x1024xf32, #tpu.memory_space<vmem>>)
    %parallel_loop3A_397 = arith.constant 0 : i32
    %parallel_loop3A_398 = arith.constant 512 : i32
    %parallel_loop3A_399 = arith.constant 1 : i32
    scf.for %parallel_loop3A_624 = %parallel_loop3A_397 to %parallel_loop3A_398 step %parallel_loop3A_399  : i32 {
      %parallel_loop3A_625 = arith.constant 6 : i32
      %parallel_loop3A_626 = arith.shrsi %parallel_loop3A_624, %parallel_loop3A_625 : i32
      %parallel_loop3A_627 = arith.constant 63 : i32
      %parallel_loop3A_628 = arith.andi %parallel_loop3A_624, %parallel_loop3A_627 : i32
      %parallel_loop3A_629 = arith.constant 16 : i32
      %parallel_loop3A_630 = arith.muli %parallel_loop3A_628, %parallel_loop3A_629 : i32
      %parallel_loop3A_631 = arith.index_cast %parallel_loop3A_626 : i32 to index
      %parallel_loop3A_632 = arith.index_cast %parallel_loop3A_630 : i32 to index
      %parallel_loop3A_633 = tpu.vector_load %arg8[%parallel_loop3A_631, %parallel_loop3A_632] {strides = array<i32>} : memref<8x1024xf32, #tpu.memory_space<vmem>>, vector<1x16xf32>,
      %parallel_loop3A_634 = vector.shape_cast %parallel_loop3A_633 : vector<1x16xf32> to vector<16xf32>
      %parallel_loop3A_635 = arith.constant 0 : i32
      %parallel_loop3A_636 = arith.index_cast %parallel_loop3A_626 : i32 to index
      %parallel_loop3A_637 = arith.index_cast %parallel_loop3A_635 : i32 to index
      %parallel_loop3A_638 = arith.index_cast %parallel_loop3A_630 : i32 to index
      %parallel_loop3A_639 = tpu.vector_load %arg5[%parallel_loop3A_636, %parallel_loop3A_637, %parallel_loop3A_638] {strides = array<i32>} : memref<8x4x1024xf32, #tpu.memory_space<vmem>>, vector<1x1x16xf32>,
      %parallel_loop3A_640 = vector.shape_cast %parallel_loop3A_639 : vector<1x1x16xf32> to vector<16xf32>
      %parallel_loop3A_641 = arith.addf %parallel_loop3A_640, %parallel_loop3A_634 : vector<16xf32>
      %parallel_loop3A_642 = arith.constant 0 : i32
      %parallel_loop3A_643 = arith.index_cast %parallel_loop3A_626 : i32 to index
      %parallel_loop3A_644 = arith.index_cast %parallel_loop3A_642 : i32 to index
      %parallel_loop3A_645 = arith.index_cast %parallel_loop3A_630 : i32 to index
      %parallel_loop3A_646 = tpu.vector_load %arg5[%parallel_loop3A_643, %parallel_loop3A_644, %parallel_loop3A_645] {strides = array<i32>} : memref<8x4x1024xf32, #tpu.memory_space<vmem>>, vector<1x1x16xf32>,
      %parallel_loop3A_647 = vector.shape_cast %parallel_loop3A_646 : vector<1x1x16xf32> to vector<16xf32>
      %parallel_loop3A_648 = vector.shape_cast %parallel_loop3A_641 : vector<16xf32> to vector<1x1x16xf32>
      tpu.vector_store %arg5[%parallel_loop3A_643, %parallel_loop3A_644, %parallel_loop3A_645], %parallel_loop3A_648 {strides = array<i32>} : memref<8x4x1024xf32, #tpu.memory_space<vmem>>, vector<1x1x16xf32>,
      %parallel_loop3A_649 = arith.constant 1 : i32
      %parallel_loop3A_650 = arith.index_cast %parallel_loop3A_626 : i32 to index
      %parallel_loop3A_651 = arith.index_cast %parallel_loop3A_649 : i32 to index
      %parallel_loop3A_652 = arith.index_cast %parallel_loop3A_630 : i32 to index
      %parallel_loop3A_653 = tpu.vector_load %arg5[%parallel_loop3A_650, %parallel_loop3A_651, %parallel_loop3A_652] {strides = array<i32>} : memref<8x4x1024xf32, #tpu.memory_space<vmem>>, vector<1x1x16xf32>,
      %parallel_loop3A_654 = vector.shape_cast %parallel_loop3A_653 : vector<1x1x16xf32> to vector<16xf32>
      %parallel_loop3A_655 = arith.addf %parallel_loop3A_654, %parallel_loop3A_634 : vector<16xf32>
      %parallel_loop3A_656 = arith.constant 1 : i32
      %parallel_loop3A_657 = arith.index_cast %parallel_loop3A_626 : i32 to index
      %parallel_loop3A_658 = arith.index_cast %parallel_loop3A_656 : i32 to index
      %parallel_loop3A_659 = arith.index_cast %parallel_loop3A_630 : i32 to index
      %parallel_loop3A_660 = tpu.vector_load %arg5[%parallel_loop3A_657, %parallel_loop3A_658, %parallel_loop3A_659] {strides = array<i32>} : memref<8x4x1024xf32, #tpu.memory_space<vmem>>, vector<1x1x16xf32>,
      %parallel_loop3A_661 = vector.shape_cast %parallel_loop3A_660 : vector<1x1x16xf32> to vector<16xf32>
      %parallel_loop3A_662 = vector.shape_cast %parallel_loop3A_655 : vector<16xf32> to vector<1x1x16xf32>
      tpu.vector_store %arg5[%parallel_loop3A_657, %parallel_loop3A_658, %parallel_loop3A_659], %parallel_loop3A_662 {strides = array<i32>} : memref<8x4x1024xf32, #tpu.memory_space<vmem>>, vector<1x1x16xf32>,
      %parallel_loop3A_663 = arith.constant 2 : i32
      %parallel_loop3A_664 = arith.index_cast %parallel_loop3A_626 : i32 to index
      %parallel_loop3A_665 = arith.index_cast %parallel_loop3A_663 : i32 to index
      %parallel_loop3A_666 = arith.index_cast %parallel_loop3A_630 : i32 to index
      %parallel_loop3A_667 = tpu.vector_load %arg5[%parallel_loop3A_664, %parallel_loop3A_665, %parallel_loop3A_666] {strides = array<i32>} : memref<8x4x1024xf32, #tpu.memory_space<vmem>>, vector<1x1x16xf32>,
      %parallel_loop3A_668 = vector.shape_cast %parallel_loop3A_667 : vector<1x1x16xf32> to vector<16xf32>
      %parallel_loop3A_669 = arith.addf %parallel_loop3A_668, %parallel_loop3A_634 : vector<16xf32>
      %parallel_loop3A_670 = arith.constant 2 : i32
      %parallel_loop3A_671 = arith.index_cast %parallel_loop3A_626 : i32 to index
      %parallel_loop3A_672 = arith.index_cast %parallel_loop3A_670 : i32 to index
      %parallel_loop3A_673 = arith.index_cast %parallel_loop3A_630 : i32 to index
      %parallel_loop3A_674 = tpu.vector_load %arg5[%parallel_loop3A_671, %parallel_loop3A_672, %parallel_loop3A_673] {strides = array<i32>} : memref<8x4x1024xf32, #tpu.memory_space<vmem>>, vector<1x1x16xf32>,
      %parallel_loop3A_675 = vector.shape_cast %parallel_loop3A_674 : vector<1x1x16xf32> to vector<16xf32>
      %parallel_loop3A_676 = vector.shape_cast %parallel_loop3A_669 : vector<16xf32> to vector<1x1x16xf32>
      tpu.vector_store %arg5[%parallel_loop3A_671, %parallel_loop3A_672, %parallel_loop3A_673], %parallel_loop3A_676 {strides = array<i32>} : memref<8x4x1024xf32, #tpu.memory_space<vmem>>, vector<1x1x16xf32>,
      %parallel_loop3A_677 = arith.constant 3 : i32
      %parallel_loop3A_678 = arith.index_cast %parallel_loop3A_626 : i32 to index
      %parallel_loop3A_679 = arith.index_cast %parallel_loop3A_677 : i32 to index
      %parallel_loop3A_680 = arith.index_cast %parallel_loop3A_630 : i32 to index
      %parallel_loop3A_681 = tpu.vector_load %arg5[%parallel_loop3A_678, %parallel_loop3A_679, %parallel_loop3A_680] {strides = array<i32>} : memref<8x4x1024xf32, #tpu.memory_space<vmem>>, vector<1x1x16xf32>,
      %parallel_loop3A_682 = vector.shape_cast %parallel_loop3A_681 : vector<1x1x16xf32> to vector<16xf32>
      %parallel_loop3A_683 = arith.addf %parallel_loop3A_682, %parallel_loop3A_634 : vector<16xf32>
      %parallel_loop3A_684 = arith.constant 3 : i32
      %parallel_loop3A_685 = arith.index_cast %parallel_loop3A_626 : i32 to index
      %parallel_loop3A_686 = arith.index_cast %parallel_loop3A_684 : i32 to index
      %parallel_loop3A_687 = arith.index_cast %parallel_loop3A_630 : i32 to index
      %parallel_loop3A_688 = tpu.vector_load %arg5[%parallel_loop3A_685, %parallel_loop3A_686, %parallel_loop3A_687] {strides = array<i32>} : memref<8x4x1024xf32, #tpu.memory_space<vmem>>, vector<1x1x16xf32>,
      %parallel_loop3A_689 = vector.shape_cast %parallel_loop3A_688 : vector<1x1x16xf32> to vector<16xf32>
      %parallel_loop3A_690 = vector.shape_cast %parallel_loop3A_683 : vector<16xf32> to vector<1x1x16xf32>
      tpu.vector_store %arg5[%parallel_loop3A_685, %parallel_loop3A_686, %parallel_loop3A_687], %parallel_loop3A_690 {strides = array<i32>} : memref<8x4x1024xf32, #tpu.memory_space<vmem>>, vector<1x1x16xf32>,
    } {sc.loop_unroll_factor = 4 : i64, sc.parallel_access}
    %add3A_400 = arith.constant 72 : i32
    %add3A_401 = arith.addi %mul3A_2, %add3A_400 : i32
    %dma_start3A_402 = arith.constant 0 : i32
    %dma_start3A_403 = arith.constant 0 : i32
    %dma_start3A_404 = tpu.memref_slice %arg4[%add3A_401, %dma_start3A_402, %dma_start3A_403] : memref<4096x4x1024xf32, #tpu.memory_space<hbm>> -> memref<8x4x1024xf32, #tpu.memory_space<hbm>>
    %dma_start3A_405 = arith.constant 0 : i32
    %dma_start3A_406 = arith.constant 0 : i32
    %dma_start3A_407 = tpu.memref_slice %arg4[%add3A_401, %dma_start3A_405, %dma_start3A_406] : memref<4096x4x1024xf32, #tpu.memory_space<hbm>> -> memref<8x4x1024xf32, #tpu.memory_space<hbm>>
    tpu.enqueue_dma source(%arg5 : memref<8x4x1024xf32, #tpu.memory_space<vmem>>) target(%dma_start3A_407 : memref<8x4x1024xf32, #tpu.memory_space<hbm>>) target_semaphore(%arg17 : memref<!tpu.dma_semaphore, #tpu.memory_space<semaphore_mem>>)
    %dma_wait3A_408 = arith.constant 0 : i32
    %dma_wait3A_409 = arith.constant 0 : i32
    %dma_wait3A_410 = tpu.memref_slice %arg4[%add3A_401, %dma_wait3A_408, %dma_wait3A_409] : memref<4096x4x1024xf32, #tpu.memory_space<hbm>> -> memref<8x4x1024xf32, #tpu.memory_space<hbm>>
    %dma_wait3A_411 = arith.constant 0 : i32
    %dma_wait3A_412 = arith.constant 0 : i32
    %dma_wait3A_413 = tpu.memref_slice %arg4[%add3A_401, %dma_wait3A_411, %dma_wait3A_412] : memref<4096x4x1024xf32, #tpu.memory_space<hbm>> -> memref<8x4x1024xf32, #tpu.memory_space<hbm>>
    tpu.wait_dma2 semaphore(%arg17 : memref<!tpu.dma_semaphore, #tpu.memory_space<semaphore_mem>>) src(%arg5 : memref<8x4x1024xf32, #tpu.memory_space<vmem>>) dst(%dma_wait3A_413 : memref<8x4x1024xf32, #tpu.memory_space<hbm>>)
    %add3A_414 = arith.constant 96 : i32
    %add3A_415 = arith.addi %mul3A_2, %add3A_414 : i32
    %dma_start3A_416 = arith.constant 0 : i32
    %dma_start3A_417 = arith.constant 0 : i32
    %dma_start3A_418 = tpu.memref_slice %arg2[%add3A_415, %dma_start3A_416, %dma_start3A_417] : memref<4096x4x1024xf32, #tpu.memory_space<hbm>> -> memref<8x4x1024xf32, #tpu.memory_space<hbm>>
    %dma_start3A_419 = arith.constant 0 : i32
    %dma_start3A_420 = arith.constant 0 : i32
    %dma_start3A_421 = tpu.memref_slice %arg2[%add3A_415, %dma_start3A_419, %dma_start3A_420] : memref<4096x4x1024xf32, #tpu.memory_space<hbm>> -> memref<8x4x1024xf32, #tpu.memory_space<hbm>>
    tpu.enqueue_dma source(%dma_start3A_421 : memref<8x4x1024xf32, #tpu.memory_space<hbm>>) target(%arg5 : memref<8x4x1024xf32, #tpu.memory_space<vmem>>) target_semaphore(%arg11 : memref<!tpu.dma_semaphore, #tpu.memory_space<semaphore_mem>>)
    %dma_start3A_422 = arith.constant 0 : i32
    %dma_start3A_423 = tpu.memref_slice %arg3[%add3A_415, %dma_start3A_422] : memref<8192x1024xf32, #tpu.memory_space<hbm>> -> memref<8x1024xf32, #tpu.memory_space<hbm>>
    %dma_start3A_424 = arith.constant 0 : i32
    %dma_start3A_425 = tpu.memref_slice %arg3[%add3A_415, %dma_start3A_424] : memref<8192x1024xf32, #tpu.memory_space<hbm>> -> memref<8x1024xf32, #tpu.memory_space<hbm>>
    tpu.enqueue_dma source(%dma_start3A_425 : memref<8x1024xf32, #tpu.memory_space<hbm>>) target(%arg8 : memref<8x1024xf32, #tpu.memory_space<vmem>>) target_semaphore(%arg14 : memref<!tpu.dma_semaphore, #tpu.memory_space<semaphore_mem>>)
    %dma_wait3A_426 = arith.constant 0 : i32
    %dma_wait3A_427 = arith.constant 0 : i32
    %dma_wait3A_428 = tpu.memref_slice %arg2[%add3A_337, %dma_wait3A_426, %dma_wait3A_427] : memref<4096x4x1024xf32, #tpu.memory_space<hbm>> -> memref<8x4x1024xf32, #tpu.memory_space<hbm>>
    %dma_wait3A_429 = arith.constant 0 : i32
    %dma_wait3A_430 = arith.constant 0 : i32
    %dma_wait3A_431 = tpu.memref_slice %arg2[%add3A_337, %dma_wait3A_429, %dma_wait3A_430] : memref<4096x4x1024xf32, #tpu.memory_space<hbm>> -> memref<8x4x1024xf32, #tpu.memory_space<hbm>>
    tpu.wait_dma2 semaphore(%arg12 : memref<!tpu.dma_semaphore, #tpu.memory_space<semaphore_mem>>) src(%dma_wait3A_431 : memref<8x4x1024xf32, #tpu.memory_space<hbm>>) dst(%arg6 : memref<8x4x1024xf32, #tpu.memory_space<vmem>>)
    %dma_wait3A_432 = arith.constant 0 : i32
    %dma_wait3A_433 = tpu.memref_slice %arg3[%add3A_337, %dma_wait3A_432] : memref<8192x1024xf32, #tpu.memory_space<hbm>> -> memref<8x1024xf32, #tpu.memory_space<hbm>>
    %dma_wait3A_434 = arith.constant 0 : i32
    %dma_wait3A_435 = tpu.memref_slice %arg3[%add3A_337, %dma_wait3A_434] : memref<8192x1024xf32, #tpu.memory_space<hbm>> -> memref<8x1024xf32, #tpu.memory_space<hbm>>
    tpu.wait_dma2 semaphore(%arg15 : memref<!tpu.dma_semaphore, #tpu.memory_space<semaphore_mem>>) src(%dma_wait3A_435 : memref<8x1024xf32, #tpu.memory_space<hbm>>) dst(%arg9 : memref<8x1024xf32, #tpu.memory_space<vmem>>)
    %parallel_loop3A_436 = arith.constant 0 : i32
    %parallel_loop3A_437 = arith.constant 512 : i32
    %parallel_loop3A_438 = arith.constant 1 : i32
    scf.for %parallel_loop3A_624 = %parallel_loop3A_436 to %parallel_loop3A_437 step %parallel_loop3A_438  : i32 {
      %parallel_loop3A_625 = arith.constant 6 : i32
      %parallel_loop3A_626 = arith.shrsi %parallel_loop3A_624, %parallel_loop3A_625 : i32
      %parallel_loop3A_627 = arith.constant 63 : i32
      %parallel_loop3A_628 = arith.andi %parallel_loop3A_624, %parallel_loop3A_627 : i32
      %parallel_loop3A_629 = arith.constant 16 : i32
      %parallel_loop3A_630 = arith.muli %parallel_loop3A_628, %parallel_loop3A_629 : i32
      %parallel_loop3A_631 = arith.index_cast %parallel_loop3A_626 : i32 to index
      %parallel_loop3A_632 = arith.index_cast %parallel_loop3A_630 : i32 to index
      %parallel_loop3A_633 = tpu.vector_load %arg9[%parallel_loop3A_631, %parallel_loop3A_632] {strides = array<i32>} : memref<8x1024xf32, #tpu.memory_space<vmem>>, vector<1x16xf32>,
      %parallel_loop3A_634 = vector.shape_cast %parallel_loop3A_633 : vector<1x16xf32> to vector<16xf32>
      %parallel_loop3A_635 = arith.constant 0 : i32
      %parallel_loop3A_636 = arith.index_cast %parallel_loop3A_626 : i32 to index
      %parallel_loop3A_637 = arith.index_cast %parallel_loop3A_635 : i32 to index
      %parallel_loop3A_638 = arith.index_cast %parallel_loop3A_630 : i32 to index
      %parallel_loop3A_639 = tpu.vector_load %arg6[%parallel_loop3A_636, %parallel_loop3A_637, %parallel_loop3A_638] {strides = array<i32>} : memref<8x4x1024xf32, #tpu.memory_space<vmem>>, vector<1x1x16xf32>,
      %parallel_loop3A_640 = vector.shape_cast %parallel_loop3A_639 : vector<1x1x16xf32> to vector<16xf32>
      %parallel_loop3A_641 = arith.addf %parallel_loop3A_640, %parallel_loop3A_634 : vector<16xf32>
      %parallel_loop3A_642 = arith.constant 0 : i32
      %parallel_loop3A_643 = arith.index_cast %parallel_loop3A_626 : i32 to index
      %parallel_loop3A_644 = arith.index_cast %parallel_loop3A_642 : i32 to index
      %parallel_loop3A_645 = arith.index_cast %parallel_loop3A_630 : i32 to index
      %parallel_loop3A_646 = tpu.vector_load %arg6[%parallel_loop3A_643, %parallel_loop3A_644, %parallel_loop3A_645] {strides = array<i32>} : memref<8x4x1024xf32, #tpu.memory_space<vmem>>, vector<1x1x16xf32>,
      %parallel_loop3A_647 = vector.shape_cast %parallel_loop3A_646 : vector<1x1x16xf32> to vector<16xf32>
      %parallel_loop3A_648 = vector.shape_cast %parallel_loop3A_641 : vector<16xf32> to vector<1x1x16xf32>
      tpu.vector_store %arg6[%parallel_loop3A_643, %parallel_loop3A_644, %parallel_loop3A_645], %parallel_loop3A_648 {strides = array<i32>} : memref<8x4x1024xf32, #tpu.memory_space<vmem>>, vector<1x1x16xf32>,
      %parallel_loop3A_649 = arith.constant 1 : i32
      %parallel_loop3A_650 = arith.index_cast %parallel_loop3A_626 : i32 to index
      %parallel_loop3A_651 = arith.index_cast %parallel_loop3A_649 : i32 to index
      %parallel_loop3A_652 = arith.index_cast %parallel_loop3A_630 : i32 to index
      %parallel_loop3A_653 = tpu.vector_load %arg6[%parallel_loop3A_650, %parallel_loop3A_651, %parallel_loop3A_652] {strides = array<i32>} : memref<8x4x1024xf32, #tpu.memory_space<vmem>>, vector<1x1x16xf32>,
      %parallel_loop3A_654 = vector.shape_cast %parallel_loop3A_653 : vector<1x1x16xf32> to vector<16xf32>
      %parallel_loop3A_655 = arith.addf %parallel_loop3A_654, %parallel_loop3A_634 : vector<16xf32>
      %parallel_loop3A_656 = arith.constant 1 : i32
      %parallel_loop3A_657 = arith.index_cast %parallel_loop3A_626 : i32 to index
      %parallel_loop3A_658 = arith.index_cast %parallel_loop3A_656 : i32 to index
      %parallel_loop3A_659 = arith.index_cast %parallel_loop3A_630 : i32 to index
      %parallel_loop3A_660 = tpu.vector_load %arg6[%parallel_loop3A_657, %parallel_loop3A_658, %parallel_loop3A_659] {strides = array<i32>} : memref<8x4x1024xf32, #tpu.memory_space<vmem>>, vector<1x1x16xf32>,
      %parallel_loop3A_661 = vector.shape_cast %parallel_loop3A_660 : vector<1x1x16xf32> to vector<16xf32>
      %parallel_loop3A_662 = vector.shape_cast %parallel_loop3A_655 : vector<16xf32> to vector<1x1x16xf32>
      tpu.vector_store %arg6[%parallel_loop3A_657, %parallel_loop3A_658, %parallel_loop3A_659], %parallel_loop3A_662 {strides = array<i32>} : memref<8x4x1024xf32, #tpu.memory_space<vmem>>, vector<1x1x16xf32>,
      %parallel_loop3A_663 = arith.constant 2 : i32
      %parallel_loop3A_664 = arith.index_cast %parallel_loop3A_626 : i32 to index
      %parallel_loop3A_665 = arith.index_cast %parallel_loop3A_663 : i32 to index
      %parallel_loop3A_666 = arith.index_cast %parallel_loop3A_630 : i32 to index
      %parallel_loop3A_667 = tpu.vector_load %arg6[%parallel_loop3A_664, %parallel_loop3A_665, %parallel_loop3A_666] {strides = array<i32>} : memref<8x4x1024xf32, #tpu.memory_space<vmem>>, vector<1x1x16xf32>,
      %parallel_loop3A_668 = vector.shape_cast %parallel_loop3A_667 : vector<1x1x16xf32> to vector<16xf32>
      %parallel_loop3A_669 = arith.addf %parallel_loop3A_668, %parallel_loop3A_634 : vector<16xf32>
      %parallel_loop3A_670 = arith.constant 2 : i32
      %parallel_loop3A_671 = arith.index_cast %parallel_loop3A_626 : i32 to index
      %parallel_loop3A_672 = arith.index_cast %parallel_loop3A_670 : i32 to index
      %parallel_loop3A_673 = arith.index_cast %parallel_loop3A_630 : i32 to index
      %parallel_loop3A_674 = tpu.vector_load %arg6[%parallel_loop3A_671, %parallel_loop3A_672, %parallel_loop3A_673] {strides = array<i32>} : memref<8x4x1024xf32, #tpu.memory_space<vmem>>, vector<1x1x16xf32>,
      %parallel_loop3A_675 = vector.shape_cast %parallel_loop3A_674 : vector<1x1x16xf32> to vector<16xf32>
      %parallel_loop3A_676 = vector.shape_cast %parallel_loop3A_669 : vector<16xf32> to vector<1x1x16xf32>
      tpu.vector_store %arg6[%parallel_loop3A_671, %parallel_loop3A_672, %parallel_loop3A_673], %parallel_loop3A_676 {strides = array<i32>} : memref<8x4x1024xf32, #tpu.memory_space<vmem>>, vector<1x1x16xf32>,
      %parallel_loop3A_677 = arith.constant 3 : i32
      %parallel_loop3A_678 = arith.index_cast %parallel_loop3A_626 : i32 to index
      %parallel_loop3A_679 = arith.index_cast %parallel_loop3A_677 : i32 to index
      %parallel_loop3A_680 = arith.index_cast %parallel_loop3A_630 : i32 to index
      %parallel_loop3A_681 = tpu.vector_load %arg6[%parallel_loop3A_678, %parallel_loop3A_679, %parallel_loop3A_680] {strides = array<i32>} : memref<8x4x1024xf32, #tpu.memory_space<vmem>>, vector<1x1x16xf32>,
      %parallel_loop3A_682 = vector.shape_cast %parallel_loop3A_681 : vector<1x1x16xf32> to vector<16xf32>
      %parallel_loop3A_683 = arith.addf %parallel_loop3A_682, %parallel_loop3A_634 : vector<16xf32>
      %parallel_loop3A_684 = arith.constant 3 : i32
      %parallel_loop3A_685 = arith.index_cast %parallel_loop3A_626 : i32 to index
      %parallel_loop3A_686 = arith.index_cast %parallel_loop3A_684 : i32 to index
      %parallel_loop3A_687 = arith.index_cast %parallel_loop3A_630 : i32 to index
      %parallel_loop3A_688 = tpu.vector_load %arg6[%parallel_loop3A_685, %parallel_loop3A_686, %parallel_loop3A_687] {strides = array<i32>} : memref<8x4x1024xf32, #tpu.memory_space<vmem>>, vector<1x1x16xf32>,
      %parallel_loop3A_689 = vector.shape_cast %parallel_loop3A_688 : vector<1x1x16xf32> to vector<16xf32>
      %parallel_loop3A_690 = vector.shape_cast %parallel_loop3A_683 : vector<16xf32> to vector<1x1x16xf32>
      tpu.vector_store %arg6[%parallel_loop3A_685, %parallel_loop3A_686, %parallel_loop3A_687], %parallel_loop3A_690 {strides = array<i32>} : memref<8x4x1024xf32, #tpu.memory_space<vmem>>, vector<1x1x16xf32>,
    } {sc.loop_unroll_factor = 4 : i64, sc.parallel_access}
    %add3A_439 = arith.constant 80 : i32
    %add3A_440 = arith.addi %mul3A_2, %add3A_439 : i32
    %dma_start3A_441 = arith.constant 0 : i32
    %dma_start3A_442 = arith.constant 0 : i32
    %dma_start3A_443 = tpu.memref_slice %arg4[%add3A_440, %dma_start3A_441, %dma_start3A_442] : memref<4096x4x1024xf32, #tpu.memory_space<hbm>> -> memref<8x4x1024xf32, #tpu.memory_space<hbm>>
    %dma_start3A_444 = arith.constant 0 : i32
    %dma_start3A_445 = arith.constant 0 : i32
    %dma_start3A_446 = tpu.memref_slice %arg4[%add3A_440, %dma_start3A_444, %dma_start3A_445] : memref<4096x4x1024xf32, #tpu.memory_space<hbm>> -> memref<8x4x1024xf32, #tpu.memory_space<hbm>>
    tpu.enqueue_dma source(%arg6 : memref<8x4x1024xf32, #tpu.memory_space<vmem>>) target(%dma_start3A_446 : memref<8x4x1024xf32, #tpu.memory_space<hbm>>) target_semaphore(%arg18 : memref<!tpu.dma_semaphore, #tpu.memory_space<semaphore_mem>>)
    %dma_wait3A_447 = arith.constant 0 : i32
    %dma_wait3A_448 = arith.constant 0 : i32
    %dma_wait3A_449 = tpu.memref_slice %arg4[%add3A_440, %dma_wait3A_447, %dma_wait3A_448] : memref<4096x4x1024xf32, #tpu.memory_space<hbm>> -> memref<8x4x1024xf32, #tpu.memory_space<hbm>>
    %dma_wait3A_450 = arith.constant 0 : i32
    %dma_wait3A_451 = arith.constant 0 : i32
    %dma_wait3A_452 = tpu.memref_slice %arg4[%add3A_440, %dma_wait3A_450, %dma_wait3A_451] : memref<4096x4x1024xf32, #tpu.memory_space<hbm>> -> memref<8x4x1024xf32, #tpu.memory_space<hbm>>
    tpu.wait_dma2 semaphore(%arg18 : memref<!tpu.dma_semaphore, #tpu.memory_space<semaphore_mem>>) src(%arg6 : memref<8x4x1024xf32, #tpu.memory_space<vmem>>) dst(%dma_wait3A_452 : memref<8x4x1024xf32, #tpu.memory_space<hbm>>)
    %add3A_453 = arith.constant 104 : i32
    %add3A_454 = arith.addi %mul3A_2, %add3A_453 : i32
    %dma_start3A_455 = arith.constant 0 : i32
    %dma_start3A_456 = arith.constant 0 : i32
    %dma_start3A_457 = tpu.memref_slice %arg2[%add3A_454, %dma_start3A_455, %dma_start3A_456] : memref<4096x4x1024xf32, #tpu.memory_space<hbm>> -> memref<8x4x1024xf32, #tpu.memory_space<hbm>>
    %dma_start3A_458 = arith.constant 0 : i32
    %dma_start3A_459 = arith.constant 0 : i32
    %dma_start3A_460 = tpu.memref_slice %arg2[%add3A_454, %dma_start3A_458, %dma_start3A_459] : memref<4096x4x1024xf32, #tpu.memory_space<hbm>> -> memref<8x4x1024xf32, #tpu.memory_space<hbm>>
    tpu.enqueue_dma source(%dma_start3A_460 : memref<8x4x1024xf32, #tpu.memory_space<hbm>>) target(%arg6 : memref<8x4x1024xf32, #tpu.memory_space<vmem>>) target_semaphore(%arg12 : memref<!tpu.dma_semaphore, #tpu.memory_space<semaphore_mem>>)
    %dma_start3A_461 = arith.constant 0 : i32
    %dma_start3A_462 = tpu.memref_slice %arg3[%add3A_454, %dma_start3A_461] : memref<8192x1024xf32, #tpu.memory_space<hbm>> -> memref<8x1024xf32, #tpu.memory_space<hbm>>
    %dma_start3A_463 = arith.constant 0 : i32
    %dma_start3A_464 = tpu.memref_slice %arg3[%add3A_454, %dma_start3A_463] : memref<8192x1024xf32, #tpu.memory_space<hbm>> -> memref<8x1024xf32, #tpu.memory_space<hbm>>
    tpu.enqueue_dma source(%dma_start3A_464 : memref<8x1024xf32, #tpu.memory_space<hbm>>) target(%arg9 : memref<8x1024xf32, #tpu.memory_space<vmem>>) target_semaphore(%arg15 : memref<!tpu.dma_semaphore, #tpu.memory_space<semaphore_mem>>)
    %dma_wait3A_465 = arith.constant 0 : i32
    %dma_wait3A_466 = arith.constant 0 : i32
    %dma_wait3A_467 = tpu.memref_slice %arg2[%add3A_376, %dma_wait3A_465, %dma_wait3A_466] : memref<4096x4x1024xf32, #tpu.memory_space<hbm>> -> memref<8x4x1024xf32, #tpu.memory_space<hbm>>
    %dma_wait3A_468 = arith.constant 0 : i32
    %dma_wait3A_469 = arith.constant 0 : i32
    %dma_wait3A_470 = tpu.memref_slice %arg2[%add3A_376, %dma_wait3A_468, %dma_wait3A_469] : memref<4096x4x1024xf32, #tpu.memory_space<hbm>> -> memref<8x4x1024xf32, #tpu.memory_space<hbm>>
    tpu.wait_dma2 semaphore(%arg13 : memref<!tpu.dma_semaphore, #tpu.memory_space<semaphore_mem>>) src(%dma_wait3A_470 : memref<8x4x1024xf32, #tpu.memory_space<hbm>>) dst(%arg7 : memref<8x4x1024xf32, #tpu.memory_space<vmem>>)
    %dma_wait3A_471 = arith.constant 0 : i32
    %dma_wait3A_472 = tpu.memref_slice %arg3[%add3A_376, %dma_wait3A_471] : memref<8192x1024xf32, #tpu.memory_space<hbm>> -> memref<8x1024xf32, #tpu.memory_space<hbm>>
    %dma_wait3A_473 = arith.constant 0 : i32
    %dma_wait3A_474 = tpu.memref_slice %arg3[%add3A_376, %dma_wait3A_473] : memref<8192x1024xf32, #tpu.memory_space<hbm>> -> memref<8x1024xf32, #tpu.memory_space<hbm>>
    tpu.wait_dma2 semaphore(%arg16 : memref<!tpu.dma_semaphore, #tpu.memory_space<semaphore_mem>>) src(%dma_wait3A_474 : memref<8x1024xf32, #tpu.memory_space<hbm>>) dst(%arg10 : memref<8x1024xf32, #tpu.memory_space<vmem>>)
    %parallel_loop3A_475 = arith.constant 0 : i32
    %parallel_loop3A_476 = arith.constant 512 : i32
    %parallel_loop3A_477 = arith.constant 1 : i32
    scf.for %parallel_loop3A_624 = %parallel_loop3A_475 to %parallel_loop3A_476 step %parallel_loop3A_477  : i32 {
      %parallel_loop3A_625 = arith.constant 6 : i32
      %parallel_loop3A_626 = arith.shrsi %parallel_loop3A_624, %parallel_loop3A_625 : i32
      %parallel_loop3A_627 = arith.constant 63 : i32
      %parallel_loop3A_628 = arith.andi %parallel_loop3A_624, %parallel_loop3A_627 : i32
      %parallel_loop3A_629 = arith.constant 16 : i32
      %parallel_loop3A_630 = arith.muli %parallel_loop3A_628, %parallel_loop3A_629 : i32
      %parallel_loop3A_631 = arith.index_cast %parallel_loop3A_626 : i32 to index
      %parallel_loop3A_632 = arith.index_cast %parallel_loop3A_630 : i32 to index
      %parallel_loop3A_633 = tpu.vector_load %arg10[%parallel_loop3A_631, %parallel_loop3A_632] {strides = array<i32>} : memref<8x1024xf32, #tpu.memory_space<vmem>>, vector<1x16xf32>,
      %parallel_loop3A_634 = vector.shape_cast %parallel_loop3A_633 : vector<1x16xf32> to vector<16xf32>
      %parallel_loop3A_635 = arith.constant 0 : i32
      %parallel_loop3A_636 = arith.index_cast %parallel_loop3A_626 : i32 to index
      %parallel_loop3A_637 = arith.index_cast %parallel_loop3A_635 : i32 to index
      %parallel_loop3A_638 = arith.index_cast %parallel_loop3A_630 : i32 to index
      %parallel_loop3A_639 = tpu.vector_load %arg7[%parallel_loop3A_636, %parallel_loop3A_637, %parallel_loop3A_638] {strides = array<i32>} : memref<8x4x1024xf32, #tpu.memory_space<vmem>>, vector<1x1x16xf32>,
      %parallel_loop3A_640 = vector.shape_cast %parallel_loop3A_639 : vector<1x1x16xf32> to vector<16xf32>
      %parallel_loop3A_641 = arith.addf %parallel_loop3A_640, %parallel_loop3A_634 : vector<16xf32>
      %parallel_loop3A_642 = arith.constant 0 : i32
      %parallel_loop3A_643 = arith.index_cast %parallel_loop3A_626 : i32 to index
      %parallel_loop3A_644 = arith.index_cast %parallel_loop3A_642 : i32 to index
      %parallel_loop3A_645 = arith.index_cast %parallel_loop3A_630 : i32 to index
      %parallel_loop3A_646 = tpu.vector_load %arg7[%parallel_loop3A_643, %parallel_loop3A_644, %parallel_loop3A_645] {strides = array<i32>} : memref<8x4x1024xf32, #tpu.memory_space<vmem>>, vector<1x1x16xf32>,
      %parallel_loop3A_647 = vector.shape_cast %parallel_loop3A_646 : vector<1x1x16xf32> to vector<16xf32>
      %parallel_loop3A_648 = vector.shape_cast %parallel_loop3A_641 : vector<16xf32> to vector<1x1x16xf32>
      tpu.vector_store %arg7[%parallel_loop3A_643, %parallel_loop3A_644, %parallel_loop3A_645], %parallel_loop3A_648 {strides = array<i32>} : memref<8x4x1024xf32, #tpu.memory_space<vmem>>, vector<1x1x16xf32>,
      %parallel_loop3A_649 = arith.constant 1 : i32
      %parallel_loop3A_650 = arith.index_cast %parallel_loop3A_626 : i32 to index
      %parallel_loop3A_651 = arith.index_cast %parallel_loop3A_649 : i32 to index
      %parallel_loop3A_652 = arith.index_cast %parallel_loop3A_630 : i32 to index
      %parallel_loop3A_653 = tpu.vector_load %arg7[%parallel_loop3A_650, %parallel_loop3A_651, %parallel_loop3A_652] {strides = array<i32>} : memref<8x4x1024xf32, #tpu.memory_space<vmem>>, vector<1x1x16xf32>,
      %parallel_loop3A_654 = vector.shape_cast %parallel_loop3A_653 : vector<1x1x16xf32> to vector<16xf32>
      %parallel_loop3A_655 = arith.addf %parallel_loop3A_654, %parallel_loop3A_634 : vector<16xf32>
      %parallel_loop3A_656 = arith.constant 1 : i32
      %parallel_loop3A_657 = arith.index_cast %parallel_loop3A_626 : i32 to index
      %parallel_loop3A_658 = arith.index_cast %parallel_loop3A_656 : i32 to index
      %parallel_loop3A_659 = arith.index_cast %parallel_loop3A_630 : i32 to index
      %parallel_loop3A_660 = tpu.vector_load %arg7[%parallel_loop3A_657, %parallel_loop3A_658, %parallel_loop3A_659] {strides = array<i32>} : memref<8x4x1024xf32, #tpu.memory_space<vmem>>, vector<1x1x16xf32>,
      %parallel_loop3A_661 = vector.shape_cast %parallel_loop3A_660 : vector<1x1x16xf32> to vector<16xf32>
      %parallel_loop3A_662 = vector.shape_cast %parallel_loop3A_655 : vector<16xf32> to vector<1x1x16xf32>
      tpu.vector_store %arg7[%parallel_loop3A_657, %parallel_loop3A_658, %parallel_loop3A_659], %parallel_loop3A_662 {strides = array<i32>} : memref<8x4x1024xf32, #tpu.memory_space<vmem>>, vector<1x1x16xf32>,
      %parallel_loop3A_663 = arith.constant 2 : i32
      %parallel_loop3A_664 = arith.index_cast %parallel_loop3A_626 : i32 to index
      %parallel_loop3A_665 = arith.index_cast %parallel_loop3A_663 : i32 to index
      %parallel_loop3A_666 = arith.index_cast %parallel_loop3A_630 : i32 to index
      %parallel_loop3A_667 = tpu.vector_load %arg7[%parallel_loop3A_664, %parallel_loop3A_665, %parallel_loop3A_666] {strides = array<i32>} : memref<8x4x1024xf32, #tpu.memory_space<vmem>>, vector<1x1x16xf32>,
      %parallel_loop3A_668 = vector.shape_cast %parallel_loop3A_667 : vector<1x1x16xf32> to vector<16xf32>
      %parallel_loop3A_669 = arith.addf %parallel_loop3A_668, %parallel_loop3A_634 : vector<16xf32>
      %parallel_loop3A_670 = arith.constant 2 : i32
      %parallel_loop3A_671 = arith.index_cast %parallel_loop3A_626 : i32 to index
      %parallel_loop3A_672 = arith.index_cast %parallel_loop3A_670 : i32 to index
      %parallel_loop3A_673 = arith.index_cast %parallel_loop3A_630 : i32 to index
      %parallel_loop3A_674 = tpu.vector_load %arg7[%parallel_loop3A_671, %parallel_loop3A_672, %parallel_loop3A_673] {strides = array<i32>} : memref<8x4x1024xf32, #tpu.memory_space<vmem>>, vector<1x1x16xf32>,
      %parallel_loop3A_675 = vector.shape_cast %parallel_loop3A_674 : vector<1x1x16xf32> to vector<16xf32>
      %parallel_loop3A_676 = vector.shape_cast %parallel_loop3A_669 : vector<16xf32> to vector<1x1x16xf32>
      tpu.vector_store %arg7[%parallel_loop3A_671, %parallel_loop3A_672, %parallel_loop3A_673], %parallel_loop3A_676 {strides = array<i32>} : memref<8x4x1024xf32, #tpu.memory_space<vmem>>, vector<1x1x16xf32>,
      %parallel_loop3A_677 = arith.constant 3 : i32
      %parallel_loop3A_678 = arith.index_cast %parallel_loop3A_626 : i32 to index
      %parallel_loop3A_679 = arith.index_cast %parallel_loop3A_677 : i32 to index
      %parallel_loop3A_680 = arith.index_cast %parallel_loop3A_630 : i32 to index
      %parallel_loop3A_681 = tpu.vector_load %arg7[%parallel_loop3A_678, %parallel_loop3A_679, %parallel_loop3A_680] {strides = array<i32>} : memref<8x4x1024xf32, #tpu.memory_space<vmem>>, vector<1x1x16xf32>,
      %parallel_loop3A_682 = vector.shape_cast %parallel_loop3A_681 : vector<1x1x16xf32> to vector<16xf32>
      %parallel_loop3A_683 = arith.addf %parallel_loop3A_682, %parallel_loop3A_634 : vector<16xf32>
      %parallel_loop3A_684 = arith.constant 3 : i32
      %parallel_loop3A_685 = arith.index_cast %parallel_loop3A_626 : i32 to index
      %parallel_loop3A_686 = arith.index_cast %parallel_loop3A_684 : i32 to index
      %parallel_loop3A_687 = arith.index_cast %parallel_loop3A_630 : i32 to index
      %parallel_loop3A_688 = tpu.vector_load %arg7[%parallel_loop3A_685, %parallel_loop3A_686, %parallel_loop3A_687] {strides = array<i32>} : memref<8x4x1024xf32, #tpu.memory_space<vmem>>, vector<1x1x16xf32>,
      %parallel_loop3A_689 = vector.shape_cast %parallel_loop3A_688 : vector<1x1x16xf32> to vector<16xf32>
      %parallel_loop3A_690 = vector.shape_cast %parallel_loop3A_683 : vector<16xf32> to vector<1x1x16xf32>
      tpu.vector_store %arg7[%parallel_loop3A_685, %parallel_loop3A_686, %parallel_loop3A_687], %parallel_loop3A_690 {strides = array<i32>} : memref<8x4x1024xf32, #tpu.memory_space<vmem>>, vector<1x1x16xf32>,
    } {sc.loop_unroll_factor = 4 : i64, sc.parallel_access}
    %add3A_478 = arith.constant 88 : i32
    %add3A_479 = arith.addi %mul3A_2, %add3A_478 : i32
    %dma_start3A_480 = arith.constant 0 : i32
    %dma_start3A_481 = arith.constant 0 : i32
    %dma_start3A_482 = tpu.memref_slice %arg4[%add3A_479, %dma_start3A_480, %dma_start3A_481] : memref<4096x4x1024xf32, #tpu.memory_space<hbm>> -> memref<8x4x1024xf32, #tpu.memory_space<hbm>>
    %dma_start3A_483 = arith.constant 0 : i32
    %dma_start3A_484 = arith.constant 0 : i32
    %dma_start3A_485 = tpu.memref_slice %arg4[%add3A_479, %dma_start3A_483, %dma_start3A_484] : memref<4096x4x1024xf32, #tpu.memory_space<hbm>> -> memref<8x4x1024xf32, #tpu.memory_space<hbm>>
    tpu.enqueue_dma source(%arg7 : memref<8x4x1024xf32, #tpu.memory_space<vmem>>) target(%dma_start3A_485 : memref<8x4x1024xf32, #tpu.memory_space<hbm>>) target_semaphore(%arg19 : memref<!tpu.dma_semaphore, #tpu.memory_space<semaphore_mem>>)
    %dma_wait3A_486 = arith.constant 0 : i32
    %dma_wait3A_487 = arith.constant 0 : i32
    %dma_wait3A_488 = tpu.memref_slice %arg4[%add3A_479, %dma_wait3A_486, %dma_wait3A_487] : memref<4096x4x1024xf32, #tpu.memory_space<hbm>> -> memref<8x4x1024xf32, #tpu.memory_space<hbm>>
    %dma_wait3A_489 = arith.constant 0 : i32
    %dma_wait3A_490 = arith.constant 0 : i32
    %dma_wait3A_491 = tpu.memref_slice %arg4[%add3A_479, %dma_wait3A_489, %dma_wait3A_490] : memref<4096x4x1024xf32, #tpu.memory_space<hbm>> -> memref<8x4x1024xf32, #tpu.memory_space<hbm>>
    tpu.wait_dma2 semaphore(%arg19 : memref<!tpu.dma_semaphore, #tpu.memory_space<semaphore_mem>>) src(%arg7 : memref<8x4x1024xf32, #tpu.memory_space<vmem>>) dst(%dma_wait3A_491 : memref<8x4x1024xf32, #tpu.memory_space<hbm>>)
    %add3A_492 = arith.constant 112 : i32
    %add3A_493 = arith.addi %mul3A_2, %add3A_492 : i32
    %dma_start3A_494 = arith.constant 0 : i32
    %dma_start3A_495 = arith.constant 0 : i32
    %dma_start3A_496 = tpu.memref_slice %arg2[%add3A_493, %dma_start3A_494, %dma_start3A_495] : memref<4096x4x1024xf32, #tpu.memory_space<hbm>> -> memref<8x4x1024xf32, #tpu.memory_space<hbm>>
    %dma_start3A_497 = arith.constant 0 : i32
    %dma_start3A_498 = arith.constant 0 : i32
    %dma_start3A_499 = tpu.memref_slice %arg2[%add3A_493, %dma_start3A_497, %dma_start3A_498] : memref<4096x4x1024xf32, #tpu.memory_space<hbm>> -> memref<8x4x1024xf32, #tpu.memory_space<hbm>>
    tpu.enqueue_dma source(%dma_start3A_499 : memref<8x4x1024xf32, #tpu.memory_space<hbm>>) target(%arg7 : memref<8x4x1024xf32, #tpu.memory_space<vmem>>) target_semaphore(%arg13 : memref<!tpu.dma_semaphore, #tpu.memory_space<semaphore_mem>>)
    %dma_start3A_500 = arith.constant 0 : i32
    %dma_start3A_501 = tpu.memref_slice %arg3[%add3A_493, %dma_start3A_500] : memref<8192x1024xf32, #tpu.memory_space<hbm>> -> memref<8x1024xf32, #tpu.memory_space<hbm>>
    %dma_start3A_502 = arith.constant 0 : i32
    %dma_start3A_503 = tpu.memref_slice %arg3[%add3A_493, %dma_start3A_502] : memref<8192x1024xf32, #tpu.memory_space<hbm>> -> memref<8x1024xf32, #tpu.memory_space<hbm>>
    tpu.enqueue_dma source(%dma_start3A_503 : memref<8x1024xf32, #tpu.memory_space<hbm>>) target(%arg10 : memref<8x1024xf32, #tpu.memory_space<vmem>>) target_semaphore(%arg16 : memref<!tpu.dma_semaphore, #tpu.memory_space<semaphore_mem>>)
    %dma_wait3A_504 = arith.constant 0 : i32
    %dma_wait3A_505 = arith.constant 0 : i32
    %dma_wait3A_506 = tpu.memref_slice %arg2[%add3A_415, %dma_wait3A_504, %dma_wait3A_505] : memref<4096x4x1024xf32, #tpu.memory_space<hbm>> -> memref<8x4x1024xf32, #tpu.memory_space<hbm>>
    %dma_wait3A_507 = arith.constant 0 : i32
    %dma_wait3A_508 = arith.constant 0 : i32
    %dma_wait3A_509 = tpu.memref_slice %arg2[%add3A_415, %dma_wait3A_507, %dma_wait3A_508] : memref<4096x4x1024xf32, #tpu.memory_space<hbm>> -> memref<8x4x1024xf32, #tpu.memory_space<hbm>>
    tpu.wait_dma2 semaphore(%arg11 : memref<!tpu.dma_semaphore, #tpu.memory_space<semaphore_mem>>) src(%dma_wait3A_509 : memref<8x4x1024xf32, #tpu.memory_space<hbm>>) dst(%arg5 : memref<8x4x1024xf32, #tpu.memory_space<vmem>>)
    %dma_wait3A_510 = arith.constant 0 : i32
    %dma_wait3A_511 = tpu.memref_slice %arg3[%add3A_415, %dma_wait3A_510] : memref<8192x1024xf32, #tpu.memory_space<hbm>> -> memref<8x1024xf32, #tpu.memory_space<hbm>>
    %dma_wait3A_512 = arith.constant 0 : i32
    %dma_wait3A_513 = tpu.memref_slice %arg3[%add3A_415, %dma_wait3A_512] : memref<8192x1024xf32, #tpu.memory_space<hbm>> -> memref<8x1024xf32, #tpu.memory_space<hbm>>
    tpu.wait_dma2 semaphore(%arg14 : memref<!tpu.dma_semaphore, #tpu.memory_space<semaphore_mem>>) src(%dma_wait3A_513 : memref<8x1024xf32, #tpu.memory_space<hbm>>) dst(%arg8 : memref<8x1024xf32, #tpu.memory_space<vmem>>)
    %parallel_loop3A_514 = arith.constant 0 : i32
    %parallel_loop3A_515 = arith.constant 512 : i32
    %parallel_loop3A_516 = arith.constant 1 : i32
    scf.for %parallel_loop3A_624 = %parallel_loop3A_514 to %parallel_loop3A_515 step %parallel_loop3A_516  : i32 {
      %parallel_loop3A_625 = arith.constant 6 : i32
      %parallel_loop3A_626 = arith.shrsi %parallel_loop3A_624, %parallel_loop3A_625 : i32
      %parallel_loop3A_627 = arith.constant 63 : i32
      %parallel_loop3A_628 = arith.andi %parallel_loop3A_624, %parallel_loop3A_627 : i32
      %parallel_loop3A_629 = arith.constant 16 : i32
      %parallel_loop3A_630 = arith.muli %parallel_loop3A_628, %parallel_loop3A_629 : i32
      %parallel_loop3A_631 = arith.index_cast %parallel_loop3A_626 : i32 to index
      %parallel_loop3A_632 = arith.index_cast %parallel_loop3A_630 : i32 to index
      %parallel_loop3A_633 = tpu.vector_load %arg8[%parallel_loop3A_631, %parallel_loop3A_632] {strides = array<i32>} : memref<8x1024xf32, #tpu.memory_space<vmem>>, vector<1x16xf32>,
      %parallel_loop3A_634 = vector.shape_cast %parallel_loop3A_633 : vector<1x16xf32> to vector<16xf32>
      %parallel_loop3A_635 = arith.constant 0 : i32
      %parallel_loop3A_636 = arith.index_cast %parallel_loop3A_626 : i32 to index
      %parallel_loop3A_637 = arith.index_cast %parallel_loop3A_635 : i32 to index
      %parallel_loop3A_638 = arith.index_cast %parallel_loop3A_630 : i32 to index
      %parallel_loop3A_639 = tpu.vector_load %arg5[%parallel_loop3A_636, %parallel_loop3A_637, %parallel_loop3A_638] {strides = array<i32>} : memref<8x4x1024xf32, #tpu.memory_space<vmem>>, vector<1x1x16xf32>,
      %parallel_loop3A_640 = vector.shape_cast %parallel_loop3A_639 : vector<1x1x16xf32> to vector<16xf32>
      %parallel_loop3A_641 = arith.addf %parallel_loop3A_640, %parallel_loop3A_634 : vector<16xf32>
      %parallel_loop3A_642 = arith.constant 0 : i32
      %parallel_loop3A_643 = arith.index_cast %parallel_loop3A_626 : i32 to index
      %parallel_loop3A_644 = arith.index_cast %parallel_loop3A_642 : i32 to index
      %parallel_loop3A_645 = arith.index_cast %parallel_loop3A_630 : i32 to index
      %parallel_loop3A_646 = tpu.vector_load %arg5[%parallel_loop3A_643, %parallel_loop3A_644, %parallel_loop3A_645] {strides = array<i32>} : memref<8x4x1024xf32, #tpu.memory_space<vmem>>, vector<1x1x16xf32>,
      %parallel_loop3A_647 = vector.shape_cast %parallel_loop3A_646 : vector<1x1x16xf32> to vector<16xf32>
      %parallel_loop3A_648 = vector.shape_cast %parallel_loop3A_641 : vector<16xf32> to vector<1x1x16xf32>
      tpu.vector_store %arg5[%parallel_loop3A_643, %parallel_loop3A_644, %parallel_loop3A_645], %parallel_loop3A_648 {strides = array<i32>} : memref<8x4x1024xf32, #tpu.memory_space<vmem>>, vector<1x1x16xf32>,
      %parallel_loop3A_649 = arith.constant 1 : i32
      %parallel_loop3A_650 = arith.index_cast %parallel_loop3A_626 : i32 to index
      %parallel_loop3A_651 = arith.index_cast %parallel_loop3A_649 : i32 to index
      %parallel_loop3A_652 = arith.index_cast %parallel_loop3A_630 : i32 to index
      %parallel_loop3A_653 = tpu.vector_load %arg5[%parallel_loop3A_650, %parallel_loop3A_651, %parallel_loop3A_652] {strides = array<i32>} : memref<8x4x1024xf32, #tpu.memory_space<vmem>>, vector<1x1x16xf32>,
      %parallel_loop3A_654 = vector.shape_cast %parallel_loop3A_653 : vector<1x1x16xf32> to vector<16xf32>
      %parallel_loop3A_655 = arith.addf %parallel_loop3A_654, %parallel_loop3A_634 : vector<16xf32>
      %parallel_loop3A_656 = arith.constant 1 : i32
      %parallel_loop3A_657 = arith.index_cast %parallel_loop3A_626 : i32 to index
      %parallel_loop3A_658 = arith.index_cast %parallel_loop3A_656 : i32 to index
      %parallel_loop3A_659 = arith.index_cast %parallel_loop3A_630 : i32 to index
      %parallel_loop3A_660 = tpu.vector_load %arg5[%parallel_loop3A_657, %parallel_loop3A_658, %parallel_loop3A_659] {strides = array<i32>} : memref<8x4x1024xf32, #tpu.memory_space<vmem>>, vector<1x1x16xf32>,
      %parallel_loop3A_661 = vector.shape_cast %parallel_loop3A_660 : vector<1x1x16xf32> to vector<16xf32>
      %parallel_loop3A_662 = vector.shape_cast %parallel_loop3A_655 : vector<16xf32> to vector<1x1x16xf32>
      tpu.vector_store %arg5[%parallel_loop3A_657, %parallel_loop3A_658, %parallel_loop3A_659], %parallel_loop3A_662 {strides = array<i32>} : memref<8x4x1024xf32, #tpu.memory_space<vmem>>, vector<1x1x16xf32>,
      %parallel_loop3A_663 = arith.constant 2 : i32
      %parallel_loop3A_664 = arith.index_cast %parallel_loop3A_626 : i32 to index
      %parallel_loop3A_665 = arith.index_cast %parallel_loop3A_663 : i32 to index
      %parallel_loop3A_666 = arith.index_cast %parallel_loop3A_630 : i32 to index
      %parallel_loop3A_667 = tpu.vector_load %arg5[%parallel_loop3A_664, %parallel_loop3A_665, %parallel_loop3A_666] {strides = array<i32>} : memref<8x4x1024xf32, #tpu.memory_space<vmem>>, vector<1x1x16xf32>,
      %parallel_loop3A_668 = vector.shape_cast %parallel_loop3A_667 : vector<1x1x16xf32> to vector<16xf32>
      %parallel_loop3A_669 = arith.addf %parallel_loop3A_668, %parallel_loop3A_634 : vector<16xf32>
      %parallel_loop3A_670 = arith.constant 2 : i32
      %parallel_loop3A_671 = arith.index_cast %parallel_loop3A_626 : i32 to index
      %parallel_loop3A_672 = arith.index_cast %parallel_loop3A_670 : i32 to index
      %parallel_loop3A_673 = arith.index_cast %parallel_loop3A_630 : i32 to index
      %parallel_loop3A_674 = tpu.vector_load %arg5[%parallel_loop3A_671, %parallel_loop3A_672, %parallel_loop3A_673] {strides = array<i32>} : memref<8x4x1024xf32, #tpu.memory_space<vmem>>, vector<1x1x16xf32>,
      %parallel_loop3A_675 = vector.shape_cast %parallel_loop3A_674 : vector<1x1x16xf32> to vector<16xf32>
      %parallel_loop3A_676 = vector.shape_cast %parallel_loop3A_669 : vector<16xf32> to vector<1x1x16xf32>
      tpu.vector_store %arg5[%parallel_loop3A_671, %parallel_loop3A_672, %parallel_loop3A_673], %parallel_loop3A_676 {strides = array<i32>} : memref<8x4x1024xf32, #tpu.memory_space<vmem>>, vector<1x1x16xf32>,
      %parallel_loop3A_677 = arith.constant 3 : i32
      %parallel_loop3A_678 = arith.index_cast %parallel_loop3A_626 : i32 to index
      %parallel_loop3A_679 = arith.index_cast %parallel_loop3A_677 : i32 to index
      %parallel_loop3A_680 = arith.index_cast %parallel_loop3A_630 : i32 to index
      %parallel_loop3A_681 = tpu.vector_load %arg5[%parallel_loop3A_678, %parallel_loop3A_679, %parallel_loop3A_680] {strides = array<i32>} : memref<8x4x1024xf32, #tpu.memory_space<vmem>>, vector<1x1x16xf32>,
      %parallel_loop3A_682 = vector.shape_cast %parallel_loop3A_681 : vector<1x1x16xf32> to vector<16xf32>
      %parallel_loop3A_683 = arith.addf %parallel_loop3A_682, %parallel_loop3A_634 : vector<16xf32>
      %parallel_loop3A_684 = arith.constant 3 : i32
      %parallel_loop3A_685 = arith.index_cast %parallel_loop3A_626 : i32 to index
      %parallel_loop3A_686 = arith.index_cast %parallel_loop3A_684 : i32 to index
      %parallel_loop3A_687 = arith.index_cast %parallel_loop3A_630 : i32 to index
      %parallel_loop3A_688 = tpu.vector_load %arg5[%parallel_loop3A_685, %parallel_loop3A_686, %parallel_loop3A_687] {strides = array<i32>} : memref<8x4x1024xf32, #tpu.memory_space<vmem>>, vector<1x1x16xf32>,
      %parallel_loop3A_689 = vector.shape_cast %parallel_loop3A_688 : vector<1x1x16xf32> to vector<16xf32>
      %parallel_loop3A_690 = vector.shape_cast %parallel_loop3A_683 : vector<16xf32> to vector<1x1x16xf32>
      tpu.vector_store %arg5[%parallel_loop3A_685, %parallel_loop3A_686, %parallel_loop3A_687], %parallel_loop3A_690 {strides = array<i32>} : memref<8x4x1024xf32, #tpu.memory_space<vmem>>, vector<1x1x16xf32>,
    } {sc.loop_unroll_factor = 4 : i64, sc.parallel_access}
    %add3A_517 = arith.constant 96 : i32
    %add3A_518 = arith.addi %mul3A_2, %add3A_517 : i32
    %dma_start3A_519 = arith.constant 0 : i32
    %dma_start3A_520 = arith.constant 0 : i32
    %dma_start3A_521 = tpu.memref_slice %arg4[%add3A_518, %dma_start3A_519, %dma_start3A_520] : memref<4096x4x1024xf32, #tpu.memory_space<hbm>> -> memref<8x4x1024xf32, #tpu.memory_space<hbm>>
    %dma_start3A_522 = arith.constant 0 : i32
    %dma_start3A_523 = arith.constant 0 : i32
    %dma_start3A_524 = tpu.memref_slice %arg4[%add3A_518, %dma_start3A_522, %dma_start3A_523] : memref<4096x4x1024xf32, #tpu.memory_space<hbm>> -> memref<8x4x1024xf32, #tpu.memory_space<hbm>>
    tpu.enqueue_dma source(%arg5 : memref<8x4x1024xf32, #tpu.memory_space<vmem>>) target(%dma_start3A_524 : memref<8x4x1024xf32, #tpu.memory_space<hbm>>) target_semaphore(%arg17 : memref<!tpu.dma_semaphore, #tpu.memory_space<semaphore_mem>>)
    %dma_wait3A_525 = arith.constant 0 : i32
    %dma_wait3A_526 = arith.constant 0 : i32
    %dma_wait3A_527 = tpu.memref_slice %arg4[%add3A_518, %dma_wait3A_525, %dma_wait3A_526] : memref<4096x4x1024xf32, #tpu.memory_space<hbm>> -> memref<8x4x1024xf32, #tpu.memory_space<hbm>>
    %dma_wait3A_528 = arith.constant 0 : i32
    %dma_wait3A_529 = arith.constant 0 : i32
    %dma_wait3A_530 = tpu.memref_slice %arg4[%add3A_518, %dma_wait3A_528, %dma_wait3A_529] : memref<4096x4x1024xf32, #tpu.memory_space<hbm>> -> memref<8x4x1024xf32, #tpu.memory_space<hbm>>
    tpu.wait_dma2 semaphore(%arg17 : memref<!tpu.dma_semaphore, #tpu.memory_space<semaphore_mem>>) src(%arg5 : memref<8x4x1024xf32, #tpu.memory_space<vmem>>) dst(%dma_wait3A_530 : memref<8x4x1024xf32, #tpu.memory_space<hbm>>)
    %add3A_531 = arith.constant 120 : i32
    %add3A_532 = arith.addi %mul3A_2, %add3A_531 : i32
    %dma_start3A_533 = arith.constant 0 : i32
    %dma_start3A_534 = arith.constant 0 : i32
    %dma_start3A_535 = tpu.memref_slice %arg2[%add3A_532, %dma_start3A_533, %dma_start3A_534] : memref<4096x4x1024xf32, #tpu.memory_space<hbm>> -> memref<8x4x1024xf32, #tpu.memory_space<hbm>>
    %dma_start3A_536 = arith.constant 0 : i32
    %dma_start3A_537 = arith.constant 0 : i32
    %dma_start3A_538 = tpu.memref_slice %arg2[%add3A_532, %dma_start3A_536, %dma_start3A_537] : memref<4096x4x1024xf32, #tpu.memory_space<hbm>> -> memref<8x4x1024xf32, #tpu.memory_space<hbm>>
    tpu.enqueue_dma source(%dma_start3A_538 : memref<8x4x1024xf32, #tpu.memory_space<hbm>>) target(%arg5 : memref<8x4x1024xf32, #tpu.memory_space<vmem>>) target_semaphore(%arg11 : memref<!tpu.dma_semaphore, #tpu.memory_space<semaphore_mem>>)
    %dma_start3A_539 = arith.constant 0 : i32
    %dma_start3A_540 = tpu.memref_slice %arg3[%add3A_532, %dma_start3A_539] : memref<8192x1024xf32, #tpu.memory_space<hbm>> -> memref<8x1024xf32, #tpu.memory_space<hbm>>
    %dma_start3A_541 = arith.constant 0 : i32
    %dma_start3A_542 = tpu.memref_slice %arg3[%add3A_532, %dma_start3A_541] : memref<8192x1024xf32, #tpu.memory_space<hbm>> -> memref<8x1024xf32, #tpu.memory_space<hbm>>
    tpu.enqueue_dma source(%dma_start3A_542 : memref<8x1024xf32, #tpu.memory_space<hbm>>) target(%arg8 : memref<8x1024xf32, #tpu.memory_space<vmem>>) target_semaphore(%arg14 : memref<!tpu.dma_semaphore, #tpu.memory_space<semaphore_mem>>)
    %dma_wait3A_543 = arith.constant 0 : i32
    %dma_wait3A_544 = arith.constant 0 : i32
    %dma_wait3A_545 = tpu.memref_slice %arg2[%add3A_454, %dma_wait3A_543, %dma_wait3A_544] : memref<4096x4x1024xf32, #tpu.memory_space<hbm>> -> memref<8x4x1024xf32, #tpu.memory_space<hbm>>
    %dma_wait3A_546 = arith.constant 0 : i32
    %dma_wait3A_547 = arith.constant 0 : i32
    %dma_wait3A_548 = tpu.memref_slice %arg2[%add3A_454, %dma_wait3A_546, %dma_wait3A_547] : memref<4096x4x1024xf32, #tpu.memory_space<hbm>> -> memref<8x4x1024xf32, #tpu.memory_space<hbm>>
    tpu.wait_dma2 semaphore(%arg12 : memref<!tpu.dma_semaphore, #tpu.memory_space<semaphore_mem>>) src(%dma_wait3A_548 : memref<8x4x1024xf32, #tpu.memory_space<hbm>>) dst(%arg6 : memref<8x4x1024xf32, #tpu.memory_space<vmem>>)
    %dma_wait3A_549 = arith.constant 0 : i32
    %dma_wait3A_550 = tpu.memref_slice %arg3[%add3A_454, %dma_wait3A_549] : memref<8192x1024xf32, #tpu.memory_space<hbm>> -> memref<8x1024xf32, #tpu.memory_space<hbm>>
    %dma_wait3A_551 = arith.constant 0 : i32
    %dma_wait3A_552 = tpu.memref_slice %arg3[%add3A_454, %dma_wait3A_551] : memref<8192x1024xf32, #tpu.memory_space<hbm>> -> memref<8x1024xf32, #tpu.memory_space<hbm>>
    tpu.wait_dma2 semaphore(%arg15 : memref<!tpu.dma_semaphore, #tpu.memory_space<semaphore_mem>>) src(%dma_wait3A_552 : memref<8x1024xf32, #tpu.memory_space<hbm>>) dst(%arg9 : memref<8x1024xf32, #tpu.memory_space<vmem>>)
    %parallel_loop3A_553 = arith.constant 0 : i32
    %parallel_loop3A_554 = arith.constant 512 : i32
    %parallel_loop3A_555 = arith.constant 1 : i32
    scf.for %parallel_loop3A_624 = %parallel_loop3A_553 to %parallel_loop3A_554 step %parallel_loop3A_555  : i32 {
      %parallel_loop3A_625 = arith.constant 6 : i32
      %parallel_loop3A_626 = arith.shrsi %parallel_loop3A_624, %parallel_loop3A_625 : i32
      %parallel_loop3A_627 = arith.constant 63 : i32
      %parallel_loop3A_628 = arith.andi %parallel_loop3A_624, %parallel_loop3A_627 : i32
      %parallel_loop3A_629 = arith.constant 16 : i32
      %parallel_loop3A_630 = arith.muli %parallel_loop3A_628, %parallel_loop3A_629 : i32
      %parallel_loop3A_631 = arith.index_cast %parallel_loop3A_626 : i32 to index
      %parallel_loop3A_632 = arith.index_cast %parallel_loop3A_630 : i32 to index
      %parallel_loop3A_633 = tpu.vector_load %arg9[%parallel_loop3A_631, %parallel_loop3A_632] {strides = array<i32>} : memref<8x1024xf32, #tpu.memory_space<vmem>>, vector<1x16xf32>,
      %parallel_loop3A_634 = vector.shape_cast %parallel_loop3A_633 : vector<1x16xf32> to vector<16xf32>
      %parallel_loop3A_635 = arith.constant 0 : i32
      %parallel_loop3A_636 = arith.index_cast %parallel_loop3A_626 : i32 to index
      %parallel_loop3A_637 = arith.index_cast %parallel_loop3A_635 : i32 to index
      %parallel_loop3A_638 = arith.index_cast %parallel_loop3A_630 : i32 to index
      %parallel_loop3A_639 = tpu.vector_load %arg6[%parallel_loop3A_636, %parallel_loop3A_637, %parallel_loop3A_638] {strides = array<i32>} : memref<8x4x1024xf32, #tpu.memory_space<vmem>>, vector<1x1x16xf32>,
      %parallel_loop3A_640 = vector.shape_cast %parallel_loop3A_639 : vector<1x1x16xf32> to vector<16xf32>
      %parallel_loop3A_641 = arith.addf %parallel_loop3A_640, %parallel_loop3A_634 : vector<16xf32>
      %parallel_loop3A_642 = arith.constant 0 : i32
      %parallel_loop3A_643 = arith.index_cast %parallel_loop3A_626 : i32 to index
      %parallel_loop3A_644 = arith.index_cast %parallel_loop3A_642 : i32 to index
      %parallel_loop3A_645 = arith.index_cast %parallel_loop3A_630 : i32 to index
      %parallel_loop3A_646 = tpu.vector_load %arg6[%parallel_loop3A_643, %parallel_loop3A_644, %parallel_loop3A_645] {strides = array<i32>} : memref<8x4x1024xf32, #tpu.memory_space<vmem>>, vector<1x1x16xf32>,
      %parallel_loop3A_647 = vector.shape_cast %parallel_loop3A_646 : vector<1x1x16xf32> to vector<16xf32>
      %parallel_loop3A_648 = vector.shape_cast %parallel_loop3A_641 : vector<16xf32> to vector<1x1x16xf32>
      tpu.vector_store %arg6[%parallel_loop3A_643, %parallel_loop3A_644, %parallel_loop3A_645], %parallel_loop3A_648 {strides = array<i32>} : memref<8x4x1024xf32, #tpu.memory_space<vmem>>, vector<1x1x16xf32>,
      %parallel_loop3A_649 = arith.constant 1 : i32
      %parallel_loop3A_650 = arith.index_cast %parallel_loop3A_626 : i32 to index
      %parallel_loop3A_651 = arith.index_cast %parallel_loop3A_649 : i32 to index
      %parallel_loop3A_652 = arith.index_cast %parallel_loop3A_630 : i32 to index
      %parallel_loop3A_653 = tpu.vector_load %arg6[%parallel_loop3A_650, %parallel_loop3A_651, %parallel_loop3A_652] {strides = array<i32>} : memref<8x4x1024xf32, #tpu.memory_space<vmem>>, vector<1x1x16xf32>,
      %parallel_loop3A_654 = vector.shape_cast %parallel_loop3A_653 : vector<1x1x16xf32> to vector<16xf32>
      %parallel_loop3A_655 = arith.addf %parallel_loop3A_654, %parallel_loop3A_634 : vector<16xf32>
      %parallel_loop3A_656 = arith.constant 1 : i32
      %parallel_loop3A_657 = arith.index_cast %parallel_loop3A_626 : i32 to index
      %parallel_loop3A_658 = arith.index_cast %parallel_loop3A_656 : i32 to index
      %parallel_loop3A_659 = arith.index_cast %parallel_loop3A_630 : i32 to index
      %parallel_loop3A_660 = tpu.vector_load %arg6[%parallel_loop3A_657, %parallel_loop3A_658, %parallel_loop3A_659] {strides = array<i32>} : memref<8x4x1024xf32, #tpu.memory_space<vmem>>, vector<1x1x16xf32>,
      %parallel_loop3A_661 = vector.shape_cast %parallel_loop3A_660 : vector<1x1x16xf32> to vector<16xf32>
      %parallel_loop3A_662 = vector.shape_cast %parallel_loop3A_655 : vector<16xf32> to vector<1x1x16xf32>
      tpu.vector_store %arg6[%parallel_loop3A_657, %parallel_loop3A_658, %parallel_loop3A_659], %parallel_loop3A_662 {strides = array<i32>} : memref<8x4x1024xf32, #tpu.memory_space<vmem>>, vector<1x1x16xf32>,
      %parallel_loop3A_663 = arith.constant 2 : i32
      %parallel_loop3A_664 = arith.index_cast %parallel_loop3A_626 : i32 to index
      %parallel_loop3A_665 = arith.index_cast %parallel_loop3A_663 : i32 to index
      %parallel_loop3A_666 = arith.index_cast %parallel_loop3A_630 : i32 to index
      %parallel_loop3A_667 = tpu.vector_load %arg6[%parallel_loop3A_664, %parallel_loop3A_665, %parallel_loop3A_666] {strides = array<i32>} : memref<8x4x1024xf32, #tpu.memory_space<vmem>>, vector<1x1x16xf32>,
      %parallel_loop3A_668 = vector.shape_cast %parallel_loop3A_667 : vector<1x1x16xf32> to vector<16xf32>
      %parallel_loop3A_669 = arith.addf %parallel_loop3A_668, %parallel_loop3A_634 : vector<16xf32>
      %parallel_loop3A_670 = arith.constant 2 : i32
      %parallel_loop3A_671 = arith.index_cast %parallel_loop3A_626 : i32 to index
      %parallel_loop3A_672 = arith.index_cast %parallel_loop3A_670 : i32 to index
      %parallel_loop3A_673 = arith.index_cast %parallel_loop3A_630 : i32 to index
      %parallel_loop3A_674 = tpu.vector_load %arg6[%parallel_loop3A_671, %parallel_loop3A_672, %parallel_loop3A_673] {strides = array<i32>} : memref<8x4x1024xf32, #tpu.memory_space<vmem>>, vector<1x1x16xf32>,
      %parallel_loop3A_675 = vector.shape_cast %parallel_loop3A_674 : vector<1x1x16xf32> to vector<16xf32>
      %parallel_loop3A_676 = vector.shape_cast %parallel_loop3A_669 : vector<16xf32> to vector<1x1x16xf32>
      tpu.vector_store %arg6[%parallel_loop3A_671, %parallel_loop3A_672, %parallel_loop3A_673], %parallel_loop3A_676 {strides = array<i32>} : memref<8x4x1024xf32, #tpu.memory_space<vmem>>, vector<1x1x16xf32>,
      %parallel_loop3A_677 = arith.constant 3 : i32
      %parallel_loop3A_678 = arith.index_cast %parallel_loop3A_626 : i32 to index
      %parallel_loop3A_679 = arith.index_cast %parallel_loop3A_677 : i32 to index
      %parallel_loop3A_680 = arith.index_cast %parallel_loop3A_630 : i32 to index
      %parallel_loop3A_681 = tpu.vector_load %arg6[%parallel_loop3A_678, %parallel_loop3A_679, %parallel_loop3A_680] {strides = array<i32>} : memref<8x4x1024xf32, #tpu.memory_space<vmem>>, vector<1x1x16xf32>,
      %parallel_loop3A_682 = vector.shape_cast %parallel_loop3A_681 : vector<1x1x16xf32> to vector<16xf32>
      %parallel_loop3A_683 = arith.addf %parallel_loop3A_682, %parallel_loop3A_634 : vector<16xf32>
      %parallel_loop3A_684 = arith.constant 3 : i32
      %parallel_loop3A_685 = arith.index_cast %parallel_loop3A_626 : i32 to index
      %parallel_loop3A_686 = arith.index_cast %parallel_loop3A_684 : i32 to index
      %parallel_loop3A_687 = arith.index_cast %parallel_loop3A_630 : i32 to index
      %parallel_loop3A_688 = tpu.vector_load %arg6[%parallel_loop3A_685, %parallel_loop3A_686, %parallel_loop3A_687] {strides = array<i32>} : memref<8x4x1024xf32, #tpu.memory_space<vmem>>, vector<1x1x16xf32>,
      %parallel_loop3A_689 = vector.shape_cast %parallel_loop3A_688 : vector<1x1x16xf32> to vector<16xf32>
      %parallel_loop3A_690 = vector.shape_cast %parallel_loop3A_683 : vector<16xf32> to vector<1x1x16xf32>
      tpu.vector_store %arg6[%parallel_loop3A_685, %parallel_loop3A_686, %parallel_loop3A_687], %parallel_loop3A_690 {strides = array<i32>} : memref<8x4x1024xf32, #tpu.memory_space<vmem>>, vector<1x1x16xf32>,
    } {sc.loop_unroll_factor = 4 : i64, sc.parallel_access}
    %add3A_556 = arith.constant 104 : i32
    %add3A_557 = arith.addi %mul3A_2, %add3A_556 : i32
    %dma_start3A_558 = arith.constant 0 : i32
    %dma_start3A_559 = arith.constant 0 : i32
    %dma_start3A_560 = tpu.memref_slice %arg4[%add3A_557, %dma_start3A_558, %dma_start3A_559] : memref<4096x4x1024xf32, #tpu.memory_space<hbm>> -> memref<8x4x1024xf32, #tpu.memory_space<hbm>>
    %dma_start3A_561 = arith.constant 0 : i32
    %dma_start3A_562 = arith.constant 0 : i32
    %dma_start3A_563 = tpu.memref_slice %arg4[%add3A_557, %dma_start3A_561, %dma_start3A_562] : memref<4096x4x1024xf32, #tpu.memory_space<hbm>> -> memref<8x4x1024xf32, #tpu.memory_space<hbm>>
    tpu.enqueue_dma source(%arg6 : memref<8x4x1024xf32, #tpu.memory_space<vmem>>) target(%dma_start3A_563 : memref<8x4x1024xf32, #tpu.memory_space<hbm>>) target_semaphore(%arg18 : memref<!tpu.dma_semaphore, #tpu.memory_space<semaphore_mem>>)
    %dma_wait3A_564 = arith.constant 0 : i32
    %dma_wait3A_565 = arith.constant 0 : i32
    %dma_wait3A_566 = tpu.memref_slice %arg2[%add3A_493, %dma_wait3A_564, %dma_wait3A_565] : memref<4096x4x1024xf32, #tpu.memory_space<hbm>> -> memref<8x4x1024xf32, #tpu.memory_space<hbm>>
    %dma_wait3A_567 = arith.constant 0 : i32
    %dma_wait3A_568 = arith.constant 0 : i32
    %dma_wait3A_569 = tpu.memref_slice %arg2[%add3A_493, %dma_wait3A_567, %dma_wait3A_568] : memref<4096x4x1024xf32, #tpu.memory_space<hbm>> -> memref<8x4x1024xf32, #tpu.memory_space<hbm>>
    tpu.wait_dma2 semaphore(%arg13 : memref<!tpu.dma_semaphore, #tpu.memory_space<semaphore_mem>>) src(%dma_wait3A_569 : memref<8x4x1024xf32, #tpu.memory_space<hbm>>) dst(%arg7 : memref<8x4x1024xf32, #tpu.memory_space<vmem>>)
    %dma_wait3A_570 = arith.constant 0 : i32
    %dma_wait3A_571 = tpu.memref_slice %arg3[%add3A_493, %dma_wait3A_570] : memref<8192x1024xf32, #tpu.memory_space<hbm>> -> memref<8x1024xf32, #tpu.memory_space<hbm>>
    %dma_wait3A_572 = arith.constant 0 : i32
    %dma_wait3A_573 = tpu.memref_slice %arg3[%add3A_493, %dma_wait3A_572] : memref<8192x1024xf32, #tpu.memory_space<hbm>> -> memref<8x1024xf32, #tpu.memory_space<hbm>>
    tpu.wait_dma2 semaphore(%arg16 : memref<!tpu.dma_semaphore, #tpu.memory_space<semaphore_mem>>) src(%dma_wait3A_573 : memref<8x1024xf32, #tpu.memory_space<hbm>>) dst(%arg10 : memref<8x1024xf32, #tpu.memory_space<vmem>>)
    %parallel_loop3A_574 = arith.constant 0 : i32
    %parallel_loop3A_575 = arith.constant 512 : i32
    %parallel_loop3A_576 = arith.constant 1 : i32
    scf.for %parallel_loop3A_624 = %parallel_loop3A_574 to %parallel_loop3A_575 step %parallel_loop3A_576  : i32 {
      %parallel_loop3A_625 = arith.constant 6 : i32
      %parallel_loop3A_626 = arith.shrsi %parallel_loop3A_624, %parallel_loop3A_625 : i32
      %parallel_loop3A_627 = arith.constant 63 : i32
      %parallel_loop3A_628 = arith.andi %parallel_loop3A_624, %parallel_loop3A_627 : i32
      %parallel_loop3A_629 = arith.constant 16 : i32
      %parallel_loop3A_630 = arith.muli %parallel_loop3A_628, %parallel_loop3A_629 : i32
      %parallel_loop3A_631 = arith.index_cast %parallel_loop3A_626 : i32 to index
      %parallel_loop3A_632 = arith.index_cast %parallel_loop3A_630 : i32 to index
      %parallel_loop3A_633 = tpu.vector_load %arg10[%parallel_loop3A_631, %parallel_loop3A_632] {strides = array<i32>} : memref<8x1024xf32, #tpu.memory_space<vmem>>, vector<1x16xf32>,
      %parallel_loop3A_634 = vector.shape_cast %parallel_loop3A_633 : vector<1x16xf32> to vector<16xf32>
      %parallel_loop3A_635 = arith.constant 0 : i32
      %parallel_loop3A_636 = arith.index_cast %parallel_loop3A_626 : i32 to index
      %parallel_loop3A_637 = arith.index_cast %parallel_loop3A_635 : i32 to index
      %parallel_loop3A_638 = arith.index_cast %parallel_loop3A_630 : i32 to index
      %parallel_loop3A_639 = tpu.vector_load %arg7[%parallel_loop3A_636, %parallel_loop3A_637, %parallel_loop3A_638] {strides = array<i32>} : memref<8x4x1024xf32, #tpu.memory_space<vmem>>, vector<1x1x16xf32>,
      %parallel_loop3A_640 = vector.shape_cast %parallel_loop3A_639 : vector<1x1x16xf32> to vector<16xf32>
      %parallel_loop3A_641 = arith.addf %parallel_loop3A_640, %parallel_loop3A_634 : vector<16xf32>
      %parallel_loop3A_642 = arith.constant 0 : i32
      %parallel_loop3A_643 = arith.index_cast %parallel_loop3A_626 : i32 to index
      %parallel_loop3A_644 = arith.index_cast %parallel_loop3A_642 : i32 to index
      %parallel_loop3A_645 = arith.index_cast %parallel_loop3A_630 : i32 to index
      %parallel_loop3A_646 = tpu.vector_load %arg7[%parallel_loop3A_643, %parallel_loop3A_644, %parallel_loop3A_645] {strides = array<i32>} : memref<8x4x1024xf32, #tpu.memory_space<vmem>>, vector<1x1x16xf32>,
      %parallel_loop3A_647 = vector.shape_cast %parallel_loop3A_646 : vector<1x1x16xf32> to vector<16xf32>
      %parallel_loop3A_648 = vector.shape_cast %parallel_loop3A_641 : vector<16xf32> to vector<1x1x16xf32>
      tpu.vector_store %arg7[%parallel_loop3A_643, %parallel_loop3A_644, %parallel_loop3A_645], %parallel_loop3A_648 {strides = array<i32>} : memref<8x4x1024xf32, #tpu.memory_space<vmem>>, vector<1x1x16xf32>,
      %parallel_loop3A_649 = arith.constant 1 : i32
      %parallel_loop3A_650 = arith.index_cast %parallel_loop3A_626 : i32 to index
      %parallel_loop3A_651 = arith.index_cast %parallel_loop3A_649 : i32 to index
      %parallel_loop3A_652 = arith.index_cast %parallel_loop3A_630 : i32 to index
      %parallel_loop3A_653 = tpu.vector_load %arg7[%parallel_loop3A_650, %parallel_loop3A_651, %parallel_loop3A_652] {strides = array<i32>} : memref<8x4x1024xf32, #tpu.memory_space<vmem>>, vector<1x1x16xf32>,
      %parallel_loop3A_654 = vector.shape_cast %parallel_loop3A_653 : vector<1x1x16xf32> to vector<16xf32>
      %parallel_loop3A_655 = arith.addf %parallel_loop3A_654, %parallel_loop3A_634 : vector<16xf32>
      %parallel_loop3A_656 = arith.constant 1 : i32
      %parallel_loop3A_657 = arith.index_cast %parallel_loop3A_626 : i32 to index
      %parallel_loop3A_658 = arith.index_cast %parallel_loop3A_656 : i32 to index
      %parallel_loop3A_659 = arith.index_cast %parallel_loop3A_630 : i32 to index
      %parallel_loop3A_660 = tpu.vector_load %arg7[%parallel_loop3A_657, %parallel_loop3A_658, %parallel_loop3A_659] {strides = array<i32>} : memref<8x4x1024xf32, #tpu.memory_space<vmem>>, vector<1x1x16xf32>,
      %parallel_loop3A_661 = vector.shape_cast %parallel_loop3A_660 : vector<1x1x16xf32> to vector<16xf32>
      %parallel_loop3A_662 = vector.shape_cast %parallel_loop3A_655 : vector<16xf32> to vector<1x1x16xf32>
      tpu.vector_store %arg7[%parallel_loop3A_657, %parallel_loop3A_658, %parallel_loop3A_659], %parallel_loop3A_662 {strides = array<i32>} : memref<8x4x1024xf32, #tpu.memory_space<vmem>>, vector<1x1x16xf32>,
      %parallel_loop3A_663 = arith.constant 2 : i32
      %parallel_loop3A_664 = arith.index_cast %parallel_loop3A_626 : i32 to index
      %parallel_loop3A_665 = arith.index_cast %parallel_loop3A_663 : i32 to index
      %parallel_loop3A_666 = arith.index_cast %parallel_loop3A_630 : i32 to index
      %parallel_loop3A_667 = tpu.vector_load %arg7[%parallel_loop3A_664, %parallel_loop3A_665, %parallel_loop3A_666] {strides = array<i32>} : memref<8x4x1024xf32, #tpu.memory_space<vmem>>, vector<1x1x16xf32>,
      %parallel_loop3A_668 = vector.shape_cast %parallel_loop3A_667 : vector<1x1x16xf32> to vector<16xf32>
      %parallel_loop3A_669 = arith.addf %parallel_loop3A_668, %parallel_loop3A_634 : vector<16xf32>
      %parallel_loop3A_670 = arith.constant 2 : i32
      %parallel_loop3A_671 = arith.index_cast %parallel_loop3A_626 : i32 to index
      %parallel_loop3A_672 = arith.index_cast %parallel_loop3A_670 : i32 to index
      %parallel_loop3A_673 = arith.index_cast %parallel_loop3A_630 : i32 to index
      %parallel_loop3A_674 = tpu.vector_load %arg7[%parallel_loop3A_671, %parallel_loop3A_672, %parallel_loop3A_673] {strides = array<i32>} : memref<8x4x1024xf32, #tpu.memory_space<vmem>>, vector<1x1x16xf32>,
      %parallel_loop3A_675 = vector.shape_cast %parallel_loop3A_674 : vector<1x1x16xf32> to vector<16xf32>
      %parallel_loop3A_676 = vector.shape_cast %parallel_loop3A_669 : vector<16xf32> to vector<1x1x16xf32>
      tpu.vector_store %arg7[%parallel_loop3A_671, %parallel_loop3A_672, %parallel_loop3A_673], %parallel_loop3A_676 {strides = array<i32>} : memref<8x4x1024xf32, #tpu.memory_space<vmem>>, vector<1x1x16xf32>,
      %parallel_loop3A_677 = arith.constant 3 : i32
      %parallel_loop3A_678 = arith.index_cast %parallel_loop3A_626 : i32 to index
      %parallel_loop3A_679 = arith.index_cast %parallel_loop3A_677 : i32 to index
      %parallel_loop3A_680 = arith.index_cast %parallel_loop3A_630 : i32 to index
      %parallel_loop3A_681 = tpu.vector_load %arg7[%parallel_loop3A_678, %parallel_loop3A_679, %parallel_loop3A_680] {strides = array<i32>} : memref<8x4x1024xf32, #tpu.memory_space<vmem>>, vector<1x1x16xf32>,
      %parallel_loop3A_682 = vector.shape_cast %parallel_loop3A_681 : vector<1x1x16xf32> to vector<16xf32>
      %parallel_loop3A_683 = arith.addf %parallel_loop3A_682, %parallel_loop3A_634 : vector<16xf32>
      %parallel_loop3A_684 = arith.constant 3 : i32
      %parallel_loop3A_685 = arith.index_cast %parallel_loop3A_626 : i32 to index
      %parallel_loop3A_686 = arith.index_cast %parallel_loop3A_684 : i32 to index
      %parallel_loop3A_687 = arith.index_cast %parallel_loop3A_630 : i32 to index
      %parallel_loop3A_688 = tpu.vector_load %arg7[%parallel_loop3A_685, %parallel_loop3A_686, %parallel_loop3A_687] {strides = array<i32>} : memref<8x4x1024xf32, #tpu.memory_space<vmem>>, vector<1x1x16xf32>,
      %parallel_loop3A_689 = vector.shape_cast %parallel_loop3A_688 : vector<1x1x16xf32> to vector<16xf32>
      %parallel_loop3A_690 = vector.shape_cast %parallel_loop3A_683 : vector<16xf32> to vector<1x1x16xf32>
      tpu.vector_store %arg7[%parallel_loop3A_685, %parallel_loop3A_686, %parallel_loop3A_687], %parallel_loop3A_690 {strides = array<i32>} : memref<8x4x1024xf32, #tpu.memory_space<vmem>>, vector<1x1x16xf32>,
    } {sc.loop_unroll_factor = 4 : i64, sc.parallel_access}
    %add3A_577 = arith.constant 112 : i32
    %add3A_578 = arith.addi %mul3A_2, %add3A_577 : i32
    %dma_start3A_579 = arith.constant 0 : i32
    %dma_start3A_580 = arith.constant 0 : i32
    %dma_start3A_581 = tpu.memref_slice %arg4[%add3A_578, %dma_start3A_579, %dma_start3A_580] : memref<4096x4x1024xf32, #tpu.memory_space<hbm>> -> memref<8x4x1024xf32, #tpu.memory_space<hbm>>
    %dma_start3A_582 = arith.constant 0 : i32
    %dma_start3A_583 = arith.constant 0 : i32
    %dma_start3A_584 = tpu.memref_slice %arg4[%add3A_578, %dma_start3A_582, %dma_start3A_583] : memref<4096x4x1024xf32, #tpu.memory_space<hbm>> -> memref<8x4x1024xf32, #tpu.memory_space<hbm>>
    tpu.enqueue_dma source(%arg7 : memref<8x4x1024xf32, #tpu.memory_space<vmem>>) target(%dma_start3A_584 : memref<8x4x1024xf32, #tpu.memory_space<hbm>>) target_semaphore(%arg19 : memref<!tpu.dma_semaphore, #tpu.memory_space<semaphore_mem>>)
    %dma_wait3A_585 = arith.constant 0 : i32
    %dma_wait3A_586 = arith.constant 0 : i32
    %dma_wait3A_587 = tpu.memref_slice %arg2[%add3A_532, %dma_wait3A_585, %dma_wait3A_586] : memref<4096x4x1024xf32, #tpu.memory_space<hbm>> -> memref<8x4x1024xf32, #tpu.memory_space<hbm>>
    %dma_wait3A_588 = arith.constant 0 : i32
    %dma_wait3A_589 = arith.constant 0 : i32
    %dma_wait3A_590 = tpu.memref_slice %arg2[%add3A_532, %dma_wait3A_588, %dma_wait3A_589] : memref<4096x4x1024xf32, #tpu.memory_space<hbm>> -> memref<8x4x1024xf32, #tpu.memory_space<hbm>>
    tpu.wait_dma2 semaphore(%arg11 : memref<!tpu.dma_semaphore, #tpu.memory_space<semaphore_mem>>) src(%dma_wait3A_590 : memref<8x4x1024xf32, #tpu.memory_space<hbm>>) dst(%arg5 : memref<8x4x1024xf32, #tpu.memory_space<vmem>>)
    %dma_wait3A_591 = arith.constant 0 : i32
    %dma_wait3A_592 = tpu.memref_slice %arg3[%add3A_532, %dma_wait3A_591] : memref<8192x1024xf32, #tpu.memory_space<hbm>> -> memref<8x1024xf32, #tpu.memory_space<hbm>>
    %dma_wait3A_593 = arith.constant 0 : i32
    %dma_wait3A_594 = tpu.memref_slice %arg3[%add3A_532, %dma_wait3A_593] : memref<8192x1024xf32, #tpu.memory_space<hbm>> -> memref<8x1024xf32, #tpu.memory_space<hbm>>
    tpu.wait_dma2 semaphore(%arg14 : memref<!tpu.dma_semaphore, #tpu.memory_space<semaphore_mem>>) src(%dma_wait3A_594 : memref<8x1024xf32, #tpu.memory_space<hbm>>) dst(%arg8 : memref<8x1024xf32, #tpu.memory_space<vmem>>)
    %parallel_loop3A_595 = arith.constant 0 : i32
    %parallel_loop3A_596 = arith.constant 512 : i32
    %parallel_loop3A_597 = arith.constant 1 : i32
    scf.for %parallel_loop3A_624 = %parallel_loop3A_595 to %parallel_loop3A_596 step %parallel_loop3A_597  : i32 {
      %parallel_loop3A_625 = arith.constant 6 : i32
      %parallel_loop3A_626 = arith.shrsi %parallel_loop3A_624, %parallel_loop3A_625 : i32
      %parallel_loop3A_627 = arith.constant 63 : i32
      %parallel_loop3A_628 = arith.andi %parallel_loop3A_624, %parallel_loop3A_627 : i32
      %parallel_loop3A_629 = arith.constant 16 : i32
      %parallel_loop3A_630 = arith.muli %parallel_loop3A_628, %parallel_loop3A_629 : i32
      %parallel_loop3A_631 = arith.index_cast %parallel_loop3A_626 : i32 to index
      %parallel_loop3A_632 = arith.index_cast %parallel_loop3A_630 : i32 to index
      %parallel_loop3A_633 = tpu.vector_load %arg8[%parallel_loop3A_631, %parallel_loop3A_632] {strides = array<i32>} : memref<8x1024xf32, #tpu.memory_space<vmem>>, vector<1x16xf32>,
      %parallel_loop3A_634 = vector.shape_cast %parallel_loop3A_633 : vector<1x16xf32> to vector<16xf32>
      %parallel_loop3A_635 = arith.constant 0 : i32
      %parallel_loop3A_636 = arith.index_cast %parallel_loop3A_626 : i32 to index
      %parallel_loop3A_637 = arith.index_cast %parallel_loop3A_635 : i32 to index
      %parallel_loop3A_638 = arith.index_cast %parallel_loop3A_630 : i32 to index
      %parallel_loop3A_639 = tpu.vector_load %arg5[%parallel_loop3A_636, %parallel_loop3A_637, %parallel_loop3A_638] {strides = array<i32>} : memref<8x4x1024xf32, #tpu.memory_space<vmem>>, vector<1x1x16xf32>,
      %parallel_loop3A_640 = vector.shape_cast %parallel_loop3A_639 : vector<1x1x16xf32> to vector<16xf32>
      %parallel_loop3A_641 = arith.addf %parallel_loop3A_640, %parallel_loop3A_634 : vector<16xf32>
      %parallel_loop3A_642 = arith.constant 0 : i32
      %parallel_loop3A_643 = arith.index_cast %parallel_loop3A_626 : i32 to index
      %parallel_loop3A_644 = arith.index_cast %parallel_loop3A_642 : i32 to index
      %parallel_loop3A_645 = arith.index_cast %parallel_loop3A_630 : i32 to index
      %parallel_loop3A_646 = tpu.vector_load %arg5[%parallel_loop3A_643, %parallel_loop3A_644, %parallel_loop3A_645] {strides = array<i32>} : memref<8x4x1024xf32, #tpu.memory_space<vmem>>, vector<1x1x16xf32>,
      %parallel_loop3A_647 = vector.shape_cast %parallel_loop3A_646 : vector<1x1x16xf32> to vector<16xf32>
      %parallel_loop3A_648 = vector.shape_cast %parallel_loop3A_641 : vector<16xf32> to vector<1x1x16xf32>
      tpu.vector_store %arg5[%parallel_loop3A_643, %parallel_loop3A_644, %parallel_loop3A_645], %parallel_loop3A_648 {strides = array<i32>} : memref<8x4x1024xf32, #tpu.memory_space<vmem>>, vector<1x1x16xf32>,
      %parallel_loop3A_649 = arith.constant 1 : i32
      %parallel_loop3A_650 = arith.index_cast %parallel_loop3A_626 : i32 to index
      %parallel_loop3A_651 = arith.index_cast %parallel_loop3A_649 : i32 to index
      %parallel_loop3A_652 = arith.index_cast %parallel_loop3A_630 : i32 to index
      %parallel_loop3A_653 = tpu.vector_load %arg5[%parallel_loop3A_650, %parallel_loop3A_651, %parallel_loop3A_652] {strides = array<i32>} : memref<8x4x1024xf32, #tpu.memory_space<vmem>>, vector<1x1x16xf32>,
      %parallel_loop3A_654 = vector.shape_cast %parallel_loop3A_653 : vector<1x1x16xf32> to vector<16xf32>
      %parallel_loop3A_655 = arith.addf %parallel_loop3A_654, %parallel_loop3A_634 : vector<16xf32>
      %parallel_loop3A_656 = arith.constant 1 : i32
      %parallel_loop3A_657 = arith.index_cast %parallel_loop3A_626 : i32 to index
      %parallel_loop3A_658 = arith.index_cast %parallel_loop3A_656 : i32 to index
      %parallel_loop3A_659 = arith.index_cast %parallel_loop3A_630 : i32 to index
      %parallel_loop3A_660 = tpu.vector_load %arg5[%parallel_loop3A_657, %parallel_loop3A_658, %parallel_loop3A_659] {strides = array<i32>} : memref<8x4x1024xf32, #tpu.memory_space<vmem>>, vector<1x1x16xf32>,
      %parallel_loop3A_661 = vector.shape_cast %parallel_loop3A_660 : vector<1x1x16xf32> to vector<16xf32>
      %parallel_loop3A_662 = vector.shape_cast %parallel_loop3A_655 : vector<16xf32> to vector<1x1x16xf32>
      tpu.vector_store %arg5[%parallel_loop3A_657, %parallel_loop3A_658, %parallel_loop3A_659], %parallel_loop3A_662 {strides = array<i32>} : memref<8x4x1024xf32, #tpu.memory_space<vmem>>, vector<1x1x16xf32>,
      %parallel_loop3A_663 = arith.constant 2 : i32
      %parallel_loop3A_664 = arith.index_cast %parallel_loop3A_626 : i32 to index
      %parallel_loop3A_665 = arith.index_cast %parallel_loop3A_663 : i32 to index
      %parallel_loop3A_666 = arith.index_cast %parallel_loop3A_630 : i32 to index
      %parallel_loop3A_667 = tpu.vector_load %arg5[%parallel_loop3A_664, %parallel_loop3A_665, %parallel_loop3A_666] {strides = array<i32>} : memref<8x4x1024xf32, #tpu.memory_space<vmem>>, vector<1x1x16xf32>,
      %parallel_loop3A_668 = vector.shape_cast %parallel_loop3A_667 : vector<1x1x16xf32> to vector<16xf32>
      %parallel_loop3A_669 = arith.addf %parallel_loop3A_668, %parallel_loop3A_634 : vector<16xf32>
      %parallel_loop3A_670 = arith.constant 2 : i32
      %parallel_loop3A_671 = arith.index_cast %parallel_loop3A_626 : i32 to index
      %parallel_loop3A_672 = arith.index_cast %parallel_loop3A_670 : i32 to index
      %parallel_loop3A_673 = arith.index_cast %parallel_loop3A_630 : i32 to index
      %parallel_loop3A_674 = tpu.vector_load %arg5[%parallel_loop3A_671, %parallel_loop3A_672, %parallel_loop3A_673] {strides = array<i32>} : memref<8x4x1024xf32, #tpu.memory_space<vmem>>, vector<1x1x16xf32>,
      %parallel_loop3A_675 = vector.shape_cast %parallel_loop3A_674 : vector<1x1x16xf32> to vector<16xf32>
      %parallel_loop3A_676 = vector.shape_cast %parallel_loop3A_669 : vector<16xf32> to vector<1x1x16xf32>
      tpu.vector_store %arg5[%parallel_loop3A_671, %parallel_loop3A_672, %parallel_loop3A_673], %parallel_loop3A_676 {strides = array<i32>} : memref<8x4x1024xf32, #tpu.memory_space<vmem>>, vector<1x1x16xf32>,
      %parallel_loop3A_677 = arith.constant 3 : i32
      %parallel_loop3A_678 = arith.index_cast %parallel_loop3A_626 : i32 to index
      %parallel_loop3A_679 = arith.index_cast %parallel_loop3A_677 : i32 to index
      %parallel_loop3A_680 = arith.index_cast %parallel_loop3A_630 : i32 to index
      %parallel_loop3A_681 = tpu.vector_load %arg5[%parallel_loop3A_678, %parallel_loop3A_679, %parallel_loop3A_680] {strides = array<i32>} : memref<8x4x1024xf32, #tpu.memory_space<vmem>>, vector<1x1x16xf32>,
      %parallel_loop3A_682 = vector.shape_cast %parallel_loop3A_681 : vector<1x1x16xf32> to vector<16xf32>
      %parallel_loop3A_683 = arith.addf %parallel_loop3A_682, %parallel_loop3A_634 : vector<16xf32>
      %parallel_loop3A_684 = arith.constant 3 : i32
      %parallel_loop3A_685 = arith.index_cast %parallel_loop3A_626 : i32 to index
      %parallel_loop3A_686 = arith.index_cast %parallel_loop3A_684 : i32 to index
      %parallel_loop3A_687 = arith.index_cast %parallel_loop3A_630 : i32 to index
      %parallel_loop3A_688 = tpu.vector_load %arg5[%parallel_loop3A_685, %parallel_loop3A_686, %parallel_loop3A_687] {strides = array<i32>} : memref<8x4x1024xf32, #tpu.memory_space<vmem>>, vector<1x1x16xf32>,
      %parallel_loop3A_689 = vector.shape_cast %parallel_loop3A_688 : vector<1x1x16xf32> to vector<16xf32>
      %parallel_loop3A_690 = vector.shape_cast %parallel_loop3A_683 : vector<16xf32> to vector<1x1x16xf32>
      tpu.vector_store %arg5[%parallel_loop3A_685, %parallel_loop3A_686, %parallel_loop3A_687], %parallel_loop3A_690 {strides = array<i32>} : memref<8x4x1024xf32, #tpu.memory_space<vmem>>, vector<1x1x16xf32>,
    } {sc.loop_unroll_factor = 4 : i64, sc.parallel_access}
    %add3A_598 = arith.constant 120 : i32
    %add3A_599 = arith.addi %mul3A_2, %add3A_598 : i32
    %dma_start3A_600 = arith.constant 0 : i32
    %dma_start3A_601 = arith.constant 0 : i32
    %dma_start3A_602 = tpu.memref_slice %arg4[%add3A_599, %dma_start3A_600, %dma_start3A_601] : memref<4096x4x1024xf32, #tpu.memory_space<hbm>> -> memref<8x4x1024xf32, #tpu.memory_space<hbm>>
    %dma_start3A_603 = arith.constant 0 : i32
    %dma_start3A_604 = arith.constant 0 : i32
    %dma_start3A_605 = tpu.memref_slice %arg4[%add3A_599, %dma_start3A_603, %dma_start3A_604] : memref<4096x4x1024xf32, #tpu.memory_space<hbm>> -> memref<8x4x1024xf32, #tpu.memory_space<hbm>>
    tpu.enqueue_dma source(%arg5 : memref<8x4x1024xf32, #tpu.memory_space<vmem>>) target(%dma_start3A_605 : memref<8x4x1024xf32, #tpu.memory_space<hbm>>) target_semaphore(%arg17 : memref<!tpu.dma_semaphore, #tpu.memory_space<semaphore_mem>>)
    %dma_wait3A_606 = arith.constant 0 : i32
    %dma_wait3A_607 = arith.constant 0 : i32
    %dma_wait3A_608 = tpu.memref_slice %arg4[%add3A_557, %dma_wait3A_606, %dma_wait3A_607] : memref<4096x4x1024xf32, #tpu.memory_space<hbm>> -> memref<8x4x1024xf32, #tpu.memory_space<hbm>>
    %dma_wait3A_609 = arith.constant 0 : i32
    %dma_wait3A_610 = arith.constant 0 : i32
    %dma_wait3A_611 = tpu.memref_slice %arg4[%add3A_557, %dma_wait3A_609, %dma_wait3A_610] : memref<4096x4x1024xf32, #tpu.memory_space<hbm>> -> memref<8x4x1024xf32, #tpu.memory_space<hbm>>
    tpu.wait_dma2 semaphore(%arg18 : memref<!tpu.dma_semaphore, #tpu.memory_space<semaphore_mem>>) src(%arg6 : memref<8x4x1024xf32, #tpu.memory_space<vmem>>) dst(%dma_wait3A_611 : memref<8x4x1024xf32, #tpu.memory_space<hbm>>)
    %dma_wait3A_612 = arith.constant 0 : i32
    %dma_wait3A_613 = arith.constant 0 : i32
    %dma_wait3A_614 = tpu.memref_slice %arg4[%add3A_578, %dma_wait3A_612, %dma_wait3A_613] : memref<4096x4x1024xf32, #tpu.memory_space<hbm>> -> memref<8x4x1024xf32, #tpu.memory_space<hbm>>
    %dma_wait3A_615 = arith.constant 0 : i32
    %dma_wait3A_616 = arith.constant 0 : i32
    %dma_wait3A_617 = tpu.memref_slice %arg4[%add3A_578, %dma_wait3A_615, %dma_wait3A_616] : memref<4096x4x1024xf32, #tpu.memory_space<hbm>> -> memref<8x4x1024xf32, #tpu.memory_space<hbm>>
    tpu.wait_dma2 semaphore(%arg19 : memref<!tpu.dma_semaphore, #tpu.memory_space<semaphore_mem>>) src(%arg7 : memref<8x4x1024xf32, #tpu.memory_space<vmem>>) dst(%dma_wait3A_617 : memref<8x4x1024xf32, #tpu.memory_space<hbm>>)
    %dma_wait3A_618 = arith.constant 0 : i32
    %dma_wait3A_619 = arith.constant 0 : i32
    %dma_wait3A_620 = tpu.memref_slice %arg4[%add3A_599, %dma_wait3A_618, %dma_wait3A_619] : memref<4096x4x1024xf32, #tpu.memory_space<hbm>> -> memref<8x4x1024xf32, #tpu.memory_space<hbm>>
    %dma_wait3A_621 = arith.constant 0 : i32
    %dma_wait3A_622 = arith.constant 0 : i32
    %dma_wait3A_623 = tpu.memref_slice %arg4[%add3A_599, %dma_wait3A_621, %dma_wait3A_622] : memref<4096x4x1024xf32, #tpu.memory_space<hbm>> -> memref<8x4x1024xf32, #tpu.memory_space<hbm>>
    tpu.wait_dma2 semaphore(%arg17 : memref<!tpu.dma_semaphore, #tpu.memory_space<semaphore_mem>>) src(%arg5 : memref<8x4x1024xf32, #tpu.memory_space<vmem>>) dst(%dma_wait3A_623 : memref<8x4x1024xf32, #tpu.memory_space<hbm>>)
    return
  }
}

</mosaic_0001>

<sc_bundles>
// kernel: kernel.3.cloned.1.call-start
scs
__scs_entry_jumppad:
0x0: {  	(pc) =	sbr.rel $0x88, $3  }
0x1: {  	(tag) =	ssettag $0x0;
	lr =	simm.s32 $0x1  }
0x2: {  	[smem:$0x3F9F] =	sst lr;
	_ =	strace $0xD0000000  }
0x3: {  	_ = 	snop  }
0x4: {  	_ = 	snop  }
0x5: {  	_ = 	snop  }
0x6: {  	_ = 	snop  }
0x7: {  	_ = 	snop  }
__scs_overlays_trampoline_lowered:
0x8: {  	[smem:$0x3FAE] =	sst s0  }
0x9: {  	[smem:$0x3FAF] =	sst s1  }
0xa: {  	[smem:$0x3FB0] =	sst s2  }
0xb: {  	[smem:$0x3FB1] =	sst s3  }
0xc: {  	[smem:$0x3FB2] =	sst s4  }
0xd: {  	[smem:$0x3FB3] =	sst s5  }
0xe: {  	[smem:$0x3FB4] =	sst s6  }
0xf: {  	[smem:$0x3FB5] =	sst s7  }
0x10: {  	[smem:$0x3FB6] =	sst s8  }
0x11: {  	[smem:$0x3FB7] =	sst s9;
	s0 =	simm.s32 @!p0 $0x0  }
0x12: {  	s1 =	sld [smem:$0x3F9D];
	s0 =	simm.s32 @p0 $0x1  }
0x13: {  	[smem:$0x3FB8] =	sst s0;
	s0 =	simm.s32 @!p1 $0x0  }
0x14: {  	s2 =	sld [smem:$0x3F9C];
	s0 =	simm.s32 @p1 $0x1  }
0x15: {  	[smem:$0x3FB9] =	sst s0;
	s0 =	simm.s32 @!p2 $0x0  }
0x16: {  	s3 =	sld [smem:$0x3FDB];
	s0 =	simm.s32 @p2 $0x1  }
0x17: {  	s4 =	simm.s32 $0x1BF5;
	[smem:$0x3FBB] =	sst s0  }
0x18: {  	s0 =	sld [smem:$0x3F9E];
	_ =	swait.ge [sflag:s4], $0x0  }
0x19: {  	s7 =	sld [smem:$0x3F9F]  }
0x1a: {  	s8 =	sadd.s32 $0xFFFFE003, lr  }
0x1b: {  	s9 =	sadd.s32 $0xFFFFFEF7, lr;
	s5 =	simm.s32 $0xFFFFFFFF;
	p2 =	slt.u32 s8, $0xFFFFF086  }
0x1c: {  	p1 =	slt.u32 s9, $0xF7A;
	s5 =	simm.s32 @!p2 $0x0  }
0x1d: {  	s5 =	simm.s32 @p1 $0x1;
	p0 =	seq.s32 s7, s2  }
0x1e: {  	s7 =	smul.u32 @!p0 $0xF7A, s2;
	p2 =	seq.s32 @!p0 s5, $0x0  }
0x1f: {  	s9 =	smul.u32 $0xF7A, s1;
	s8 =	simm.s32 @!p0 $0x1BF5;
	p2 =	por !p2, p0  }
0x20: {  	[sflag:s8] =	ssyncset.s32 @!p0 $0xFFFFF086;
	s6 =	sadd.s32 @!p0 s3, s7;
	s7 =	simm.s32 @!p0 $0x108  }
0x21: {  	s3 =	sadd.s32 s3, s9;
	s6 =	sadd.s32 @!p0 $0x88, s6;
	s7 =	simm.s32 @p2 $0x1082  }
0x22: {  	[simem:s7], [sflag:s8] =	dma.local @!p0 [hbm:s6], $0xF7A  }
0x23: {  	s9 =	sor.u32 $0xD0000000, s2;
	s6 =	simm.s32 $0x108;
	_ =	swait.ge @!p0 [sflag:s8], $0x0  }
0x24: {  	s3 =	sadd.s32 $0x88, s3;
	s6 =	simm.s32 @!p1 $0x1082;
	[sflag:s4] =	ssyncset.s32 $0xFFFFF086  }
0x25: {  	[simem:s6], [sflag:s4] =	dma.local [hbm:s3], $0xF7A  }
0x26: {  	[smem:$0x3F9F] =	sst s1;
	(tag) =	ssettag s2;
	_ =	strace s9  }
0x27: {  	s1 =	sld [smem:$0x3FAF]  }
0x28: {  	s2 =	sld [smem:$0x3FB0]  }
0x29: {  	s4 =	sld [smem:$0x3FB2]  }
0x2a: {  	p0 =	seq.s32 s5, $0x0;
	s5 =	sld [smem:$0x3FB3]  }
0x2b: {  	s6 =	sld [smem:$0x3FB4]  }
0x2c: {  	s7 =	sld [smem:$0x3FB5]  }
0x2d: {  	s3 =	simm.s32 $0x108;
	s8 =	sld [smem:$0x3FB6]  }
0x2e: {  	s3 =	simm.s32 @!p0 $0x1082;
	s9 =	sld [smem:$0x3FB7]  }
0x2f: {  	lr =	sadd.s32 s0, s3;
	s0 =	sld [smem:$0x3FAE]  }
0x30: {  	s3 =	sld [smem:$0x3FB1]  }
0x31: {  	[smem:$0x3FBA] =	sst s10  }
0x32: {  	s10 =	sld [smem:$0x3FB8];
	_ =	sdelay $0x3  }
0x33: {  	p0 =	seq.s32 s10, $0x1;
	s10 =	sld [smem:$0x3FBA];
	_ =	sdelay $0x3  }
0x34: {  	[smem:$0x3FBA] =	sst s10  }
0x35: {  	s10 =	sld [smem:$0x3FB9];
	_ =	sdelay $0x3  }
0x36: {  	p1 =	seq.s32 s10, $0x1;
	s10 =	sld [smem:$0x3FBA];
	_ =	sdelay $0x3  }
0x37: {  	[smem:$0x3FBA] =	sst s10  }
0x38: {  	s10 =	sld [smem:$0x3FBB]  }
0x39: {  	_ = 	snop;
	(pc) =	sbr.ind lr, $3  }
0x3a: {  	_ = 	snop  }
0x3b: {  	_ = 	snop  }
0x3c: {  	p2 =	seq.s32 s10, $0x1;
	s10 =	sld [smem:$0x3FBA]  }
0x3d: {  	_ =	shalt  }
0x3e: {  	_ =	shalt  }
0x3f: {  	_ =	shalt  }
0x40: {  	_ =	shalt  }
0x41: {  	_ =	shalt  }
0x42: {  	_ =	shalt  }
0x43: {  	_ =	shalt  }
0x44: {  	_ =	shalt  }
0x45: {  	_ =	shalt  }
0x46: {  	_ =	shalt  }
0x47: {  	_ =	shalt  }
0x48: {  	_ =	shalt  }
0x49: {  	_ =	shalt  }
0x4a: {  	_ =	shalt  }
0x4b: {  	_ =	shalt  }
0x4c: {  	_ =	shalt  }
0x4d: {  	_ =	shalt  }
0x4e: {  	_ =	shalt  }
0x4f: {  	_ =	shalt  }
0x50: {  	_ =	shalt  }
0x51: {  	_ =	shalt  }
0x52: {  	_ =	shalt  }
0x53: {  	_ =	shalt  }
0x54: {  	_ =	shalt  }
0x55: {  	_ =	shalt  }
0x56: {  	_ =	shalt  }
0x57: {  	_ =	shalt  }
0x58: {  	_ =	shalt  }
0x59: {  	_ =	shalt  }
0x5a: {  	_ =	shalt  }
0x5b: {  	_ =	shalt  }
0x5c: {  	_ =	shalt  }
0x5d: {  	_ =	shalt  }
0x5e: {  	_ =	shalt  }
0x5f: {  	_ =	shalt  }
0x60: {  	_ =	shalt  }
0x61: {  	_ =	shalt  }
0x62: {  	_ =	shalt  }
0x63: {  	_ =	shalt  }
0x64: {  	_ =	shalt  }
0x65: {  	_ =	shalt  }
0x66: {  	_ =	shalt  }
0x67: {  	_ =	shalt  }
0x68: {  	_ =	shalt  }
0x69: {  	_ =	shalt  }
0x6a: {  	_ =	shalt  }
0x6b: {  	_ =	shalt  }
0x6c: {  	_ =	shalt  }
0x6d: {  	_ =	shalt  }
0x6e: {  	_ =	shalt  }
0x6f: {  	_ =	shalt  }
0x70: {  	_ =	shalt  }
0x71: {  	_ =	shalt  }
0x72: {  	_ =	shalt  }
0x73: {  	_ =	shalt  }
0x74: {  	_ =	shalt  }
0x75: {  	_ =	shalt  }
0x76: {  	_ =	shalt  }
0x77: {  	_ =	shalt  }
0x78: {  	_ =	shalt  }
0x79: {  	_ =	shalt  }
0x7a: {  	_ =	shalt  }
0x7b: {  	_ =	shalt  }
0x7c: {  	_ =	shalt  }
0x7d: {  	_ =	shalt  }
0x7e: {  	_ =	shalt  }
0x7f: {  	_ =	shalt  }
0x80: {  	_ =	shalt  }
0x81: {  	_ =	shalt  }
0x82: {  	_ =	shalt  }
0x83: {  	_ =	shalt  }
0x84: {  	_ =	shalt  }
0x85: {  	_ =	shalt  }
0x86: {  	_ =	shalt  }
0x87: {  	_ =	shalt  }
.Lfunc_end0:
.L_simem_size_0:
called_computation_lowered:
.L_overlay_start_0:
0x88: {  	s2 =	sld [smem:$0x3FD9]  }
0x89: {  	s3 =	sld [smem:$0x3FFE];
	_ =	sdelay $0x1  }
0x8a: {  	s1 =	srdreg.scid  }
0x8b: {  	s0 =	sand.u32 $0x1, s1  }
0x8c: {  	s18 =	sshll.u32 s0, $0xA;
	s2 =	sadd.s32 s3, s2  }
0x8d: {  	s2 =	sadd.s32 s2, s18  }
0x8e: {  	[smem:$0x3FC6] =	sst s2  }
0x8f: {  	_ = 	snop  }
0x90: {  	s2 =	sld [smem:$0x3FC9]  }
0x91: {  	s19 =	sld [smem:$0x3FC8]  }
0x92: {  	s4 =	sld [smem:$0x3FD0];
	(tm) =	ssettm $0x1  }
0x93: {  	s5 =	sld [smem:$0x3FFB];
	_ =	sdelay $0x3  }
0x94: {  	_ =	strace s5  }
0x95: {  	s5 =	sld [smem:$0x3FFC];
	_ =	sdelay $0x3  }
0x96: {  	_ =	strace s5  }
0x97: {  	s5 =	sld [smem:$0x3FFD];
	_ =	sdelay $0x3  }
0x98: {  	_ =	strace s5  }
0x99: {  	_ =	strace $0x8FFFFFFF  }
0x9a: {  	s20 =	sld [smem:$0x3FDB];
	_ =	sdelay $0x1  }
0x9b: {  	s6 =	simm.s32 $_scs_section_size  }
0x9c: {  	s7 =	simm.s32 $_size__tile_overlayer_lowered;
	s8 =	simm.s32 $_tile_overlayer_lowered  }
0x9d: {  	s23 =	simm.s32 $0x1BFF;
	s22 =	sshll.u32 s8, $0x1;
	s5 =	sadd.s32 s6, s20  }
0x9e: {  	s9 =	simm.s32 $0x0;
	s21 =	sshll.u32 s7, $0x1;
	s7 =	sadd.s32 s22, s5  }
0x9f: {  	[timem:s9], [sflag:s23] =	dma.local [hbm:s7], s21  }
0xa0: {  	_ =	swait.ge [sflag:s23], s21  }
0xa1: {  	s6 =	ssub.s32 $0x0, s21;
	[sflag:s23] =	ssyncset.done $0x0  }
0xa2: {  	[sflag:s23] =	ssyncadd.s32 s6;
	_ =	sdelay $0x1  }
0xa3: {  	s24 =	simm.s32 $0x1B8B  }
0xa4: {  	_ =	swait.ge [sflag:s24], $0x1  }
0xa5: {  	[sflag:s24] =	ssyncset.done $0x0  }
0xa6: {  	s25 =	simm.s32 $0x1B8E;
	[sflag:s24] =	ssyncadd.s32 $0xFFFFFFFF  }
0xa7: {  	s26 =	simm.s32 $execute0_lowered;
	[smem:$0x3FD2] =	sst s25  }
0xa8: {  	s6 =	sshll.u32 s26, $0x1;
	_ =	strace $0x80000046;
	[dreg:$0x1] =	wrdreg $0xFFFFFFFF  }
0xa9: {  	s28 =	simm.s32 $_size_execute0_lowered;
	s5 =	sadd.s32 s5, s6;
	[dreg:$0x0] =	wrdreg $0x0  }
0xaa: {  	s6 =	sshll.u32 s28, $0x1;
	[dreg:$0x2] =	wrdreg s5  }
0xab: {  	[dreg:$0x3] =	wrdreg s6  }
0xac: {  	[dreg:$0x4] =	wrdreg $0xC0  }
0xad: {  	_ =	task [dreg:s9], $0x5FFFF  }
0xae: {  	[dreg:$0x1] =	wrdreg $0xFFFFFFFF  }
0xaf: {  	[dreg:$0x0] =	wrdreg $0x60  }
0xb0: {  	[dreg:$0x2] =	wrdreg s2  }
0xb1: {  	[dreg:$0x3] =	wrdreg s19  }
0xb2: {  	[dreg:$0x4] =	wrdreg s4  }
0xb3: {  	[dreg:$0x5] =	wrdreg $0x9  }
0xb4: {  	_ =	task.clear_ibuf [dreg:s9], $0x6FFFF;
	_ =	strace $0x90000046  }
0xb5: {  	s29 =	simm.s32 $0x9;
	_ =	strace $0x80000048  }
0xb6: {  	_ =	swait.ge [sflag:s29], $0x1  }
0xb7: {  	[sflag:s29] =	ssyncadd.s32 $0xFFFFFFFF  }
0xb8: {  	_ =	strace $0x90000048  }
0xb9: {  	_ =	sfence  }
0xba: {  	s30 =	sld [smem:$0x0];
	_ =	sdelay $0x2  }
0xbb: {  	s31 =	sshll.u32 s1, $0xD;
	s1 =	sshrl.u32 s1, $0x2  }
0xbc: {  	s3 =	sand.u32 $0x4000, s31;
	s1 =	sadd.s32 s1, s30  }
0xbd: {  	s0 =	sor.u32 s3, s0;
	s1 =	sshll.u32 s1, $0x11  }
0xbe: {  	s0 =	sor.u32 s1, s0  }
0xbf: {  	s0 =	sadd.s32 $0x8F2B, s0  }
0xc0: {  	[sflag:s0] =	ssyncadd.remote.s32 $0x1  }
0xc1: {  	_ =	sfence.sel $0xFFFF  }
0xc2: {  	[dreg:$0x0] =	wrdreg $0xFFFFFFFF;
	(pc) =	sbr.abs _section_cstart, $3  }
0xc3: {  	[dreg:$0x1] =	wrdreg $0xFFFFFFFF  }
0xc4: {  	_ =	task.clear_ibuf [dreg:s9], $0x2FFFF;
	_ =	strace $0x9FFFFFFF  }
0xc5: {  	(tm) =	ssettm $0x7FFFFFFF  }
tec
execute0_lowered:
.L_overlay_start_1:
0x0: {  	(tag) =	ssettag $0x1  }
0x1: {  	s0 =	srdreg.scid  }
0x2: {  	s1 =	stileid.u32;
	s0 =	sand.u32 $0x1, s0  }
0x3: {  	s2 =	rddreg [dreg:$0x1];
	s4 =	sshll.u32 s1, $0x8;
	s3 =	ssub.s32 $0x2, s0  }
0x4: {  	s1 =	simm.s32 $0x0;
	s0 =	sshll.u32 s0, $0x7;
	s5 =	sshrl.u32 s3, $0x1  }
0x5: {  	[smem:$0x7FF] =	sst s1;
	s4 =	sor.u32 s0, s4;
	s0 =	ssub.s32 s3, s5  }
0x6: {  	s17 =	sshll.u32 s4, $0x7;
	s5 =	sor.u32 $0x10, s4;
	s8 =	sor.u32 $0x18, s4  }
0x7: {  	s11 =	sor.u32 $0x30, s4;
	s14 =	sor.u32 $0x48, s4;
	s3 =	sadd.s32 s2, s17  }
0x8: {  	s7 =	sshll.u32 s5, $0x7;
	[dreg:$0x4] =	wrdreg s3;
	s3 =	sor.u32 $0x8, s4  }
0x9: {  	s19 =	sshll.u32 s8, $0x7;
	s21 =	sshll.u32 s11, $0x7;
	s6 =	sshll.u32 s3, $0x7  }
0xa: {  	s23 =	sshll.u32 s14, $0x7;
	s17 =	sor.u32 $0x60, s4;
	s6 =	sadd.s32 s2, s6  }
0xb: {  	s18 =	sadd.s32 s2, s7;
	[dreg:$0x5] =	wrdreg s6;
	s6 =	sadd.s32 s2, s19  }
0xc: {  	s7 =	sor.u32 $0x28, s4;
	[dreg:$0x7] =	wrdreg s6;
	s6 =	sor.u32 $0x20, s4  }
0xd: {  	s25 =	sshll.u32 s17, $0x7;
	[dreg:$0x6] =	wrdreg s18;
	s9 =	sshll.u32 s6, $0x7  }
0xe: {  	s10 =	sshll.u32 s7, $0x7;
	s3 =	sshll.u32 s3, $0x9;
	s9 =	sadd.s32 s2, s9  }
0xf: {  	s20 =	sadd.s32 s2, s10;
	[dreg:$0x8] =	wrdreg s9;
	s9 =	sadd.s32 s2, s21  }
0x10: {  	s10 =	sor.u32 $0x40, s4;
	[dreg:$0xa] =	wrdreg s9;
	s9 =	sor.u32 $0x38, s4  }
0x11: {  	[dreg:$0x9] =	wrdreg s20;
	s13 =	sshll.u32 s10, $0x7;
	s12 =	sshll.u32 s9, $0x7  }
0x12: {  	s20 =	sor.u32 $0x78, s4;
	s22 =	sadd.s32 s2, s13;
	s12 =	sadd.s32 s2, s12  }
0x13: {  	s13 =	sor.u32 $0x58, s4;
	[dreg:$0xb] =	wrdreg s12;
	s12 =	sadd.s32 s2, s23  }
0x14: {  	s16 =	sshll.u32 s13, $0x7;
	[dreg:$0xd] =	wrdreg s12;
	s12 =	sor.u32 $0x50, s4  }
0x15: {  	[dreg:$0xc] =	wrdreg s22;
	s24 =	sadd.s32 s2, s16;
	s15 =	sshll.u32 s12, $0x7  }
0x16: {  	s16 =	sor.u32 $0x70, s4;
	[dreg:$0xf] =	wrdreg s24;
	s15 =	sadd.s32 s2, s15  }
0x17: {  	s19 =	sshll.u32 s16, $0x7;
	[dreg:$0xe] =	wrdreg s15;
	s15 =	sadd.s32 s2, s25  }
0x18: {  	s21 =	sshll.u32 s4, $0x9;
	s26 =	sadd.s32 s2, s19;
	[dreg:$0x10] =	wrdreg s15  }
0x19: {  	s19 =	sshll.u32 s20, $0x7;
	s15 =	sor.u32 $0x68, s4;
	s4 =	rddreg [dreg:$0x0]  }
0x1a: {  	[dreg:$0x12] =	wrdreg s26;
	s18 =	sshll.u32 s15, $0x7;
	s22 =	sadd.s32 s4, s21  }
0x1b: {  	s18 =	sadd.s32 s2, s18;
	s2 =	sadd.s32 s2, s19;
	s19 =	rddreg [dreg:$0x2]  }
0x1c: {  	s5 =	sshll.u32 s5, $0x9;
	s24 =	sadd.s32 s4, s3;
	[dreg:$0x14] =	wrdreg s22  }
0x1d: {  	s26 =	sadd.s32 s4, s5;
	[dreg:$0x16] =	wrdreg s24  }
0x1e: {  	[dreg:$0x18] =	wrdreg s26  }
0x1f: {  	s23 =	sshll.u32 s8, $0x9;
	s25 =	sshll.u32 s6, $0x9;
	[dreg:$0x11] =	wrdreg s18  }
0x20: {  	s8 =	sshll.u32 s7, $0x9;
	s22 =	sadd.s32 s4, s25;
	[dreg:$0x13] =	wrdreg s2  }
0x21: {  	s24 =	sadd.s32 s4, s8;
	[dreg:$0x1c] =	wrdreg s22  }
0x22: {  	s2 =	sadd.s32 s19, s21;
	[dreg:$0x1e] =	wrdreg s24  }
0x23: {  	s3 =	sadd.s32 s19, s3;
	[dreg:$0x15] =	wrdreg s2  }
0x24: {  	s5 =	sadd.s32 s19, s5;
	[dreg:$0x17] =	wrdreg s3  }
0x25: {  	s28 =	simm.s32 $0x4;
	s18 =	sadd.s32 s4, s23;
	[dreg:$0x19] =	wrdreg s5  }
0x26: {  	s7 =	sshll.u32 s14, $0x9;
	[dreg:$0x1a] =	wrdreg s18;
	s2 =	sadd.s32 s19, s23  }
0x27: {  	s21 =	sshll.u32 s11, $0x9;
	s3 =	sadd.s32 s19, s25;
	[dreg:$0x1b] =	wrdreg s2  }
0x28: {  	s11 =	sshll.u32 s13, $0x9;
	s5 =	sadd.s32 s19, s8;
	[dreg:$0x1d] =	wrdreg s3  }
0x29: {  	s23 =	sshll.u32 s9, $0x9;
	s26 =	sadd.s32 s4, s21;
	[dreg:$0x1f] =	wrdreg s5  }
0x2a: {  	s9 =	sshll.u32 s12, $0x9;
	s12 =	sadd.s32 s4, s7;
	[smem:$0x7EB] =	sst s26  }
0x2b: {  	s13 =	sshll.u32 s17, $0x9;
	s18 =	sadd.s32 s4, s11;
	[smem:$0x7F1] =	sst s12  }
0x2c: {  	s17 =	sshll.u32 s15, $0x9;
	s22 =	sadd.s32 s4, s13;
	[smem:$0x7F5] =	sst s18  }
0x2d: {  	s29 =	simm.s32 $0x7;
	s24 =	sadd.s32 s4, s17;
	[smem:$0x7F7] =	sst s22  }
0x2e: {  	s30 =	simm.s32 $0x2;
	s2 =	sadd.s32 s19, s21;
	[smem:$0x7F9] =	sst s24  }
0x2f: {  	s31 =	simm.s32 $0x5;
	s8 =	sadd.s32 s4, s23;
	[smem:$0x7EC] =	sst s2  }
0x30: {  	s25 =	sshll.u32 s10, $0x9;
	s3 =	sadd.s32 s19, s23;
	[smem:$0x7ED] =	sst s8  }
0x31: {  	s10 =	sadd.s32 s4, s25;
	s5 =	sadd.s32 s19, s25;
	[smem:$0x7EE] =	sst s3  }
0x32: {  	s14 =	sadd.s32 s4, s9;
	s21 =	sshll.u32 s16, $0x9;
	[smem:$0x7EF] =	sst s10  }
0x33: {  	s23 =	sshll.u32 s20, $0x9;
	s20 =	smax.u32 s0, $0x1;
	[smem:$0x7F0] =	sst s5  }
0x34: {  	s22 =	simm.s32 $0x8000;
	s2 =	sadd.s32 s19, s7;
	[smem:$0x7F3] =	sst s14  }
0x35: {  	s24 =	simm.s32 $0x10000;
	s3 =	sadd.s32 s19, s9;
	[smem:$0x7F2] =	sst s2  }
0x36: {  	s0 =	simm.s32 $0x8;
	s5 =	sadd.s32 s19, s11;
	[smem:$0x7F4] =	sst s3  }
0x37: {  	s25 =	sadd.s32 s4, s21;
	s4 =	sadd.s32 s4, s23;
	[smem:$0x7F6] =	sst s5  }
0x38: {  	s26 =	sadd.s32 s19, s21;
	s21 =	simm.s32 $0x18000;
	[smem:$0x7FA] =	sst s25  }
0x39: {  	s2 =	sadd.s32 s19, s13;
	[smem:$0x7FB] =	sst s4;
	s3 =	sadd.s32 s19, s17  }
0x3a: {  	[smem:$0x7FD] =	sst s26;
	s19 =	sadd.s32 s19, s23;
	s23 =	simm.s32 $0x1A000  }
0x3b: {  	s25 =	simm.s32 $0x1C000;
	s26 =	simm.s32 $0x1;
	[smem:$0x7F8] =	sst s2  }
0x3c: {  	s4 =	simm.s32 $0x9;
	s5 =	simm.s32 $0x0;
	[smem:$0x7FC] =	sst s3  }
0x3d: {  	s2 =	simm.s32 $0x3;
	s3 =	simm.s32 $0x6;
	_ =	strace $0x80000047  }
.LBB2_1:
0x3e: {  	s6 =	rddreg [dreg:$0x14]  }
0x3f: {  	[tilespmem:s1], [sflag:$0x1] =	stream.linear.gather [hbm4b:s6+s1], $0x8000, $0x38;
	[tilespmem:$0x1E000] =	vst v63  }
0x40: {  	s10 =	rddreg [dreg:$0x4]  }
0x41: {  	[tilespmem:s21], [sflag:$0x4] =	stream.linear.gather [hbm4b:s10+s1], $0x2000, $0x38;
	[tilespmem:$0x1E000] =	vst v63  }
0x42: {  	s11 =	rddreg [dreg:$0x16]  }
0x43: {  	[tilespmem:s22], [sflag:$0x2] =	stream.linear.gather [hbm4b:s11+s1], $0x8000, $0x38;
	[tilespmem:$0x1E000] =	vst v63  }
0x44: {  	s12 =	rddreg [dreg:$0x5]  }
0x45: {  	[tilespmem:s23], [sflag:$0x5] =	stream.linear.gather [hbm4b:s12+s1], $0x2000, $0x38;
	[tilespmem:$0x1E000] =	vst v63  }
0x46: {  	s13 =	rddreg [dreg:$0x18]  }
0x47: {  	[tilespmem:s24], [sflag:$0x3] =	stream.linear.gather [hbm4b:s13+s1], $0x8000, $0x38;
	[tilespmem:$0x1E000] =	vst v63  }
0x48: {  	s14 =	rddreg [dreg:$0x6];
	s15 =	simm.s32 $0x0;
	s7 =	sand.u32 $0x40, s1  }
0x49: {  	[tilespmem:s25], [sflag:$0x6] =	stream.linear.gather [hbm4b:s14+s1], $0x2000, $0x38;
	[tilespmem:$0x1E000] =	vst v63  }
0x4a: {  	s8 =	simm.s32 $0x0;
	s9 =	simm.s32 $0x0;
	_ =	swait.ge [sflag:s26], $0x8000  }
0x4b: {  	s6 =	sand.u32 $0x7, s15;
	s8 =	sand.u32 $0x3FFFF000, s8;
	[sflag:s26] =	ssyncset.done $0x0  }
0x4c: {  	s9 =	sand.u32 $0x3FFFFF80, s9;
	s17 =	sor.u32 $0x30, s7;
	[sflag:s26] =	ssyncadd.s32 $0xFFFF8000  }
0x4d: {  	s10 =	sshll.u32 s6, $0xA;
	s6 =	sshll.u32 s6, $0x9;
	_ =	swait.ge [sflag:s28], $0x2000  }
0x4e: {  	s9 =	sadd.s32 s9, s10;
	s16 =	sor.u32 s6, s8;
	[sflag:s28] =	ssyncset.done $0x0  }
0x4f: {  	s9 =	sadd.s32 $0x18000, s9;
	s6 =	sor.u32 s17, s16;
	[sflag:s28] =	ssyncadd.s32 $0xFFFFE000  }
0x50: {  	s8 =	sor.u32 s17, s9;
	v3 =	vld [tilespmem:s6+$0x180]  }
0x51: {  	s11 =	sor.u32 s7, s9;
	s12 =	sor.u32 $0x10, s7;
	v0 =	vld [tilespmem:s8+$0x0]  }
0x52: {  	s18 =	sor.u32 s12, s9;
	s13 =	sor.u32 $0x20, s7;
	v8 =	vld [tilespmem:s11+$0x0]  }
0x53: {  	s9 =	sor.u32 s13, s9;
	v2 =	vld [tilespmem:s18+$0x0]  }
0x54: {  	s11 =	sor.u32 s7, s16;
	v1 =	vld [tilespmem:s9+$0x0]  }
0x55: {  	v4 =	vld [tilespmem:s11+$0x0]  }
0x56: {  	v5 =	vld [tilespmem:s11+$0x80]  }
0x57: {  	v9 =	vld [tilespmem:s11+$0x100]  }
0x58: {  	s8 =	sor.u32 s12, s16;
	v10 =	vld [tilespmem:s11+$0x180]  }
0x59: {  	v7 =	vld [tilespmem:s8+$0x0];
	v3 =	vadd.f32 v3, v0  }
0x5a: {  	v6 =	vld [tilespmem:s8+$0x80];
	v4 =	vadd.f32 v4, v8  }
0x5b: {  	[tilespmem:s6+$0x180] =	vst v3;
	v3 =	vadd.f32 v5, v8;
	v5 =	vld [tilespmem:s8+$0x100]  }
0x5c: {  	s7 =	sor.u32 s13, s16;
	v9 =	vadd.f32 v9, v8;
	[tilespmem:s11+$0x0] =	vst v4;
	v4 =	vld [tilespmem:s8+$0x180]  }
0x5d: {  	s10 =	simm.s32 $0x0;
	s9 =	simm.s32 $0x0;
	v8 =	vadd.f32 v10, v8;
	[tilespmem:s11+$0x80] =	vst v3;
	v3 =	vld [tilespmem:s7+$0x0]  }
.LBB2_2:
0x5e: {  	s9 =	sadd.s32 $0x4, s9;
	[tilespmem:s11+$0x100] =	vst v9;
	v7 =	vadd.f32 v7, v2;
	v9 =	vld [tilespmem:s7+$0x80];
	s10 =	sadd.s32 $0x40, s10  }
0x5f: {  	s12 =	sshrl.u32 s9, $0x3;
	s13 =	sand.u32 $0x40, s10;
	s14 =	sshll.u32 s9, $0x6;
	[tilespmem:s11+$0x180] =	vst v8;
	v6 =	vadd.f32 v6, v2;
	v8 =	vld [tilespmem:s7+$0x100]  }
0x60: {  	s11 =	sand.u32 $0x7, s12;
	s12 =	sshll.u32 s9, $0x1;
	s14 =	sand.u32 $0x3FFFF000, s14;
	[tilespmem:s8+$0x0] =	vst v7;
	v5 =	vadd.f32 v5, v2;
	v7 =	vld [tilespmem:s7+$0x180]  }
0x61: {  	s15 =	sshll.u32 s11, $0xA;
	s12 =	sand.u32 $0x3FFFFF80, s12;
	s11 =	sshll.u32 s11, $0x9;
	[tilespmem:s8+$0x80] =	vst v6;
	v2 =	vadd.f32 v4, v2;
	v4 =	vld [tilespmem:s6+$0x0]  }
0x62: {  	s12 =	sadd.s32 s12, s15;
	s14 =	sor.u32 s11, s14;
	s11 =	sor.u32 $0x30, s13;
	[tilespmem:s8+$0x100] =	vst v5;
	v3 =	vadd.f32 v3, v1;
	v5 =	vld [tilespmem:s6+$0x80]  }
0x63: {  	s15 =	sor.u32 $0x10, s13;
	s12 =	sadd.s32 $0x18000, s12;
	s16 =	sor.u32 s11, s14;
	[tilespmem:s8+$0x180] =	vst v2;
	v2 =	vadd.f32 v9, v1;
	v6 =	vld [tilespmem:s6+$0x100]  }
0x64: {  	s17 =	sor.u32 $0x20, s13;
	s8 =	sor.u32 s13, s12;
	s18 =	sor.u32 s11, s12;
	v9 =	vld [tilespmem:s16+$0x180];
	[tilespmem:s7+$0x0] =	vst v3;
	v3 =	vadd.f32 v8, v1  }
0x65: {  	s11 =	sor.u32 s13, s14;
	s13 =	sor.u32 s15, s12;
	s12 =	sor.u32 s17, s12;
	v8 =	vld [tilespmem:s18+$0x0];
	[tilespmem:s7+$0x80] =	vst v2;
	v1 =	vadd.f32 v7, v1  }
0x66: {  	p0 =	slt.u32 s9, $0x1FC;
	v10 =	vld [tilespmem:s8+$0x0];
	s8 =	sor.u32 s15, s14;
	s14 =	sor.u32 s17, s14;
	[tilespmem:s7+$0x100] =	vst v3;
	v3 =	vadd.f32 v4, v0  }
0x67: {  	v2 =	vld [tilespmem:s13+$0x0];
	[tilespmem:s7+$0x180] =	vst v1;
	v4 =	vadd.f32 v5, v0;
	s7 =	smov.u32 s14  }
0x68: {  	v1 =	vld [tilespmem:s12+$0x0];
	[tilespmem:s6+$0x0] =	vst v3;
	v6 =	vadd.f32 v6, v0  }
0x69: {  	v3 =	vld [tilespmem:s11+$0x0];
	[tilespmem:s6+$0x80] =	vst v4  }
0x6a: {  	v4 =	vld [tilespmem:s11+$0x80];
	v5 =	vadd.f32 v9, v8;
	[tilespmem:s6+$0x100] =	vst v6;
	v0 =	vmov v8;
	s6 =	smov.u32 s16  }
0x6b: {  	v8 =	vld [tilespmem:s11+$0x100]  }
0x6c: {  	v11 =	vld [tilespmem:s11+$0x180];
	[tilespmem:s6+$0x180] =	vst v5  }
.Ltmp0:
0x6d: {  	v7 =	vld [tilespmem:s8+$0x0];
	(pc) =	sbr.rel @p0 .LBB2_2-.Ltmp0, $4  }
0x6e: {  	v3 =	vadd.f32 v3, v10;
	v6 =	vld [tilespmem:s8+$0x80]  }
0x6f: {  	v12 =	vadd.f32 v4, v10;
	v5 =	vld [tilespmem:s8+$0x100]  }
0x70: {  	[tilespmem:s11+$0x0] =	vst v3;
	v9 =	vadd.f32 v8, v10;
	v4 =	vld [tilespmem:s8+$0x180]  }
0x71: {  	[tilespmem:s11+$0x80] =	vst v12;
	v8 =	vadd.f32 v11, v10;
	v3 =	vld [tilespmem:s7+$0x0]  }
0x72: {  	[tilespmem:s11+$0x100] =	vst v9;
	v7 =	vadd.f32 v7, v2;
	v62 =	vld [tilespmem:s7+$0x80]  }
0x73: {  	[tilespmem:s11+$0x180] =	vst v8;
	v6 =	vadd.f32 v6, v2;
	v8 =	vld [tilespmem:s7+$0x100]  }
0x74: {  	[tilespmem:s8+$0x0] =	vst v7;
	v5 =	vadd.f32 v5, v2;
	v7 =	vld [tilespmem:s7+$0x180]  }
0x75: {  	[tilespmem:s8+$0x80] =	vst v6;
	v2 =	vadd.f32 v4, v2;
	v4 =	vld [tilespmem:s6+$0x0]  }
0x76: {  	[tilespmem:s8+$0x100] =	vst v5;
	v3 =	vadd.f32 v3, v1;
	v5 =	vld [tilespmem:s6+$0x80]  }
0x77: {  	v6 =	vld [tilespmem:s6+$0x100];
	[tilespmem:s8+$0x180] =	vst v2;
	v2 =	vadd.f32 v62, v1  }
0x78: {  	[tilespmem:s7+$0x0] =	vst v3;
	v3 =	vadd.f32 v8, v1  }
0x79: {  	[tilespmem:s7+$0x80] =	vst v2;
	v1 =	vadd.f32 v7, v1  }
0x7a: {  	[tilespmem:s7+$0x100] =	vst v3;
	v2 =	vadd.f32 v4, v0  }
0x7b: {  	[tilespmem:s7+$0x180] =	vst v1;
	v1 =	vadd.f32 v5, v0  }
0x7c: {  	v0 =	vadd.f32 v6, v0;
	[tilespmem:s6+$0x0] =	vst v2  }
0x7d: {  	[tilespmem:s6+$0x80] =	vst v1  }
0x7e: {  	[tilespmem:s6+$0x100] =	vst v0  }
0x7f: {  	s7 =	simm.s32 $0x0;
	s6 =	rddreg [dreg:$0x15]  }
0x80: {  	[hbm4b:s6+s7] =	stream.linear.scatter [tilespmem:s7], [sflag:$0x7], $0x8000, $0x38;
	[tilespmem:$0x1E000] =	vst v63  }
0x81: {  	_ =	swait.ge [sflag:s29], $0x8000  }
0x82: {  	[sflag:s29] =	ssyncset.done $0x0  }
0x83: {  	s12 =	simm.s32 $0x0;
	s9 =	rddreg [dreg:$0x1a];
	[sflag:s29] =	ssyncadd.s32 $0xFFFF8000  }
0x84: {  	[tilespmem:s7], [sflag:$0x1] =	stream.linear.gather [hbm4b:s9+s7], $0x8000, $0x38;
	[tilespmem:$0x1E000] =	vst v63  }
0x85: {  	s11 =	simm.s32 $0x0;
	s8 =	sand.u32 $0x40, s7;
	s10 =	rddreg [dreg:$0x7]  }
0x86: {  	[tilespmem:s21], [sflag:$0x4] =	stream.linear.gather [hbm4b:s10+s7], $0x2000, $0x38;
	[tilespmem:$0x1E000] =	vst v63  }
0x87: {  	s13 =	sand.u32 $0x3FFFF000, s12;
	s14 =	sor.u32 $0x30, s8;
	_ =	swait.ge [sflag:s30], $0x8000  }
0x88: {  	s6 =	sand.u32 $0x7, s11;
	s9 =	simm.s32 $0x0;
	[sflag:s30] =	ssyncset.done $0x0  }
0x89: {  	s9 =	sand.u32 $0x3FFFFF80, s9;
	s10 =	sshll.u32 s6, $0xA;
	[sflag:s30] =	ssyncadd.s32 $0xFFFF8000  }
0x8a: {  	s6 =	sshll.u32 s6, $0x9;
	s9 =	sadd.s32 s9, s10;
	_ =	swait.ge [sflag:s31], $0x2000  }
0x8b: {  	s6 =	sor.u32 s6, s13;
	s12 =	sadd.s32 $0x1A000, s9;
	[sflag:s31] =	ssyncset.done $0x0  }
0x8c: {  	s13 =	sadd.s32 $0x8000, s6;
	s15 =	sor.u32 s14, s12;
	[sflag:s31] =	ssyncadd.s32 $0xFFFFE000  }
0x8d: {  	s6 =	sor.u32 s14, s13;
	v0 =	vld [tilespmem:s15+$0x0]  }
0x8e: {  	s16 =	sor.u32 s8, s12;
	v1 =	vld [tilespmem:s6+$0x180]  }
0x8f: {  	s11 =	sor.u32 s8, s13;
	v7 =	vld [tilespmem:s16+$0x0]  }
0x90: {  	v3 =	vld [tilespmem:s11+$0x0]  }
0x91: {  	v8 =	vld [tilespmem:s11+$0x100]  }
0x92: {  	s17 =	sor.u32 $0x10, s8;
	v4 =	vld [tilespmem:s11+$0x80]  }
0x93: {  	s18 =	sor.u32 s17, s12;
	v63 =	vld [tilespmem:s11+$0x180]  }
0x94: {  	s9 =	sor.u32 s17, s13;
	v2 =	vld [tilespmem:s18+$0x0];
	v1 =	vadd.f32 v1, v0  }
0x95: {  	v6 =	vld [tilespmem:s9+$0x0];
	v3 =	vadd.f32 v3, v7  }
0x96: {  	v5 =	vld [tilespmem:s9+$0x80];
	v8 =	vadd.f32 v8, v7;
	[tilespmem:s6+$0x180] =	vst v1  }
0x97: {  	s8 =	sor.u32 $0x20, s8;
	v1 =	vadd.f32 v4, v7;
	[tilespmem:s11+$0x0] =	vst v3;
	v4 =	vld [tilespmem:s9+$0x100]  }
0x98: {  	s12 =	sor.u32 s8, s12;
	v3 =	vld [tilespmem:s9+$0x180];
	v7 =	vadd.f32 v63, v7;
	[tilespmem:s11+$0x100] =	vst v8  }
0x99: {  	s10 =	simm.s32 $0x0;
	s8 =	sor.u32 s8, s13;
	[tilespmem:s11+$0x80] =	vst v1;
	v1 =	vld [tilespmem:s12+$0x0]  }
.LBB2_4:
0x9a: {  	s10 =	sadd.s32 $0x4, s10;
	[tilespmem:s11+$0x180] =	vst v7;
	v6 =	vadd.f32 v6, v2;
	v7 =	vld [tilespmem:s8+$0x0]  }
0x9b: {  	s7 =	sadd.s32 $0x40, s7;
	s11 =	sshrl.u32 s10, $0x3;
	p0 =	slt.u32 s10, $0x1FC;
	v5 =	vadd.f32 v5, v2;
	v8 =	vld [tilespmem:s8+$0x80]  }
0x9c: {  	s12 =	sand.u32 $0x40, s7;
	s13 =	sshll.u32 s10, $0x1;
	s11 =	sand.u32 $0x7, s11;
	[tilespmem:s9+$0x0] =	vst v6;
	v4 =	vadd.f32 v4, v2;
	v6 =	vld [tilespmem:s8+$0x100]  }
0x9d: {  	s15 =	sshll.u32 s10, $0x6;
	s13 =	sand.u32 $0x3FFFFF80, s13;
	s14 =	sshll.u32 s11, $0xA;
	[tilespmem:s9+$0x80] =	vst v5;
	v2 =	vadd.f32 v3, v2;
	v3 =	vld [tilespmem:s8+$0x180]  }
0x9e: {  	s11 =	sshll.u32 s11, $0x9;
	s13 =	sadd.s32 s13, s14;
	s14 =	sand.u32 $0x3FFFF000, s15;
	[tilespmem:s9+$0x100] =	vst v4;
	v4 =	vld [tilespmem:s6+$0x0]  }
0x9f: {  	s13 =	sadd.s32 $0x1A000, s13;
	s11 =	sor.u32 s11, s14;
	s14 =	sor.u32 $0x30, s12;
	[tilespmem:s9+$0x180] =	vst v2;
	v2 =	vadd.f32 v7, v1;
	v5 =	vld [tilespmem:s6+$0x80]  }
0xa0: {  	s9 =	sor.u32 $0x10, s12;
	s15 =	sadd.s32 $0x8000, s11;
	s11 =	sor.u32 s14, s13;
	v7 =	vadd.f32 v8, v1;
	v8 =	vld [tilespmem:s6+$0x100]  }
0xa1: {  	s17 =	sor.u32 $0x20, s12;
	s16 =	sor.u32 s12, s13;
	v9 =	vld [tilespmem:s11+$0x0];
	s14 =	sor.u32 s14, s15;
	[tilespmem:s8+$0x0] =	vst v2;
	v2 =	vadd.f32 v6, v1  }
0xa2: {  	s11 =	sor.u32 s12, s15;
	s12 =	sor.u32 s9, s13;
	s9 =	sor.u32 s9, s15;
	v6 =	vld [tilespmem:s14+$0x180];
	[tilespmem:s8+$0x80] =	vst v7;
	v1 =	vadd.f32 v3, v1  }
0xa3: {  	s13 =	sor.u32 s17, s13;
	s15 =	sor.u32 s17, s15;
	v3 =	vld [tilespmem:s16+$0x0];
	[tilespmem:s8+$0x100] =	vst v2;
	v2 =	vadd.f32 v4, v0  }
0xa4: {  	v4 =	vld [tilespmem:s11+$0x0];
	[tilespmem:s8+$0x180] =	vst v1;
	v1 =	vadd.f32 v5, v0;
	s8 =	smov.u32 s15  }
0xa5: {  	v5 =	vld [tilespmem:s11+$0x80];
	[tilespmem:s6+$0x0] =	vst v2;
	v2 =	vadd.f32 v8, v0  }
0xa6: {  	v7 =	vld [tilespmem:s11+$0x100];
	[tilespmem:s6+$0x80] =	vst v1;
	v0 =	vmov v9  }
0xa7: {  	v1 =	vld [tilespmem:s11+$0x180];
	v8 =	vadd.f32 v6, v0;
	[tilespmem:s6+$0x100] =	vst v2;
	s6 =	smov.u32 s14  }
0xa8: {  	v2 =	vld [tilespmem:s12+$0x0]  }
.Ltmp1:
0xa9: {  	v4 =	vadd.f32 v4, v3;
	v6 =	vld [tilespmem:s9+$0x0];
	[tilespmem:s6+$0x180] =	vst v8;
	(pc) =	sbr.rel @p0 .LBB2_4-.Ltmp1, $4  }
0xaa: {  	v8 =	vadd.f32 v5, v3;
	v5 =	vld [tilespmem:s9+$0x80]  }
0xab: {  	[tilespmem:s11+$0x0] =	vst v4;
	v9 =	vadd.f32 v7, v3;
	v4 =	vld [tilespmem:s9+$0x100]  }
0xac: {  	[tilespmem:s11+$0x80] =	vst v8;
	v7 =	vadd.f32 v1, v3;
	v3 =	vld [tilespmem:s9+$0x180]  }
0xad: {  	[tilespmem:s11+$0x100] =	vst v9;
	v1 =	vld [tilespmem:s13+$0x0]  }
0xae: {  	v8 =	vld [tilespmem:s8+$0x0]  }
0xaf: {  	v6 =	vadd.f32 v6, v2;
	v9 =	vld [tilespmem:s8+$0x80]  }
0xb0: {  	[tilespmem:s11+$0x180] =	vst v7;
	v7 =	vld [tilespmem:s8+$0x100];
	v5 =	vadd.f32 v5, v2  }
0xb1: {  	[tilespmem:s9+$0x0] =	vst v6;
	v4 =	vadd.f32 v4, v2;
	v6 =	vld [tilespmem:s8+$0x180]  }
0xb2: {  	[tilespmem:s9+$0x80] =	vst v5;
	v2 =	vadd.f32 v3, v2;
	v3 =	vld [tilespmem:s6+$0x0]  }
0xb3: {  	v5 =	vld [tilespmem:s6+$0x80];
	[tilespmem:s9+$0x100] =	vst v4;
	v4 =	vadd.f32 v8, v1  }
0xb4: {  	[tilespmem:s9+$0x180] =	vst v2;
	v2 =	vadd.f32 v9, v1;
	v8 =	vld [tilespmem:s6+$0x100]  }
0xb5: {  	[tilespmem:s8+$0x0] =	vst v4;
	v4 =	vadd.f32 v7, v1  }
0xb6: {  	[tilespmem:s8+$0x80] =	vst v2;
	v1 =	vadd.f32 v6, v1  }
0xb7: {  	v2 =	vadd.f32 v3, v0;
	[tilespmem:s8+$0x100] =	vst v4  }
0xb8: {  	[tilespmem:s8+$0x180] =	vst v1;
	v1 =	vadd.f32 v5, v0  }
0xb9: {  	[tilespmem:s6+$0x0] =	vst v2;
	v0 =	vadd.f32 v8, v0  }
0xba: {  	[tilespmem:s6+$0x80] =	vst v1  }
0xbb: {  	[tilespmem:s6+$0x100] =	vst v0  }
0xbc: {  	s7 =	simm.s32 $0x0;
	s6 =	rddreg [dreg:$0x17]  }
0xbd: {  	[hbm4b:s6+s7] =	stream.linear.scatter [tilespmem:s22], [sflag:$0x8], $0x8000, $0x38;
	[tilespmem:$0x1E000] =	vst v63  }
0xbe: {  	_ =	swait.ge [sflag:s0], $0x8000  }
0xbf: {  	[sflag:s0] =	ssyncset.done $0x0  }
0xc0: {  	s10 =	simm.s32 $0x0;
	s8 =	rddreg [dreg:$0x1c];
	[sflag:s0] =	ssyncadd.s32 $0xFFFF8000  }
0xc1: {  	[tilespmem:s22], [sflag:$0x2] =	stream.linear.gather [hbm4b:s8+s7], $0x8000, $0x38;
	[tilespmem:$0x1E000] =	vst v63  }
0xc2: {  	s11 =	simm.s32 $0x0;
	s12 =	simm.s32 $0x0;
	s9 =	rddreg [dreg:$0x8]  }
0xc3: {  	[tilespmem:s23], [sflag:$0x5] =	stream.linear.gather [hbm4b:s9+s7], $0x2000, $0x38;
	[tilespmem:$0x1E000] =	vst v63  }
0xc4: {  	s13 =	sand.u32 $0x3FFFF000, s12;
	s6 =	sand.u32 $0x7, s10;
	_ =	swait.ge [sflag:s2], $0x8000  }
0xc5: {  	s10 =	sshll.u32 s6, $0xA;
	s6 =	sshll.u32 s6, $0x9;
	[sflag:s2] =	ssyncset.done $0x0  }
0xc6: {  	s6 =	sor.u32 s6, s13;
	s9 =	sand.u32 $0x3FFFFF80, s11;
	[sflag:s2] =	ssyncadd.s32 $0xFFFF8000  }
0xc7: {  	s8 =	sand.u32 $0x40, s7;
	s9 =	sadd.s32 s9, s10;
	_ =	swait.ge [sflag:s3], $0x2000  }
0xc8: {  	s14 =	sor.u32 $0x30, s8;
	s12 =	sadd.s32 $0x1C000, s9;
	[sflag:s3] =	ssyncset.done $0x0  }
0xc9: {  	s13 =	sadd.s32 $0x10000, s6;
	s15 =	sor.u32 s14, s12;
	[sflag:s3] =	ssyncadd.s32 $0xFFFFE000  }
0xca: {  	s6 =	sor.u32 s14, s13;
	v0 =	vld [tilespmem:s15+$0x0]  }
0xcb: {  	s16 =	sor.u32 s8, s12;
	v1 =	vld [tilespmem:s6+$0x180]  }
0xcc: {  	s11 =	sor.u32 s8, s13;
	v7 =	vld [tilespmem:s16+$0x0]  }
0xcd: {  	v3 =	vld [tilespmem:s11+$0x0]  }
0xce: {  	v8 =	vld [tilespmem:s11+$0x100]  }
0xcf: {  	s17 =	sor.u32 $0x10, s8;
	v4 =	vld [tilespmem:s11+$0x80]  }
0xd0: {  	s18 =	sor.u32 s17, s12;
	v63 =	vld [tilespmem:s11+$0x180]  }
0xd1: {  	s9 =	sor.u32 s17, s13;
	v2 =	vld [tilespmem:s18+$0x0];
	v1 =	vadd.f32 v1, v0  }
0xd2: {  	v6 =	vld [tilespmem:s9+$0x0];
	v3 =	vadd.f32 v3, v7  }
0xd3: {  	v5 =	vld [tilespmem:s9+$0x80];
	v8 =	vadd.f32 v8, v7;
	[tilespmem:s6+$0x180] =	vst v1  }
0xd4: {  	s8 =	sor.u32 $0x20, s8;
	v1 =	vadd.f32 v4, v7;
	[tilespmem:s11+$0x0] =	vst v3;
	v4 =	vld [tilespmem:s9+$0x100]  }
0xd5: {  	s12 =	sor.u32 s8, s12;
	v3 =	vld [tilespmem:s9+$0x180];
	v7 =	vadd.f32 v63, v7;
	[tilespmem:s11+$0x100] =	vst v8  }
0xd6: {  	s10 =	simm.s32 $0x0;
	s8 =	sor.u32 s8, s13;
	[tilespmem:s11+$0x80] =	vst v1;
	v1 =	vld [tilespmem:s12+$0x0]  }
.LBB2_6:
0xd7: {  	s10 =	sadd.s32 $0x4, s10;
	[tilespmem:s11+$0x180] =	vst v7;
	v6 =	vadd.f32 v6, v2;
	v7 =	vld [tilespmem:s8+$0x0]  }
0xd8: {  	s7 =	sadd.s32 $0x40, s7;
	s11 =	sshrl.u32 s10, $0x3;
	p0 =	slt.u32 s10, $0x1FC;
	v5 =	vadd.f32 v5, v2;
	v8 =	vld [tilespmem:s8+$0x80]  }
0xd9: {  	s12 =	sand.u32 $0x40, s7;
	s13 =	sshll.u32 s10, $0x1;
	s11 =	sand.u32 $0x7, s11;
	[tilespmem:s9+$0x0] =	vst v6;
	v4 =	vadd.f32 v4, v2;
	v6 =	vld [tilespmem:s8+$0x100]  }
0xda: {  	s15 =	sshll.u32 s10, $0x6;
	s13 =	sand.u32 $0x3FFFFF80, s13;
	s14 =	sshll.u32 s11, $0xA;
	[tilespmem:s9+$0x80] =	vst v5;
	v2 =	vadd.f32 v3, v2;
	v3 =	vld [tilespmem:s8+$0x180]  }
0xdb: {  	s11 =	sshll.u32 s11, $0x9;
	s13 =	sadd.s32 s13, s14;
	s14 =	sand.u32 $0x3FFFF000, s15;
	[tilespmem:s9+$0x100] =	vst v4;
	v4 =	vld [tilespmem:s6+$0x0]  }
0xdc: {  	s13 =	sadd.s32 $0x1C000, s13;
	s11 =	sor.u32 s11, s14;
	s14 =	sor.u32 $0x30, s12;
	[tilespmem:s9+$0x180] =	vst v2;
	v2 =	vadd.f32 v7, v1;
	v5 =	vld [tilespmem:s6+$0x80]  }
0xdd: {  	s9 =	sor.u32 $0x10, s12;
	s15 =	sadd.s32 $0x10000, s11;
	s11 =	sor.u32 s14, s13;
	v7 =	vadd.f32 v8, v1;
	v8 =	vld [tilespmem:s6+$0x100]  }
0xde: {  	s17 =	sor.u32 $0x20, s12;
	s16 =	sor.u32 s12, s13;
	v9 =	vld [tilespmem:s11+$0x0];
	s14 =	sor.u32 s14, s15;
	[tilespmem:s8+$0x0] =	vst v2;
	v2 =	vadd.f32 v6, v1  }
0xdf: {  	s11 =	sor.u32 s12, s15;
	s12 =	sor.u32 s9, s13;
	s9 =	sor.u32 s9, s15;
	v6 =	vld [tilespmem:s14+$0x180];
	[tilespmem:s8+$0x80] =	vst v7;
	v1 =	vadd.f32 v3, v1  }
0xe0: {  	s13 =	sor.u32 s17, s13;
	s15 =	sor.u32 s17, s15;
	v3 =	vld [tilespmem:s16+$0x0];
	[tilespmem:s8+$0x100] =	vst v2;
	v2 =	vadd.f32 v4, v0  }
0xe1: {  	v4 =	vld [tilespmem:s11+$0x0];
	[tilespmem:s8+$0x180] =	vst v1;
	v1 =	vadd.f32 v5, v0;
	s8 =	smov.u32 s15  }
0xe2: {  	v5 =	vld [tilespmem:s11+$0x80];
	[tilespmem:s6+$0x0] =	vst v2;
	v2 =	vadd.f32 v8, v0  }
0xe3: {  	v7 =	vld [tilespmem:s11+$0x100];
	[tilespmem:s6+$0x80] =	vst v1;
	v0 =	vmov v9  }
0xe4: {  	v1 =	vld [tilespmem:s11+$0x180];
	v8 =	vadd.f32 v6, v0;
	[tilespmem:s6+$0x100] =	vst v2;
	s6 =	smov.u32 s14  }
0xe5: {  	v2 =	vld [tilespmem:s12+$0x0]  }
.Ltmp2:
0xe6: {  	v4 =	vadd.f32 v4, v3;
	v6 =	vld [tilespmem:s9+$0x0];
	[tilespmem:s6+$0x180] =	vst v8;
	(pc) =	sbr.rel @p0 .LBB2_6-.Ltmp2, $4  }
0xe7: {  	v8 =	vadd.f32 v5, v3;
	v5 =	vld [tilespmem:s9+$0x80]  }
0xe8: {  	[tilespmem:s11+$0x0] =	vst v4;
	v9 =	vadd.f32 v7, v3;
	v4 =	vld [tilespmem:s9+$0x100]  }
0xe9: {  	[tilespmem:s11+$0x80] =	vst v8;
	v7 =	vadd.f32 v1, v3;
	v3 =	vld [tilespmem:s9+$0x180]  }
0xea: {  	[tilespmem:s11+$0x100] =	vst v9;
	v1 =	vld [tilespmem:s13+$0x0]  }
0xeb: {  	v8 =	vld [tilespmem:s8+$0x0]  }
0xec: {  	v6 =	vadd.f32 v6, v2;
	v9 =	vld [tilespmem:s8+$0x80]  }
0xed: {  	[tilespmem:s11+$0x180] =	vst v7;
	v7 =	vld [tilespmem:s8+$0x100];
	v5 =	vadd.f32 v5, v2  }
0xee: {  	[tilespmem:s9+$0x0] =	vst v6;
	v4 =	vadd.f32 v4, v2;
	v6 =	vld [tilespmem:s8+$0x180]  }
0xef: {  	[tilespmem:s9+$0x80] =	vst v5;
	v2 =	vadd.f32 v3, v2;
	v3 =	vld [tilespmem:s6+$0x0]  }
0xf0: {  	v5 =	vld [tilespmem:s6+$0x80];
	[tilespmem:s9+$0x100] =	vst v4;
	v4 =	vadd.f32 v8, v1  }
0xf1: {  	[tilespmem:s9+$0x180] =	vst v2;
	v2 =	vadd.f32 v9, v1;
	v8 =	vld [tilespmem:s6+$0x100]  }
0xf2: {  	[tilespmem:s8+$0x0] =	vst v4;
	v4 =	vadd.f32 v7, v1  }
0xf3: {  	[tilespmem:s8+$0x80] =	vst v2;
	v1 =	vadd.f32 v6, v1  }
0xf4: {  	v2 =	vadd.f32 v3, v0;
	[tilespmem:s8+$0x100] =	vst v4  }
0xf5: {  	[tilespmem:s8+$0x180] =	vst v1;
	v1 =	vadd.f32 v5, v0  }
0xf6: {  	[tilespmem:s6+$0x0] =	vst v2;
	v0 =	vadd.f32 v8, v0  }
0xf7: {  	[tilespmem:s6+$0x80] =	vst v1  }
0xf8: {  	[tilespmem:s6+$0x100] =	vst v0  }
0xf9: {  	s7 =	simm.s32 $0x0;
	s6 =	rddreg [dreg:$0x19]  }
0xfa: {  	[hbm4b:s6+s7] =	stream.linear.scatter [tilespmem:s24], [sflag:$0x9], $0x8000, $0x38;
	[tilespmem:$0x1E000] =	vst v63  }
0xfb: {  	_ =	swait.ge [sflag:s4], $0x8000  }
0xfc: {  	[sflag:s4] =	ssyncset.done $0x0  }
0xfd: {  	s11 =	rddreg [dreg:$0x1e];
	[sflag:s4] =	ssyncadd.s32 $0xFFFF8000  }
0xfe: {  	[tilespmem:s24], [sflag:$0x3] =	stream.linear.gather [hbm4b:s11+s7], $0x8000, $0x38;
	[tilespmem:$0x1E000] =	vst v63  }
0xff: {  	s13 =	simm.s32 $0x0;
	s10 =	simm.s32 $0x0;
	s12 =	rddreg [dreg:$0x9]  }
0x100: {  	[tilespmem:s25], [sflag:$0x6] =	stream.linear.gather [hbm4b:s12+s7], $0x2000, $0x38;
	[tilespmem:$0x1E000] =	vst v63  }
0x101: {  	s14 =	simm.s32 $0x0;
	s10 =	sand.u32 $0x3FFFFF80, s10;
	_ =	swait.ge [sflag:s26], $0x8000  }
0x102: {  	s9 =	sand.u32 $0x3FFFF000, s14;
	s8 =	sand.u32 $0x40, s7;
	[sflag:s26] =	ssyncset.done $0x0  }
0x103: {  	s16 =	sor.u32 $0x30, s8;
	s6 =	sand.u32 $0x7, s13;
	[sflag:s26] =	ssyncadd.s32 $0xFFFF8000  }
0x104: {  	s15 =	sshll.u32 s6, $0xA;
	s6 =	sshll.u32 s6, $0x9;
	_ =	swait.ge [sflag:s28], $0x2000  }
0x105: {  	s10 =	sadd.s32 s10, s15;
	s12 =	sor.u32 s6, s9;
	[sflag:s28] =	ssyncset.done $0x0  }
0x106: {  	s10 =	sadd.s32 $0x18000, s10;
	s6 =	sor.u32 s16, s12;
	[sflag:s28] =	ssyncadd.s32 $0xFFFFE000  }
0x107: {  	s9 =	sor.u32 s16, s10;
	v3 =	vld [tilespmem:s6+$0x180]  }
0x108: {  	s13 =	sor.u32 $0x10, s8;
	s17 =	sor.u32 s8, s10;
	v0 =	vld [tilespmem:s9+$0x0]  }
0x109: {  	s14 =	sor.u32 $0x20, s8;
	s18 =	sor.u32 s13, s10;
	v8 =	vld [tilespmem:s17+$0x0]  }
0x10a: {  	s10 =	sor.u32 s14, s10;
	v2 =	vld [tilespmem:s18+$0x0]  }
0x10b: {  	s11 =	sor.u32 s8, s12;
	v1 =	vld [tilespmem:s10+$0x0]  }
0x10c: {  	v4 =	vld [tilespmem:s11+$0x0]  }
0x10d: {  	v5 =	vld [tilespmem:s11+$0x80]  }
0x10e: {  	v9 =	vld [tilespmem:s11+$0x100]  }
0x10f: {  	s9 =	sor.u32 s13, s12;
	v10 =	vld [tilespmem:s11+$0x180]  }
0x110: {  	v7 =	vld [tilespmem:s9+$0x0];
	v3 =	vadd.f32 v3, v0  }
0x111: {  	v6 =	vld [tilespmem:s9+$0x80];
	v4 =	vadd.f32 v4, v8  }
0x112: {  	[tilespmem:s6+$0x180] =	vst v3;
	v3 =	vadd.f32 v5, v8;
	v5 =	vld [tilespmem:s9+$0x100]  }
0x113: {  	s8 =	sor.u32 s14, s12;
	v9 =	vadd.f32 v9, v8;
	[tilespmem:s11+$0x0] =	vst v4;
	v4 =	vld [tilespmem:s9+$0x180]  }
0x114: {  	s10 =	simm.s32 $0x0;
	v8 =	vadd.f32 v10, v8;
	[tilespmem:s11+$0x80] =	vst v3;
	v3 =	vld [tilespmem:s8+$0x0]  }
.LBB2_8:
0x115: {  	s10 =	sadd.s32 $0x4, s10;
	[tilespmem:s11+$0x100] =	vst v9;
	v7 =	vadd.f32 v7, v2;
	v9 =	vld [tilespmem:s8+$0x80];
	s7 =	sadd.s32 $0x40, s7  }
0x116: {  	s12 =	sshrl.u32 s10, $0x3;
	s13 =	sand.u32 $0x40, s7;
	s14 =	sshll.u32 s10, $0x6;
	[tilespmem:s11+$0x180] =	vst v8;
	v6 =	vadd.f32 v6, v2;
	v8 =	vld [tilespmem:s8+$0x100]  }
0x117: {  	s11 =	sand.u32 $0x7, s12;
	s12 =	sshll.u32 s10, $0x1;
	s14 =	sand.u32 $0x3FFFF000, s14;
	[tilespmem:s9+$0x0] =	vst v7;
	v5 =	vadd.f32 v5, v2;
	v7 =	vld [tilespmem:s8+$0x180]  }
0x118: {  	s15 =	sshll.u32 s11, $0xA;
	s12 =	sand.u32 $0x3FFFFF80, s12;
	s11 =	sshll.u32 s11, $0x9;
	[tilespmem:s9+$0x80] =	vst v6;
	v2 =	vadd.f32 v4, v2;
	v4 =	vld [tilespmem:s6+$0x0]  }
0x119: {  	s12 =	sadd.s32 s12, s15;
	s14 =	sor.u32 s11, s14;
	s11 =	sor.u32 $0x30, s13;
	[tilespmem:s9+$0x100] =	vst v5;
	v3 =	vadd.f32 v3, v1;
	v5 =	vld [tilespmem:s6+$0x80]  }
0x11a: {  	s15 =	sor.u32 $0x10, s13;
	s12 =	sadd.s32 $0x18000, s12;
	s16 =	sor.u32 s11, s14;
	[tilespmem:s9+$0x180] =	vst v2;
	v2 =	vadd.f32 v9, v1;
	v6 =	vld [tilespmem:s6+$0x100]  }
0x11b: {  	s17 =	sor.u32 $0x20, s13;
	s9 =	sor.u32 s13, s12;
	s18 =	sor.u32 s11, s12;
	v9 =	vld [tilespmem:s16+$0x180];
	[tilespmem:s8+$0x0] =	vst v3;
	v3 =	vadd.f32 v8, v1  }
0x11c: {  	s11 =	sor.u32 s13, s14;
	s13 =	sor.u32 s15, s12;
	s12 =	sor.u32 s17, s12;
	v8 =	vld [tilespmem:s18+$0x0];
	[tilespmem:s8+$0x80] =	vst v2;
	v1 =	vadd.f32 v7, v1  }
0x11d: {  	p0 =	slt.u32 s10, $0x1FC;
	v10 =	vld [tilespmem:s9+$0x0];
	s9 =	sor.u32 s15, s14;
	s14 =	sor.u32 s17, s14;
	[tilespmem:s8+$0x100] =	vst v3;
	v3 =	vadd.f32 v4, v0  }
0x11e: {  	v2 =	vld [tilespmem:s13+$0x0];
	[tilespmem:s8+$0x180] =	vst v1;
	v4 =	vadd.f32 v5, v0;
	s8 =	smov.u32 s14  }
0x11f: {  	v1 =	vld [tilespmem:s12+$0x0];
	[tilespmem:s6+$0x0] =	vst v3;
	v6 =	vadd.f32 v6, v0  }
0x120: {  	v3 =	vld [tilespmem:s11+$0x0];
	[tilespmem:s6+$0x80] =	vst v4  }
0x121: {  	v4 =	vld [tilespmem:s11+$0x80];
	v5 =	vadd.f32 v9, v8;
	[tilespmem:s6+$0x100] =	vst v6;
	v0 =	vmov v8;
	s6 =	smov.u32 s16  }
0x122: {  	v8 =	vld [tilespmem:s11+$0x100]  }
0x123: {  	v11 =	vld [tilespmem:s11+$0x180];
	[tilespmem:s6+$0x180] =	vst v5  }
.Ltmp3:
0x124: {  	v7 =	vld [tilespmem:s9+$0x0];
	(pc) =	sbr.rel @p0 .LBB2_8-.Ltmp3, $4  }
0x125: {  	v3 =	vadd.f32 v3, v10;
	v6 =	vld [tilespmem:s9+$0x80]  }
0x126: {  	v12 =	vadd.f32 v4, v10;
	v5 =	vld [tilespmem:s9+$0x100]  }
0x127: {  	[tilespmem:s11+$0x0] =	vst v3;
	v9 =	vadd.f32 v8, v10;
	v4 =	vld [tilespmem:s9+$0x180]  }
0x128: {  	[tilespmem:s11+$0x80] =	vst v12;
	v8 =	vadd.f32 v11, v10;
	v3 =	vld [tilespmem:s8+$0x0]  }
0x129: {  	[tilespmem:s11+$0x100] =	vst v9;
	v7 =	vadd.f32 v7, v2;
	v62 =	vld [tilespmem:s8+$0x80]  }
0x12a: {  	[tilespmem:s11+$0x180] =	vst v8;
	v6 =	vadd.f32 v6, v2;
	v8 =	vld [tilespmem:s8+$0x100]  }
0x12b: {  	[tilespmem:s9+$0x0] =	vst v7;
	v5 =	vadd.f32 v5, v2;
	v7 =	vld [tilespmem:s8+$0x180]  }
0x12c: {  	[tilespmem:s9+$0x80] =	vst v6;
	v2 =	vadd.f32 v4, v2;
	v4 =	vld [tilespmem:s6+$0x0]  }
0x12d: {  	[tilespmem:s9+$0x100] =	vst v5;
	v3 =	vadd.f32 v3, v1;
	v5 =	vld [tilespmem:s6+$0x80]  }
0x12e: {  	v6 =	vld [tilespmem:s6+$0x100];
	[tilespmem:s9+$0x180] =	vst v2;
	v2 =	vadd.f32 v62, v1  }
0x12f: {  	[tilespmem:s8+$0x0] =	vst v3;
	v3 =	vadd.f32 v8, v1  }
0x130: {  	[tilespmem:s8+$0x80] =	vst v2;
	v1 =	vadd.f32 v7, v1  }
0x131: {  	[tilespmem:s8+$0x100] =	vst v3;
	v2 =	vadd.f32 v4, v0  }
0x132: {  	[tilespmem:s8+$0x180] =	vst v1;
	v1 =	vadd.f32 v5, v0  }
0x133: {  	v0 =	vadd.f32 v6, v0;
	[tilespmem:s6+$0x0] =	vst v2  }
0x134: {  	[tilespmem:s6+$0x80] =	vst v1  }
0x135: {  	[tilespmem:s6+$0x100] =	vst v0  }
0x136: {  	s7 =	simm.s32 $0x0;
	s6 =	rddreg [dreg:$0x1b]  }
0x137: {  	[hbm4b:s6+s7] =	stream.linear.scatter [tilespmem:s7], [sflag:$0x7], $0x8000, $0x38;
	[tilespmem:$0x1E000] =	vst v63  }
0x138: {  	_ =	swait.ge [sflag:s29], $0x8000  }
0x139: {  	s8 =	sld [smem:$0x7EB]  }
0x13a: {  	[sflag:s29] =	ssyncset.done $0x0  }
0x13b: {  	s10 =	simm.s32 $0x0;
	[sflag:s29] =	ssyncadd.s32 $0xFFFF8000  }
0x13c: {  	[tilespmem:s7], [sflag:$0x1] =	stream.linear.gather [hbm4b:s8+s7], $0x8000, $0x38;
	[tilespmem:$0x1E000] =	vst v63  }
0x13d: {  	s12 =	simm.s32 $0x0;
	s11 =	simm.s32 $0x0;
	s9 =	rddreg [dreg:$0xa]  }
0x13e: {  	[tilespmem:s21], [sflag:$0x4] =	stream.linear.gather [hbm4b:s9+s7], $0x2000, $0x38;
	[tilespmem:$0x1E000] =	vst v63  }
0x13f: {  	s13 =	sand.u32 $0x3FFFF000, s12;
	s6 =	sand.u32 $0x7, s10;
	_ =	swait.ge [sflag:s30], $0x8000  }
0x140: {  	s10 =	sshll.u32 s6, $0xA;
	s6 =	sshll.u32 s6, $0x9;
	[sflag:s30] =	ssyncset.done $0x0  }
0x141: {  	s6 =	sor.u32 s6, s13;
	s9 =	sand.u32 $0x3FFFFF80, s11;
	[sflag:s30] =	ssyncadd.s32 $0xFFFF8000  }
0x142: {  	s8 =	sand.u32 $0x40, s7;
	s9 =	sadd.s32 s9, s10;
	_ =	swait.ge [sflag:s31], $0x2000  }
0x143: {  	s14 =	sor.u32 $0x30, s8;
	s12 =	sadd.s32 $0x1A000, s9;
	[sflag:s31] =	ssyncset.done $0x0  }
0x144: {  	s13 =	sadd.s32 $0x8000, s6;
	s15 =	sor.u32 s14, s12;
	[sflag:s31] =	ssyncadd.s32 $0xFFFFE000  }
0x145: {  	s6 =	sor.u32 s14, s13;
	v0 =	vld [tilespmem:s15+$0x0]  }
0x146: {  	s16 =	sor.u32 s8, s12;
	v1 =	vld [tilespmem:s6+$0x180]  }
0x147: {  	s11 =	sor.u32 s8, s13;
	v7 =	vld [tilespmem:s16+$0x0]  }
0x148: {  	v3 =	vld [tilespmem:s11+$0x0]  }
0x149: {  	v8 =	vld [tilespmem:s11+$0x100]  }
0x14a: {  	s17 =	sor.u32 $0x10, s8;
	v4 =	vld [tilespmem:s11+$0x80]  }
0x14b: {  	s18 =	sor.u32 s17, s12;
	v63 =	vld [tilespmem:s11+$0x180]  }
0x14c: {  	s9 =	sor.u32 s17, s13;
	v2 =	vld [tilespmem:s18+$0x0];
	v1 =	vadd.f32 v1, v0  }
0x14d: {  	v6 =	vld [tilespmem:s9+$0x0];
	v3 =	vadd.f32 v3, v7  }
0x14e: {  	v5 =	vld [tilespmem:s9+$0x80];
	v8 =	vadd.f32 v8, v7;
	[tilespmem:s6+$0x180] =	vst v1  }
0x14f: {  	s8 =	sor.u32 $0x20, s8;
	v1 =	vadd.f32 v4, v7;
	[tilespmem:s11+$0x0] =	vst v3;
	v4 =	vld [tilespmem:s9+$0x100]  }
0x150: {  	s12 =	sor.u32 s8, s12;
	v3 =	vld [tilespmem:s9+$0x180];
	v7 =	vadd.f32 v63, v7;
	[tilespmem:s11+$0x100] =	vst v8  }
0x151: {  	s10 =	simm.s32 $0x0;
	s8 =	sor.u32 s8, s13;
	[tilespmem:s11+$0x80] =	vst v1;
	v1 =	vld [tilespmem:s12+$0x0]  }
.LBB2_10:
0x152: {  	s10 =	sadd.s32 $0x4, s10;
	[tilespmem:s11+$0x180] =	vst v7;
	v6 =	vadd.f32 v6, v2;
	v7 =	vld [tilespmem:s8+$0x0]  }
0x153: {  	s7 =	sadd.s32 $0x40, s7;
	s11 =	sshrl.u32 s10, $0x3;
	p0 =	slt.u32 s10, $0x1FC;
	v5 =	vadd.f32 v5, v2;
	v8 =	vld [tilespmem:s8+$0x80]  }
0x154: {  	s12 =	sand.u32 $0x40, s7;
	s13 =	sshll.u32 s10, $0x1;
	s11 =	sand.u32 $0x7, s11;
	[tilespmem:s9+$0x0] =	vst v6;
	v4 =	vadd.f32 v4, v2;
	v6 =	vld [tilespmem:s8+$0x100]  }
0x155: {  	s15 =	sshll.u32 s10, $0x6;
	s13 =	sand.u32 $0x3FFFFF80, s13;
	s14 =	sshll.u32 s11, $0xA;
	[tilespmem:s9+$0x80] =	vst v5;
	v2 =	vadd.f32 v3, v2;
	v3 =	vld [tilespmem:s8+$0x180]  }
0x156: {  	s11 =	sshll.u32 s11, $0x9;
	s13 =	sadd.s32 s13, s14;
	s14 =	sand.u32 $0x3FFFF000, s15;
	[tilespmem:s9+$0x100] =	vst v4;
	v4 =	vld [tilespmem:s6+$0x0]  }
0x157: {  	s13 =	sadd.s32 $0x1A000, s13;
	s11 =	sor.u32 s11, s14;
	s14 =	sor.u32 $0x30, s12;
	[tilespmem:s9+$0x180] =	vst v2;
	v2 =	vadd.f32 v7, v1;
	v5 =	vld [tilespmem:s6+$0x80]  }
0x158: {  	s9 =	sor.u32 $0x10, s12;
	s15 =	sadd.s32 $0x8000, s11;
	s11 =	sor.u32 s14, s13;
	v7 =	vadd.f32 v8, v1;
	v8 =	vld [tilespmem:s6+$0x100]  }
0x159: {  	s17 =	sor.u32 $0x20, s12;
	s16 =	sor.u32 s12, s13;
	v9 =	vld [tilespmem:s11+$0x0];
	s14 =	sor.u32 s14, s15;
	[tilespmem:s8+$0x0] =	vst v2;
	v2 =	vadd.f32 v6, v1  }
0x15a: {  	s11 =	sor.u32 s12, s15;
	s12 =	sor.u32 s9, s13;
	s9 =	sor.u32 s9, s15;
	v6 =	vld [tilespmem:s14+$0x180];
	[tilespmem:s8+$0x80] =	vst v7;
	v1 =	vadd.f32 v3, v1  }
0x15b: {  	s13 =	sor.u32 s17, s13;
	s15 =	sor.u32 s17, s15;
	v3 =	vld [tilespmem:s16+$0x0];
	[tilespmem:s8+$0x100] =	vst v2;
	v2 =	vadd.f32 v4, v0  }
0x15c: {  	v4 =	vld [tilespmem:s11+$0x0];
	[tilespmem:s8+$0x180] =	vst v1;
	v1 =	vadd.f32 v5, v0;
	s8 =	smov.u32 s15  }
0x15d: {  	v5 =	vld [tilespmem:s11+$0x80];
	[tilespmem:s6+$0x0] =	vst v2;
	v2 =	vadd.f32 v8, v0  }
0x15e: {  	v7 =	vld [tilespmem:s11+$0x100];
	[tilespmem:s6+$0x80] =	vst v1;
	v0 =	vmov v9  }
0x15f: {  	v1 =	vld [tilespmem:s11+$0x180];
	v8 =	vadd.f32 v6, v0;
	[tilespmem:s6+$0x100] =	vst v2;
	s6 =	smov.u32 s14  }
0x160: {  	v2 =	vld [tilespmem:s12+$0x0]  }
.Ltmp4:
0x161: {  	v4 =	vadd.f32 v4, v3;
	v6 =	vld [tilespmem:s9+$0x0];
	[tilespmem:s6+$0x180] =	vst v8;
	(pc) =	sbr.rel @p0 .LBB2_10-.Ltmp4, $4  }
0x162: {  	v8 =	vadd.f32 v5, v3;
	v5 =	vld [tilespmem:s9+$0x80]  }
0x163: {  	[tilespmem:s11+$0x0] =	vst v4;
	v9 =	vadd.f32 v7, v3;
	v4 =	vld [tilespmem:s9+$0x100]  }
0x164: {  	[tilespmem:s11+$0x80] =	vst v8;
	v7 =	vadd.f32 v1, v3;
	v3 =	vld [tilespmem:s9+$0x180]  }
0x165: {  	[tilespmem:s11+$0x100] =	vst v9;
	v1 =	vld [tilespmem:s13+$0x0]  }
0x166: {  	v8 =	vld [tilespmem:s8+$0x0]  }
0x167: {  	v6 =	vadd.f32 v6, v2;
	v9 =	vld [tilespmem:s8+$0x80]  }
0x168: {  	[tilespmem:s11+$0x180] =	vst v7;
	v7 =	vld [tilespmem:s8+$0x100];
	v5 =	vadd.f32 v5, v2  }
0x169: {  	[tilespmem:s9+$0x0] =	vst v6;
	v4 =	vadd.f32 v4, v2;
	v6 =	vld [tilespmem:s8+$0x180]  }
0x16a: {  	[tilespmem:s9+$0x80] =	vst v5;
	v2 =	vadd.f32 v3, v2;
	v3 =	vld [tilespmem:s6+$0x0]  }
0x16b: {  	v5 =	vld [tilespmem:s6+$0x80];
	[tilespmem:s9+$0x100] =	vst v4;
	v4 =	vadd.f32 v8, v1  }
0x16c: {  	[tilespmem:s9+$0x180] =	vst v2;
	v2 =	vadd.f32 v9, v1;
	v8 =	vld [tilespmem:s6+$0x100]  }
0x16d: {  	[tilespmem:s8+$0x0] =	vst v4;
	v4 =	vadd.f32 v7, v1  }
0x16e: {  	[tilespmem:s8+$0x80] =	vst v2;
	v1 =	vadd.f32 v6, v1  }
0x16f: {  	v2 =	vadd.f32 v3, v0;
	[tilespmem:s8+$0x100] =	vst v4  }
0x170: {  	[tilespmem:s8+$0x180] =	vst v1;
	v1 =	vadd.f32 v5, v0  }
0x171: {  	[tilespmem:s6+$0x0] =	vst v2;
	v0 =	vadd.f32 v8, v0  }
0x172: {  	[tilespmem:s6+$0x80] =	vst v1  }
0x173: {  	[tilespmem:s6+$0x100] =	vst v0  }
0x174: {  	s7 =	simm.s32 $0x0;
	s6 =	rddreg [dreg:$0x1d]  }
0x175: {  	[hbm4b:s6+s7] =	stream.linear.scatter [tilespmem:s22], [sflag:$0x8], $0x8000, $0x38;
	[tilespmem:$0x1E000] =	vst v63  }
0x176: {  	_ =	swait.ge [sflag:s0], $0x8000  }
0x177: {  	s8 =	sld [smem:$0x7ED]  }
0x178: {  	[sflag:s0] =	ssyncset.done $0x0  }
0x179: {  	s10 =	simm.s32 $0x0;
	[sflag:s0] =	ssyncadd.s32 $0xFFFF8000  }
0x17a: {  	[tilespmem:s22], [sflag:$0x2] =	stream.linear.gather [hbm4b:s8+s7], $0x8000, $0x38;
	[tilespmem:$0x1E000] =	vst v63  }
0x17b: {  	s11 =	simm.s32 $0x0;
	s12 =	simm.s32 $0x0;
	s9 =	rddreg [dreg:$0xb]  }
0x17c: {  	[tilespmem:s23], [sflag:$0x5] =	stream.linear.gather [hbm4b:s9+s7], $0x2000, $0x38;
	[tilespmem:$0x1E000] =	vst v63  }
0x17d: {  	s13 =	sand.u32 $0x3FFFF000, s12;
	s6 =	sand.u32 $0x7, s10;
	_ =	swait.ge [sflag:s2], $0x8000  }
0x17e: {  	s10 =	sshll.u32 s6, $0xA;
	s6 =	sshll.u32 s6, $0x9;
	[sflag:s2] =	ssyncset.done $0x0  }
0x17f: {  	s6 =	sor.u32 s6, s13;
	s9 =	sand.u32 $0x3FFFFF80, s11;
	[sflag:s2] =	ssyncadd.s32 $0xFFFF8000  }
0x180: {  	s8 =	sand.u32 $0x40, s7;
	s9 =	sadd.s32 s9, s10;
	_ =	swait.ge [sflag:s3], $0x2000  }
0x181: {  	s14 =	sor.u32 $0x30, s8;
	s12 =	sadd.s32 $0x1C000, s9;
	[sflag:s3] =	ssyncset.done $0x0  }
0x182: {  	s13 =	sadd.s32 $0x10000, s6;
	s15 =	sor.u32 s14, s12;
	[sflag:s3] =	ssyncadd.s32 $0xFFFFE000  }
0x183: {  	s6 =	sor.u32 s14, s13;
	v0 =	vld [tilespmem:s15+$0x0]  }
0x184: {  	s16 =	sor.u32 s8, s12;
	v1 =	vld [tilespmem:s6+$0x180]  }
0x185: {  	s11 =	sor.u32 s8, s13;
	v7 =	vld [tilespmem:s16+$0x0]  }
0x186: {  	v3 =	vld [tilespmem:s11+$0x0]  }
0x187: {  	v8 =	vld [tilespmem:s11+$0x100]  }
0x188: {  	s17 =	sor.u32 $0x10, s8;
	v4 =	vld [tilespmem:s11+$0x80]  }
0x189: {  	s18 =	sor.u32 s17, s12;
	v63 =	vld [tilespmem:s11+$0x180]  }
0x18a: {  	s9 =	sor.u32 s17, s13;
	v2 =	vld [tilespmem:s18+$0x0];
	v1 =	vadd.f32 v1, v0  }
0x18b: {  	v6 =	vld [tilespmem:s9+$0x0];
	v3 =	vadd.f32 v3, v7  }
0x18c: {  	v5 =	vld [tilespmem:s9+$0x80];
	v8 =	vadd.f32 v8, v7;
	[tilespmem:s6+$0x180] =	vst v1  }
0x18d: {  	s8 =	sor.u32 $0x20, s8;
	v1 =	vadd.f32 v4, v7;
	[tilespmem:s11+$0x0] =	vst v3;
	v4 =	vld [tilespmem:s9+$0x100]  }
0x18e: {  	s12 =	sor.u32 s8, s12;
	v3 =	vld [tilespmem:s9+$0x180];
	v7 =	vadd.f32 v63, v7;
	[tilespmem:s11+$0x100] =	vst v8  }
0x18f: {  	s10 =	simm.s32 $0x0;
	s8 =	sor.u32 s8, s13;
	[tilespmem:s11+$0x80] =	vst v1;
	v1 =	vld [tilespmem:s12+$0x0]  }
.LBB2_12:
0x190: {  	s10 =	sadd.s32 $0x4, s10;
	[tilespmem:s11+$0x180] =	vst v7;
	v6 =	vadd.f32 v6, v2;
	v7 =	vld [tilespmem:s8+$0x0]  }
0x191: {  	s7 =	sadd.s32 $0x40, s7;
	s11 =	sshrl.u32 s10, $0x3;
	p0 =	slt.u32 s10, $0x1FC;
	v5 =	vadd.f32 v5, v2;
	v8 =	vld [tilespmem:s8+$0x80]  }
0x192: {  	s12 =	sand.u32 $0x40, s7;
	s13 =	sshll.u32 s10, $0x1;
	s11 =	sand.u32 $0x7, s11;
	[tilespmem:s9+$0x0] =	vst v6;
	v4 =	vadd.f32 v4, v2;
	v6 =	vld [tilespmem:s8+$0x100]  }
0x193: {  	s15 =	sshll.u32 s10, $0x6;
	s13 =	sand.u32 $0x3FFFFF80, s13;
	s14 =	sshll.u32 s11, $0xA;
	[tilespmem:s9+$0x80] =	vst v5;
	v2 =	vadd.f32 v3, v2;
	v3 =	vld [tilespmem:s8+$0x180]  }
0x194: {  	s11 =	sshll.u32 s11, $0x9;
	s13 =	sadd.s32 s13, s14;
	s14 =	sand.u32 $0x3FFFF000, s15;
	[tilespmem:s9+$0x100] =	vst v4;
	v4 =	vld [tilespmem:s6+$0x0]  }
0x195: {  	s13 =	sadd.s32 $0x1C000, s13;
	s11 =	sor.u32 s11, s14;
	s14 =	sor.u32 $0x30, s12;
	[tilespmem:s9+$0x180] =	vst v2;
	v2 =	vadd.f32 v7, v1;
	v5 =	vld [tilespmem:s6+$0x80]  }
0x196: {  	s9 =	sor.u32 $0x10, s12;
	s15 =	sadd.s32 $0x10000, s11;
	s11 =	sor.u32 s14, s13;
	v7 =	vadd.f32 v8, v1;
	v8 =	vld [tilespmem:s6+$0x100]  }
0x197: {  	s17 =	sor.u32 $0x20, s12;
	s16 =	sor.u32 s12, s13;
	v9 =	vld [tilespmem:s11+$0x0];
	s14 =	sor.u32 s14, s15;
	[tilespmem:s8+$0x0] =	vst v2;
	v2 =	vadd.f32 v6, v1  }
0x198: {  	s11 =	sor.u32 s12, s15;
	s12 =	sor.u32 s9, s13;
	s9 =	sor.u32 s9, s15;
	v6 =	vld [tilespmem:s14+$0x180];
	[tilespmem:s8+$0x80] =	vst v7;
	v1 =	vadd.f32 v3, v1  }
0x199: {  	s13 =	sor.u32 s17, s13;
	s15 =	sor.u32 s17, s15;
	v3 =	vld [tilespmem:s16+$0x0];
	[tilespmem:s8+$0x100] =	vst v2;
	v2 =	vadd.f32 v4, v0  }
0x19a: {  	v4 =	vld [tilespmem:s11+$0x0];
	[tilespmem:s8+$0x180] =	vst v1;
	v1 =	vadd.f32 v5, v0;
	s8 =	smov.u32 s15  }
0x19b: {  	v5 =	vld [tilespmem:s11+$0x80];
	[tilespmem:s6+$0x0] =	vst v2;
	v2 =	vadd.f32 v8, v0  }
0x19c: {  	v7 =	vld [tilespmem:s11+$0x100];
	[tilespmem:s6+$0x80] =	vst v1;
	v0 =	vmov v9  }
0x19d: {  	v1 =	vld [tilespmem:s11+$0x180];
	v8 =	vadd.f32 v6, v0;
	[tilespmem:s6+$0x100] =	vst v2;
	s6 =	smov.u32 s14  }
0x19e: {  	v2 =	vld [tilespmem:s12+$0x0]  }
.Ltmp5:
0x19f: {  	v4 =	vadd.f32 v4, v3;
	v6 =	vld [tilespmem:s9+$0x0];
	[tilespmem:s6+$0x180] =	vst v8;
	(pc) =	sbr.rel @p0 .LBB2_12-.Ltmp5, $4  }
0x1a0: {  	v8 =	vadd.f32 v5, v3;
	v5 =	vld [tilespmem:s9+$0x80]  }
0x1a1: {  	[tilespmem:s11+$0x0] =	vst v4;
	v9 =	vadd.f32 v7, v3;
	v4 =	vld [tilespmem:s9+$0x100]  }
0x1a2: {  	[tilespmem:s11+$0x80] =	vst v8;
	v7 =	vadd.f32 v1, v3;
	v3 =	vld [tilespmem:s9+$0x180]  }
0x1a3: {  	[tilespmem:s11+$0x100] =	vst v9;
	v1 =	vld [tilespmem:s13+$0x0]  }
0x1a4: {  	v8 =	vld [tilespmem:s8+$0x0]  }
0x1a5: {  	v6 =	vadd.f32 v6, v2;
	v9 =	vld [tilespmem:s8+$0x80]  }
0x1a6: {  	[tilespmem:s11+$0x180] =	vst v7;
	v7 =	vld [tilespmem:s8+$0x100];
	v5 =	vadd.f32 v5, v2  }
0x1a7: {  	[tilespmem:s9+$0x0] =	vst v6;
	v4 =	vadd.f32 v4, v2;
	v6 =	vld [tilespmem:s8+$0x180]  }
0x1a8: {  	[tilespmem:s9+$0x80] =	vst v5;
	v2 =	vadd.f32 v3, v2;
	v3 =	vld [tilespmem:s6+$0x0]  }
0x1a9: {  	v5 =	vld [tilespmem:s6+$0x80];
	[tilespmem:s9+$0x100] =	vst v4;
	v4 =	vadd.f32 v8, v1  }
0x1aa: {  	[tilespmem:s9+$0x180] =	vst v2;
	v2 =	vadd.f32 v9, v1;
	v8 =	vld [tilespmem:s6+$0x100]  }
0x1ab: {  	[tilespmem:s8+$0x0] =	vst v4;
	v4 =	vadd.f32 v7, v1  }
0x1ac: {  	[tilespmem:s8+$0x80] =	vst v2;
	v1 =	vadd.f32 v6, v1  }
0x1ad: {  	v2 =	vadd.f32 v3, v0;
	[tilespmem:s8+$0x100] =	vst v4  }
0x1ae: {  	[tilespmem:s8+$0x180] =	vst v1;
	v1 =	vadd.f32 v5, v0  }
0x1af: {  	[tilespmem:s6+$0x0] =	vst v2;
	v0 =	vadd.f32 v8, v0  }
0x1b0: {  	[tilespmem:s6+$0x80] =	vst v1  }
0x1b1: {  	[tilespmem:s6+$0x100] =	vst v0  }
0x1b2: {  	s7 =	simm.s32 $0x0;
	s6 =	rddreg [dreg:$0x1f]  }
0x1b3: {  	[hbm4b:s6+s7] =	stream.linear.scatter [tilespmem:s24], [sflag:$0x9], $0x8000, $0x38;
	[tilespmem:$0x1E000] =	vst v63  }
0x1b4: {  	_ =	swait.ge [sflag:s4], $0x8000  }
0x1b5: {  	s11 =	sld [smem:$0x7EF]  }
0x1b6: {  	[sflag:s4] =	ssyncset.done $0x0  }
0x1b7: {  	[sflag:s4] =	ssyncadd.s32 $0xFFFF8000  }
0x1b8: {  	[tilespmem:s24], [sflag:$0x3] =	stream.linear.gather [hbm4b:s11+s7], $0x8000, $0x38;
	[tilespmem:$0x1E000] =	vst v63  }
0x1b9: {  	s13 =	simm.s32 $0x0;
	s10 =	simm.s32 $0x0;
	s12 =	rddreg [dreg:$0xc]  }
0x1ba: {  	[tilespmem:s25], [sflag:$0x6] =	stream.linear.gather [hbm4b:s12+s7], $0x2000, $0x38;
	[tilespmem:$0x1E000] =	vst v63  }
0x1bb: {  	s14 =	simm.s32 $0x0;
	s10 =	sand.u32 $0x3FFFFF80, s10;
	_ =	swait.ge [sflag:s26], $0x8000  }
0x1bc: {  	s9 =	sand.u32 $0x3FFFF000, s14;
	s8 =	sand.u32 $0x40, s7;
	[sflag:s26] =	ssyncset.done $0x0  }
0x1bd: {  	s16 =	sor.u32 $0x30, s8;
	s6 =	sand.u32 $0x7, s13;
	[sflag:s26] =	ssyncadd.s32 $0xFFFF8000  }
0x1be: {  	s15 =	sshll.u32 s6, $0xA;
	s6 =	sshll.u32 s6, $0x9;
	_ =	swait.ge [sflag:s28], $0x2000  }
0x1bf: {  	s10 =	sadd.s32 s10, s15;
	s12 =	sor.u32 s6, s9;
	[sflag:s28] =	ssyncset.done $0x0  }
0x1c0: {  	s10 =	sadd.s32 $0x18000, s10;
	s6 =	sor.u32 s16, s12;
	[sflag:s28] =	ssyncadd.s32 $0xFFFFE000  }
0x1c1: {  	s9 =	sor.u32 s16, s10;
	v3 =	vld [tilespmem:s6+$0x180]  }
0x1c2: {  	s13 =	sor.u32 $0x10, s8;
	s17 =	sor.u32 s8, s10;
	v0 =	vld [tilespmem:s9+$0x0]  }
0x1c3: {  	s14 =	sor.u32 $0x20, s8;
	s18 =	sor.u32 s13, s10;
	v8 =	vld [tilespmem:s17+$0x0]  }
0x1c4: {  	s10 =	sor.u32 s14, s10;
	v2 =	vld [tilespmem:s18+$0x0]  }
0x1c5: {  	s11 =	sor.u32 s8, s12;
	v1 =	vld [tilespmem:s10+$0x0]  }
0x1c6: {  	v4 =	vld [tilespmem:s11+$0x0]  }
0x1c7: {  	v5 =	vld [tilespmem:s11+$0x80]  }
0x1c8: {  	v9 =	vld [tilespmem:s11+$0x100]  }
0x1c9: {  	s9 =	sor.u32 s13, s12;
	v10 =	vld [tilespmem:s11+$0x180]  }
0x1ca: {  	v7 =	vld [tilespmem:s9+$0x0];
	v3 =	vadd.f32 v3, v0  }
0x1cb: {  	v6 =	vld [tilespmem:s9+$0x80];
	v4 =	vadd.f32 v4, v8  }
0x1cc: {  	[tilespmem:s6+$0x180] =	vst v3;
	v3 =	vadd.f32 v5, v8;
	v5 =	vld [tilespmem:s9+$0x100]  }
0x1cd: {  	s8 =	sor.u32 s14, s12;
	v9 =	vadd.f32 v9, v8;
	[tilespmem:s11+$0x0] =	vst v4;
	v4 =	vld [tilespmem:s9+$0x180]  }
0x1ce: {  	s10 =	simm.s32 $0x0;
	v8 =	vadd.f32 v10, v8;
	[tilespmem:s11+$0x80] =	vst v3;
	v3 =	vld [tilespmem:s8+$0x0]  }
.LBB2_14:
0x1cf: {  	s10 =	sadd.s32 $0x4, s10;
	[tilespmem:s11+$0x100] =	vst v9;
	v7 =	vadd.f32 v7, v2;
	v9 =	vld [tilespmem:s8+$0x80];
	s7 =	sadd.s32 $0x40, s7  }
0x1d0: {  	s12 =	sshrl.u32 s10, $0x3;
	s13 =	sand.u32 $0x40, s7;
	s14 =	sshll.u32 s10, $0x6;
	[tilespmem:s11+$0x180] =	vst v8;
	v6 =	vadd.f32 v6, v2;
	v8 =	vld [tilespmem:s8+$0x100]  }
0x1d1: {  	s11 =	sand.u32 $0x7, s12;
	s12 =	sshll.u32 s10, $0x1;
	s14 =	sand.u32 $0x3FFFF000, s14;
	[tilespmem:s9+$0x0] =	vst v7;
	v5 =	vadd.f32 v5, v2;
	v7 =	vld [tilespmem:s8+$0x180]  }
0x1d2: {  	s15 =	sshll.u32 s11, $0xA;
	s12 =	sand.u32 $0x3FFFFF80, s12;
	s11 =	sshll.u32 s11, $0x9;
	[tilespmem:s9+$0x80] =	vst v6;
	v2 =	vadd.f32 v4, v2;
	v4 =	vld [tilespmem:s6+$0x0]  }
0x1d3: {  	s12 =	sadd.s32 s12, s15;
	s14 =	sor.u32 s11, s14;
	s11 =	sor.u32 $0x30, s13;
	[tilespmem:s9+$0x100] =	vst v5;
	v3 =	vadd.f32 v3, v1;
	v5 =	vld [tilespmem:s6+$0x80]  }
0x1d4: {  	s15 =	sor.u32 $0x10, s13;
	s12 =	sadd.s32 $0x18000, s12;
	s16 =	sor.u32 s11, s14;
	[tilespmem:s9+$0x180] =	vst v2;
	v2 =	vadd.f32 v9, v1;
	v6 =	vld [tilespmem:s6+$0x100]  }
0x1d5: {  	s17 =	sor.u32 $0x20, s13;
	s9 =	sor.u32 s13, s12;
	s18 =	sor.u32 s11, s12;
	v9 =	vld [tilespmem:s16+$0x180];
	[tilespmem:s8+$0x0] =	vst v3;
	v3 =	vadd.f32 v8, v1  }
0x1d6: {  	s11 =	sor.u32 s13, s14;
	s13 =	sor.u32 s15, s12;
	s12 =	sor.u32 s17, s12;
	v8 =	vld [tilespmem:s18+$0x0];
	[tilespmem:s8+$0x80] =	vst v2;
	v1 =	vadd.f32 v7, v1  }
0x1d7: {  	p0 =	slt.u32 s10, $0x1FC;
	v10 =	vld [tilespmem:s9+$0x0];
	s9 =	sor.u32 s15, s14;
	s14 =	sor.u32 s17, s14;
	[tilespmem:s8+$0x100] =	vst v3;
	v3 =	vadd.f32 v4, v0  }
0x1d8: {  	v2 =	vld [tilespmem:s13+$0x0];
	[tilespmem:s8+$0x180] =	vst v1;
	v4 =	vadd.f32 v5, v0;
	s8 =	smov.u32 s14  }
0x1d9: {  	v1 =	vld [tilespmem:s12+$0x0];
	[tilespmem:s6+$0x0] =	vst v3;
	v6 =	vadd.f32 v6, v0  }
0x1da: {  	v3 =	vld [tilespmem:s11+$0x0];
	[tilespmem:s6+$0x80] =	vst v4  }
0x1db: {  	v4 =	vld [tilespmem:s11+$0x80];
	v5 =	vadd.f32 v9, v8;
	[tilespmem:s6+$0x100] =	vst v6;
	v0 =	vmov v8;
	s6 =	smov.u32 s16  }
0x1dc: {  	v8 =	vld [tilespmem:s11+$0x100]  }
0x1dd: {  	v11 =	vld [tilespmem:s11+$0x180];
	[tilespmem:s6+$0x180] =	vst v5  }
.Ltmp6:
0x1de: {  	v7 =	vld [tilespmem:s9+$0x0];
	(pc) =	sbr.rel @p0 .LBB2_14-.Ltmp6, $4  }
0x1df: {  	v3 =	vadd.f32 v3, v10;
	v6 =	vld [tilespmem:s9+$0x80]  }
0x1e0: {  	v12 =	vadd.f32 v4, v10;
	v5 =	vld [tilespmem:s9+$0x100]  }
0x1e1: {  	[tilespmem:s11+$0x0] =	vst v3;
	v9 =	vadd.f32 v8, v10;
	v4 =	vld [tilespmem:s9+$0x180]  }
0x1e2: {  	[tilespmem:s11+$0x80] =	vst v12;
	v8 =	vadd.f32 v11, v10;
	v3 =	vld [tilespmem:s8+$0x0]  }
0x1e3: {  	[tilespmem:s11+$0x100] =	vst v9;
	v7 =	vadd.f32 v7, v2;
	v62 =	vld [tilespmem:s8+$0x80]  }
0x1e4: {  	[tilespmem:s11+$0x180] =	vst v8;
	v6 =	vadd.f32 v6, v2;
	v8 =	vld [tilespmem:s8+$0x100]  }
0x1e5: {  	[tilespmem:s9+$0x0] =	vst v7;
	v5 =	vadd.f32 v5, v2;
	v7 =	vld [tilespmem:s8+$0x180]  }
0x1e6: {  	[tilespmem:s9+$0x80] =	vst v6;
	v2 =	vadd.f32 v4, v2;
	v4 =	vld [tilespmem:s6+$0x0]  }
0x1e7: {  	[tilespmem:s9+$0x100] =	vst v5;
	v3 =	vadd.f32 v3, v1;
	v5 =	vld [tilespmem:s6+$0x80]  }
0x1e8: {  	v6 =	vld [tilespmem:s6+$0x100];
	[tilespmem:s9+$0x180] =	vst v2;
	v2 =	vadd.f32 v62, v1  }
0x1e9: {  	[tilespmem:s8+$0x0] =	vst v3;
	v3 =	vadd.f32 v8, v1  }
0x1ea: {  	[tilespmem:s8+$0x80] =	vst v2;
	v1 =	vadd.f32 v7, v1  }
0x1eb: {  	[tilespmem:s8+$0x100] =	vst v3;
	v2 =	vadd.f32 v4, v0  }
0x1ec: {  	[tilespmem:s8+$0x180] =	vst v1;
	v1 =	vadd.f32 v5, v0  }
0x1ed: {  	v0 =	vadd.f32 v6, v0;
	[tilespmem:s6+$0x0] =	vst v2  }
0x1ee: {  	[tilespmem:s6+$0x80] =	vst v1  }
0x1ef: {  	[tilespmem:s6+$0x100] =	vst v0  }
0x1f0: {  	s6 =	sld [smem:$0x7EC];
	_ =	sdelay $0x1  }
0x1f1: {  	s7 =	simm.s32 $0x0  }
0x1f2: {  	[hbm4b:s6+s7] =	stream.linear.scatter [tilespmem:s7], [sflag:$0x7], $0x8000, $0x38;
	[tilespmem:$0x1E000] =	vst v63  }
0x1f3: {  	_ =	swait.ge [sflag:s29], $0x8000  }
0x1f4: {  	s8 =	sld [smem:$0x7F1]  }
0x1f5: {  	[sflag:s29] =	ssyncset.done $0x0  }
0x1f6: {  	s10 =	simm.s32 $0x0;
	[sflag:s29] =	ssyncadd.s32 $0xFFFF8000  }
0x1f7: {  	[tilespmem:s7], [sflag:$0x1] =	stream.linear.gather [hbm4b:s8+s7], $0x8000, $0x38;
	[tilespmem:$0x1E000] =	vst v63  }
0x1f8: {  	s12 =	simm.s32 $0x0;
	s11 =	simm.s32 $0x0;
	s9 =	rddreg [dreg:$0xd]  }
0x1f9: {  	[tilespmem:s21], [sflag:$0x4] =	stream.linear.gather [hbm4b:s9+s7], $0x2000, $0x38;
	[tilespmem:$0x1E000] =	vst v63  }
0x1fa: {  	s13 =	sand.u32 $0x3FFFF000, s12;
	s6 =	sand.u32 $0x7, s10;
	_ =	swait.ge [sflag:s30], $0x8000  }
0x1fb: {  	s10 =	sshll.u32 s6, $0xA;
	s6 =	sshll.u32 s6, $0x9;
	[sflag:s30] =	ssyncset.done $0x0  }
0x1fc: {  	s6 =	sor.u32 s6, s13;
	s9 =	sand.u32 $0x3FFFFF80, s11;
	[sflag:s30] =	ssyncadd.s32 $0xFFFF8000  }
0x1fd: {  	s8 =	sand.u32 $0x40, s7;
	s9 =	sadd.s32 s9, s10;
	_ =	swait.ge [sflag:s31], $0x2000  }
0x1fe: {  	s14 =	sor.u32 $0x30, s8;
	s12 =	sadd.s32 $0x1A000, s9;
	[sflag:s31] =	ssyncset.done $0x0  }
0x1ff: {  	s13 =	sadd.s32 $0x8000, s6;
	s15 =	sor.u32 s14, s12;
	[sflag:s31] =	ssyncadd.s32 $0xFFFFE000  }
0x200: {  	s6 =	sor.u32 s14, s13;
	v0 =	vld [tilespmem:s15+$0x0]  }
0x201: {  	s16 =	sor.u32 s8, s12;
	v1 =	vld [tilespmem:s6+$0x180]  }
0x202: {  	s11 =	sor.u32 s8, s13;
	v7 =	vld [tilespmem:s16+$0x0]  }
0x203: {  	v3 =	vld [tilespmem:s11+$0x0]  }
0x204: {  	v8 =	vld [tilespmem:s11+$0x100]  }
0x205: {  	s17 =	sor.u32 $0x10, s8;
	v4 =	vld [tilespmem:s11+$0x80]  }
0x206: {  	s18 =	sor.u32 s17, s12;
	v63 =	vld [tilespmem:s11+$0x180]  }
0x207: {  	s9 =	sor.u32 s17, s13;
	v2 =	vld [tilespmem:s18+$0x0];
	v1 =	vadd.f32 v1, v0  }
0x208: {  	v6 =	vld [tilespmem:s9+$0x0];
	v3 =	vadd.f32 v3, v7  }
0x209: {  	v5 =	vld [tilespmem:s9+$0x80];
	v8 =	vadd.f32 v8, v7;
	[tilespmem:s6+$0x180] =	vst v1  }
0x20a: {  	s8 =	sor.u32 $0x20, s8;
	v1 =	vadd.f32 v4, v7;
	[tilespmem:s11+$0x0] =	vst v3;
	v4 =	vld [tilespmem:s9+$0x100]  }
0x20b: {  	s12 =	sor.u32 s8, s12;
	v3 =	vld [tilespmem:s9+$0x180];
	v7 =	vadd.f32 v63, v7;
	[tilespmem:s11+$0x100] =	vst v8  }
0x20c: {  	s10 =	simm.s32 $0x0;
	s8 =	sor.u32 s8, s13;
	[tilespmem:s11+$0x80] =	vst v1;
	v1 =	vld [tilespmem:s12+$0x0]  }
.LBB2_16:
0x20d: {  	s10 =	sadd.s32 $0x4, s10;
	[tilespmem:s11+$0x180] =	vst v7;
	v6 =	vadd.f32 v6, v2;
	v7 =	vld [tilespmem:s8+$0x0]  }
0x20e: {  	s7 =	sadd.s32 $0x40, s7;
	s11 =	sshrl.u32 s10, $0x3;
	p0 =	slt.u32 s10, $0x1FC;
	v5 =	vadd.f32 v5, v2;
	v8 =	vld [tilespmem:s8+$0x80]  }
0x20f: {  	s12 =	sand.u32 $0x40, s7;
	s13 =	sshll.u32 s10, $0x1;
	s11 =	sand.u32 $0x7, s11;
	[tilespmem:s9+$0x0] =	vst v6;
	v4 =	vadd.f32 v4, v2;
	v6 =	vld [tilespmem:s8+$0x100]  }
0x210: {  	s15 =	sshll.u32 s10, $0x6;
	s13 =	sand.u32 $0x3FFFFF80, s13;
	s14 =	sshll.u32 s11, $0xA;
	[tilespmem:s9+$0x80] =	vst v5;
	v2 =	vadd.f32 v3, v2;
	v3 =	vld [tilespmem:s8+$0x180]  }
0x211: {  	s11 =	sshll.u32 s11, $0x9;
	s13 =	sadd.s32 s13, s14;
	s14 =	sand.u32 $0x3FFFF000, s15;
	[tilespmem:s9+$0x100] =	vst v4;
	v4 =	vld [tilespmem:s6+$0x0]  }
0x212: {  	s13 =	sadd.s32 $0x1A000, s13;
	s11 =	sor.u32 s11, s14;
	s14 =	sor.u32 $0x30, s12;
	[tilespmem:s9+$0x180] =	vst v2;
	v2 =	vadd.f32 v7, v1;
	v5 =	vld [tilespmem:s6+$0x80]  }
0x213: {  	s9 =	sor.u32 $0x10, s12;
	s15 =	sadd.s32 $0x8000, s11;
	s11 =	sor.u32 s14, s13;
	v7 =	vadd.f32 v8, v1;
	v8 =	vld [tilespmem:s6+$0x100]  }
0x214: {  	s17 =	sor.u32 $0x20, s12;
	s16 =	sor.u32 s12, s13;
	v9 =	vld [tilespmem:s11+$0x0];
	s14 =	sor.u32 s14, s15;
	[tilespmem:s8+$0x0] =	vst v2;
	v2 =	vadd.f32 v6, v1  }
0x215: {  	s11 =	sor.u32 s12, s15;
	s12 =	sor.u32 s9, s13;
	s9 =	sor.u32 s9, s15;
	v6 =	vld [tilespmem:s14+$0x180];
	[tilespmem:s8+$0x80] =	vst v7;
	v1 =	vadd.f32 v3, v1  }
0x216: {  	s13 =	sor.u32 s17, s13;
	s15 =	sor.u32 s17, s15;
	v3 =	vld [tilespmem:s16+$0x0];
	[tilespmem:s8+$0x100] =	vst v2;
	v2 =	vadd.f32 v4, v0  }
0x217: {  	v4 =	vld [tilespmem:s11+$0x0];
	[tilespmem:s8+$0x180] =	vst v1;
	v1 =	vadd.f32 v5, v0;
	s8 =	smov.u32 s15  }
0x218: {  	v5 =	vld [tilespmem:s11+$0x80];
	[tilespmem:s6+$0x0] =	vst v2;
	v2 =	vadd.f32 v8, v0  }
0x219: {  	v7 =	vld [tilespmem:s11+$0x100];
	[tilespmem:s6+$0x80] =	vst v1;
	v0 =	vmov v9  }
0x21a: {  	v1 =	vld [tilespmem:s11+$0x180];
	v8 =	vadd.f32 v6, v0;
	[tilespmem:s6+$0x100] =	vst v2;
	s6 =	smov.u32 s14  }
0x21b: {  	v2 =	vld [tilespmem:s12+$0x0]  }
.Ltmp7:
0x21c: {  	v4 =	vadd.f32 v4, v3;
	v6 =	vld [tilespmem:s9+$0x0];
	[tilespmem:s6+$0x180] =	vst v8;
	(pc) =	sbr.rel @p0 .LBB2_16-.Ltmp7, $4  }
0x21d: {  	v8 =	vadd.f32 v5, v3;
	v5 =	vld [tilespmem:s9+$0x80]  }
0x21e: {  	[tilespmem:s11+$0x0] =	vst v4;
	v9 =	vadd.f32 v7, v3;
	v4 =	vld [tilespmem:s9+$0x100]  }
0x21f: {  	[tilespmem:s11+$0x80] =	vst v8;
	v7 =	vadd.f32 v1, v3;
	v3 =	vld [tilespmem:s9+$0x180]  }
0x220: {  	[tilespmem:s11+$0x100] =	vst v9;
	v1 =	vld [tilespmem:s13+$0x0]  }
0x221: {  	v8 =	vld [tilespmem:s8+$0x0]  }
0x222: {  	v6 =	vadd.f32 v6, v2;
	v9 =	vld [tilespmem:s8+$0x80]  }
0x223: {  	[tilespmem:s11+$0x180] =	vst v7;
	v7 =	vld [tilespmem:s8+$0x100];
	v5 =	vadd.f32 v5, v2  }
0x224: {  	[tilespmem:s9+$0x0] =	vst v6;
	v4 =	vadd.f32 v4, v2;
	v6 =	vld [tilespmem:s8+$0x180]  }
0x225: {  	[tilespmem:s9+$0x80] =	vst v5;
	v2 =	vadd.f32 v3, v2;
	v3 =	vld [tilespmem:s6+$0x0]  }
0x226: {  	v5 =	vld [tilespmem:s6+$0x80];
	[tilespmem:s9+$0x100] =	vst v4;
	v4 =	vadd.f32 v8, v1  }
0x227: {  	[tilespmem:s9+$0x180] =	vst v2;
	v2 =	vadd.f32 v9, v1;
	v8 =	vld [tilespmem:s6+$0x100]  }
0x228: {  	[tilespmem:s8+$0x0] =	vst v4;
	v4 =	vadd.f32 v7, v1  }
0x229: {  	[tilespmem:s8+$0x80] =	vst v2;
	v1 =	vadd.f32 v6, v1  }
0x22a: {  	v2 =	vadd.f32 v3, v0;
	[tilespmem:s8+$0x100] =	vst v4  }
0x22b: {  	[tilespmem:s8+$0x180] =	vst v1;
	v1 =	vadd.f32 v5, v0  }
0x22c: {  	[tilespmem:s6+$0x0] =	vst v2;
	v0 =	vadd.f32 v8, v0  }
0x22d: {  	[tilespmem:s6+$0x80] =	vst v1  }
0x22e: {  	[tilespmem:s6+$0x100] =	vst v0  }
0x22f: {  	s6 =	sld [smem:$0x7EE];
	_ =	sdelay $0x1  }
0x230: {  	s7 =	simm.s32 $0x0  }
0x231: {  	[hbm4b:s6+s7] =	stream.linear.scatter [tilespmem:s22], [sflag:$0x8], $0x8000, $0x38;
	[tilespmem:$0x1E000] =	vst v63  }
0x232: {  	_ =	swait.ge [sflag:s0], $0x8000  }
0x233: {  	s8 =	sld [smem:$0x7F3]  }
0x234: {  	[sflag:s0] =	ssyncset.done $0x0  }
0x235: {  	s10 =	simm.s32 $0x0;
	[sflag:s0] =	ssyncadd.s32 $0xFFFF8000  }
0x236: {  	[tilespmem:s22], [sflag:$0x2] =	stream.linear.gather [hbm4b:s8+s7], $0x8000, $0x38;
	[tilespmem:$0x1E000] =	vst v63  }
0x237: {  	s11 =	simm.s32 $0x0;
	s12 =	simm.s32 $0x0;
	s9 =	rddreg [dreg:$0xe]  }
0x238: {  	[tilespmem:s23], [sflag:$0x5] =	stream.linear.gather [hbm4b:s9+s7], $0x2000, $0x38;
	[tilespmem:$0x1E000] =	vst v63  }
0x239: {  	s13 =	sand.u32 $0x3FFFF000, s12;
	s6 =	sand.u32 $0x7, s10;
	_ =	swait.ge [sflag:s2], $0x8000  }
0x23a: {  	s10 =	sshll.u32 s6, $0xA;
	s6 =	sshll.u32 s6, $0x9;
	[sflag:s2] =	ssyncset.done $0x0  }
0x23b: {  	s6 =	sor.u32 s6, s13;
	s9 =	sand.u32 $0x3FFFFF80, s11;
	[sflag:s2] =	ssyncadd.s32 $0xFFFF8000  }
0x23c: {  	s8 =	sand.u32 $0x40, s7;
	s9 =	sadd.s32 s9, s10;
	_ =	swait.ge [sflag:s3], $0x2000  }
0x23d: {  	s14 =	sor.u32 $0x30, s8;
	s12 =	sadd.s32 $0x1C000, s9;
	[sflag:s3] =	ssyncset.done $0x0  }
0x23e: {  	s13 =	sadd.s32 $0x10000, s6;
	s15 =	sor.u32 s14, s12;
	[sflag:s3] =	ssyncadd.s32 $0xFFFFE000  }
0x23f: {  	s6 =	sor.u32 s14, s13;
	v0 =	vld [tilespmem:s15+$0x0]  }
0x240: {  	s16 =	sor.u32 s8, s12;
	v1 =	vld [tilespmem:s6+$0x180]  }
0x241: {  	s11 =	sor.u32 s8, s13;
	v7 =	vld [tilespmem:s16+$0x0]  }
0x242: {  	v3 =	vld [tilespmem:s11+$0x0]  }
0x243: {  	v8 =	vld [tilespmem:s11+$0x100]  }
0x244: {  	s17 =	sor.u32 $0x10, s8;
	v4 =	vld [tilespmem:s11+$0x80]  }
0x245: {  	s18 =	sor.u32 s17, s12;
	v63 =	vld [tilespmem:s11+$0x180]  }
0x246: {  	s9 =	sor.u32 s17, s13;
	v2 =	vld [tilespmem:s18+$0x0];
	v1 =	vadd.f32 v1, v0  }
0x247: {  	v6 =	vld [tilespmem:s9+$0x0];
	v3 =	vadd.f32 v3, v7  }
0x248: {  	v5 =	vld [tilespmem:s9+$0x80];
	v8 =	vadd.f32 v8, v7;
	[tilespmem:s6+$0x180] =	vst v1  }
0x249: {  	s8 =	sor.u32 $0x20, s8;
	v1 =	vadd.f32 v4, v7;
	[tilespmem:s11+$0x0] =	vst v3;
	v4 =	vld [tilespmem:s9+$0x100]  }
0x24a: {  	s12 =	sor.u32 s8, s12;
	v3 =	vld [tilespmem:s9+$0x180];
	v7 =	vadd.f32 v63, v7;
	[tilespmem:s11+$0x100] =	vst v8  }
0x24b: {  	s10 =	simm.s32 $0x0;
	s8 =	sor.u32 s8, s13;
	[tilespmem:s11+$0x80] =	vst v1;
	v1 =	vld [tilespmem:s12+$0x0]  }
.LBB2_18:
0x24c: {  	s10 =	sadd.s32 $0x4, s10;
	[tilespmem:s11+$0x180] =	vst v7;
	v6 =	vadd.f32 v6, v2;
	v7 =	vld [tilespmem:s8+$0x0]  }
0x24d: {  	s7 =	sadd.s32 $0x40, s7;
	s11 =	sshrl.u32 s10, $0x3;
	p0 =	slt.u32 s10, $0x1FC;
	v5 =	vadd.f32 v5, v2;
	v8 =	vld [tilespmem:s8+$0x80]  }
0x24e: {  	s12 =	sand.u32 $0x40, s7;
	s13 =	sshll.u32 s10, $0x1;
	s11 =	sand.u32 $0x7, s11;
	[tilespmem:s9+$0x0] =	vst v6;
	v4 =	vadd.f32 v4, v2;
	v6 =	vld [tilespmem:s8+$0x100]  }
0x24f: {  	s15 =	sshll.u32 s10, $0x6;
	s13 =	sand.u32 $0x3FFFFF80, s13;
	s14 =	sshll.u32 s11, $0xA;
	[tilespmem:s9+$0x80] =	vst v5;
	v2 =	vadd.f32 v3, v2;
	v3 =	vld [tilespmem:s8+$0x180]  }
0x250: {  	s11 =	sshll.u32 s11, $0x9;
	s13 =	sadd.s32 s13, s14;
	s14 =	sand.u32 $0x3FFFF000, s15;
	[tilespmem:s9+$0x100] =	vst v4;
	v4 =	vld [tilespmem:s6+$0x0]  }
0x251: {  	s13 =	sadd.s32 $0x1C000, s13;
	s11 =	sor.u32 s11, s14;
	s14 =	sor.u32 $0x30, s12;
	[tilespmem:s9+$0x180] =	vst v2;
	v2 =	vadd.f32 v7, v1;
	v5 =	vld [tilespmem:s6+$0x80]  }
0x252: {  	s9 =	sor.u32 $0x10, s12;
	s15 =	sadd.s32 $0x10000, s11;
	s11 =	sor.u32 s14, s13;
	v7 =	vadd.f32 v8, v1;
	v8 =	vld [tilespmem:s6+$0x100]  }
0x253: {  	s17 =	sor.u32 $0x20, s12;
	s16 =	sor.u32 s12, s13;
	v9 =	vld [tilespmem:s11+$0x0];
	s14 =	sor.u32 s14, s15;
	[tilespmem:s8+$0x0] =	vst v2;
	v2 =	vadd.f32 v6, v1  }
0x254: {  	s11 =	sor.u32 s12, s15;
	s12 =	sor.u32 s9, s13;
	s9 =	sor.u32 s9, s15;
	v6 =	vld [tilespmem:s14+$0x180];
	[tilespmem:s8+$0x80] =	vst v7;
	v1 =	vadd.f32 v3, v1  }
0x255: {  	s13 =	sor.u32 s17, s13;
	s15 =	sor.u32 s17, s15;
	v3 =	vld [tilespmem:s16+$0x0];
	[tilespmem:s8+$0x100] =	vst v2;
	v2 =	vadd.f32 v4, v0  }
0x256: {  	v4 =	vld [tilespmem:s11+$0x0];
	[tilespmem:s8+$0x180] =	vst v1;
	v1 =	vadd.f32 v5, v0;
	s8 =	smov.u32 s15  }
0x257: {  	v5 =	vld [tilespmem:s11+$0x80];
	[tilespmem:s6+$0x0] =	vst v2;
	v2 =	vadd.f32 v8, v0  }
0x258: {  	v7 =	vld [tilespmem:s11+$0x100];
	[tilespmem:s6+$0x80] =	vst v1;
	v0 =	vmov v9  }
0x259: {  	v1 =	vld [tilespmem:s11+$0x180];
	v8 =	vadd.f32 v6, v0;
	[tilespmem:s6+$0x100] =	vst v2;
	s6 =	smov.u32 s14  }
0x25a: {  	v2 =	vld [tilespmem:s12+$0x0]  }
.Ltmp8:
0x25b: {  	v4 =	vadd.f32 v4, v3;
	v6 =	vld [tilespmem:s9+$0x0];
	[tilespmem:s6+$0x180] =	vst v8;
	(pc) =	sbr.rel @p0 .LBB2_18-.Ltmp8, $4  }
0x25c: {  	v8 =	vadd.f32 v5, v3;
	v5 =	vld [tilespmem:s9+$0x80]  }
0x25d: {  	[tilespmem:s11+$0x0] =	vst v4;
	v9 =	vadd.f32 v7, v3;
	v4 =	vld [tilespmem:s9+$0x100]  }
0x25e: {  	[tilespmem:s11+$0x80] =	vst v8;
	v7 =	vadd.f32 v1, v3;
	v3 =	vld [tilespmem:s9+$0x180]  }
0x25f: {  	[tilespmem:s11+$0x100] =	vst v9;
	v1 =	vld [tilespmem:s13+$0x0]  }
0x260: {  	v8 =	vld [tilespmem:s8+$0x0]  }
0x261: {  	v6 =	vadd.f32 v6, v2;
	v9 =	vld [tilespmem:s8+$0x80]  }
0x262: {  	[tilespmem:s11+$0x180] =	vst v7;
	v7 =	vld [tilespmem:s8+$0x100];
	v5 =	vadd.f32 v5, v2  }
0x263: {  	[tilespmem:s9+$0x0] =	vst v6;
	v4 =	vadd.f32 v4, v2;
	v6 =	vld [tilespmem:s8+$0x180]  }
0x264: {  	[tilespmem:s9+$0x80] =	vst v5;
	v2 =	vadd.f32 v3, v2;
	v3 =	vld [tilespmem:s6+$0x0]  }
0x265: {  	v5 =	vld [tilespmem:s6+$0x80];
	[tilespmem:s9+$0x100] =	vst v4;
	v4 =	vadd.f32 v8, v1  }
0x266: {  	[tilespmem:s9+$0x180] =	vst v2;
	v2 =	vadd.f32 v9, v1;
	v8 =	vld [tilespmem:s6+$0x100]  }
0x267: {  	[tilespmem:s8+$0x0] =	vst v4;
	v4 =	vadd.f32 v7, v1  }
0x268: {  	[tilespmem:s8+$0x80] =	vst v2;
	v1 =	vadd.f32 v6, v1  }
0x269: {  	v2 =	vadd.f32 v3, v0;
	[tilespmem:s8+$0x100] =	vst v4  }
0x26a: {  	[tilespmem:s8+$0x180] =	vst v1;
	v1 =	vadd.f32 v5, v0  }
0x26b: {  	[tilespmem:s6+$0x0] =	vst v2;
	v0 =	vadd.f32 v8, v0  }
0x26c: {  	[tilespmem:s6+$0x80] =	vst v1  }
0x26d: {  	[tilespmem:s6+$0x100] =	vst v0  }
0x26e: {  	s6 =	sld [smem:$0x7F0];
	_ =	sdelay $0x1  }
0x26f: {  	s7 =	simm.s32 $0x0  }
0x270: {  	[hbm4b:s6+s7] =	stream.linear.scatter [tilespmem:s24], [sflag:$0x9], $0x8000, $0x38;
	[tilespmem:$0x1E000] =	vst v63  }
0x271: {  	_ =	swait.ge [sflag:s4], $0x8000  }
0x272: {  	s11 =	sld [smem:$0x7F5]  }
0x273: {  	[sflag:s4] =	ssyncset.done $0x0  }
0x274: {  	[sflag:s4] =	ssyncadd.s32 $0xFFFF8000  }
0x275: {  	[tilespmem:s24], [sflag:$0x3] =	stream.linear.gather [hbm4b:s11+s7], $0x8000, $0x38;
	[tilespmem:$0x1E000] =	vst v63  }
0x276: {  	s13 =	simm.s32 $0x0;
	s10 =	simm.s32 $0x0;
	s12 =	rddreg [dreg:$0xf]  }
0x277: {  	[tilespmem:s25], [sflag:$0x6] =	stream.linear.gather [hbm4b:s12+s7], $0x2000, $0x38;
	[tilespmem:$0x1E000] =	vst v63  }
0x278: {  	s14 =	simm.s32 $0x0;
	s10 =	sand.u32 $0x3FFFFF80, s10;
	_ =	swait.ge [sflag:s26], $0x8000  }
0x279: {  	s9 =	sand.u32 $0x3FFFF000, s14;
	s8 =	sand.u32 $0x40, s7;
	[sflag:s26] =	ssyncset.done $0x0  }
0x27a: {  	s16 =	sor.u32 $0x30, s8;
	s6 =	sand.u32 $0x7, s13;
	[sflag:s26] =	ssyncadd.s32 $0xFFFF8000  }
0x27b: {  	s15 =	sshll.u32 s6, $0xA;
	s6 =	sshll.u32 s6, $0x9;
	_ =	swait.ge [sflag:s28], $0x2000  }
0x27c: {  	s10 =	sadd.s32 s10, s15;
	s12 =	sor.u32 s6, s9;
	[sflag:s28] =	ssyncset.done $0x0  }
0x27d: {  	s10 =	sadd.s32 $0x18000, s10;
	s6 =	sor.u32 s16, s12;
	[sflag:s28] =	ssyncadd.s32 $0xFFFFE000  }
0x27e: {  	s9 =	sor.u32 s16, s10;
	v3 =	vld [tilespmem:s6+$0x180]  }
0x27f: {  	s13 =	sor.u32 $0x10, s8;
	s17 =	sor.u32 s8, s10;
	v0 =	vld [tilespmem:s9+$0x0]  }
0x280: {  	s14 =	sor.u32 $0x20, s8;
	s18 =	sor.u32 s13, s10;
	v8 =	vld [tilespmem:s17+$0x0]  }
0x281: {  	s10 =	sor.u32 s14, s10;
	v2 =	vld [tilespmem:s18+$0x0]  }
0x282: {  	s11 =	sor.u32 s8, s12;
	v1 =	vld [tilespmem:s10+$0x0]  }
0x283: {  	v4 =	vld [tilespmem:s11+$0x0]  }
0x284: {  	v5 =	vld [tilespmem:s11+$0x80]  }
0x285: {  	v9 =	vld [tilespmem:s11+$0x100]  }
0x286: {  	s9 =	sor.u32 s13, s12;
	v10 =	vld [tilespmem:s11+$0x180]  }
0x287: {  	v7 =	vld [tilespmem:s9+$0x0];
	v3 =	vadd.f32 v3, v0  }
0x288: {  	v6 =	vld [tilespmem:s9+$0x80];
	v4 =	vadd.f32 v4, v8  }
0x289: {  	[tilespmem:s6+$0x180] =	vst v3;
	v3 =	vadd.f32 v5, v8;
	v5 =	vld [tilespmem:s9+$0x100]  }
0x28a: {  	s8 =	sor.u32 s14, s12;
	v9 =	vadd.f32 v9, v8;
	[tilespmem:s11+$0x0] =	vst v4;
	v4 =	vld [tilespmem:s9+$0x180]  }
0x28b: {  	s10 =	simm.s32 $0x0;
	v8 =	vadd.f32 v10, v8;
	[tilespmem:s11+$0x80] =	vst v3;
	v3 =	vld [tilespmem:s8+$0x0]  }
.LBB2_20:
0x28c: {  	s10 =	sadd.s32 $0x4, s10;
	[tilespmem:s11+$0x100] =	vst v9;
	v7 =	vadd.f32 v7, v2;
	v9 =	vld [tilespmem:s8+$0x80];
	s7 =	sadd.s32 $0x40, s7  }
0x28d: {  	s12 =	sshrl.u32 s10, $0x3;
	s13 =	sand.u32 $0x40, s7;
	s14 =	sshll.u32 s10, $0x6;
	[tilespmem:s11+$0x180] =	vst v8;
	v6 =	vadd.f32 v6, v2;
	v8 =	vld [tilespmem:s8+$0x100]  }
0x28e: {  	s11 =	sand.u32 $0x7, s12;
	s12 =	sshll.u32 s10, $0x1;
	s14 =	sand.u32 $0x3FFFF000, s14;
	[tilespmem:s9+$0x0] =	vst v7;
	v5 =	vadd.f32 v5, v2;
	v7 =	vld [tilespmem:s8+$0x180]  }
0x28f: {  	s15 =	sshll.u32 s11, $0xA;
	s12 =	sand.u32 $0x3FFFFF80, s12;
	s11 =	sshll.u32 s11, $0x9;
	[tilespmem:s9+$0x80] =	vst v6;
	v2 =	vadd.f32 v4, v2;
	v4 =	vld [tilespmem:s6+$0x0]  }
0x290: {  	s12 =	sadd.s32 s12, s15;
	s14 =	sor.u32 s11, s14;
	s11 =	sor.u32 $0x30, s13;
	[tilespmem:s9+$0x100] =	vst v5;
	v3 =	vadd.f32 v3, v1;
	v5 =	vld [tilespmem:s6+$0x80]  }
0x291: {  	s15 =	sor.u32 $0x10, s13;
	s12 =	sadd.s32 $0x18000, s12;
	s16 =	sor.u32 s11, s14;
	[tilespmem:s9+$0x180] =	vst v2;
	v2 =	vadd.f32 v9, v1;
	v6 =	vld [tilespmem:s6+$0x100]  }
0x292: {  	s17 =	sor.u32 $0x20, s13;
	s9 =	sor.u32 s13, s12;
	s18 =	sor.u32 s11, s12;
	v9 =	vld [tilespmem:s16+$0x180];
	[tilespmem:s8+$0x0] =	vst v3;
	v3 =	vadd.f32 v8, v1  }
0x293: {  	s11 =	sor.u32 s13, s14;
	s13 =	sor.u32 s15, s12;
	s12 =	sor.u32 s17, s12;
	v8 =	vld [tilespmem:s18+$0x0];
	[tilespmem:s8+$0x80] =	vst v2;
	v1 =	vadd.f32 v7, v1  }
0x294: {  	p0 =	slt.u32 s10, $0x1FC;
	v10 =	vld [tilespmem:s9+$0x0];
	s9 =	sor.u32 s15, s14;
	s14 =	sor.u32 s17, s14;
	[tilespmem:s8+$0x100] =	vst v3;
	v3 =	vadd.f32 v4, v0  }
0x295: {  	v2 =	vld [tilespmem:s13+$0x0];
	[tilespmem:s8+$0x180] =	vst v1;
	v4 =	vadd.f32 v5, v0;
	s8 =	smov.u32 s14  }
0x296: {  	v1 =	vld [tilespmem:s12+$0x0];
	[tilespmem:s6+$0x0] =	vst v3;
	v6 =	vadd.f32 v6, v0  }
0x297: {  	v3 =	vld [tilespmem:s11+$0x0];
	[tilespmem:s6+$0x80] =	vst v4  }
0x298: {  	v4 =	vld [tilespmem:s11+$0x80];
	v5 =	vadd.f32 v9, v8;
	[tilespmem:s6+$0x100] =	vst v6;
	v0 =	vmov v8;
	s6 =	smov.u32 s16  }
0x299: {  	v8 =	vld [tilespmem:s11+$0x100]  }
0x29a: {  	v11 =	vld [tilespmem:s11+$0x180];
	[tilespmem:s6+$0x180] =	vst v5  }
.Ltmp9:
0x29b: {  	v7 =	vld [tilespmem:s9+$0x0];
	(pc) =	sbr.rel @p0 .LBB2_20-.Ltmp9, $4  }
0x29c: {  	v3 =	vadd.f32 v3, v10;
	v6 =	vld [tilespmem:s9+$0x80]  }
0x29d: {  	v12 =	vadd.f32 v4, v10;
	v5 =	vld [tilespmem:s9+$0x100]  }
0x29e: {  	[tilespmem:s11+$0x0] =	vst v3;
	v9 =	vadd.f32 v8, v10;
	v4 =	vld [tilespmem:s9+$0x180]  }
0x29f: {  	[tilespmem:s11+$0x80] =	vst v12;
	v8 =	vadd.f32 v11, v10;
	v3 =	vld [tilespmem:s8+$0x0]  }
0x2a0: {  	[tilespmem:s11+$0x100] =	vst v9;
	v7 =	vadd.f32 v7, v2;
	v62 =	vld [tilespmem:s8+$0x80]  }
0x2a1: {  	[tilespmem:s11+$0x180] =	vst v8;
	v6 =	vadd.f32 v6, v2;
	v8 =	vld [tilespmem:s8+$0x100]  }
0x2a2: {  	[tilespmem:s9+$0x0] =	vst v7;
	v5 =	vadd.f32 v5, v2;
	v7 =	vld [tilespmem:s8+$0x180]  }
0x2a3: {  	[tilespmem:s9+$0x80] =	vst v6;
	v2 =	vadd.f32 v4, v2;
	v4 =	vld [tilespmem:s6+$0x0]  }
0x2a4: {  	[tilespmem:s9+$0x100] =	vst v5;
	v3 =	vadd.f32 v3, v1;
	v5 =	vld [tilespmem:s6+$0x80]  }
0x2a5: {  	v6 =	vld [tilespmem:s6+$0x100];
	[tilespmem:s9+$0x180] =	vst v2;
	v2 =	vadd.f32 v62, v1  }
0x2a6: {  	[tilespmem:s8+$0x0] =	vst v3;
	v3 =	vadd.f32 v8, v1  }
0x2a7: {  	[tilespmem:s8+$0x80] =	vst v2;
	v1 =	vadd.f32 v7, v1  }
0x2a8: {  	[tilespmem:s8+$0x100] =	vst v3;
	v2 =	vadd.f32 v4, v0  }
0x2a9: {  	[tilespmem:s8+$0x180] =	vst v1;
	v1 =	vadd.f32 v5, v0  }
0x2aa: {  	v0 =	vadd.f32 v6, v0;
	[tilespmem:s6+$0x0] =	vst v2  }
0x2ab: {  	[tilespmem:s6+$0x80] =	vst v1  }
0x2ac: {  	[tilespmem:s6+$0x100] =	vst v0  }
0x2ad: {  	s6 =	sld [smem:$0x7F2];
	_ =	sdelay $0x1  }
0x2ae: {  	s7 =	simm.s32 $0x0  }
0x2af: {  	[hbm4b:s6+s7] =	stream.linear.scatter [tilespmem:s7], [sflag:$0x7], $0x8000, $0x38;
	[tilespmem:$0x1E000] =	vst v63  }
0x2b0: {  	_ =	swait.ge [sflag:s29], $0x8000  }
0x2b1: {  	s8 =	sld [smem:$0x7F7]  }
0x2b2: {  	[sflag:s29] =	ssyncset.done $0x0  }
0x2b3: {  	s10 =	simm.s32 $0x0;
	[sflag:s29] =	ssyncadd.s32 $0xFFFF8000  }
0x2b4: {  	[tilespmem:s7], [sflag:$0x1] =	stream.linear.gather [hbm4b:s8+s7], $0x8000, $0x38;
	[tilespmem:$0x1E000] =	vst v63  }
0x2b5: {  	s12 =	simm.s32 $0x0;
	s11 =	simm.s32 $0x0;
	s9 =	rddreg [dreg:$0x10]  }
0x2b6: {  	[tilespmem:s21], [sflag:$0x4] =	stream.linear.gather [hbm4b:s9+s7], $0x2000, $0x38;
	[tilespmem:$0x1E000] =	vst v63  }
0x2b7: {  	s13 =	sand.u32 $0x3FFFF000, s12;
	s6 =	sand.u32 $0x7, s10;
	_ =	swait.ge [sflag:s30], $0x8000  }
0x2b8: {  	s10 =	sshll.u32 s6, $0xA;
	s6 =	sshll.u32 s6, $0x9;
	[sflag:s30] =	ssyncset.done $0x0  }
0x2b9: {  	s6 =	sor.u32 s6, s13;
	s9 =	sand.u32 $0x3FFFFF80, s11;
	[sflag:s30] =	ssyncadd.s32 $0xFFFF8000  }
0x2ba: {  	s8 =	sand.u32 $0x40, s7;
	s9 =	sadd.s32 s9, s10;
	_ =	swait.ge [sflag:s31], $0x2000  }
0x2bb: {  	s14 =	sor.u32 $0x30, s8;
	s12 =	sadd.s32 $0x1A000, s9;
	[sflag:s31] =	ssyncset.done $0x0  }
0x2bc: {  	s13 =	sadd.s32 $0x8000, s6;
	s15 =	sor.u32 s14, s12;
	[sflag:s31] =	ssyncadd.s32 $0xFFFFE000  }
0x2bd: {  	s6 =	sor.u32 s14, s13;
	v0 =	vld [tilespmem:s15+$0x0]  }
0x2be: {  	s16 =	sor.u32 s8, s12;
	v1 =	vld [tilespmem:s6+$0x180]  }
0x2bf: {  	s11 =	sor.u32 s8, s13;
	v7 =	vld [tilespmem:s16+$0x0]  }
0x2c0: {  	v3 =	vld [tilespmem:s11+$0x0]  }
0x2c1: {  	v8 =	vld [tilespmem:s11+$0x100]  }
0x2c2: {  	s17 =	sor.u32 $0x10, s8;
	v4 =	vld [tilespmem:s11+$0x80]  }
0x2c3: {  	s18 =	sor.u32 s17, s12;
	v63 =	vld [tilespmem:s11+$0x180]  }
0x2c4: {  	s9 =	sor.u32 s17, s13;
	v2 =	vld [tilespmem:s18+$0x0];
	v1 =	vadd.f32 v1, v0  }
0x2c5: {  	v6 =	vld [tilespmem:s9+$0x0];
	v3 =	vadd.f32 v3, v7  }
0x2c6: {  	v5 =	vld [tilespmem:s9+$0x80];
	v8 =	vadd.f32 v8, v7;
	[tilespmem:s6+$0x180] =	vst v1  }
0x2c7: {  	s8 =	sor.u32 $0x20, s8;
	v1 =	vadd.f32 v4, v7;
	[tilespmem:s11+$0x0] =	vst v3;
	v4 =	vld [tilespmem:s9+$0x100]  }
0x2c8: {  	s12 =	sor.u32 s8, s12;
	v3 =	vld [tilespmem:s9+$0x180];
	v7 =	vadd.f32 v63, v7;
	[tilespmem:s11+$0x100] =	vst v8  }
0x2c9: {  	s10 =	simm.s32 $0x0;
	s8 =	sor.u32 s8, s13;
	[tilespmem:s11+$0x80] =	vst v1;
	v1 =	vld [tilespmem:s12+$0x0]  }
.LBB2_22:
0x2ca: {  	s10 =	sadd.s32 $0x4, s10;
	[tilespmem:s11+$0x180] =	vst v7;
	v6 =	vadd.f32 v6, v2;
	v7 =	vld [tilespmem:s8+$0x0]  }
0x2cb: {  	s7 =	sadd.s32 $0x40, s7;
	s11 =	sshrl.u32 s10, $0x3;
	p0 =	slt.u32 s10, $0x1FC;
	v5 =	vadd.f32 v5, v2;
	v8 =	vld [tilespmem:s8+$0x80]  }
0x2cc: {  	s12 =	sand.u32 $0x40, s7;
	s13 =	sshll.u32 s10, $0x1;
	s11 =	sand.u32 $0x7, s11;
	[tilespmem:s9+$0x0] =	vst v6;
	v4 =	vadd.f32 v4, v2;
	v6 =	vld [tilespmem:s8+$0x100]  }
0x2cd: {  	s15 =	sshll.u32 s10, $0x6;
	s13 =	sand.u32 $0x3FFFFF80, s13;
	s14 =	sshll.u32 s11, $0xA;
	[tilespmem:s9+$0x80] =	vst v5;
	v2 =	vadd.f32 v3, v2;
	v3 =	vld [tilespmem:s8+$0x180]  }
0x2ce: {  	s11 =	sshll.u32 s11, $0x9;
	s13 =	sadd.s32 s13, s14;
	s14 =	sand.u32 $0x3FFFF000, s15;
	[tilespmem:s9+$0x100] =	vst v4;
	v4 =	vld [tilespmem:s6+$0x0]  }
0x2cf: {  	s13 =	sadd.s32 $0x1A000, s13;
	s11 =	sor.u32 s11, s14;
	s14 =	sor.u32 $0x30, s12;
	[tilespmem:s9+$0x180] =	vst v2;
	v2 =	vadd.f32 v7, v1;
	v5 =	vld [tilespmem:s6+$0x80]  }
0x2d0: {  	s9 =	sor.u32 $0x10, s12;
	s15 =	sadd.s32 $0x8000, s11;
	s11 =	sor.u32 s14, s13;
	v7 =	vadd.f32 v8, v1;
	v8 =	vld [tilespmem:s6+$0x100]  }
0x2d1: {  	s17 =	sor.u32 $0x20, s12;
	s16 =	sor.u32 s12, s13;
	v9 =	vld [tilespmem:s11+$0x0];
	s14 =	sor.u32 s14, s15;
	[tilespmem:s8+$0x0] =	vst v2;
	v2 =	vadd.f32 v6, v1  }
0x2d2: {  	s11 =	sor.u32 s12, s15;
	s12 =	sor.u32 s9, s13;
	s9 =	sor.u32 s9, s15;
	v6 =	vld [tilespmem:s14+$0x180];
	[tilespmem:s8+$0x80] =	vst v7;
	v1 =	vadd.f32 v3, v1  }
0x2d3: {  	s13 =	sor.u32 s17, s13;
	s15 =	sor.u32 s17, s15;
	v3 =	vld [tilespmem:s16+$0x0];
	[tilespmem:s8+$0x100] =	vst v2;
	v2 =	vadd.f32 v4, v0  }
0x2d4: {  	v4 =	vld [tilespmem:s11+$0x0];
	[tilespmem:s8+$0x180] =	vst v1;
	v1 =	vadd.f32 v5, v0;
	s8 =	smov.u32 s15  }
0x2d5: {  	v5 =	vld [tilespmem:s11+$0x80];
	[tilespmem:s6+$0x0] =	vst v2;
	v2 =	vadd.f32 v8, v0  }
0x2d6: {  	v7 =	vld [tilespmem:s11+$0x100];
	[tilespmem:s6+$0x80] =	vst v1;
	v0 =	vmov v9  }
0x2d7: {  	v1 =	vld [tilespmem:s11+$0x180];
	v8 =	vadd.f32 v6, v0;
	[tilespmem:s6+$0x100] =	vst v2;
	s6 =	smov.u32 s14  }
0x2d8: {  	v2 =	vld [tilespmem:s12+$0x0]  }
.Ltmp10:
0x2d9: {  	v4 =	vadd.f32 v4, v3;
	v6 =	vld [tilespmem:s9+$0x0];
	[tilespmem:s6+$0x180] =	vst v8;
	(pc) =	sbr.rel @p0 .LBB2_22-.Ltmp10, $4  }
0x2da: {  	v8 =	vadd.f32 v5, v3;
	v5 =	vld [tilespmem:s9+$0x80]  }
0x2db: {  	[tilespmem:s11+$0x0] =	vst v4;
	v9 =	vadd.f32 v7, v3;
	v4 =	vld [tilespmem:s9+$0x100]  }
0x2dc: {  	[tilespmem:s11+$0x80] =	vst v8;
	v7 =	vadd.f32 v1, v3;
	v3 =	vld [tilespmem:s9+$0x180]  }
0x2dd: {  	[tilespmem:s11+$0x100] =	vst v9;
	v1 =	vld [tilespmem:s13+$0x0]  }
0x2de: {  	v8 =	vld [tilespmem:s8+$0x0]  }
0x2df: {  	v6 =	vadd.f32 v6, v2;
	v9 =	vld [tilespmem:s8+$0x80]  }
0x2e0: {  	[tilespmem:s11+$0x180] =	vst v7;
	v7 =	vld [tilespmem:s8+$0x100];
	v5 =	vadd.f32 v5, v2  }
0x2e1: {  	[tilespmem:s9+$0x0] =	vst v6;
	v4 =	vadd.f32 v4, v2;
	v6 =	vld [tilespmem:s8+$0x180]  }
0x2e2: {  	[tilespmem:s9+$0x80] =	vst v5;
	v2 =	vadd.f32 v3, v2;
	v3 =	vld [tilespmem:s6+$0x0]  }
0x2e3: {  	v5 =	vld [tilespmem:s6+$0x80];
	[tilespmem:s9+$0x100] =	vst v4;
	v4 =	vadd.f32 v8, v1  }
0x2e4: {  	[tilespmem:s9+$0x180] =	vst v2;
	v2 =	vadd.f32 v9, v1;
	v8 =	vld [tilespmem:s6+$0x100]  }
0x2e5: {  	[tilespmem:s8+$0x0] =	vst v4;
	v4 =	vadd.f32 v7, v1  }
0x2e6: {  	[tilespmem:s8+$0x80] =	vst v2;
	v1 =	vadd.f32 v6, v1  }
0x2e7: {  	v2 =	vadd.f32 v3, v0;
	[tilespmem:s8+$0x100] =	vst v4  }
0x2e8: {  	[tilespmem:s8+$0x180] =	vst v1;
	v1 =	vadd.f32 v5, v0  }
0x2e9: {  	[tilespmem:s6+$0x0] =	vst v2;
	v0 =	vadd.f32 v8, v0  }
0x2ea: {  	[tilespmem:s6+$0x80] =	vst v1  }
0x2eb: {  	[tilespmem:s6+$0x100] =	vst v0  }
0x2ec: {  	s6 =	sld [smem:$0x7F4];
	_ =	sdelay $0x1  }
0x2ed: {  	s7 =	simm.s32 $0x0  }
0x2ee: {  	[hbm4b:s6+s7] =	stream.linear.scatter [tilespmem:s22], [sflag:$0x8], $0x8000, $0x38;
	[tilespmem:$0x1E000] =	vst v63  }
0x2ef: {  	_ =	swait.ge [sflag:s0], $0x8000  }
0x2f0: {  	s8 =	sld [smem:$0x7F9]  }
0x2f1: {  	[sflag:s0] =	ssyncset.done $0x0  }
0x2f2: {  	s10 =	simm.s32 $0x0;
	[sflag:s0] =	ssyncadd.s32 $0xFFFF8000  }
0x2f3: {  	[tilespmem:s22], [sflag:$0x2] =	stream.linear.gather [hbm4b:s8+s7], $0x8000, $0x38;
	[tilespmem:$0x1E000] =	vst v63  }
0x2f4: {  	s11 =	simm.s32 $0x0;
	s12 =	simm.s32 $0x0;
	s9 =	rddreg [dreg:$0x11]  }
0x2f5: {  	[tilespmem:s23], [sflag:$0x5] =	stream.linear.gather [hbm4b:s9+s7], $0x2000, $0x38;
	[tilespmem:$0x1E000] =	vst v63  }
0x2f6: {  	s13 =	sand.u32 $0x3FFFF000, s12;
	s6 =	sand.u32 $0x7, s10;
	_ =	swait.ge [sflag:s2], $0x8000  }
0x2f7: {  	s10 =	sshll.u32 s6, $0xA;
	s6 =	sshll.u32 s6, $0x9;
	[sflag:s2] =	ssyncset.done $0x0  }
0x2f8: {  	s6 =	sor.u32 s6, s13;
	s9 =	sand.u32 $0x3FFFFF80, s11;
	[sflag:s2] =	ssyncadd.s32 $0xFFFF8000  }
0x2f9: {  	s8 =	sand.u32 $0x40, s7;
	s9 =	sadd.s32 s9, s10;
	_ =	swait.ge [sflag:s3], $0x2000  }
0x2fa: {  	s14 =	sor.u32 $0x30, s8;
	s12 =	sadd.s32 $0x1C000, s9;
	[sflag:s3] =	ssyncset.done $0x0  }
0x2fb: {  	s13 =	sadd.s32 $0x10000, s6;
	s15 =	sor.u32 s14, s12;
	[sflag:s3] =	ssyncadd.s32 $0xFFFFE000  }
0x2fc: {  	s6 =	sor.u32 s14, s13;
	v0 =	vld [tilespmem:s15+$0x0]  }
0x2fd: {  	s16 =	sor.u32 s8, s12;
	v1 =	vld [tilespmem:s6+$0x180]  }
0x2fe: {  	s11 =	sor.u32 s8, s13;
	v7 =	vld [tilespmem:s16+$0x0]  }
0x2ff: {  	v3 =	vld [tilespmem:s11+$0x0]  }
0x300: {  	v8 =	vld [tilespmem:s11+$0x100]  }
0x301: {  	s17 =	sor.u32 $0x10, s8;
	v4 =	vld [tilespmem:s11+$0x80]  }
0x302: {  	s18 =	sor.u32 s17, s12;
	v63 =	vld [tilespmem:s11+$0x180]  }
0x303: {  	s9 =	sor.u32 s17, s13;
	v2 =	vld [tilespmem:s18+$0x0];
	v1 =	vadd.f32 v1, v0  }
0x304: {  	v6 =	vld [tilespmem:s9+$0x0];
	v3 =	vadd.f32 v3, v7  }
0x305: {  	v5 =	vld [tilespmem:s9+$0x80];
	v8 =	vadd.f32 v8, v7;
	[tilespmem:s6+$0x180] =	vst v1  }
0x306: {  	s8 =	sor.u32 $0x20, s8;
	v1 =	vadd.f32 v4, v7;
	[tilespmem:s11+$0x0] =	vst v3;
	v4 =	vld [tilespmem:s9+$0x100]  }
0x307: {  	s12 =	sor.u32 s8, s12;
	v3 =	vld [tilespmem:s9+$0x180];
	v7 =	vadd.f32 v63, v7;
	[tilespmem:s11+$0x100] =	vst v8  }
0x308: {  	s10 =	simm.s32 $0x0;
	s8 =	sor.u32 s8, s13;
	[tilespmem:s11+$0x80] =	vst v1;
	v1 =	vld [tilespmem:s12+$0x0]  }
.LBB2_24:
0x309: {  	s10 =	sadd.s32 $0x4, s10;
	[tilespmem:s11+$0x180] =	vst v7;
	v6 =	vadd.f32 v6, v2;
	v7 =	vld [tilespmem:s8+$0x0]  }
0x30a: {  	s7 =	sadd.s32 $0x40, s7;
	s11 =	sshrl.u32 s10, $0x3;
	p0 =	slt.u32 s10, $0x1FC;
	v5 =	vadd.f32 v5, v2;
	v8 =	vld [tilespmem:s8+$0x80]  }
0x30b: {  	s12 =	sand.u32 $0x40, s7;
	s13 =	sshll.u32 s10, $0x1;
	s11 =	sand.u32 $0x7, s11;
	[tilespmem:s9+$0x0] =	vst v6;
	v4 =	vadd.f32 v4, v2;
	v6 =	vld [tilespmem:s8+$0x100]  }
0x30c: {  	s15 =	sshll.u32 s10, $0x6;
	s13 =	sand.u32 $0x3FFFFF80, s13;
	s14 =	sshll.u32 s11, $0xA;
	[tilespmem:s9+$0x80] =	vst v5;
	v2 =	vadd.f32 v3, v2;
	v3 =	vld [tilespmem:s8+$0x180]  }
0x30d: {  	s11 =	sshll.u32 s11, $0x9;
	s13 =	sadd.s32 s13, s14;
	s14 =	sand.u32 $0x3FFFF000, s15;
	[tilespmem:s9+$0x100] =	vst v4;
	v4 =	vld [tilespmem:s6+$0x0]  }
0x30e: {  	s13 =	sadd.s32 $0x1C000, s13;
	s11 =	sor.u32 s11, s14;
	s14 =	sor.u32 $0x30, s12;
	[tilespmem:s9+$0x180] =	vst v2;
	v2 =	vadd.f32 v7, v1;
	v5 =	vld [tilespmem:s6+$0x80]  }
0x30f: {  	s9 =	sor.u32 $0x10, s12;
	s15 =	sadd.s32 $0x10000, s11;
	s11 =	sor.u32 s14, s13;
	v7 =	vadd.f32 v8, v1;
	v8 =	vld [tilespmem:s6+$0x100]  }
0x310: {  	s17 =	sor.u32 $0x20, s12;
	s16 =	sor.u32 s12, s13;
	v9 =	vld [tilespmem:s11+$0x0];
	s14 =	sor.u32 s14, s15;
	[tilespmem:s8+$0x0] =	vst v2;
	v2 =	vadd.f32 v6, v1  }
0x311: {  	s11 =	sor.u32 s12, s15;
	s12 =	sor.u32 s9, s13;
	s9 =	sor.u32 s9, s15;
	v6 =	vld [tilespmem:s14+$0x180];
	[tilespmem:s8+$0x80] =	vst v7;
	v1 =	vadd.f32 v3, v1  }
0x312: {  	s13 =	sor.u32 s17, s13;
	s15 =	sor.u32 s17, s15;
	v3 =	vld [tilespmem:s16+$0x0];
	[tilespmem:s8+$0x100] =	vst v2;
	v2 =	vadd.f32 v4, v0  }
0x313: {  	v4 =	vld [tilespmem:s11+$0x0];
	[tilespmem:s8+$0x180] =	vst v1;
	v1 =	vadd.f32 v5, v0;
	s8 =	smov.u32 s15  }
0x314: {  	v5 =	vld [tilespmem:s11+$0x80];
	[tilespmem:s6+$0x0] =	vst v2;
	v2 =	vadd.f32 v8, v0  }
0x315: {  	v7 =	vld [tilespmem:s11+$0x100];
	[tilespmem:s6+$0x80] =	vst v1;
	v0 =	vmov v9  }
0x316: {  	v1 =	vld [tilespmem:s11+$0x180];
	v8 =	vadd.f32 v6, v0;
	[tilespmem:s6+$0x100] =	vst v2;
	s6 =	smov.u32 s14  }
0x317: {  	v2 =	vld [tilespmem:s12+$0x0]  }
.Ltmp11:
0x318: {  	v4 =	vadd.f32 v4, v3;
	v6 =	vld [tilespmem:s9+$0x0];
	[tilespmem:s6+$0x180] =	vst v8;
	(pc) =	sbr.rel @p0 .LBB2_24-.Ltmp11, $4  }
0x319: {  	v8 =	vadd.f32 v5, v3;
	v5 =	vld [tilespmem:s9+$0x80]  }
0x31a: {  	[tilespmem:s11+$0x0] =	vst v4;
	v9 =	vadd.f32 v7, v3;
	v4 =	vld [tilespmem:s9+$0x100]  }
0x31b: {  	[tilespmem:s11+$0x80] =	vst v8;
	v7 =	vadd.f32 v1, v3;
	v3 =	vld [tilespmem:s9+$0x180]  }
0x31c: {  	[tilespmem:s11+$0x100] =	vst v9;
	v1 =	vld [tilespmem:s13+$0x0]  }
0x31d: {  	v8 =	vld [tilespmem:s8+$0x0]  }
0x31e: {  	v6 =	vadd.f32 v6, v2;
	v9 =	vld [tilespmem:s8+$0x80]  }
0x31f: {  	[tilespmem:s11+$0x180] =	vst v7;
	v7 =	vld [tilespmem:s8+$0x100];
	v5 =	vadd.f32 v5, v2  }
0x320: {  	[tilespmem:s9+$0x0] =	vst v6;
	v4 =	vadd.f32 v4, v2;
	v6 =	vld [tilespmem:s8+$0x180]  }
0x321: {  	[tilespmem:s9+$0x80] =	vst v5;
	v2 =	vadd.f32 v3, v2;
	v3 =	vld [tilespmem:s6+$0x0]  }
0x322: {  	v5 =	vld [tilespmem:s6+$0x80];
	[tilespmem:s9+$0x100] =	vst v4;
	v4 =	vadd.f32 v8, v1  }
0x323: {  	[tilespmem:s9+$0x180] =	vst v2;
	v2 =	vadd.f32 v9, v1;
	v8 =	vld [tilespmem:s6+$0x100]  }
0x324: {  	[tilespmem:s8+$0x0] =	vst v4;
	v4 =	vadd.f32 v7, v1  }
0x325: {  	[tilespmem:s8+$0x80] =	vst v2;
	v1 =	vadd.f32 v6, v1  }
0x326: {  	v2 =	vadd.f32 v3, v0;
	[tilespmem:s8+$0x100] =	vst v4  }
0x327: {  	[tilespmem:s8+$0x180] =	vst v1;
	v1 =	vadd.f32 v5, v0  }
0x328: {  	[tilespmem:s6+$0x0] =	vst v2;
	v0 =	vadd.f32 v8, v0  }
0x329: {  	[tilespmem:s6+$0x80] =	vst v1  }
0x32a: {  	[tilespmem:s6+$0x100] =	vst v0  }
0x32b: {  	s6 =	sld [smem:$0x7F6];
	_ =	sdelay $0x1  }
0x32c: {  	s7 =	simm.s32 $0x0  }
0x32d: {  	[hbm4b:s6+s7] =	stream.linear.scatter [tilespmem:s24], [sflag:$0x9], $0x8000, $0x38;
	[tilespmem:$0x1E000] =	vst v63  }
0x32e: {  	_ =	swait.ge [sflag:s4], $0x8000  }
0x32f: {  	s11 =	sld [smem:$0x7FA]  }
0x330: {  	[sflag:s4] =	ssyncset.done $0x0  }
0x331: {  	[sflag:s4] =	ssyncadd.s32 $0xFFFF8000  }
0x332: {  	[tilespmem:s24], [sflag:$0x3] =	stream.linear.gather [hbm4b:s11+s7], $0x8000, $0x38;
	[tilespmem:$0x1E000] =	vst v63  }
0x333: {  	s13 =	simm.s32 $0x0;
	s10 =	simm.s32 $0x0;
	s12 =	rddreg [dreg:$0x12]  }
0x334: {  	[tilespmem:s25], [sflag:$0x6] =	stream.linear.gather [hbm4b:s12+s7], $0x2000, $0x38;
	[tilespmem:$0x1E000] =	vst v63  }
0x335: {  	s14 =	simm.s32 $0x0;
	s10 =	sand.u32 $0x3FFFFF80, s10;
	_ =	swait.ge [sflag:s26], $0x8000  }
0x336: {  	s9 =	sand.u32 $0x3FFFF000, s14;
	s8 =	sand.u32 $0x40, s7;
	[sflag:s26] =	ssyncset.done $0x0  }
0x337: {  	s16 =	sor.u32 $0x30, s8;
	s6 =	sand.u32 $0x7, s13;
	[sflag:s26] =	ssyncadd.s32 $0xFFFF8000  }
0x338: {  	s15 =	sshll.u32 s6, $0xA;
	s6 =	sshll.u32 s6, $0x9;
	_ =	swait.ge [sflag:s28], $0x2000  }
0x339: {  	s10 =	sadd.s32 s10, s15;
	s12 =	sor.u32 s6, s9;
	[sflag:s28] =	ssyncset.done $0x0  }
0x33a: {  	s10 =	sadd.s32 $0x18000, s10;
	s6 =	sor.u32 s16, s12;
	[sflag:s28] =	ssyncadd.s32 $0xFFFFE000  }
0x33b: {  	s9 =	sor.u32 s16, s10;
	v3 =	vld [tilespmem:s6+$0x180]  }
0x33c: {  	s13 =	sor.u32 $0x10, s8;
	s17 =	sor.u32 s8, s10;
	v0 =	vld [tilespmem:s9+$0x0]  }
0x33d: {  	s14 =	sor.u32 $0x20, s8;
	s18 =	sor.u32 s13, s10;
	v8 =	vld [tilespmem:s17+$0x0]  }
0x33e: {  	s10 =	sor.u32 s14, s10;
	v2 =	vld [tilespmem:s18+$0x0]  }
0x33f: {  	s11 =	sor.u32 s8, s12;
	v1 =	vld [tilespmem:s10+$0x0]  }
0x340: {  	v4 =	vld [tilespmem:s11+$0x0]  }
0x341: {  	v5 =	vld [tilespmem:s11+$0x80]  }
0x342: {  	v9 =	vld [tilespmem:s11+$0x100]  }
0x343: {  	s9 =	sor.u32 s13, s12;
	v10 =	vld [tilespmem:s11+$0x180]  }
0x344: {  	v7 =	vld [tilespmem:s9+$0x0];
	v3 =	vadd.f32 v3, v0  }
0x345: {  	v6 =	vld [tilespmem:s9+$0x80];
	v4 =	vadd.f32 v4, v8  }
0x346: {  	[tilespmem:s6+$0x180] =	vst v3;
	v3 =	vadd.f32 v5, v8;
	v5 =	vld [tilespmem:s9+$0x100]  }
0x347: {  	s8 =	sor.u32 s14, s12;
	v9 =	vadd.f32 v9, v8;
	[tilespmem:s11+$0x0] =	vst v4;
	v4 =	vld [tilespmem:s9+$0x180]  }
0x348: {  	s10 =	simm.s32 $0x0;
	v8 =	vadd.f32 v10, v8;
	[tilespmem:s11+$0x80] =	vst v3;
	v3 =	vld [tilespmem:s8+$0x0]  }
.LBB2_26:
0x349: {  	s10 =	sadd.s32 $0x4, s10;
	[tilespmem:s11+$0x100] =	vst v9;
	v7 =	vadd.f32 v7, v2;
	v9 =	vld [tilespmem:s8+$0x80];
	s7 =	sadd.s32 $0x40, s7  }
0x34a: {  	s12 =	sshrl.u32 s10, $0x3;
	s13 =	sand.u32 $0x40, s7;
	s14 =	sshll.u32 s10, $0x6;
	[tilespmem:s11+$0x180] =	vst v8;
	v6 =	vadd.f32 v6, v2;
	v8 =	vld [tilespmem:s8+$0x100]  }
0x34b: {  	s11 =	sand.u32 $0x7, s12;
	s12 =	sshll.u32 s10, $0x1;
	s14 =	sand.u32 $0x3FFFF000, s14;
	[tilespmem:s9+$0x0] =	vst v7;
	v5 =	vadd.f32 v5, v2;
	v7 =	vld [tilespmem:s8+$0x180]  }
0x34c: {  	s15 =	sshll.u32 s11, $0xA;
	s12 =	sand.u32 $0x3FFFFF80, s12;
	s11 =	sshll.u32 s11, $0x9;
	[tilespmem:s9+$0x80] =	vst v6;
	v2 =	vadd.f32 v4, v2;
	v4 =	vld [tilespmem:s6+$0x0]  }
0x34d: {  	s12 =	sadd.s32 s12, s15;
	s14 =	sor.u32 s11, s14;
	s11 =	sor.u32 $0x30, s13;
	[tilespmem:s9+$0x100] =	vst v5;
	v3 =	vadd.f32 v3, v1;
	v5 =	vld [tilespmem:s6+$0x80]  }
0x34e: {  	s15 =	sor.u32 $0x10, s13;
	s12 =	sadd.s32 $0x18000, s12;
	s16 =	sor.u32 s11, s14;
	[tilespmem:s9+$0x180] =	vst v2;
	v2 =	vadd.f32 v9, v1;
	v6 =	vld [tilespmem:s6+$0x100]  }
0x34f: {  	s17 =	sor.u32 $0x20, s13;
	s9 =	sor.u32 s13, s12;
	s18 =	sor.u32 s11, s12;
	v9 =	vld [tilespmem:s16+$0x180];
	[tilespmem:s8+$0x0] =	vst v3;
	v3 =	vadd.f32 v8, v1  }
0x350: {  	s11 =	sor.u32 s13, s14;
	s13 =	sor.u32 s15, s12;
	s12 =	sor.u32 s17, s12;
	v8 =	vld [tilespmem:s18+$0x0];
	[tilespmem:s8+$0x80] =	vst v2;
	v1 =	vadd.f32 v7, v1  }
0x351: {  	p0 =	slt.u32 s10, $0x1FC;
	v10 =	vld [tilespmem:s9+$0x0];
	s9 =	sor.u32 s15, s14;
	s14 =	sor.u32 s17, s14;
	[tilespmem:s8+$0x100] =	vst v3;
	v3 =	vadd.f32 v4, v0  }
0x352: {  	v2 =	vld [tilespmem:s13+$0x0];
	[tilespmem:s8+$0x180] =	vst v1;
	v4 =	vadd.f32 v5, v0;
	s8 =	smov.u32 s14  }
0x353: {  	v1 =	vld [tilespmem:s12+$0x0];
	[tilespmem:s6+$0x0] =	vst v3;
	v6 =	vadd.f32 v6, v0  }
0x354: {  	v3 =	vld [tilespmem:s11+$0x0];
	[tilespmem:s6+$0x80] =	vst v4  }
0x355: {  	v4 =	vld [tilespmem:s11+$0x80];
	v5 =	vadd.f32 v9, v8;
	[tilespmem:s6+$0x100] =	vst v6;
	v0 =	vmov v8;
	s6 =	smov.u32 s16  }
0x356: {  	v8 =	vld [tilespmem:s11+$0x100]  }
0x357: {  	v11 =	vld [tilespmem:s11+$0x180];
	[tilespmem:s6+$0x180] =	vst v5  }
.Ltmp12:
0x358: {  	v7 =	vld [tilespmem:s9+$0x0];
	(pc) =	sbr.rel @p0 .LBB2_26-.Ltmp12, $4  }
0x359: {  	v3 =	vadd.f32 v3, v10;
	v6 =	vld [tilespmem:s9+$0x80]  }
0x35a: {  	v12 =	vadd.f32 v4, v10;
	v5 =	vld [tilespmem:s9+$0x100]  }
0x35b: {  	[tilespmem:s11+$0x0] =	vst v3;
	v9 =	vadd.f32 v8, v10;
	v4 =	vld [tilespmem:s9+$0x180]  }
0x35c: {  	[tilespmem:s11+$0x80] =	vst v12;
	v8 =	vadd.f32 v11, v10;
	v3 =	vld [tilespmem:s8+$0x0]  }
0x35d: {  	[tilespmem:s11+$0x100] =	vst v9;
	v7 =	vadd.f32 v7, v2;
	v62 =	vld [tilespmem:s8+$0x80]  }
0x35e: {  	[tilespmem:s11+$0x180] =	vst v8;
	v6 =	vadd.f32 v6, v2;
	v8 =	vld [tilespmem:s8+$0x100]  }
0x35f: {  	[tilespmem:s9+$0x0] =	vst v7;
	v5 =	vadd.f32 v5, v2;
	v7 =	vld [tilespmem:s8+$0x180]  }
0x360: {  	[tilespmem:s9+$0x80] =	vst v6;
	v2 =	vadd.f32 v4, v2;
	v4 =	vld [tilespmem:s6+$0x0]  }
0x361: {  	[tilespmem:s9+$0x100] =	vst v5;
	v3 =	vadd.f32 v3, v1;
	v5 =	vld [tilespmem:s6+$0x80]  }
0x362: {  	v6 =	vld [tilespmem:s6+$0x100];
	[tilespmem:s9+$0x180] =	vst v2;
	v2 =	vadd.f32 v62, v1  }
0x363: {  	[tilespmem:s8+$0x0] =	vst v3;
	v3 =	vadd.f32 v8, v1  }
0x364: {  	[tilespmem:s8+$0x80] =	vst v2;
	v1 =	vadd.f32 v7, v1  }
0x365: {  	[tilespmem:s8+$0x100] =	vst v3;
	v2 =	vadd.f32 v4, v0  }
0x366: {  	[tilespmem:s8+$0x180] =	vst v1;
	v1 =	vadd.f32 v5, v0  }
0x367: {  	v0 =	vadd.f32 v6, v0;
	[tilespmem:s6+$0x0] =	vst v2  }
0x368: {  	[tilespmem:s6+$0x80] =	vst v1  }
0x369: {  	[tilespmem:s6+$0x100] =	vst v0  }
0x36a: {  	s6 =	sld [smem:$0x7F8];
	_ =	sdelay $0x1  }
0x36b: {  	s7 =	simm.s32 $0x0  }
0x36c: {  	[hbm4b:s6+s7] =	stream.linear.scatter [tilespmem:s7], [sflag:$0x7], $0x8000, $0x38;
	[tilespmem:$0x1E000] =	vst v63  }
0x36d: {  	_ =	swait.ge [sflag:s29], $0x8000  }
0x36e: {  	s8 =	sld [smem:$0x7FB]  }
0x36f: {  	[sflag:s29] =	ssyncset.done $0x0  }
0x370: {  	s10 =	simm.s32 $0x0;
	[sflag:s29] =	ssyncadd.s32 $0xFFFF8000  }
0x371: {  	[tilespmem:s7], [sflag:$0x1] =	stream.linear.gather [hbm4b:s8+s7], $0x8000, $0x38;
	[tilespmem:$0x1E000] =	vst v63  }
0x372: {  	s12 =	simm.s32 $0x0;
	s11 =	simm.s32 $0x0;
	s9 =	rddreg [dreg:$0x13]  }
0x373: {  	[tilespmem:s21], [sflag:$0x4] =	stream.linear.gather [hbm4b:s9+s7], $0x2000, $0x38;
	[tilespmem:$0x1E000] =	vst v63  }
0x374: {  	s13 =	sand.u32 $0x3FFFF000, s12;
	s6 =	sand.u32 $0x7, s10;
	_ =	swait.ge [sflag:s30], $0x8000  }
0x375: {  	s10 =	sshll.u32 s6, $0xA;
	s6 =	sshll.u32 s6, $0x9;
	[sflag:s30] =	ssyncset.done $0x0  }
0x376: {  	s6 =	sor.u32 s6, s13;
	s9 =	sand.u32 $0x3FFFFF80, s11;
	[sflag:s30] =	ssyncadd.s32 $0xFFFF8000  }
0x377: {  	s8 =	sand.u32 $0x40, s7;
	s9 =	sadd.s32 s9, s10;
	_ =	swait.ge [sflag:s31], $0x2000  }
0x378: {  	s14 =	sor.u32 $0x30, s8;
	s12 =	sadd.s32 $0x1A000, s9;
	[sflag:s31] =	ssyncset.done $0x0  }
0x379: {  	s13 =	sadd.s32 $0x8000, s6;
	s15 =	sor.u32 s14, s12;
	[sflag:s31] =	ssyncadd.s32 $0xFFFFE000  }
0x37a: {  	s6 =	sor.u32 s14, s13;
	v0 =	vld [tilespmem:s15+$0x0]  }
0x37b: {  	s16 =	sor.u32 s8, s12;
	v1 =	vld [tilespmem:s6+$0x180]  }
0x37c: {  	s11 =	sor.u32 s8, s13;
	v7 =	vld [tilespmem:s16+$0x0]  }
0x37d: {  	v3 =	vld [tilespmem:s11+$0x0]  }
0x37e: {  	v8 =	vld [tilespmem:s11+$0x100]  }
0x37f: {  	s17 =	sor.u32 $0x10, s8;
	v4 =	vld [tilespmem:s11+$0x80]  }
0x380: {  	s18 =	sor.u32 s17, s12;
	v63 =	vld [tilespmem:s11+$0x180]  }
0x381: {  	s9 =	sor.u32 s17, s13;
	v2 =	vld [tilespmem:s18+$0x0];
	v1 =	vadd.f32 v1, v0  }
0x382: {  	v6 =	vld [tilespmem:s9+$0x0];
	v3 =	vadd.f32 v3, v7  }
0x383: {  	v5 =	vld [tilespmem:s9+$0x80];
	v8 =	vadd.f32 v8, v7;
	[tilespmem:s6+$0x180] =	vst v1  }
0x384: {  	s8 =	sor.u32 $0x20, s8;
	v1 =	vadd.f32 v4, v7;
	[tilespmem:s11+$0x0] =	vst v3;
	v4 =	vld [tilespmem:s9+$0x100]  }
0x385: {  	s12 =	sor.u32 s8, s12;
	v3 =	vld [tilespmem:s9+$0x180];
	v7 =	vadd.f32 v63, v7;
	[tilespmem:s11+$0x100] =	vst v8  }
0x386: {  	s10 =	simm.s32 $0x0;
	s8 =	sor.u32 s8, s13;
	[tilespmem:s11+$0x80] =	vst v1;
	v1 =	vld [tilespmem:s12+$0x0]  }
.LBB2_28:
0x387: {  	s10 =	sadd.s32 $0x4, s10;
	[tilespmem:s11+$0x180] =	vst v7;
	v6 =	vadd.f32 v6, v2;
	v7 =	vld [tilespmem:s8+$0x0]  }
0x388: {  	s7 =	sadd.s32 $0x40, s7;
	s11 =	sshrl.u32 s10, $0x3;
	p0 =	slt.u32 s10, $0x1FC;
	v5 =	vadd.f32 v5, v2;
	v8 =	vld [tilespmem:s8+$0x80]  }
0x389: {  	s12 =	sand.u32 $0x40, s7;
	s13 =	sshll.u32 s10, $0x1;
	s11 =	sand.u32 $0x7, s11;
	[tilespmem:s9+$0x0] =	vst v6;
	v4 =	vadd.f32 v4, v2;
	v6 =	vld [tilespmem:s8+$0x100]  }
0x38a: {  	s15 =	sshll.u32 s10, $0x6;
	s13 =	sand.u32 $0x3FFFFF80, s13;
	s14 =	sshll.u32 s11, $0xA;
	[tilespmem:s9+$0x80] =	vst v5;
	v2 =	vadd.f32 v3, v2;
	v3 =	vld [tilespmem:s8+$0x180]  }
0x38b: {  	s11 =	sshll.u32 s11, $0x9;
	s13 =	sadd.s32 s13, s14;
	s14 =	sand.u32 $0x3FFFF000, s15;
	[tilespmem:s9+$0x100] =	vst v4;
	v4 =	vld [tilespmem:s6+$0x0]  }
0x38c: {  	s13 =	sadd.s32 $0x1A000, s13;
	s11 =	sor.u32 s11, s14;
	s14 =	sor.u32 $0x30, s12;
	[tilespmem:s9+$0x180] =	vst v2;
	v2 =	vadd.f32 v7, v1;
	v5 =	vld [tilespmem:s6+$0x80]  }
0x38d: {  	s9 =	sor.u32 $0x10, s12;
	s15 =	sadd.s32 $0x8000, s11;
	s11 =	sor.u32 s14, s13;
	v7 =	vadd.f32 v8, v1;
	v8 =	vld [tilespmem:s6+$0x100]  }
0x38e: {  	s17 =	sor.u32 $0x20, s12;
	s16 =	sor.u32 s12, s13;
	v9 =	vld [tilespmem:s11+$0x0];
	s14 =	sor.u32 s14, s15;
	[tilespmem:s8+$0x0] =	vst v2;
	v2 =	vadd.f32 v6, v1  }
0x38f: {  	s11 =	sor.u32 s12, s15;
	s12 =	sor.u32 s9, s13;
	s9 =	sor.u32 s9, s15;
	v6 =	vld [tilespmem:s14+$0x180];
	[tilespmem:s8+$0x80] =	vst v7;
	v1 =	vadd.f32 v3, v1  }
0x390: {  	s13 =	sor.u32 s17, s13;
	s15 =	sor.u32 s17, s15;
	v3 =	vld [tilespmem:s16+$0x0];
	[tilespmem:s8+$0x100] =	vst v2;
	v2 =	vadd.f32 v4, v0  }
0x391: {  	v4 =	vld [tilespmem:s11+$0x0];
	[tilespmem:s8+$0x180] =	vst v1;
	v1 =	vadd.f32 v5, v0;
	s8 =	smov.u32 s15  }
0x392: {  	v5 =	vld [tilespmem:s11+$0x80];
	[tilespmem:s6+$0x0] =	vst v2;
	v2 =	vadd.f32 v8, v0  }
0x393: {  	v7 =	vld [tilespmem:s11+$0x100];
	[tilespmem:s6+$0x80] =	vst v1;
	v0 =	vmov v9  }
0x394: {  	v1 =	vld [tilespmem:s11+$0x180];
	v8 =	vadd.f32 v6, v0;
	[tilespmem:s6+$0x100] =	vst v2;
	s6 =	smov.u32 s14  }
0x395: {  	v2 =	vld [tilespmem:s12+$0x0]  }
.Ltmp13:
0x396: {  	v4 =	vadd.f32 v4, v3;
	v6 =	vld [tilespmem:s9+$0x0];
	[tilespmem:s6+$0x180] =	vst v8;
	(pc) =	sbr.rel @p0 .LBB2_28-.Ltmp13, $4  }
0x397: {  	v8 =	vadd.f32 v5, v3;
	v5 =	vld [tilespmem:s9+$0x80]  }
0x398: {  	[tilespmem:s11+$0x0] =	vst v4;
	v9 =	vadd.f32 v7, v3;
	v4 =	vld [tilespmem:s9+$0x100]  }
0x399: {  	[tilespmem:s11+$0x80] =	vst v8;
	v7 =	vadd.f32 v1, v3;
	v3 =	vld [tilespmem:s9+$0x180]  }
0x39a: {  	[tilespmem:s11+$0x100] =	vst v9;
	v1 =	vld [tilespmem:s13+$0x0]  }
0x39b: {  	v8 =	vld [tilespmem:s8+$0x0]  }
0x39c: {  	v6 =	vadd.f32 v6, v2;
	v9 =	vld [tilespmem:s8+$0x80]  }
0x39d: {  	[tilespmem:s11+$0x180] =	vst v7;
	v7 =	vld [tilespmem:s8+$0x100];
	v5 =	vadd.f32 v5, v2  }
0x39e: {  	[tilespmem:s9+$0x0] =	vst v6;
	v4 =	vadd.f32 v4, v2;
	v6 =	vld [tilespmem:s8+$0x180]  }
0x39f: {  	[tilespmem:s9+$0x80] =	vst v5;
	v2 =	vadd.f32 v3, v2;
	v3 =	vld [tilespmem:s6+$0x0]  }
0x3a0: {  	v5 =	vld [tilespmem:s6+$0x80];
	[tilespmem:s9+$0x100] =	vst v4;
	v4 =	vadd.f32 v8, v1  }
0x3a1: {  	[tilespmem:s9+$0x180] =	vst v2;
	v2 =	vadd.f32 v9, v1;
	v8 =	vld [tilespmem:s6+$0x100]  }
0x3a2: {  	[tilespmem:s8+$0x0] =	vst v4;
	v4 =	vadd.f32 v7, v1  }
0x3a3: {  	[tilespmem:s8+$0x80] =	vst v2;
	v1 =	vadd.f32 v6, v1  }
0x3a4: {  	v2 =	vadd.f32 v3, v0;
	[tilespmem:s8+$0x100] =	vst v4  }
0x3a5: {  	[tilespmem:s8+$0x180] =	vst v1;
	v1 =	vadd.f32 v5, v0  }
0x3a6: {  	[tilespmem:s6+$0x0] =	vst v2;
	v0 =	vadd.f32 v8, v0  }
0x3a7: {  	[tilespmem:s6+$0x80] =	vst v1  }
0x3a8: {  	[tilespmem:s6+$0x100] =	vst v0  }
0x3a9: {  	s6 =	sld [smem:$0x7FC]  }
0x3aa: {  	s7 =	simm.s32 $0x0  }
0x3ab: {  	s10 =	simm.s32 $0x0;
	s11 =	simm.s32 $0x0;
	s12 =	simm.s32 $0x0  }
0x3ac: {  	[hbm4b:s6+s7] =	stream.linear.scatter [tilespmem:s22], [sflag:$0x8], $0x8000, $0x38;
	[tilespmem:$0x1E000] =	vst v63  }
0x3ad: {  	s13 =	sand.u32 $0x3FFFF000, s12;
	s9 =	sand.u32 $0x3FFFFF80, s11;
	_ =	swait.ge [sflag:s2], $0x8000  }
0x3ae: {  	s8 =	sand.u32 $0x40, s7;
	s6 =	sand.u32 $0x7, s10;
	[sflag:s2] =	ssyncset.done $0x0  }
0x3af: {  	s14 =	sor.u32 $0x30, s8;
	s10 =	sshll.u32 s6, $0xA;
	[sflag:s2] =	ssyncadd.s32 $0xFFFF8000  }
0x3b0: {  	s6 =	sshll.u32 s6, $0x9;
	s9 =	sadd.s32 s9, s10;
	_ =	swait.ge [sflag:s3], $0x2000  }
0x3b1: {  	s6 =	sor.u32 s6, s13;
	s12 =	sadd.s32 $0x1C000, s9;
	[sflag:s3] =	ssyncset.done $0x0  }
0x3b2: {  	s13 =	sadd.s32 $0x10000, s6;
	s15 =	sor.u32 s14, s12;
	[sflag:s3] =	ssyncadd.s32 $0xFFFFE000  }
0x3b3: {  	s6 =	sor.u32 s14, s13;
	v0 =	vld [tilespmem:s15+$0x0]  }
0x3b4: {  	s16 =	sor.u32 s8, s12;
	v1 =	vld [tilespmem:s6+$0x180]  }
0x3b5: {  	s11 =	sor.u32 s8, s13;
	v7 =	vld [tilespmem:s16+$0x0]  }
0x3b6: {  	v3 =	vld [tilespmem:s11+$0x0]  }
0x3b7: {  	v8 =	vld [tilespmem:s11+$0x100]  }
0x3b8: {  	s17 =	sor.u32 $0x10, s8;
	v4 =	vld [tilespmem:s11+$0x80]  }
0x3b9: {  	s18 =	sor.u32 s17, s12;
	v63 =	vld [tilespmem:s11+$0x180]  }
0x3ba: {  	s9 =	sor.u32 s17, s13;
	v2 =	vld [tilespmem:s18+$0x0];
	v1 =	vadd.f32 v1, v0  }
0x3bb: {  	v6 =	vld [tilespmem:s9+$0x0];
	v3 =	vadd.f32 v3, v7  }
0x3bc: {  	v5 =	vld [tilespmem:s9+$0x80];
	v8 =	vadd.f32 v8, v7;
	[tilespmem:s6+$0x180] =	vst v1  }
0x3bd: {  	s8 =	sor.u32 $0x20, s8;
	v1 =	vadd.f32 v4, v7;
	[tilespmem:s11+$0x0] =	vst v3;
	v4 =	vld [tilespmem:s9+$0x100]  }
0x3be: {  	s12 =	sor.u32 s8, s12;
	v3 =	vld [tilespmem:s9+$0x180];
	v7 =	vadd.f32 v63, v7;
	[tilespmem:s11+$0x100] =	vst v8  }
0x3bf: {  	s10 =	simm.s32 $0x0;
	s8 =	sor.u32 s8, s13;
	[tilespmem:s11+$0x80] =	vst v1;
	v1 =	vld [tilespmem:s12+$0x0]  }
.LBB2_30:
0x3c0: {  	s10 =	sadd.s32 $0x4, s10;
	[tilespmem:s11+$0x180] =	vst v7;
	v6 =	vadd.f32 v6, v2;
	v7 =	vld [tilespmem:s8+$0x0]  }
0x3c1: {  	s7 =	sadd.s32 $0x40, s7;
	s11 =	sshrl.u32 s10, $0x3;
	p0 =	slt.u32 s10, $0x1FC;
	v5 =	vadd.f32 v5, v2;
	v8 =	vld [tilespmem:s8+$0x80]  }
0x3c2: {  	s12 =	sand.u32 $0x40, s7;
	s13 =	sshll.u32 s10, $0x1;
	s11 =	sand.u32 $0x7, s11;
	[tilespmem:s9+$0x0] =	vst v6;
	v4 =	vadd.f32 v4, v2;
	v6 =	vld [tilespmem:s8+$0x100]  }
0x3c3: {  	s15 =	sshll.u32 s10, $0x6;
	s13 =	sand.u32 $0x3FFFFF80, s13;
	s14 =	sshll.u32 s11, $0xA;
	[tilespmem:s9+$0x80] =	vst v5;
	v2 =	vadd.f32 v3, v2;
	v3 =	vld [tilespmem:s8+$0x180]  }
0x3c4: {  	s11 =	sshll.u32 s11, $0x9;
	s13 =	sadd.s32 s13, s14;
	s14 =	sand.u32 $0x3FFFF000, s15;
	[tilespmem:s9+$0x100] =	vst v4;
	v4 =	vld [tilespmem:s6+$0x0]  }
0x3c5: {  	s13 =	sadd.s32 $0x1C000, s13;
	s11 =	sor.u32 s11, s14;
	s14 =	sor.u32 $0x30, s12;
	[tilespmem:s9+$0x180] =	vst v2;
	v2 =	vadd.f32 v7, v1;
	v5 =	vld [tilespmem:s6+$0x80]  }
0x3c6: {  	s9 =	sor.u32 $0x10, s12;
	s15 =	sadd.s32 $0x10000, s11;
	s11 =	sor.u32 s14, s13;
	v7 =	vadd.f32 v8, v1;
	v8 =	vld [tilespmem:s6+$0x100]  }
0x3c7: {  	s17 =	sor.u32 $0x20, s12;
	s16 =	sor.u32 s12, s13;
	v9 =	vld [tilespmem:s11+$0x0];
	s14 =	sor.u32 s14, s15;
	[tilespmem:s8+$0x0] =	vst v2;
	v2 =	vadd.f32 v6, v1  }
0x3c8: {  	s11 =	sor.u32 s12, s15;
	s12 =	sor.u32 s9, s13;
	s9 =	sor.u32 s9, s15;
	v6 =	vld [tilespmem:s14+$0x180];
	[tilespmem:s8+$0x80] =	vst v7;
	v1 =	vadd.f32 v3, v1  }
0x3c9: {  	s13 =	sor.u32 s17, s13;
	s15 =	sor.u32 s17, s15;
	v3 =	vld [tilespmem:s16+$0x0];
	[tilespmem:s8+$0x100] =	vst v2;
	v2 =	vadd.f32 v4, v0  }
0x3ca: {  	v4 =	vld [tilespmem:s11+$0x0];
	[tilespmem:s8+$0x180] =	vst v1;
	v1 =	vadd.f32 v5, v0;
	s8 =	smov.u32 s15  }
0x3cb: {  	v5 =	vld [tilespmem:s11+$0x80];
	[tilespmem:s6+$0x0] =	vst v2;
	v2 =	vadd.f32 v8, v0  }
0x3cc: {  	v7 =	vld [tilespmem:s11+$0x100];
	[tilespmem:s6+$0x80] =	vst v1;
	v0 =	vmov v9  }
0x3cd: {  	v1 =	vld [tilespmem:s11+$0x180];
	v8 =	vadd.f32 v6, v0;
	[tilespmem:s6+$0x100] =	vst v2;
	s6 =	smov.u32 s14  }
0x3ce: {  	v2 =	vld [tilespmem:s12+$0x0]  }
.Ltmp14:
0x3cf: {  	v4 =	vadd.f32 v4, v3;
	v6 =	vld [tilespmem:s9+$0x0];
	[tilespmem:s6+$0x180] =	vst v8;
	(pc) =	sbr.rel @p0 .LBB2_30-.Ltmp14, $4  }
0x3d0: {  	v8 =	vadd.f32 v5, v3;
	v5 =	vld [tilespmem:s9+$0x80]  }
0x3d1: {  	[tilespmem:s11+$0x0] =	vst v4;
	v9 =	vadd.f32 v7, v3;
	v4 =	vld [tilespmem:s9+$0x100]  }
0x3d2: {  	[tilespmem:s11+$0x80] =	vst v8;
	v7 =	vadd.f32 v1, v3;
	v3 =	vld [tilespmem:s9+$0x180]  }
0x3d3: {  	[tilespmem:s11+$0x100] =	vst v9;
	v1 =	vld [tilespmem:s13+$0x0]  }
0x3d4: {  	v8 =	vld [tilespmem:s8+$0x0]  }
0x3d5: {  	v6 =	vadd.f32 v6, v2;
	v9 =	vld [tilespmem:s8+$0x80]  }
0x3d6: {  	[tilespmem:s11+$0x180] =	vst v7;
	v7 =	vld [tilespmem:s8+$0x100];
	v5 =	vadd.f32 v5, v2  }
0x3d7: {  	[tilespmem:s9+$0x0] =	vst v6;
	v4 =	vadd.f32 v4, v2;
	v6 =	vld [tilespmem:s8+$0x180]  }
0x3d8: {  	[tilespmem:s9+$0x80] =	vst v5;
	v2 =	vadd.f32 v3, v2;
	v3 =	vld [tilespmem:s6+$0x0]  }
0x3d9: {  	v5 =	vld [tilespmem:s6+$0x80];
	[tilespmem:s9+$0x100] =	vst v4;
	v4 =	vadd.f32 v8, v1  }
0x3da: {  	[tilespmem:s9+$0x180] =	vst v2;
	v2 =	vadd.f32 v9, v1;
	v8 =	vld [tilespmem:s6+$0x100]  }
0x3db: {  	[tilespmem:s8+$0x0] =	vst v4;
	v4 =	vadd.f32 v7, v1  }
0x3dc: {  	[tilespmem:s8+$0x80] =	vst v2;
	v1 =	vadd.f32 v6, v1  }
0x3dd: {  	v2 =	vadd.f32 v3, v0;
	[tilespmem:s8+$0x100] =	vst v4  }
0x3de: {  	[tilespmem:s8+$0x180] =	vst v1;
	v1 =	vadd.f32 v5, v0  }
0x3df: {  	[tilespmem:s6+$0x0] =	vst v2;
	v0 =	vadd.f32 v8, v0  }
0x3e0: {  	[tilespmem:s6+$0x80] =	vst v1  }
0x3e1: {  	[tilespmem:s6+$0x100] =	vst v0  }
0x3e2: {  	s6 =	sld [smem:$0x7FD];
	_ =	sdelay $0x1  }
0x3e3: {  	s7 =	simm.s32 $0x0;
	s13 =	simm.s32 $0x0;
	s10 =	simm.s32 $0x0  }
0x3e4: {  	[hbm4b:s6+s7] =	stream.linear.scatter [tilespmem:s24], [sflag:$0x9], $0x8000, $0x38;
	[tilespmem:$0x1E000] =	vst v63  }
0x3e5: {  	s14 =	simm.s32 $0x0;
	s10 =	sand.u32 $0x3FFFFF80, s10;
	_ =	swait.ge [sflag:s26], $0x8000  }
0x3e6: {  	s9 =	sand.u32 $0x3FFFF000, s14;
	s8 =	sand.u32 $0x40, s7;
	[sflag:s26] =	ssyncset.done $0x0  }
0x3e7: {  	s16 =	sor.u32 $0x30, s8;
	s6 =	sand.u32 $0x7, s13;
	[sflag:s26] =	ssyncadd.s32 $0xFFFF8000  }
0x3e8: {  	s15 =	sshll.u32 s6, $0xA;
	s6 =	sshll.u32 s6, $0x9;
	_ =	swait.ge [sflag:s28], $0x2000  }
0x3e9: {  	s10 =	sadd.s32 s10, s15;
	s12 =	sor.u32 s6, s9;
	[sflag:s28] =	ssyncset.done $0x0  }
0x3ea: {  	s10 =	sadd.s32 $0x18000, s10;
	s6 =	sor.u32 s16, s12;
	[sflag:s28] =	ssyncadd.s32 $0xFFFFE000  }
0x3eb: {  	s9 =	sor.u32 s16, s10;
	v3 =	vld [tilespmem:s6+$0x180]  }
0x3ec: {  	s13 =	sor.u32 $0x10, s8;
	s17 =	sor.u32 s8, s10;
	v0 =	vld [tilespmem:s9+$0x0]  }
0x3ed: {  	s14 =	sor.u32 $0x20, s8;
	s18 =	sor.u32 s13, s10;
	v8 =	vld [tilespmem:s17+$0x0]  }
0x3ee: {  	s10 =	sor.u32 s14, s10;
	v2 =	vld [tilespmem:s18+$0x0]  }
0x3ef: {  	s11 =	sor.u32 s8, s12;
	v1 =	vld [tilespmem:s10+$0x0]  }
0x3f0: {  	v4 =	vld [tilespmem:s11+$0x0]  }
0x3f1: {  	v5 =	vld [tilespmem:s11+$0x80]  }
0x3f2: {  	v9 =	vld [tilespmem:s11+$0x100]  }
0x3f3: {  	s9 =	sor.u32 s13, s12;
	v10 =	vld [tilespmem:s11+$0x180]  }
0x3f4: {  	v7 =	vld [tilespmem:s9+$0x0];
	v3 =	vadd.f32 v3, v0  }
0x3f5: {  	v6 =	vld [tilespmem:s9+$0x80];
	v4 =	vadd.f32 v4, v8  }
0x3f6: {  	[tilespmem:s6+$0x180] =	vst v3;
	v3 =	vadd.f32 v5, v8;
	v5 =	vld [tilespmem:s9+$0x100]  }
0x3f7: {  	s8 =	sor.u32 s14, s12;
	v9 =	vadd.f32 v9, v8;
	[tilespmem:s11+$0x0] =	vst v4;
	v4 =	vld [tilespmem:s9+$0x180]  }
0x3f8: {  	s10 =	simm.s32 $0x0;
	v8 =	vadd.f32 v10, v8;
	[tilespmem:s11+$0x80] =	vst v3;
	v3 =	vld [tilespmem:s8+$0x0]  }
.LBB2_32:
0x3f9: {  	s10 =	sadd.s32 $0x4, s10;
	[tilespmem:s11+$0x100] =	vst v9;
	v7 =	vadd.f32 v7, v2;
	v9 =	vld [tilespmem:s8+$0x80];
	s7 =	sadd.s32 $0x40, s7  }
0x3fa: {  	s12 =	sshrl.u32 s10, $0x3;
	s13 =	sand.u32 $0x40, s7;
	s14 =	sshll.u32 s10, $0x6;
	[tilespmem:s11+$0x180] =	vst v8;
	v6 =	vadd.f32 v6, v2;
	v8 =	vld [tilespmem:s8+$0x100]  }
0x3fb: {  	s11 =	sand.u32 $0x7, s12;
	s12 =	sshll.u32 s10, $0x1;
	s14 =	sand.u32 $0x3FFFF000, s14;
	[tilespmem:s9+$0x0] =	vst v7;
	v5 =	vadd.f32 v5, v2;
	v7 =	vld [tilespmem:s8+$0x180]  }
0x3fc: {  	s15 =	sshll.u32 s11, $0xA;
	s12 =	sand.u32 $0x3FFFFF80, s12;
	s11 =	sshll.u32 s11, $0x9;
	[tilespmem:s9+$0x80] =	vst v6;
	v2 =	vadd.f32 v4, v2;
	v4 =	vld [tilespmem:s6+$0x0]  }
0x3fd: {  	s12 =	sadd.s32 s12, s15;
	s14 =	sor.u32 s11, s14;
	s11 =	sor.u32 $0x30, s13;
	[tilespmem:s9+$0x100] =	vst v5;
	v3 =	vadd.f32 v3, v1;
	v5 =	vld [tilespmem:s6+$0x80]  }
0x3fe: {  	s15 =	sor.u32 $0x10, s13;
	s12 =	sadd.s32 $0x18000, s12;
	s16 =	sor.u32 s11, s14;
	[tilespmem:s9+$0x180] =	vst v2;
	v2 =	vadd.f32 v9, v1;
	v6 =	vld [tilespmem:s6+$0x100]  }
0x3ff: {  	s17 =	sor.u32 $0x20, s13;
	s9 =	sor.u32 s13, s12;
	s18 =	sor.u32 s11, s12;
	v9 =	vld [tilespmem:s16+$0x180];
	[tilespmem:s8+$0x0] =	vst v3;
	v3 =	vadd.f32 v8, v1  }
0x400: {  	s11 =	sor.u32 s13, s14;
	s13 =	sor.u32 s15, s12;
	s12 =	sor.u32 s17, s12;
	v8 =	vld [tilespmem:s18+$0x0];
	[tilespmem:s8+$0x80] =	vst v2;
	v1 =	vadd.f32 v7, v1  }
0x401: {  	p0 =	slt.u32 s10, $0x1FC;
	v10 =	vld [tilespmem:s9+$0x0];
	s9 =	sor.u32 s15, s14;
	s14 =	sor.u32 s17, s14;
	[tilespmem:s8+$0x100] =	vst v3;
	v3 =	vadd.f32 v4, v0  }
0x402: {  	v2 =	vld [tilespmem:s13+$0x0];
	[tilespmem:s8+$0x180] =	vst v1;
	v4 =	vadd.f32 v5, v0;
	s8 =	smov.u32 s14  }
0x403: {  	v1 =	vld [tilespmem:s12+$0x0];
	[tilespmem:s6+$0x0] =	vst v3;
	v6 =	vadd.f32 v6, v0  }
0x404: {  	v3 =	vld [tilespmem:s11+$0x0];
	[tilespmem:s6+$0x80] =	vst v4  }
0x405: {  	v4 =	vld [tilespmem:s11+$0x80];
	v5 =	vadd.f32 v9, v8;
	[tilespmem:s6+$0x100] =	vst v6;
	v0 =	vmov v8;
	s6 =	smov.u32 s16  }
0x406: {  	v8 =	vld [tilespmem:s11+$0x100]  }
0x407: {  	v11 =	vld [tilespmem:s11+$0x180];
	[tilespmem:s6+$0x180] =	vst v5  }
.Ltmp15:
0x408: {  	v7 =	vld [tilespmem:s9+$0x0];
	(pc) =	sbr.rel @p0 .LBB2_32-.Ltmp15, $4  }
0x409: {  	v3 =	vadd.f32 v3, v10;
	v6 =	vld [tilespmem:s9+$0x80]  }
0x40a: {  	v12 =	vadd.f32 v4, v10;
	v5 =	vld [tilespmem:s9+$0x100]  }
0x40b: {  	[tilespmem:s11+$0x0] =	vst v3;
	v9 =	vadd.f32 v8, v10;
	v4 =	vld [tilespmem:s9+$0x180]  }
0x40c: {  	[tilespmem:s11+$0x80] =	vst v12;
	v8 =	vadd.f32 v11, v10;
	v3 =	vld [tilespmem:s8+$0x0]  }
0x40d: {  	[tilespmem:s11+$0x100] =	vst v9;
	v7 =	vadd.f32 v7, v2;
	v51 =	vld [tilespmem:s8+$0x80]  }
0x40e: {  	v52 =	vld [tilespmem:s8+$0x100];
	[tilespmem:s11+$0x180] =	vst v8;
	v6 =	vadd.f32 v6, v2  }
0x40f: {  	v53 =	vld [tilespmem:s8+$0x180];
	[tilespmem:s9+$0x0] =	vst v7;
	v5 =	vadd.f32 v5, v2  }
0x410: {  	v55 =	vld [tilespmem:s6+$0x0];
	[tilespmem:s9+$0x80] =	vst v6;
	v54 =	vadd.f32 v4, v2  }
0x411: {  	v56 =	vld [tilespmem:s6+$0x80];
	[tilespmem:s9+$0x100] =	vst v5;
	v3 =	vadd.f32 v3, v1  }
0x412: {  	v58 =	vld [tilespmem:s6+$0x100];
	[tilespmem:s9+$0x180] =	vst v54;
	v57 =	vadd.f32 v51, v1  }
0x413: {  	v59 =	vadd.f32 v52, v1;
	[tilespmem:s8+$0x0] =	vst v3  }
0x414: {  	v60 =	vadd.f32 v53, v1;
	[tilespmem:s8+$0x80] =	vst v57  }
0x415: {  	v61 =	vadd.f32 v55, v0;
	[tilespmem:s8+$0x100] =	vst v59  }
0x416: {  	v62 =	vadd.f32 v56, v0;
	[tilespmem:s8+$0x180] =	vst v60  }
0x417: {  	v63 =	vadd.f32 v58, v0;
	[tilespmem:s6+$0x0] =	vst v61  }
0x418: {  	[tilespmem:s6+$0x80] =	vst v62  }
0x419: {  	[tilespmem:s6+$0x100] =	vst v63  }
0x41a: {  	[hbm4b:s19+s1] =	stream.linear.scatter [tilespmem:s1], [sflag:$0x7], $0x8000, $0x38;
	[tilespmem:$0x1E000] =	vst v63  }
0x41b: {  	_ =	swait.ge [sflag:s0], $0x8000  }
0x41c: {  	[sflag:s0] =	ssyncset.done $0x0  }
0x41d: {  	s5 =	sadd.s32 $0x1, s5;
	[sflag:s0] =	ssyncadd.s32 $0xFFFF8000  }
0x41e: {  	p0 =	sne.s32 s5, s20;
	_ =	swait.ge [sflag:s4], $0x8000  }
.Ltmp16:
0x41f: {  	[sflag:s4] =	ssyncset.done $0x0;
	(pc) =	sbr.rel @p0 .LBB2_1-.Ltmp16, $4  }
0x420: {  	[sflag:s4] =	ssyncadd.s32 $0xFFFF8000  }
0x421: {  	_ =	swait.ge [sflag:s29], $0x8000  }
0x422: {  	[sflag:s29] =	ssyncset.done $0x0  }
0x423: {  	[sflag:s29] =	ssyncadd.s32 $0xFFFF8000  }
0x424: {  	_ =	sfence.sel $0x180000  }
0x425: {  	[bflag:$0x0] =	sbarrier.arrive $0xFFFF  }
0x426: {  	_ =	strace $0x90000047  }
0x427: {  	s0 =	stileid.u32;
	[bflag:$0x2] =	sbarrier.arrive $0xFFFF  }
0x428: {  	p0 =	sne.s32 s0, $0x0;
	s0 =	rddreg [dreg:$0x3]  }
0x429: {  	s0 =	sadd.s32 @!p0 $0x100000, s0  }
0x42a: {  	[sflag:s0] =	ssyncadd.tile.s32 @!p0 $0x1;
	_ =	shalt  }
.Lfunc_end2:
_tile_overlayer_lowered:
.L_overlay_start_2:
0x42b: {  	(tag) =	ssettag $0x2  }
0x42c: {  	s0 =	rddreg [dreg:$0x0];
	s2 =	stileid.u32  }
0x42d: {  	s1 =	rddreg [dreg:$0x1];
	p0 =	sne.s32 s2, $0x0  }
0x42e: {  	s3 =	rddreg [dreg:$0x2];
	[bflag:$0x3] =	sbarrier.arrive $0xFFFF;
	s2 =	simm.s32 @!p0 $0x1C0A  }
0x42f: {  	[timem:s3], [sflag:s2] =	dma.local @!p0 [hbm:s0], s1  }
0x430: {  	s0 =	simm.s32 @!p0 $0xA  }
0x431: {  	_ =	swait.ge @!p0 [sflag:s0], s1  }
0x432: {  	s1 =	ssub.s32 @!p0 $0x0, s1;
	[sflag:s0] =	ssyncset.done @!p0 $0x0  }
0x433: {  	[sflag:s0] =	ssyncadd.s32 @!p0 s1  }
0x434: {  	[bflag:$0x3] =	sbarrier.arrive $0xFFFF  }
0x435: {  	_ =	shalt  }

</sc_bundles>
